<compile_context>
chip_gen: v7x
topology: tpu7x:2x2x1
jax: 0.10.2.dev20260603
libtpu: 0.0.44.dev20260713+nightly
codegen_flags: <defaults>
</compile_context>

<pallas_src>
import jax
import jax.numpy as jnp
from jax import lax
from jax.experimental import pallas as pl
from jax.experimental.pallas import tpu as pltpu
from jax.experimental.pallas import tpu_sc as plsc

N_USER = 5000
N_ITEM = 45000
N = N_USER + N_ITEM
D_FEAT = 128
D = 64
H = 32
E = 800000
NEG_SLOPE = 0.01

NUM_TILES = 16
B_EDGE = 128
EP = 802816
RTOT = EP // B_EDGE
ROWS_PER_TILE = RTOT // NUM_TILES
NBUF = 4
IDXC = 56
NPER = 3128
ACC_ROWS = N + 8


def _leaky(x):
    return jnp.where(x >= 0, x, NEG_SLOPE * x)


def _sc_conv_body(ya_hbm, yb_hbm, src_hbm, dst_hbm, zeros_hbm, out_hbm,
                  sidx, didx, rows, acc, zsem, gsems, ssems):
    cid = lax.axis_index("c")
    sid = lax.axis_index("s")

    @pl.when(sid == 0)
    def _():
        pltpu.async_copy(zeros_hbm, acc, zsem)

    tile_row0 = sid * ROWS_PER_TILE

    def start_gather(b, j):
        @pl.when(cid == 0)
        def _():
            pltpu.async_copy(ya_hbm.at[sidx.at[j]], rows.at[b], gsems[b])

        @pl.when(cid != 0)
        def _():
            pltpu.async_copy(yb_hbm.at[sidx.at[j]], rows.at[b], gsems[b])

    @pl.when(sid == 0)
    def _():
        pltpu.make_async_copy(zeros_hbm, acc, zsem).wait()

    plsc.subcore_barrier()

    dummy = ya_hbm.at[pl.ds(0, B_EDGE)]

    def chunk(ci, carry):
        base = tile_row0 + ci * IDXC
        pltpu.sync_copy(src_hbm.at[pl.ds(base, IDXC)], sidx)
        pltpu.sync_copy(dst_hbm.at[pl.ds(base, IDXC)], didx)
        for b in range(NBUF):
            start_gather(b, b)

        def group(g, c2):
            for b in range(NBUF):
                j = g * NBUF + b
                pltpu.make_async_copy(dummy, rows.at[b], gsems[b]).wait()
                pltpu.async_copy(rows.at[b], acc.at[didx.at[j]], ssems[b],
                                 add=True)
                pltpu.make_async_copy(dummy, rows.at[b], ssems[b]).wait()

                @pl.when(j + NBUF < IDXC)
                def _():
                    start_gather(b, j + NBUF)
            return c2

        return lax.fori_loop(0, IDXC // NBUF, group, carry)

    lax.fori_loop(0, ROWS_PER_TILE // IDXC, chunk, 0)

    plsc.subcore_barrier()

    @pl.when(sid < NUM_TILES - 1)
    def _():
        pltpu.sync_copy(acc.at[pl.ds(sid * NPER, NPER)],
                        out_hbm.at[pl.ds(cid * N + sid * NPER, NPER)])

    @pl.when(sid == NUM_TILES - 1)
    def _():
        last0 = (NUM_TILES - 1) * NPER
        pltpu.sync_copy(acc.at[pl.ds(last0, N - last0)],
                        out_hbm.at[pl.ds(cid * N + last0, N - last0)])


def _sc_conv(ya, yb, src2d, dst2d, zeros):
    mesh = plsc.VectorSubcoreMesh(core_axis_name="c", subcore_axis_name="s")
    fn = pl.kernel(
        _sc_conv_body,
        out_type=jax.ShapeDtypeStruct((2 * N, H), jnp.float32),
        mesh=mesh,
        scratch_types=[
            pltpu.VMEM((IDXC, B_EDGE), jnp.int32),
            pltpu.VMEM((IDXC, B_EDGE), jnp.int32),
            pltpu.VMEM((NBUF, B_EDGE, H), jnp.float32),
            pltpu.VMEM_SHARED((ACC_ROWS, H), jnp.float32),
            pltpu.SemaphoreType.DMA,
            [pltpu.SemaphoreType.DMA] * NBUF,
            [pltpu.SemaphoreType.DMA] * NBUF,
        ],
        compiler_params=pltpu.CompilerParams(use_tc_tiling_on_sc=False),
    )
    return fn(ya, yb, src2d, dst2d, zeros)


BT = 1000


def _init_feat_body(f_ref, wmt_ref, bm_ref, w0_ref, ya_ref, yb_ref):
    t = jnp.dot(f_ref[...], wmt_ref[...],
                preferred_element_type=jnp.float32) + bm_ref[...]
    n = jnp.sqrt(jnp.sum(t * t, axis=1, keepdims=True))
    x = t / jnp.maximum(n, 1e-12)
    y = jnp.dot(x, w0_ref[...], preferred_element_type=jnp.float32)
    ya_ref[...] = y[:, :H]
    yb_ref[...] = y[:, H:]


def _init_pref_body(p_ref, w0_ref, ya_ref, yb_ref):
    t = p_ref[...]
    n = jnp.sqrt(jnp.sum(t * t, axis=1, keepdims=True))
    x = t / jnp.maximum(n, 1e-12)
    y = jnp.dot(x, w0_ref[...], preferred_element_type=jnp.float32)
    ya_ref[...] = y[:, :H]
    yb_ref[...] = y[:, H:]


def _layer_body(ha_ref, hb_ref, gt_ref, gb_ref, wn_ref, ya_ref, yb_ref):
    h = _leaky(jnp.concatenate([ha_ref[...], hb_ref[...]], axis=1))
    x = _leaky(jnp.dot(h, gt_ref[...],
                       preferred_element_type=jnp.float32) + gb_ref[...])
    y = jnp.dot(x, wn_ref[...], preferred_element_type=jnp.float32)
    ya_ref[...] = y[:, :H]
    yb_ref[...] = y[:, H:]


def _layer2_body(ha_ref, hb_ref, gt_ref, gb_ref, w3_ref, w4_ref,
                 x_ref, y3a_ref, y3b_ref, y4a_ref, y4b_ref):
    h = _leaky(jnp.concatenate([ha_ref[...], hb_ref[...]], axis=1))
    x = _leaky(jnp.dot(h, gt_ref[...],
                       preferred_element_type=jnp.float32) + gb_ref[...])
    x_ref[...] = x
    y3 = jnp.dot(x, w3_ref[...], preferred_element_type=jnp.float32)
    y4 = jnp.dot(x, w4_ref[...], preferred_element_type=jnp.float32)
    y3a_ref[...] = y3[:, :H]
    y3b_ref[...] = y3[:, H:]
    y4a_ref[...] = y4[:, :H]
    y4b_ref[...] = y4[:, H:]


def _final_body(h3a_ref, h3b_ref, h4a_ref, h4b_ref, x_ref,
                g3t_ref, gb3_ref, l3t_ref, lb3_ref,
                g4t_ref, gb4_ref, l4t_ref, lb4_ref,
                mu_ref, lv_ref):
    x = x_ref[...]
    h3 = _leaky(jnp.concatenate([h3a_ref[...], h3b_ref[...]], axis=1))
    xh3 = _leaky(jnp.dot(x, l3t_ref[...],
                         preferred_element_type=jnp.float32) + lb3_ref[...])
    mu_ref[...] = (jnp.dot(h3, g3t_ref[...],
                           preferred_element_type=jnp.float32)
                   + gb3_ref[...] + xh3)
    h4 = _leaky(jnp.concatenate([h4a_ref[...], h4b_ref[...]], axis=1))
    xh4 = _leaky(jnp.dot(x, l4t_ref[...],
                         preferred_element_type=jnp.float32) + lb4_ref[...])
    lv_ref[...] = (jnp.dot(h4, g4t_ref[...],
                           preferred_element_type=jnp.float32)
                   + gb4_ref[...] + xh4)


def _row_spec(bt, cols):
    return pl.BlockSpec((bt, cols), lambda i: (i, 0))


def _full_spec(shape):
    return pl.BlockSpec(shape, lambda i: (0,) * len(shape))


def _h_specs(bt):
    nblk = N // bt
    return (pl.BlockSpec((bt, H), lambda i: (i, 0)),
            pl.BlockSpec((bt, H), lambda i: (i + nblk, 0)))


def kernel(features, edge_index, preference, W_mlp, b_mlp,
           conv_ws, lin_ws, lin_bs, g_ws, g_bs):
    src = edge_index[0]
    dst = edge_index[1]
    pad = EP - E
    src2d = jnp.concatenate(
        [src, jnp.zeros((pad,), jnp.int32)]).reshape(RTOT, B_EDGE)
    dst2d = jnp.concatenate(
        [dst, jnp.full((pad,), N, jnp.int32)]).reshape(RTOT, B_EDGE)
    zeros = jnp.zeros((ACC_ROWS, H), jnp.float32)

    wm_t = W_mlp.T
    bm = b_mlp.reshape(1, D)
    g_ts = [w.T for w in g_ws]
    l_ts = [w.T for w in lin_ws]
    gbs = [b.reshape(1, D) for b in g_bs]
    lbs = [b.reshape(1, D) for b in lin_bs]

    y0f_a, y0f_b = pl.pallas_call(
        _init_feat_body,
        grid=(N_ITEM // BT,),
        in_specs=[_row_spec(BT, D_FEAT), _full_spec((D_FEAT, D)),
                  _full_spec((1, D)), _full_spec((D, D))],
        out_specs=[_row_spec(BT, H), _row_spec(BT, H)],
        out_shape=[jax.ShapeDtypeStruct((N_ITEM, H), jnp.float32)] * 2,
    )(features, wm_t, bm, conv_ws[0])

    y0p_a, y0p_b = pl.pallas_call(
        _init_pref_body,
        grid=(N_USER // BT,),
        in_specs=[_row_spec(BT, D), _full_spec((D, D))],
        out_specs=[_row_spec(BT, H), _row_spec(BT, H)],
        out_shape=[jax.ShapeDtypeStruct((N_USER, H), jnp.float32)] * 2,
    )(preference, conv_ws[0])

    ya = jnp.concatenate([y0p_a, y0f_a], axis=0)
    yb = jnp.concatenate([y0p_b, y0f_b], axis=0)

    ha_spec, hb_spec = _h_specs(BT)

    for i in range(2):
        hcat = _sc_conv(ya, yb, src2d, dst2d, zeros)
        ya, yb = pl.pallas_call(
            _layer_body,
            grid=(N // BT,),
            in_specs=[ha_spec, hb_spec, _full_spec((D, D)),
                      _full_spec((1, D)), _full_spec((D, D))],
            out_specs=[_row_spec(BT, H), _row_spec(BT, H)],
            out_shape=[jax.ShapeDtypeStruct((N, H), jnp.float32)] * 2,
        )(hcat, hcat, g_ts[i], gbs[i], conv_ws[i + 1])

    hcat = _sc_conv(ya, yb, src2d, dst2d, zeros)
    x3, y3a, y3b, y4a, y4b = pl.pallas_call(
        _layer2_body,
        grid=(N // BT,),
        in_specs=[ha_spec, hb_spec, _full_spec((D, D)), _full_spec((1, D)),
                  _full_spec((D, D)), _full_spec((D, D))],
        out_specs=[_row_spec(BT, D)] + [_row_spec(BT, H)] * 4,
        out_shape=([jax.ShapeDtypeStruct((N, D), jnp.float32)]
                   + [jax.ShapeDtypeStruct((N, H), jnp.float32)] * 4),
    )(hcat, hcat, g_ts[2], gbs[2], conv_ws[3], conv_ws[4])

    h3 = _sc_conv(y3a, y3b, src2d, dst2d, zeros)
    h4 = _sc_conv(y4a, y4b, src2d, dst2d, zeros)

    mu, logvar = pl.pallas_call(
        _final_body,
        grid=(N // BT,),
        in_specs=[ha_spec, hb_spec, ha_spec, hb_spec, _row_spec(BT, D)]
                 + [_full_spec((D, D)), _full_spec((1, D))] * 4,
        out_specs=[_row_spec(BT, D), _row_spec(BT, D)],
        out_shape=[jax.ShapeDtypeStruct((N, D), jnp.float32)] * 2,
    )(h3, h3, h4, h4, x3,
      g_ts[3], gbs[3], l_ts[3], lbs[3],
      g_ts[4], gbs[4], l_ts[4], lbs[4])

    return (mu, logvar)

# --- scband reference (transcript-rebuilt; emitter-appended) ---
"""Pipeline reference for scband-gcn-45028437131774 (READ-ONLY COPY).

The authoritative reference and input builder live on the scoring server;
editing this copy changes nothing except your own understanding.
"""

import jax, jax.numpy as jnp
import numpy as np

N_USER = 5000
N_ITEM = 45000
N = N_USER + N_ITEM
D_FEAT = 128
D_LAT = 64
D_ID = 64
E = 800000
NEG_SLOPE = 0.01


def leaky(x):
    return jnp.where(x >= 0, x, NEG_SLOPE * x)


def l2_normalize(x, eps=1e-12):
    n = jnp.linalg.norm(x, ord=2, axis=1, keepdims=True)
    return x / jnp.maximum(n, eps)


def conv(x, W, src, dst):
    # BaseModel (PyG-style MessagePassing, aggr='add'):
    # transform then scatter-add messages from src nodes into dst nodes
    msgs = jnp.take(x @ W, src, axis=0)
    return jax.ops.segment_sum(msgs, dst, num_segments=N)


def setup_inputs(seed: int = 0) -> dict:
    key = jax.random.key(seed)
    ks = jax.random.split(key, 40)

    def xavier(k, shape):
        std = float(np.sqrt(2.0 / (shape[0] + shape[1])))
        return jax.random.normal(k, shape, jnp.float32) * std

    inp = {}
    inp['features'] = jax.random.normal(ks[0], (N_ITEM, D_FEAT), jnp.float32)
    inp['edge_index'] = jax.random.randint(ks[1], (2, E), 0, N, dtype=jnp.int32)
    inp['preference'] = xavier(ks[2], (N_USER, D_LAT))
    inp['W_mlp'] = xavier(ks[3], (D_LAT, D_FEAT))
    inp['b_mlp'] = jnp.zeros((D_LAT,), jnp.float32)
    conv_ws, lin_ws, lin_bs, g_ws, g_bs = [], [], [], [], []
    in_dims = [D_LAT, D_ID, D_ID, D_ID, D_ID]
    for i in range(5):
        conv_ws.append(xavier(ks[4 + i], (in_dims[i], D_ID)))
        lin_ws.append(xavier(ks[10 + i], (D_ID, in_dims[i])))
        lin_bs.append(jnp.zeros((D_ID,), jnp.float32))
        g_ws.append(xavier(ks[16 + i], (D_ID, D_ID)))
        g_bs.append(jnp.zeros((D_ID,), jnp.float32))
    inp['conv_ws'] = conv_ws
    inp['lin_ws'] = lin_ws
    inp['lin_bs'] = lin_bs
    inp['g_ws'] = g_ws
    inp['g_bs'] = g_bs
    return inp


def reference(features, edge_index, preference, W_mlp, b_mlp, conv_ws, lin_ws, lin_bs, g_ws, g_bs):
    src = edge_index[0]
    dst = edge_index[1]
    # dim_latent is set -> MLP on item features
    temp_features = features @ W_mlp.T + b_mlp
    x = jnp.concatenate([preference, temp_features], axis=0)
    x = l2_normalize(x)
    # num_layer = 3 -> layers 1..3 all run; concate=False
    for i in range(3):
        h = leaky(conv(x, conv_ws[i], src, dst))
        x_hat = leaky(x @ lin_ws[i].T + lin_bs[i])
        x = leaky(h @ g_ws[i].T + g_bs[i])
    mu = leaky(conv(x, conv_ws[3], src, dst))
    x_hat = leaky(x @ lin_ws[3].T + lin_bs[3])
    mu = mu @ g_ws[3].T + g_bs[3] + x_hat
    logvar = leaky(conv(x, conv_ws[4], src, dst))
    x_hat = leaky(x @ lin_ws[4].T + lin_bs[4])
    logvar = logvar @ g_ws[4].T + g_bs[4] + x_hat
    return (mu, logvar)

if __name__ == "__main__":
    import jax
    _d = setup_inputs()
    print(jax.jit(kernel)(*tuple(_d.values())))

</pallas_src>

<mosaic_0001>
#map = affine_map<(d0, d1) -> (0, 0)>
module attributes {stable_mosaic.version = 14 : i64} {
  func.func @_sc_conv_body(%arg0: i32, %arg1: i32, %arg2: memref<50000x32xf32, #tpu.memory_space<hbm>>, %arg3: memref<50000x32xf32, #tpu.memory_space<hbm>>, %arg4: memref<6272x128xi32, #tpu.memory_space<hbm>>, %arg5: memref<6272x128xi32, #tpu.memory_space<hbm>>, %arg6: memref<50008x32xf32, #tpu.memory_space<hbm>>, %arg7: memref<100000x32xf32, #tpu.memory_space<hbm>>, %arg8: memref<56x128xi32, #tpu.memory_space<vmem>>, %arg9: memref<56x128xi32, #tpu.memory_space<vmem>>, %arg10: memref<4x128x32xf32, #tpu.memory_space<vmem>>, %arg11: memref<50008x32xf32, #tpu.memory_space<vmem_shared>>, %arg12: memref<!tpu.dma_semaphore, #tpu.memory_space<semaphore_mem>>, %arg13: memref<!tpu.dma_semaphore, #tpu.memory_space<semaphore_mem>>, %arg14: memref<!tpu.dma_semaphore, #tpu.memory_space<semaphore_mem>>, %arg15: memref<!tpu.dma_semaphore, #tpu.memory_space<semaphore_mem>>, %arg16: memref<!tpu.dma_semaphore, #tpu.memory_space<semaphore_mem>>, %arg17: memref<!tpu.dma_semaphore, #tpu.memory_space<semaphore_mem>>, %arg18: memref<!tpu.dma_semaphore, #tpu.memory_space<semaphore_mem>>, %arg19: memref<!tpu.dma_semaphore, #tpu.memory_space<semaphore_mem>>, %arg20: memref<!tpu.dma_semaphore, #tpu.memory_space<semaphore_mem>>) attributes {dimension_semantics = [#tpu.dimension_semantics<core_parallel>, #tpu.dimension_semantics<subcore_parallel>], iteration_bounds = array<i64: 2, 16>, scalar_prefetch = 0 : i64, scratch_operands = 13 : i64, tpu.core_type = #tpu.core_type<sc_vector_subcore>, window_params = [{transform_indices = #map}, {transform_indices = #map}, {transform_indices = #map}, {transform_indices = #map}, {transform_indices = #map}, {transform_indices = #map}]} {
    %eq3A = arith.constant 0 : i32
    %eq3A_0 = arith.cmpi eq, %arg1, %eq3A : i32
    %convert_element_type3A = arith.extui %eq3A_0 : i1 to i32
    %cond3A = arith.constant 0 : i32
    %cond3A_1 = arith.cmpi ne, %convert_element_type3A, %cond3A : i32
    scf.if %cond3A_1 {
      tpu.enqueue_dma source(%arg6 : memref<50008x32xf32, #tpu.memory_space<hbm>>) target(%arg11 : memref<50008x32xf32, #tpu.memory_space<vmem_shared>>) target_semaphore(%arg12 : memref<!tpu.dma_semaphore, #tpu.memory_space<semaphore_mem>>)
    } else {
    }
    %mul3A = arith.constant 392 : i32
    %mul3A_2 = arith.muli %arg1, %mul3A : i32
    %eq3A_3 = arith.constant 0 : i32
    %eq3A_4 = arith.cmpi eq, %arg1, %eq3A_3 : i32
    %convert_element_type3A_5 = arith.extui %eq3A_4 : i1 to i32
    %cond3A_6 = arith.constant 0 : i32
    %cond3A_7 = arith.cmpi ne, %convert_element_type3A_5, %cond3A_6 : i32
    scf.if %cond3A_7 {
      tpu.wait_dma2 semaphore(%arg12 : memref<!tpu.dma_semaphore, #tpu.memory_space<semaphore_mem>>) src(%arg6 : memref<50008x32xf32, #tpu.memory_space<hbm>>) dst(%arg11 : memref<50008x32xf32, #tpu.memory_space<vmem_shared>>)
    } else {
    }
    %barrier3A = arith.constant 0 : index
    tpu.barrier barrier_id(%barrier3A)
    %scan3A = arith.constant 0 : i32
    %scan3A_8 = arith.constant 0 : i32
    %scan3A_9 = arith.constant 7 : i32
    %scan3A_10 = arith.addi %scan3A_8, %scan3A_9 : i32
    %scan3A_11 = arith.constant 1 : i32
    scf.for %scan3A_23 = %scan3A_8 to %scan3A_10 step %scan3A_11  : i32 {
      %mul3A_24 = arith.constant 56 : i32
      %mul3A_25 = arith.muli %scan3A_23, %mul3A_24 : i32
      %add3A = arith.addi %mul3A_2, %mul3A_25 : i32
      "tpu.region"() ({
        %run_scoped3A = tpu.sem_alloc : memref<!tpu.dma_semaphore, #tpu.memory_space<semaphore_mem>>
        %dma_start3A = arith.constant 0 : i32
        %dma_start3A_70 = tpu.memref_slice %arg4[%add3A, %dma_start3A] : memref<6272x128xi32, #tpu.memory_space<hbm>> -> memref<56x128xi32, #tpu.memory_space<hbm>>
        %dma_start3A_71 = arith.constant 0 : i32
        %dma_start3A_72 = tpu.memref_slice %arg4[%add3A, %dma_start3A_71] : memref<6272x128xi32, #tpu.memory_space<hbm>> -> memref<56x128xi32, #tpu.memory_space<hbm>>
        tpu.enqueue_dma source(%dma_start3A_72 : memref<56x128xi32, #tpu.memory_space<hbm>>) target(%arg8 : memref<56x128xi32, #tpu.memory_space<vmem>>) target_semaphore(%run_scoped3A : memref<!tpu.dma_semaphore, #tpu.memory_space<semaphore_mem>>)
        %dma_wait3A = arith.constant 0 : i32
        %dma_wait3A_73 = tpu.memref_slice %arg4[%add3A, %dma_wait3A] : memref<6272x128xi32, #tpu.memory_space<hbm>> -> memref<56x128xi32, #tpu.memory_space<hbm>>
        %dma_wait3A_74 = arith.constant 0 : i32
        %dma_wait3A_75 = tpu.memref_slice %arg4[%add3A, %dma_wait3A_74] : memref<6272x128xi32, #tpu.memory_space<hbm>> -> memref<56x128xi32, #tpu.memory_space<hbm>>
        tpu.wait_dma2 semaphore(%run_scoped3A : memref<!tpu.dma_semaphore, #tpu.memory_space<semaphore_mem>>) src(%dma_wait3A_75 : memref<56x128xi32, #tpu.memory_space<hbm>>) dst(%arg8 : memref<56x128xi32, #tpu.memory_space<vmem>>)
        tpu.yield
      }) : () -> ()
      "tpu.region"() ({
        %run_scoped3A = tpu.sem_alloc : memref<!tpu.dma_semaphore, #tpu.memory_space<semaphore_mem>>
        %dma_start3A = arith.constant 0 : i32
        %dma_start3A_70 = tpu.memref_slice %arg5[%add3A, %dma_start3A] : memref<6272x128xi32, #tpu.memory_space<hbm>> -> memref<56x128xi32, #tpu.memory_space<hbm>>
        %dma_start3A_71 = arith.constant 0 : i32
        %dma_start3A_72 = tpu.memref_slice %arg5[%add3A, %dma_start3A_71] : memref<6272x128xi32, #tpu.memory_space<hbm>> -> memref<56x128xi32, #tpu.memory_space<hbm>>
        tpu.enqueue_dma source(%dma_start3A_72 : memref<56x128xi32, #tpu.memory_space<hbm>>) target(%arg9 : memref<56x128xi32, #tpu.memory_space<vmem>>) target_semaphore(%run_scoped3A : memref<!tpu.dma_semaphore, #tpu.memory_space<semaphore_mem>>)
        %dma_wait3A = arith.constant 0 : i32
        %dma_wait3A_73 = tpu.memref_slice %arg5[%add3A, %dma_wait3A] : memref<6272x128xi32, #tpu.memory_space<hbm>> -> memref<56x128xi32, #tpu.memory_space<hbm>>
        %dma_wait3A_74 = arith.constant 0 : i32
        %dma_wait3A_75 = tpu.memref_slice %arg5[%add3A, %dma_wait3A_74] : memref<6272x128xi32, #tpu.memory_space<hbm>> -> memref<56x128xi32, #tpu.memory_space<hbm>>
        tpu.wait_dma2 semaphore(%run_scoped3A : memref<!tpu.dma_semaphore, #tpu.memory_space<semaphore_mem>>) src(%dma_wait3A_75 : memref<56x128xi32, #tpu.memory_space<hbm>>) dst(%arg9 : memref<56x128xi32, #tpu.memory_space<vmem>>)
        tpu.yield
      }) : () -> ()
      %eq3A_26 = arith.constant 0 : i32
      %eq3A_27 = arith.cmpi eq, %arg0, %eq3A_26 : i32
      %convert_element_type3A_28 = arith.extui %eq3A_27 : i1 to i32
      %cond3A_29 = arith.constant 0 : i32
      %cond3A_30 = arith.cmpi ne, %convert_element_type3A_28, %cond3A_29 : i32
      scf.if %cond3A_30 {
        %dma_start3A = arith.constant 0 : i32
        %dma_start3A_70 = arith.constant 0 : i32
        %dma_start3A_71 = arith.constant 0 : i32
        %dma_start3A_72 = arith.constant 0 : i32
        %dma_start3A_73 = tpu.memref_slice %arg10[%dma_start3A_70, %dma_start3A_71, %dma_start3A_72] : memref<4x128x32xf32, #tpu.memory_space<vmem>> -> memref<1x128x32xf32, #tpu.memory_space<vmem>>
        %dma_start3A_74 = tpu.memref_squeeze %dma_start3A_73 : memref<1x128x32xf32, #tpu.memory_space<vmem>> -> memref<128x32xf32, #tpu.memory_space<vmem>>
        %dma_start3A_75 = arith.constant 0 : i32
        %dma_start3A_76 = tpu.memref_slice %arg8[%dma_start3A, %dma_start3A_75] : memref<56x128xi32, #tpu.memory_space<vmem>> -> memref<1x128xi32, #tpu.memory_space<vmem>>
        %dma_start3A_77 = tpu.memref_squeeze %dma_start3A_76 : memref<1x128xi32, #tpu.memory_space<vmem>> -> memref<128xi32, #tpu.memory_space<vmem>>
        %dma_start3A_78 = arith.constant 0 : i32
        %dma_start3A_79 = arith.constant 0 : i32
        %dma_start3A_80 = tpu.memref_slice %arg2[%dma_start3A_78, %dma_start3A_79] : memref<50000x32xf32, #tpu.memory_space<hbm>> -> memref<50000x32xf32, #tpu.memory_space<hbm>>
        tpu.enqueue_indirect_dma source(%dma_start3A_80 : memref<50000x32xf32, #tpu.memory_space<hbm>>) target(%dma_start3A_74 : memref<128x32xf32, #tpu.memory_space<vmem>>) offsets(%dma_start3A_77 : memref<128xi32, #tpu.memory_space<vmem>>) semaphore(%arg13 : memref<!tpu.dma_semaphore, #tpu.memory_space<semaphore_mem>>)
      } else {
      }
      %ne3A = arith.constant 0 : i32
      %ne3A_31 = arith.cmpi ne, %arg0, %ne3A : i32
      %convert_element_type3A_32 = arith.extui %ne3A_31 : i1 to i32
      %cond3A_33 = arith.constant 0 : i32
      %cond3A_34 = arith.cmpi ne, %convert_element_type3A_32, %cond3A_33 : i32
      scf.if %cond3A_34 {
        %dma_start3A = arith.constant 0 : i32
        %dma_start3A_70 = arith.constant 0 : i32
        %dma_start3A_71 = arith.constant 0 : i32
        %dma_start3A_72 = arith.constant 0 : i32
        %dma_start3A_73 = tpu.memref_slice %arg10[%dma_start3A_70, %dma_start3A_71, %dma_start3A_72] : memref<4x128x32xf32, #tpu.memory_space<vmem>> -> memref<1x128x32xf32, #tpu.memory_space<vmem>>
        %dma_start3A_74 = tpu.memref_squeeze %dma_start3A_73 : memref<1x128x32xf32, #tpu.memory_space<vmem>> -> memref<128x32xf32, #tpu.memory_space<vmem>>
        %dma_start3A_75 = arith.constant 0 : i32
        %dma_start3A_76 = tpu.memref_slice %arg8[%dma_start3A, %dma_start3A_75] : memref<56x128xi32, #tpu.memory_space<vmem>> -> memref<1x128xi32, #tpu.memory_space<vmem>>
        %dma_start3A_77 = tpu.memref_squeeze %dma_start3A_76 : memref<1x128xi32, #tpu.memory_space<vmem>> -> memref<128xi32, #tpu.memory_space<vmem>>
        %dma_start3A_78 = arith.constant 0 : i32
        %dma_start3A_79 = arith.constant 0 : i32
        %dma_start3A_80 = tpu.memref_slice %arg3[%dma_start3A_78, %dma_start3A_79] : memref<50000x32xf32, #tpu.memory_space<hbm>> -> memref<50000x32xf32, #tpu.memory_space<hbm>>
        tpu.enqueue_indirect_dma source(%dma_start3A_80 : memref<50000x32xf32, #tpu.memory_space<hbm>>) target(%dma_start3A_74 : memref<128x32xf32, #tpu.memory_space<vmem>>) offsets(%dma_start3A_77 : memref<128xi32, #tpu.memory_space<vmem>>) semaphore(%arg13 : memref<!tpu.dma_semaphore, #tpu.memory_space<semaphore_mem>>)
      } else {
      }
      %eq3A_35 = arith.constant 0 : i32
      %eq3A_36 = arith.cmpi eq, %arg0, %eq3A_35 : i32
      %convert_element_type3A_37 = arith.extui %eq3A_36 : i1 to i32
      %cond3A_38 = arith.constant 0 : i32
      %cond3A_39 = arith.cmpi ne, %convert_element_type3A_37, %cond3A_38 : i32
      scf.if %cond3A_39 {
        %dma_start3A = arith.constant 1 : i32
        %dma_start3A_70 = arith.constant 1 : i32
        %dma_start3A_71 = arith.constant 0 : i32
        %dma_start3A_72 = arith.constant 0 : i32
        %dma_start3A_73 = tpu.memref_slice %arg10[%dma_start3A_70, %dma_start3A_71, %dma_start3A_72] : memref<4x128x32xf32, #tpu.memory_space<vmem>> -> memref<1x128x32xf32, #tpu.memory_space<vmem>>
        %dma_start3A_74 = tpu.memref_squeeze %dma_start3A_73 : memref<1x128x32xf32, #tpu.memory_space<vmem>> -> memref<128x32xf32, #tpu.memory_space<vmem>>
        %dma_start3A_75 = arith.constant 0 : i32
        %dma_start3A_76 = tpu.memref_slice %arg8[%dma_start3A, %dma_start3A_75] : memref<56x128xi32, #tpu.memory_space<vmem>> -> memref<1x128xi32, #tpu.memory_space<vmem>>
        %dma_start3A_77 = tpu.memref_squeeze %dma_start3A_76 : memref<1x128xi32, #tpu.memory_space<vmem>> -> memref<128xi32, #tpu.memory_space<vmem>>
        %dma_start3A_78 = arith.constant 0 : i32
        %dma_start3A_79 = arith.constant 0 : i32
        %dma_start3A_80 = tpu.memref_slice %arg2[%dma_start3A_78, %dma_start3A_79] : memref<50000x32xf32, #tpu.memory_space<hbm>> -> memref<50000x32xf32, #tpu.memory_space<hbm>>
        tpu.enqueue_indirect_dma source(%dma_start3A_80 : memref<50000x32xf32, #tpu.memory_space<hbm>>) target(%dma_start3A_74 : memref<128x32xf32, #tpu.memory_space<vmem>>) offsets(%dma_start3A_77 : memref<128xi32, #tpu.memory_space<vmem>>) semaphore(%arg14 : memref<!tpu.dma_semaphore, #tpu.memory_space<semaphore_mem>>)
      } else {
      }
      %ne3A_40 = arith.constant 0 : i32
      %ne3A_41 = arith.cmpi ne, %arg0, %ne3A_40 : i32
      %convert_element_type3A_42 = arith.extui %ne3A_41 : i1 to i32
      %cond3A_43 = arith.constant 0 : i32
      %cond3A_44 = arith.cmpi ne, %convert_element_type3A_42, %cond3A_43 : i32
      scf.if %cond3A_44 {
        %dma_start3A = arith.constant 1 : i32
        %dma_start3A_70 = arith.constant 1 : i32
        %dma_start3A_71 = arith.constant 0 : i32
        %dma_start3A_72 = arith.constant 0 : i32
        %dma_start3A_73 = tpu.memref_slice %arg10[%dma_start3A_70, %dma_start3A_71, %dma_start3A_72] : memref<4x128x32xf32, #tpu.memory_space<vmem>> -> memref<1x128x32xf32, #tpu.memory_space<vmem>>
        %dma_start3A_74 = tpu.memref_squeeze %dma_start3A_73 : memref<1x128x32xf32, #tpu.memory_space<vmem>> -> memref<128x32xf32, #tpu.memory_space<vmem>>
        %dma_start3A_75 = arith.constant 0 : i32
        %dma_start3A_76 = tpu.memref_slice %arg8[%dma_start3A, %dma_start3A_75] : memref<56x128xi32, #tpu.memory_space<vmem>> -> memref<1x128xi32, #tpu.memory_space<vmem>>
        %dma_start3A_77 = tpu.memref_squeeze %dma_start3A_76 : memref<1x128xi32, #tpu.memory_space<vmem>> -> memref<128xi32, #tpu.memory_space<vmem>>
        %dma_start3A_78 = arith.constant 0 : i32
        %dma_start3A_79 = arith.constant 0 : i32
        %dma_start3A_80 = tpu.memref_slice %arg3[%dma_start3A_78, %dma_start3A_79] : memref<50000x32xf32, #tpu.memory_space<hbm>> -> memref<50000x32xf32, #tpu.memory_space<hbm>>
        tpu.enqueue_indirect_dma source(%dma_start3A_80 : memref<50000x32xf32, #tpu.memory_space<hbm>>) target(%dma_start3A_74 : memref<128x32xf32, #tpu.memory_space<vmem>>) offsets(%dma_start3A_77 : memref<128xi32, #tpu.memory_space<vmem>>) semaphore(%arg14 : memref<!tpu.dma_semaphore, #tpu.memory_space<semaphore_mem>>)
      } else {
      }
      %eq3A_45 = arith.constant 0 : i32
      %eq3A_46 = arith.cmpi eq, %arg0, %eq3A_45 : i32
      %convert_element_type3A_47 = arith.extui %eq3A_46 : i1 to i32
      %cond3A_48 = arith.constant 0 : i32
      %cond3A_49 = arith.cmpi ne, %convert_element_type3A_47, %cond3A_48 : i32
      scf.if %cond3A_49 {
        %dma_start3A = arith.constant 2 : i32
        %dma_start3A_70 = arith.constant 2 : i32
        %dma_start3A_71 = arith.constant 0 : i32
        %dma_start3A_72 = arith.constant 0 : i32
        %dma_start3A_73 = tpu.memref_slice %arg10[%dma_start3A_70, %dma_start3A_71, %dma_start3A_72] : memref<4x128x32xf32, #tpu.memory_space<vmem>> -> memref<1x128x32xf32, #tpu.memory_space<vmem>>
        %dma_start3A_74 = tpu.memref_squeeze %dma_start3A_73 : memref<1x128x32xf32, #tpu.memory_space<vmem>> -> memref<128x32xf32, #tpu.memory_space<vmem>>
        %dma_start3A_75 = arith.constant 0 : i32
        %dma_start3A_76 = tpu.memref_slice %arg8[%dma_start3A, %dma_start3A_75] : memref<56x128xi32, #tpu.memory_space<vmem>> -> memref<1x128xi32, #tpu.memory_space<vmem>>
        %dma_start3A_77 = tpu.memref_squeeze %dma_start3A_76 : memref<1x128xi32, #tpu.memory_space<vmem>> -> memref<128xi32, #tpu.memory_space<vmem>>
        %dma_start3A_78 = arith.constant 0 : i32
        %dma_start3A_79 = arith.constant 0 : i32
        %dma_start3A_80 = tpu.memref_slice %arg2[%dma_start3A_78, %dma_start3A_79] : memref<50000x32xf32, #tpu.memory_space<hbm>> -> memref<50000x32xf32, #tpu.memory_space<hbm>>
        tpu.enqueue_indirect_dma source(%dma_start3A_80 : memref<50000x32xf32, #tpu.memory_space<hbm>>) target(%dma_start3A_74 : memref<128x32xf32, #tpu.memory_space<vmem>>) offsets(%dma_start3A_77 : memref<128xi32, #tpu.memory_space<vmem>>) semaphore(%arg15 : memref<!tpu.dma_semaphore, #tpu.memory_space<semaphore_mem>>)
      } else {
      }
      %ne3A_50 = arith.constant 0 : i32
      %ne3A_51 = arith.cmpi ne, %arg0, %ne3A_50 : i32
      %convert_element_type3A_52 = arith.extui %ne3A_51 : i1 to i32
      %cond3A_53 = arith.constant 0 : i32
      %cond3A_54 = arith.cmpi ne, %convert_element_type3A_52, %cond3A_53 : i32
      scf.if %cond3A_54 {
        %dma_start3A = arith.constant 2 : i32
        %dma_start3A_70 = arith.constant 2 : i32
        %dma_start3A_71 = arith.constant 0 : i32
        %dma_start3A_72 = arith.constant 0 : i32
        %dma_start3A_73 = tpu.memref_slice %arg10[%dma_start3A_70, %dma_start3A_71, %dma_start3A_72] : memref<4x128x32xf32, #tpu.memory_space<vmem>> -> memref<1x128x32xf32, #tpu.memory_space<vmem>>
        %dma_start3A_74 = tpu.memref_squeeze %dma_start3A_73 : memref<1x128x32xf32, #tpu.memory_space<vmem>> -> memref<128x32xf32, #tpu.memory_space<vmem>>
        %dma_start3A_75 = arith.constant 0 : i32
        %dma_start3A_76 = tpu.memref_slice %arg8[%dma_start3A, %dma_start3A_75] : memref<56x128xi32, #tpu.memory_space<vmem>> -> memref<1x128xi32, #tpu.memory_space<vmem>>
        %dma_start3A_77 = tpu.memref_squeeze %dma_start3A_76 : memref<1x128xi32, #tpu.memory_space<vmem>> -> memref<128xi32, #tpu.memory_space<vmem>>
        %dma_start3A_78 = arith.constant 0 : i32
        %dma_start3A_79 = arith.constant 0 : i32
        %dma_start3A_80 = tpu.memref_slice %arg3[%dma_start3A_78, %dma_start3A_79] : memref<50000x32xf32, #tpu.memory_space<hbm>> -> memref<50000x32xf32, #tpu.memory_space<hbm>>
        tpu.enqueue_indirect_dma source(%dma_start3A_80 : memref<50000x32xf32, #tpu.memory_space<hbm>>) target(%dma_start3A_74 : memref<128x32xf32, #tpu.memory_space<vmem>>) offsets(%dma_start3A_77 : memref<128xi32, #tpu.memory_space<vmem>>) semaphore(%arg15 : memref<!tpu.dma_semaphore, #tpu.memory_space<semaphore_mem>>)
      } else {
      }
      %eq3A_55 = arith.constant 0 : i32
      %eq3A_56 = arith.cmpi eq, %arg0, %eq3A_55 : i32
      %convert_element_type3A_57 = arith.extui %eq3A_56 : i1 to i32
      %cond3A_58 = arith.constant 0 : i32
      %cond3A_59 = arith.cmpi ne, %convert_element_type3A_57, %cond3A_58 : i32
      scf.if %cond3A_59 {
        %dma_start3A = arith.constant 3 : i32
        %dma_start3A_70 = arith.constant 3 : i32
        %dma_start3A_71 = arith.constant 0 : i32
        %dma_start3A_72 = arith.constant 0 : i32
        %dma_start3A_73 = tpu.memref_slice %arg10[%dma_start3A_70, %dma_start3A_71, %dma_start3A_72] : memref<4x128x32xf32, #tpu.memory_space<vmem>> -> memref<1x128x32xf32, #tpu.memory_space<vmem>>
        %dma_start3A_74 = tpu.memref_squeeze %dma_start3A_73 : memref<1x128x32xf32, #tpu.memory_space<vmem>> -> memref<128x32xf32, #tpu.memory_space<vmem>>
        %dma_start3A_75 = arith.constant 0 : i32
        %dma_start3A_76 = tpu.memref_slice %arg8[%dma_start3A, %dma_start3A_75] : memref<56x128xi32, #tpu.memory_space<vmem>> -> memref<1x128xi32, #tpu.memory_space<vmem>>
        %dma_start3A_77 = tpu.memref_squeeze %dma_start3A_76 : memref<1x128xi32, #tpu.memory_space<vmem>> -> memref<128xi32, #tpu.memory_space<vmem>>
        %dma_start3A_78 = arith.constant 0 : i32
        %dma_start3A_79 = arith.constant 0 : i32
        %dma_start3A_80 = tpu.memref_slice %arg2[%dma_start3A_78, %dma_start3A_79] : memref<50000x32xf32, #tpu.memory_space<hbm>> -> memref<50000x32xf32, #tpu.memory_space<hbm>>
        tpu.enqueue_indirect_dma source(%dma_start3A_80 : memref<50000x32xf32, #tpu.memory_space<hbm>>) target(%dma_start3A_74 : memref<128x32xf32, #tpu.memory_space<vmem>>) offsets(%dma_start3A_77 : memref<128xi32, #tpu.memory_space<vmem>>) semaphore(%arg16 : memref<!tpu.dma_semaphore, #tpu.memory_space<semaphore_mem>>)
      } else {
      }
      %ne3A_60 = arith.constant 0 : i32
      %ne3A_61 = arith.cmpi ne, %arg0, %ne3A_60 : i32
      %convert_element_type3A_62 = arith.extui %ne3A_61 : i1 to i32
      %cond3A_63 = arith.constant 0 : i32
      %cond3A_64 = arith.cmpi ne, %convert_element_type3A_62, %cond3A_63 : i32
      scf.if %cond3A_64 {
        %dma_start3A = arith.constant 3 : i32
        %dma_start3A_70 = arith.constant 3 : i32
        %dma_start3A_71 = arith.constant 0 : i32
        %dma_start3A_72 = arith.constant 0 : i32
        %dma_start3A_73 = tpu.memref_slice %arg10[%dma_start3A_70, %dma_start3A_71, %dma_start3A_72] : memref<4x128x32xf32, #tpu.memory_space<vmem>> -> memref<1x128x32xf32, #tpu.memory_space<vmem>>
        %dma_start3A_74 = tpu.memref_squeeze %dma_start3A_73 : memref<1x128x32xf32, #tpu.memory_space<vmem>> -> memref<128x32xf32, #tpu.memory_space<vmem>>
        %dma_start3A_75 = arith.constant 0 : i32
        %dma_start3A_76 = tpu.memref_slice %arg8[%dma_start3A, %dma_start3A_75] : memref<56x128xi32, #tpu.memory_space<vmem>> -> memref<1x128xi32, #tpu.memory_space<vmem>>
        %dma_start3A_77 = tpu.memref_squeeze %dma_start3A_76 : memref<1x128xi32, #tpu.memory_space<vmem>> -> memref<128xi32, #tpu.memory_space<vmem>>
        %dma_start3A_78 = arith.constant 0 : i32
        %dma_start3A_79 = arith.constant 0 : i32
        %dma_start3A_80 = tpu.memref_slice %arg3[%dma_start3A_78, %dma_start3A_79] : memref<50000x32xf32, #tpu.memory_space<hbm>> -> memref<50000x32xf32, #tpu.memory_space<hbm>>
        tpu.enqueue_indirect_dma source(%dma_start3A_80 : memref<50000x32xf32, #tpu.memory_space<hbm>>) target(%dma_start3A_74 : memref<128x32xf32, #tpu.memory_space<vmem>>) offsets(%dma_start3A_77 : memref<128xi32, #tpu.memory_space<vmem>>) semaphore(%arg16 : memref<!tpu.dma_semaphore, #tpu.memory_space<semaphore_mem>>)
      } else {
      }
      %scan3A_65 = arith.constant 0 : i32
      %scan3A_66 = arith.constant 14 : i32
      %scan3A_67 = arith.addi %scan3A_65, %scan3A_66 : i32
      %scan3A_68 = arith.constant 1 : i32
      scf.for %scan3A_70 = %scan3A_65 to %scan3A_67 step %scan3A_68  : i32 {
        %mul3A_71 = arith.constant 4 : i32
        %mul3A_72 = arith.muli %scan3A_70, %mul3A_71 : i32
        %add3A_73 = arith.constant 0 : i32
        %add3A_74 = arith.addi %mul3A_72, %add3A_73 : i32
        %dma_wait3A = arith.constant 0 : i32
        %dma_wait3A_75 = arith.constant 0 : i32
        %dma_wait3A_76 = arith.constant 0 : i32
        %dma_wait3A_77 = tpu.memref_slice %arg10[%dma_wait3A, %dma_wait3A_75, %dma_wait3A_76] : memref<4x128x32xf32, #tpu.memory_space<vmem>> -> memref<1x128x32xf32, #tpu.memory_space<vmem>>
        %dma_wait3A_78 = tpu.memref_squeeze %dma_wait3A_77 : memref<1x128x32xf32, #tpu.memory_space<vmem>> -> memref<128x32xf32, #tpu.memory_space<vmem>>
        %dma_wait3A_79 = arith.constant 0 : i32
        %dma_wait3A_80 = arith.constant 0 : i32
        %dma_wait3A_81 = tpu.memref_slice %arg2[%dma_wait3A_79, %dma_wait3A_80] : memref<50000x32xf32, #tpu.memory_space<hbm>> -> memref<128x32xf32, #tpu.memory_space<hbm>>
        %dma_wait3A_82 = arith.constant 0 : i32
        %dma_wait3A_83 = arith.constant 0 : i32
        %dma_wait3A_84 = tpu.memref_slice %arg10[%dma_wait3A, %dma_wait3A_82, %dma_wait3A_83] : memref<4x128x32xf32, #tpu.memory_space<vmem>> -> memref<1x128x32xf32, #tpu.memory_space<vmem>>
        %dma_wait3A_85 = tpu.memref_squeeze %dma_wait3A_84 : memref<1x128x32xf32, #tpu.memory_space<vmem>> -> memref<128x32xf32, #tpu.memory_space<vmem>>
        %dma_wait3A_86 = arith.constant 0 : i32
        %dma_wait3A_87 = arith.constant 0 : i32
        %dma_wait3A_88 = tpu.memref_slice %arg2[%dma_wait3A_86, %dma_wait3A_87] : memref<50000x32xf32, #tpu.memory_space<hbm>> -> memref<128x32xf32, #tpu.memory_space<hbm>>
        tpu.wait_dma2 semaphore(%arg13 : memref<!tpu.dma_semaphore, #tpu.memory_space<semaphore_mem>>) src(%dma_wait3A_88 : memref<128x32xf32, #tpu.memory_space<hbm>>) dst(%dma_wait3A_85 : memref<128x32xf32, #tpu.memory_space<vmem>>)
        %dma_start3A = arith.constant 0 : i32
        %dma_start3A_89 = arith.constant 0 : i32
        %dma_start3A_90 = arith.constant 0 : i32
        %dma_start3A_91 = tpu.memref_slice %arg10[%dma_start3A, %dma_start3A_89, %dma_start3A_90] : memref<4x128x32xf32, #tpu.memory_space<vmem>> -> memref<1x128x32xf32, #tpu.memory_space<vmem>>
        %dma_start3A_92 = tpu.memref_squeeze %dma_start3A_91 : memref<1x128x32xf32, #tpu.memory_space<vmem>> -> memref<128x32xf32, #tpu.memory_space<vmem>>
        %dma_start3A_93 = arith.constant 0 : i32
        %dma_start3A_94 = tpu.memref_slice %arg9[%add3A_74, %dma_start3A_93] : memref<56x128xi32, #tpu.memory_space<vmem>> -> memref<1x128xi32, #tpu.memory_space<vmem>>
        %dma_start3A_95 = tpu.memref_squeeze %dma_start3A_94 : memref<1x128xi32, #tpu.memory_space<vmem>> -> memref<128xi32, #tpu.memory_space<vmem>>
        %dma_start3A_96 = arith.constant 0 : i32
        %dma_start3A_97 = arith.constant 0 : i32
        %dma_start3A_98 = tpu.memref_slice %arg11[%dma_start3A_96, %dma_start3A_97] : memref<50008x32xf32, #tpu.memory_space<vmem_shared>> -> memref<50008x32xf32, #tpu.memory_space<vmem_shared>>
        tpu.enqueue_indirect_dma source(%dma_start3A_92 : memref<128x32xf32, #tpu.memory_space<vmem>>) target(%dma_start3A_98 : memref<50008x32xf32, #tpu.memory_space<vmem_shared>>) offsets(%dma_start3A_95 : memref<128xi32, #tpu.memory_space<vmem>>) semaphore(%arg17 : memref<!tpu.dma_semaphore, #tpu.memory_space<semaphore_mem>>) {add = true}
        %dma_wait3A_99 = arith.constant 0 : i32
        %dma_wait3A_100 = arith.constant 0 : i32
        %dma_wait3A_101 = arith.constant 0 : i32
        %dma_wait3A_102 = tpu.memref_slice %arg10[%dma_wait3A_99, %dma_wait3A_100, %dma_wait3A_101] : memref<4x128x32xf32, #tpu.memory_space<vmem>> -> memref<1x128x32xf32, #tpu.memory_space<vmem>>
        %dma_wait3A_103 = tpu.memref_squeeze %dma_wait3A_102 : memref<1x128x32xf32, #tpu.memory_space<vmem>> -> memref<128x32xf32, #tpu.memory_space<vmem>>
        %dma_wait3A_104 = arith.constant 0 : i32
        %dma_wait3A_105 = arith.constant 0 : i32
        %dma_wait3A_106 = tpu.memref_slice %arg2[%dma_wait3A_104, %dma_wait3A_105] : memref<50000x32xf32, #tpu.memory_space<hbm>> -> memref<128x32xf32, #tpu.memory_space<hbm>>
        %dma_wait3A_107 = arith.constant 0 : i32
        %dma_wait3A_108 = arith.constant 0 : i32
        %dma_wait3A_109 = tpu.memref_slice %arg10[%dma_wait3A_99, %dma_wait3A_107, %dma_wait3A_108] : memref<4x128x32xf32, #tpu.memory_space<vmem>> -> memref<1x128x32xf32, #tpu.memory_space<vmem>>
        %dma_wait3A_110 = tpu.memref_squeeze %dma_wait3A_109 : memref<1x128x32xf32, #tpu.memory_space<vmem>> -> memref<128x32xf32, #tpu.memory_space<vmem>>
        %dma_wait3A_111 = arith.constant 0 : i32
        %dma_wait3A_112 = arith.constant 0 : i32
        %dma_wait3A_113 = tpu.memref_slice %arg2[%dma_wait3A_111, %dma_wait3A_112] : memref<50000x32xf32, #tpu.memory_space<hbm>> -> memref<128x32xf32, #tpu.memory_space<hbm>>
        tpu.wait_dma2 semaphore(%arg17 : memref<!tpu.dma_semaphore, #tpu.memory_space<semaphore_mem>>) src(%dma_wait3A_113 : memref<128x32xf32, #tpu.memory_space<hbm>>) dst(%dma_wait3A_110 : memref<128x32xf32, #tpu.memory_space<vmem>>)
        %add3A_114 = arith.constant 4 : i32
        %add3A_115 = arith.addi %add3A_74, %add3A_114 : i32
        %lt3A_116 = arith.constant 56 : i32
        %lt3A_117 = arith.cmpi slt, %add3A_115, %lt3A_116 : i32
        %convert_element_type3A_118 = arith.extui %lt3A_117 : i1 to i32
        %cond3A_119 = arith.constant 0 : i32
        %cond3A_120 = arith.cmpi ne, %convert_element_type3A_118, %cond3A_119 : i32
        scf.if %cond3A_120 {
          %add3A_277 = arith.constant 4 : i32
          %add3A_278 = arith.addi %add3A_74, %add3A_277 : i32
          %eq3A_279 = arith.constant 0 : i32
          %eq3A_280 = arith.cmpi eq, %arg0, %eq3A_279 : i32
          %convert_element_type3A_281 = arith.extui %eq3A_280 : i1 to i32
          %cond3A_282 = arith.constant 0 : i32
          %cond3A_283 = arith.cmpi ne, %convert_element_type3A_281, %cond3A_282 : i32
          scf.if %cond3A_283 {
            %dma_start3A_289 = arith.constant 0 : i32
            %dma_start3A_290 = arith.constant 0 : i32
            %dma_start3A_291 = arith.constant 0 : i32
            %dma_start3A_292 = tpu.memref_slice %arg10[%dma_start3A_289, %dma_start3A_290, %dma_start3A_291] : memref<4x128x32xf32, #tpu.memory_space<vmem>> -> memref<1x128x32xf32, #tpu.memory_space<vmem>>
            %dma_start3A_293 = tpu.memref_squeeze %dma_start3A_292 : memref<1x128x32xf32, #tpu.memory_space<vmem>> -> memref<128x32xf32, #tpu.memory_space<vmem>>
            %dma_start3A_294 = arith.constant 0 : i32
            %dma_start3A_295 = tpu.memref_slice %arg8[%add3A_278, %dma_start3A_294] : memref<56x128xi32, #tpu.memory_space<vmem>> -> memref<1x128xi32, #tpu.memory_space<vmem>>
            %dma_start3A_296 = tpu.memref_squeeze %dma_start3A_295 : memref<1x128xi32, #tpu.memory_space<vmem>> -> memref<128xi32, #tpu.memory_space<vmem>>
            %dma_start3A_297 = arith.constant 0 : i32
            %dma_start3A_298 = arith.constant 0 : i32
            %dma_start3A_299 = tpu.memref_slice %arg2[%dma_start3A_297, %dma_start3A_298] : memref<50000x32xf32, #tpu.memory_space<hbm>> -> memref<50000x32xf32, #tpu.memory_space<hbm>>
            tpu.enqueue_indirect_dma source(%dma_start3A_299 : memref<50000x32xf32, #tpu.memory_space<hbm>>) target(%dma_start3A_293 : memref<128x32xf32, #tpu.memory_space<vmem>>) offsets(%dma_start3A_296 : memref<128xi32, #tpu.memory_space<vmem>>) semaphore(%arg13 : memref<!tpu.dma_semaphore, #tpu.memory_space<semaphore_mem>>)
          } else {
          }
          %ne3A_284 = arith.constant 0 : i32
          %ne3A_285 = arith.cmpi ne, %arg0, %ne3A_284 : i32
          %convert_element_type3A_286 = arith.extui %ne3A_285 : i1 to i32
          %cond3A_287 = arith.constant 0 : i32
          %cond3A_288 = arith.cmpi ne, %convert_element_type3A_286, %cond3A_287 : i32
          scf.if %cond3A_288 {
            %dma_start3A_289 = arith.constant 0 : i32
            %dma_start3A_290 = arith.constant 0 : i32
            %dma_start3A_291 = arith.constant 0 : i32
            %dma_start3A_292 = tpu.memref_slice %arg10[%dma_start3A_289, %dma_start3A_290, %dma_start3A_291] : memref<4x128x32xf32, #tpu.memory_space<vmem>> -> memref<1x128x32xf32, #tpu.memory_space<vmem>>
            %dma_start3A_293 = tpu.memref_squeeze %dma_start3A_292 : memref<1x128x32xf32, #tpu.memory_space<vmem>> -> memref<128x32xf32, #tpu.memory_space<vmem>>
            %dma_start3A_294 = arith.constant 0 : i32
            %dma_start3A_295 = tpu.memref_slice %arg8[%add3A_278, %dma_start3A_294] : memref<56x128xi32, #tpu.memory_space<vmem>> -> memref<1x128xi32, #tpu.memory_space<vmem>>
            %dma_start3A_296 = tpu.memref_squeeze %dma_start3A_295 : memref<1x128xi32, #tpu.memory_space<vmem>> -> memref<128xi32, #tpu.memory_space<vmem>>
            %dma_start3A_297 = arith.constant 0 : i32
            %dma_start3A_298 = arith.constant 0 : i32
            %dma_start3A_299 = tpu.memref_slice %arg3[%dma_start3A_297, %dma_start3A_298] : memref<50000x32xf32, #tpu.memory_space<hbm>> -> memref<50000x32xf32, #tpu.memory_space<hbm>>
            tpu.enqueue_indirect_dma source(%dma_start3A_299 : memref<50000x32xf32, #tpu.memory_space<hbm>>) target(%dma_start3A_293 : memref<128x32xf32, #tpu.memory_space<vmem>>) offsets(%dma_start3A_296 : memref<128xi32, #tpu.memory_space<vmem>>) semaphore(%arg13 : memref<!tpu.dma_semaphore, #tpu.memory_space<semaphore_mem>>)
          } else {
          }
        } else {
        }
        %mul3A_121 = arith.constant 4 : i32
        %mul3A_122 = arith.muli %scan3A_70, %mul3A_121 : i32
        %add3A_123 = arith.constant 1 : i32
        %add3A_124 = arith.addi %mul3A_122, %add3A_123 : i32
        %dma_wait3A_125 = arith.constant 1 : i32
        %dma_wait3A_126 = arith.constant 0 : i32
        %dma_wait3A_127 = arith.constant 0 : i32
        %dma_wait3A_128 = tpu.memref_slice %arg10[%dma_wait3A_125, %dma_wait3A_126, %dma_wait3A_127] : memref<4x128x32xf32, #tpu.memory_space<vmem>> -> memref<1x128x32xf32, #tpu.memory_space<vmem>>
        %dma_wait3A_129 = tpu.memref_squeeze %dma_wait3A_128 : memref<1x128x32xf32, #tpu.memory_space<vmem>> -> memref<128x32xf32, #tpu.memory_space<vmem>>
        %dma_wait3A_130 = arith.constant 0 : i32
        %dma_wait3A_131 = arith.constant 0 : i32
        %dma_wait3A_132 = tpu.memref_slice %arg2[%dma_wait3A_130, %dma_wait3A_131] : memref<50000x32xf32, #tpu.memory_space<hbm>> -> memref<128x32xf32, #tpu.memory_space<hbm>>
        %dma_wait3A_133 = arith.constant 0 : i32
        %dma_wait3A_134 = arith.constant 0 : i32
        %dma_wait3A_135 = tpu.memref_slice %arg10[%dma_wait3A_125, %dma_wait3A_133, %dma_wait3A_134] : memref<4x128x32xf32, #tpu.memory_space<vmem>> -> memref<1x128x32xf32, #tpu.memory_space<vmem>>
        %dma_wait3A_136 = tpu.memref_squeeze %dma_wait3A_135 : memref<1x128x32xf32, #tpu.memory_space<vmem>> -> memref<128x32xf32, #tpu.memory_space<vmem>>
        %dma_wait3A_137 = arith.constant 0 : i32
        %dma_wait3A_138 = arith.constant 0 : i32
        %dma_wait3A_139 = tpu.memref_slice %arg2[%dma_wait3A_137, %dma_wait3A_138] : memref<50000x32xf32, #tpu.memory_space<hbm>> -> memref<128x32xf32, #tpu.memory_space<hbm>>
        tpu.wait_dma2 semaphore(%arg14 : memref<!tpu.dma_semaphore, #tpu.memory_space<semaphore_mem>>) src(%dma_wait3A_139 : memref<128x32xf32, #tpu.memory_space<hbm>>) dst(%dma_wait3A_136 : memref<128x32xf32, #tpu.memory_space<vmem>>)
        %dma_start3A_140 = arith.constant 1 : i32
        %dma_start3A_141 = arith.constant 0 : i32
        %dma_start3A_142 = arith.constant 0 : i32
        %dma_start3A_143 = tpu.memref_slice %arg10[%dma_start3A_140, %dma_start3A_141, %dma_start3A_142] : memref<4x128x32xf32, #tpu.memory_space<vmem>> -> memref<1x128x32xf32, #tpu.memory_space<vmem>>
        %dma_start3A_144 = tpu.memref_squeeze %dma_start3A_143 : memref<1x128x32xf32, #tpu.memory_space<vmem>> -> memref<128x32xf32, #tpu.memory_space<vmem>>
        %dma_start3A_145 = arith.constant 0 : i32
        %dma_start3A_146 = tpu.memref_slice %arg9[%add3A_124, %dma_start3A_145] : memref<56x128xi32, #tpu.memory_space<vmem>> -> memref<1x128xi32, #tpu.memory_space<vmem>>
        %dma_start3A_147 = tpu.memref_squeeze %dma_start3A_146 : memref<1x128xi32, #tpu.memory_space<vmem>> -> memref<128xi32, #tpu.memory_space<vmem>>
        %dma_start3A_148 = arith.constant 0 : i32
        %dma_start3A_149 = arith.constant 0 : i32
        %dma_start3A_150 = tpu.memref_slice %arg11[%dma_start3A_148, %dma_start3A_149] : memref<50008x32xf32, #tpu.memory_space<vmem_shared>> -> memref<50008x32xf32, #tpu.memory_space<vmem_shared>>
        tpu.enqueue_indirect_dma source(%dma_start3A_144 : memref<128x32xf32, #tpu.memory_space<vmem>>) target(%dma_start3A_150 : memref<50008x32xf32, #tpu.memory_space<vmem_shared>>) offsets(%dma_start3A_147 : memref<128xi32, #tpu.memory_space<vmem>>) semaphore(%arg18 : memref<!tpu.dma_semaphore, #tpu.memory_space<semaphore_mem>>) {add = true}
        %dma_wait3A_151 = arith.constant 1 : i32
        %dma_wait3A_152 = arith.constant 0 : i32
        %dma_wait3A_153 = arith.constant 0 : i32
        %dma_wait3A_154 = tpu.memref_slice %arg10[%dma_wait3A_151, %dma_wait3A_152, %dma_wait3A_153] : memref<4x128x32xf32, #tpu.memory_space<vmem>> -> memref<1x128x32xf32, #tpu.memory_space<vmem>>
        %dma_wait3A_155 = tpu.memref_squeeze %dma_wait3A_154 : memref<1x128x32xf32, #tpu.memory_space<vmem>> -> memref<128x32xf32, #tpu.memory_space<vmem>>
        %dma_wait3A_156 = arith.constant 0 : i32
        %dma_wait3A_157 = arith.constant 0 : i32
        %dma_wait3A_158 = tpu.memref_slice %arg2[%dma_wait3A_156, %dma_wait3A_157] : memref<50000x32xf32, #tpu.memory_space<hbm>> -> memref<128x32xf32, #tpu.memory_space<hbm>>
        %dma_wait3A_159 = arith.constant 0 : i32
        %dma_wait3A_160 = arith.constant 0 : i32
        %dma_wait3A_161 = tpu.memref_slice %arg10[%dma_wait3A_151, %dma_wait3A_159, %dma_wait3A_160] : memref<4x128x32xf32, #tpu.memory_space<vmem>> -> memref<1x128x32xf32, #tpu.memory_space<vmem>>
        %dma_wait3A_162 = tpu.memref_squeeze %dma_wait3A_161 : memref<1x128x32xf32, #tpu.memory_space<vmem>> -> memref<128x32xf32, #tpu.memory_space<vmem>>
        %dma_wait3A_163 = arith.constant 0 : i32
        %dma_wait3A_164 = arith.constant 0 : i32
        %dma_wait3A_165 = tpu.memref_slice %arg2[%dma_wait3A_163, %dma_wait3A_164] : memref<50000x32xf32, #tpu.memory_space<hbm>> -> memref<128x32xf32, #tpu.memory_space<hbm>>
        tpu.wait_dma2 semaphore(%arg18 : memref<!tpu.dma_semaphore, #tpu.memory_space<semaphore_mem>>) src(%dma_wait3A_165 : memref<128x32xf32, #tpu.memory_space<hbm>>) dst(%dma_wait3A_162 : memref<128x32xf32, #tpu.memory_space<vmem>>)
        %add3A_166 = arith.constant 4 : i32
        %add3A_167 = arith.addi %add3A_124, %add3A_166 : i32
        %lt3A_168 = arith.constant 56 : i32
        %lt3A_169 = arith.cmpi slt, %add3A_167, %lt3A_168 : i32
        %convert_element_type3A_170 = arith.extui %lt3A_169 : i1 to i32
        %cond3A_171 = arith.constant 0 : i32
        %cond3A_172 = arith.cmpi ne, %convert_element_type3A_170, %cond3A_171 : i32
        scf.if %cond3A_172 {
          %add3A_277 = arith.constant 4 : i32
          %add3A_278 = arith.addi %add3A_124, %add3A_277 : i32
          %eq3A_279 = arith.constant 0 : i32
          %eq3A_280 = arith.cmpi eq, %arg0, %eq3A_279 : i32
          %convert_element_type3A_281 = arith.extui %eq3A_280 : i1 to i32
          %cond3A_282 = arith.constant 0 : i32
          %cond3A_283 = arith.cmpi ne, %convert_element_type3A_281, %cond3A_282 : i32
          scf.if %cond3A_283 {
            %dma_start3A_289 = arith.constant 1 : i32
            %dma_start3A_290 = arith.constant 0 : i32
            %dma_start3A_291 = arith.constant 0 : i32
            %dma_start3A_292 = tpu.memref_slice %arg10[%dma_start3A_289, %dma_start3A_290, %dma_start3A_291] : memref<4x128x32xf32, #tpu.memory_space<vmem>> -> memref<1x128x32xf32, #tpu.memory_space<vmem>>
            %dma_start3A_293 = tpu.memref_squeeze %dma_start3A_292 : memref<1x128x32xf32, #tpu.memory_space<vmem>> -> memref<128x32xf32, #tpu.memory_space<vmem>>
            %dma_start3A_294 = arith.constant 0 : i32
            %dma_start3A_295 = tpu.memref_slice %arg8[%add3A_278, %dma_start3A_294] : memref<56x128xi32, #tpu.memory_space<vmem>> -> memref<1x128xi32, #tpu.memory_space<vmem>>
            %dma_start3A_296 = tpu.memref_squeeze %dma_start3A_295 : memref<1x128xi32, #tpu.memory_space<vmem>> -> memref<128xi32, #tpu.memory_space<vmem>>
            %dma_start3A_297 = arith.constant 0 : i32
            %dma_start3A_298 = arith.constant 0 : i32
            %dma_start3A_299 = tpu.memref_slice %arg2[%dma_start3A_297, %dma_start3A_298] : memref<50000x32xf32, #tpu.memory_space<hbm>> -> memref<50000x32xf32, #tpu.memory_space<hbm>>
            tpu.enqueue_indirect_dma source(%dma_start3A_299 : memref<50000x32xf32, #tpu.memory_space<hbm>>) target(%dma_start3A_293 : memref<128x32xf32, #tpu.memory_space<vmem>>) offsets(%dma_start3A_296 : memref<128xi32, #tpu.memory_space<vmem>>) semaphore(%arg14 : memref<!tpu.dma_semaphore, #tpu.memory_space<semaphore_mem>>)
          } else {
          }
          %ne3A_284 = arith.constant 0 : i32
          %ne3A_285 = arith.cmpi ne, %arg0, %ne3A_284 : i32
          %convert_element_type3A_286 = arith.extui %ne3A_285 : i1 to i32
          %cond3A_287 = arith.constant 0 : i32
          %cond3A_288 = arith.cmpi ne, %convert_element_type3A_286, %cond3A_287 : i32
          scf.if %cond3A_288 {
            %dma_start3A_289 = arith.constant 1 : i32
            %dma_start3A_290 = arith.constant 0 : i32
            %dma_start3A_291 = arith.constant 0 : i32
            %dma_start3A_292 = tpu.memref_slice %arg10[%dma_start3A_289, %dma_start3A_290, %dma_start3A_291] : memref<4x128x32xf32, #tpu.memory_space<vmem>> -> memref<1x128x32xf32, #tpu.memory_space<vmem>>
            %dma_start3A_293 = tpu.memref_squeeze %dma_start3A_292 : memref<1x128x32xf32, #tpu.memory_space<vmem>> -> memref<128x32xf32, #tpu.memory_space<vmem>>
            %dma_start3A_294 = arith.constant 0 : i32
            %dma_start3A_295 = tpu.memref_slice %arg8[%add3A_278, %dma_start3A_294] : memref<56x128xi32, #tpu.memory_space<vmem>> -> memref<1x128xi32, #tpu.memory_space<vmem>>
            %dma_start3A_296 = tpu.memref_squeeze %dma_start3A_295 : memref<1x128xi32, #tpu.memory_space<vmem>> -> memref<128xi32, #tpu.memory_space<vmem>>
            %dma_start3A_297 = arith.constant 0 : i32
            %dma_start3A_298 = arith.constant 0 : i32
            %dma_start3A_299 = tpu.memref_slice %arg3[%dma_start3A_297, %dma_start3A_298] : memref<50000x32xf32, #tpu.memory_space<hbm>> -> memref<50000x32xf32, #tpu.memory_space<hbm>>
            tpu.enqueue_indirect_dma source(%dma_start3A_299 : memref<50000x32xf32, #tpu.memory_space<hbm>>) target(%dma_start3A_293 : memref<128x32xf32, #tpu.memory_space<vmem>>) offsets(%dma_start3A_296 : memref<128xi32, #tpu.memory_space<vmem>>) semaphore(%arg14 : memref<!tpu.dma_semaphore, #tpu.memory_space<semaphore_mem>>)
          } else {
          }
        } else {
        }
        %mul3A_173 = arith.constant 4 : i32
        %mul3A_174 = arith.muli %scan3A_70, %mul3A_173 : i32
        %add3A_175 = arith.constant 2 : i32
        %add3A_176 = arith.addi %mul3A_174, %add3A_175 : i32
        %dma_wait3A_177 = arith.constant 2 : i32
        %dma_wait3A_178 = arith.constant 0 : i32
        %dma_wait3A_179 = arith.constant 0 : i32
        %dma_wait3A_180 = tpu.memref_slice %arg10[%dma_wait3A_177, %dma_wait3A_178, %dma_wait3A_179] : memref<4x128x32xf32, #tpu.memory_space<vmem>> -> memref<1x128x32xf32, #tpu.memory_space<vmem>>
        %dma_wait3A_181 = tpu.memref_squeeze %dma_wait3A_180 : memref<1x128x32xf32, #tpu.memory_space<vmem>> -> memref<128x32xf32, #tpu.memory_space<vmem>>
        %dma_wait3A_182 = arith.constant 0 : i32
        %dma_wait3A_183 = arith.constant 0 : i32
        %dma_wait3A_184 = tpu.memref_slice %arg2[%dma_wait3A_182, %dma_wait3A_183] : memref<50000x32xf32, #tpu.memory_space<hbm>> -> memref<128x32xf32, #tpu.memory_space<hbm>>
        %dma_wait3A_185 = arith.constant 0 : i32
        %dma_wait3A_186 = arith.constant 0 : i32
        %dma_wait3A_187 = tpu.memref_slice %arg10[%dma_wait3A_177, %dma_wait3A_185, %dma_wait3A_186] : memref<4x128x32xf32, #tpu.memory_space<vmem>> -> memref<1x128x32xf32, #tpu.memory_space<vmem>>
        %dma_wait3A_188 = tpu.memref_squeeze %dma_wait3A_187 : memref<1x128x32xf32, #tpu.memory_space<vmem>> -> memref<128x32xf32, #tpu.memory_space<vmem>>
        %dma_wait3A_189 = arith.constant 0 : i32
        %dma_wait3A_190 = arith.constant 0 : i32
        %dma_wait3A_191 = tpu.memref_slice %arg2[%dma_wait3A_189, %dma_wait3A_190] : memref<50000x32xf32, #tpu.memory_space<hbm>> -> memref<128x32xf32, #tpu.memory_space<hbm>>
        tpu.wait_dma2 semaphore(%arg15 : memref<!tpu.dma_semaphore, #tpu.memory_space<semaphore_mem>>) src(%dma_wait3A_191 : memref<128x32xf32, #tpu.memory_space<hbm>>) dst(%dma_wait3A_188 : memref<128x32xf32, #tpu.memory_space<vmem>>)
        %dma_start3A_192 = arith.constant 2 : i32
        %dma_start3A_193 = arith.constant 0 : i32
        %dma_start3A_194 = arith.constant 0 : i32
        %dma_start3A_195 = tpu.memref_slice %arg10[%dma_start3A_192, %dma_start3A_193, %dma_start3A_194] : memref<4x128x32xf32, #tpu.memory_space<vmem>> -> memref<1x128x32xf32, #tpu.memory_space<vmem>>
        %dma_start3A_196 = tpu.memref_squeeze %dma_start3A_195 : memref<1x128x32xf32, #tpu.memory_space<vmem>> -> memref<128x32xf32, #tpu.memory_space<vmem>>
        %dma_start3A_197 = arith.constant 0 : i32
        %dma_start3A_198 = tpu.memref_slice %arg9[%add3A_176, %dma_start3A_197] : memref<56x128xi32, #tpu.memory_space<vmem>> -> memref<1x128xi32, #tpu.memory_space<vmem>>
        %dma_start3A_199 = tpu.memref_squeeze %dma_start3A_198 : memref<1x128xi32, #tpu.memory_space<vmem>> -> memref<128xi32, #tpu.memory_space<vmem>>
        %dma_start3A_200 = arith.constant 0 : i32
        %dma_start3A_201 = arith.constant 0 : i32
        %dma_start3A_202 = tpu.memref_slice %arg11[%dma_start3A_200, %dma_start3A_201] : memref<50008x32xf32, #tpu.memory_space<vmem_shared>> -> memref<50008x32xf32, #tpu.memory_space<vmem_shared>>
        tpu.enqueue_indirect_dma source(%dma_start3A_196 : memref<128x32xf32, #tpu.memory_space<vmem>>) target(%dma_start3A_202 : memref<50008x32xf32, #tpu.memory_space<vmem_shared>>) offsets(%dma_start3A_199 : memref<128xi32, #tpu.memory_space<vmem>>) semaphore(%arg19 : memref<!tpu.dma_semaphore, #tpu.memory_space<semaphore_mem>>) {add = true}
        %dma_wait3A_203 = arith.constant 2 : i32
        %dma_wait3A_204 = arith.constant 0 : i32
        %dma_wait3A_205 = arith.constant 0 : i32
        %dma_wait3A_206 = tpu.memref_slice %arg10[%dma_wait3A_203, %dma_wait3A_204, %dma_wait3A_205] : memref<4x128x32xf32, #tpu.memory_space<vmem>> -> memref<1x128x32xf32, #tpu.memory_space<vmem>>
        %dma_wait3A_207 = tpu.memref_squeeze %dma_wait3A_206 : memref<1x128x32xf32, #tpu.memory_space<vmem>> -> memref<128x32xf32, #tpu.memory_space<vmem>>
        %dma_wait3A_208 = arith.constant 0 : i32
        %dma_wait3A_209 = arith.constant 0 : i32
        %dma_wait3A_210 = tpu.memref_slice %arg2[%dma_wait3A_208, %dma_wait3A_209] : memref<50000x32xf32, #tpu.memory_space<hbm>> -> memref<128x32xf32, #tpu.memory_space<hbm>>
        %dma_wait3A_211 = arith.constant 0 : i32
        %dma_wait3A_212 = arith.constant 0 : i32
        %dma_wait3A_213 = tpu.memref_slice %arg10[%dma_wait3A_203, %dma_wait3A_211, %dma_wait3A_212] : memref<4x128x32xf32, #tpu.memory_space<vmem>> -> memref<1x128x32xf32, #tpu.memory_space<vmem>>
        %dma_wait3A_214 = tpu.memref_squeeze %dma_wait3A_213 : memref<1x128x32xf32, #tpu.memory_space<vmem>> -> memref<128x32xf32, #tpu.memory_space<vmem>>
        %dma_wait3A_215 = arith.constant 0 : i32
        %dma_wait3A_216 = arith.constant 0 : i32
        %dma_wait3A_217 = tpu.memref_slice %arg2[%dma_wait3A_215, %dma_wait3A_216] : memref<50000x32xf32, #tpu.memory_space<hbm>> -> memref<128x32xf32, #tpu.memory_space<hbm>>
        tpu.wait_dma2 semaphore(%arg19 : memref<!tpu.dma_semaphore, #tpu.memory_space<semaphore_mem>>) src(%dma_wait3A_217 : memref<128x32xf32, #tpu.memory_space<hbm>>) dst(%dma_wait3A_214 : memref<128x32xf32, #tpu.memory_space<vmem>>)
        %add3A_218 = arith.constant 4 : i32
        %add3A_219 = arith.addi %add3A_176, %add3A_218 : i32
        %lt3A_220 = arith.constant 56 : i32
        %lt3A_221 = arith.cmpi slt, %add3A_219, %lt3A_220 : i32
        %convert_element_type3A_222 = arith.extui %lt3A_221 : i1 to i32
        %cond3A_223 = arith.constant 0 : i32
        %cond3A_224 = arith.cmpi ne, %convert_element_type3A_222, %cond3A_223 : i32
        scf.if %cond3A_224 {
          %add3A_277 = arith.constant 4 : i32
          %add3A_278 = arith.addi %add3A_176, %add3A_277 : i32
          %eq3A_279 = arith.constant 0 : i32
          %eq3A_280 = arith.cmpi eq, %arg0, %eq3A_279 : i32
          %convert_element_type3A_281 = arith.extui %eq3A_280 : i1 to i32
          %cond3A_282 = arith.constant 0 : i32
          %cond3A_283 = arith.cmpi ne, %convert_element_type3A_281, %cond3A_282 : i32
          scf.if %cond3A_283 {
            %dma_start3A_289 = arith.constant 2 : i32
            %dma_start3A_290 = arith.constant 0 : i32
            %dma_start3A_291 = arith.constant 0 : i32
            %dma_start3A_292 = tpu.memref_slice %arg10[%dma_start3A_289, %dma_start3A_290, %dma_start3A_291] : memref<4x128x32xf32, #tpu.memory_space<vmem>> -> memref<1x128x32xf32, #tpu.memory_space<vmem>>
            %dma_start3A_293 = tpu.memref_squeeze %dma_start3A_292 : memref<1x128x32xf32, #tpu.memory_space<vmem>> -> memref<128x32xf32, #tpu.memory_space<vmem>>
            %dma_start3A_294 = arith.constant 0 : i32
            %dma_start3A_295 = tpu.memref_slice %arg8[%add3A_278, %dma_start3A_294] : memref<56x128xi32, #tpu.memory_space<vmem>> -> memref<1x128xi32, #tpu.memory_space<vmem>>
            %dma_start3A_296 = tpu.memref_squeeze %dma_start3A_295 : memref<1x128xi32, #tpu.memory_space<vmem>> -> memref<128xi32, #tpu.memory_space<vmem>>
            %dma_start3A_297 = arith.constant 0 : i32
            %dma_start3A_298 = arith.constant 0 : i32
            %dma_start3A_299 = tpu.memref_slice %arg2[%dma_start3A_297, %dma_start3A_298] : memref<50000x32xf32, #tpu.memory_space<hbm>> -> memref<50000x32xf32, #tpu.memory_space<hbm>>
            tpu.enqueue_indirect_dma source(%dma_start3A_299 : memref<50000x32xf32, #tpu.memory_space<hbm>>) target(%dma_start3A_293 : memref<128x32xf32, #tpu.memory_space<vmem>>) offsets(%dma_start3A_296 : memref<128xi32, #tpu.memory_space<vmem>>) semaphore(%arg15 : memref<!tpu.dma_semaphore, #tpu.memory_space<semaphore_mem>>)
          } else {
          }
          %ne3A_284 = arith.constant 0 : i32
          %ne3A_285 = arith.cmpi ne, %arg0, %ne3A_284 : i32
          %convert_element_type3A_286 = arith.extui %ne3A_285 : i1 to i32
          %cond3A_287 = arith.constant 0 : i32
          %cond3A_288 = arith.cmpi ne, %convert_element_type3A_286, %cond3A_287 : i32
          scf.if %cond3A_288 {
            %dma_start3A_289 = arith.constant 2 : i32
            %dma_start3A_290 = arith.constant 0 : i32
            %dma_start3A_291 = arith.constant 0 : i32
            %dma_start3A_292 = tpu.memref_slice %arg10[%dma_start3A_289, %dma_start3A_290, %dma_start3A_291] : memref<4x128x32xf32, #tpu.memory_space<vmem>> -> memref<1x128x32xf32, #tpu.memory_space<vmem>>
            %dma_start3A_293 = tpu.memref_squeeze %dma_start3A_292 : memref<1x128x32xf32, #tpu.memory_space<vmem>> -> memref<128x32xf32, #tpu.memory_space<vmem>>
            %dma_start3A_294 = arith.constant 0 : i32
            %dma_start3A_295 = tpu.memref_slice %arg8[%add3A_278, %dma_start3A_294] : memref<56x128xi32, #tpu.memory_space<vmem>> -> memref<1x128xi32, #tpu.memory_space<vmem>>
            %dma_start3A_296 = tpu.memref_squeeze %dma_start3A_295 : memref<1x128xi32, #tpu.memory_space<vmem>> -> memref<128xi32, #tpu.memory_space<vmem>>
            %dma_start3A_297 = arith.constant 0 : i32
            %dma_start3A_298 = arith.constant 0 : i32
            %dma_start3A_299 = tpu.memref_slice %arg3[%dma_start3A_297, %dma_start3A_298] : memref<50000x32xf32, #tpu.memory_space<hbm>> -> memref<50000x32xf32, #tpu.memory_space<hbm>>
            tpu.enqueue_indirect_dma source(%dma_start3A_299 : memref<50000x32xf32, #tpu.memory_space<hbm>>) target(%dma_start3A_293 : memref<128x32xf32, #tpu.memory_space<vmem>>) offsets(%dma_start3A_296 : memref<128xi32, #tpu.memory_space<vmem>>) semaphore(%arg15 : memref<!tpu.dma_semaphore, #tpu.memory_space<semaphore_mem>>)
          } else {
          }
        } else {
        }
        %mul3A_225 = arith.constant 4 : i32
        %mul3A_226 = arith.muli %scan3A_70, %mul3A_225 : i32
        %add3A_227 = arith.constant 3 : i32
        %add3A_228 = arith.addi %mul3A_226, %add3A_227 : i32
        %dma_wait3A_229 = arith.constant 3 : i32
        %dma_wait3A_230 = arith.constant 0 : i32
        %dma_wait3A_231 = arith.constant 0 : i32
        %dma_wait3A_232 = tpu.memref_slice %arg10[%dma_wait3A_229, %dma_wait3A_230, %dma_wait3A_231] : memref<4x128x32xf32, #tpu.memory_space<vmem>> -> memref<1x128x32xf32, #tpu.memory_space<vmem>>
        %dma_wait3A_233 = tpu.memref_squeeze %dma_wait3A_232 : memref<1x128x32xf32, #tpu.memory_space<vmem>> -> memref<128x32xf32, #tpu.memory_space<vmem>>
        %dma_wait3A_234 = arith.constant 0 : i32
        %dma_wait3A_235 = arith.constant 0 : i32
        %dma_wait3A_236 = tpu.memref_slice %arg2[%dma_wait3A_234, %dma_wait3A_235] : memref<50000x32xf32, #tpu.memory_space<hbm>> -> memref<128x32xf32, #tpu.memory_space<hbm>>
        %dma_wait3A_237 = arith.constant 0 : i32
        %dma_wait3A_238 = arith.constant 0 : i32
        %dma_wait3A_239 = tpu.memref_slice %arg10[%dma_wait3A_229, %dma_wait3A_237, %dma_wait3A_238] : memref<4x128x32xf32, #tpu.memory_space<vmem>> -> memref<1x128x32xf32, #tpu.memory_space<vmem>>
        %dma_wait3A_240 = tpu.memref_squeeze %dma_wait3A_239 : memref<1x128x32xf32, #tpu.memory_space<vmem>> -> memref<128x32xf32, #tpu.memory_space<vmem>>
        %dma_wait3A_241 = arith.constant 0 : i32
        %dma_wait3A_242 = arith.constant 0 : i32
        %dma_wait3A_243 = tpu.memref_slice %arg2[%dma_wait3A_241, %dma_wait3A_242] : memref<50000x32xf32, #tpu.memory_space<hbm>> -> memref<128x32xf32, #tpu.memory_space<hbm>>
        tpu.wait_dma2 semaphore(%arg16 : memref<!tpu.dma_semaphore, #tpu.memory_space<semaphore_mem>>) src(%dma_wait3A_243 : memref<128x32xf32, #tpu.memory_space<hbm>>) dst(%dma_wait3A_240 : memref<128x32xf32, #tpu.memory_space<vmem>>)
        %dma_start3A_244 = arith.constant 3 : i32
        %dma_start3A_245 = arith.constant 0 : i32
        %dma_start3A_246 = arith.constant 0 : i32
        %dma_start3A_247 = tpu.memref_slice %arg10[%dma_start3A_244, %dma_start3A_245, %dma_start3A_246] : memref<4x128x32xf32, #tpu.memory_space<vmem>> -> memref<1x128x32xf32, #tpu.memory_space<vmem>>
        %dma_start3A_248 = tpu.memref_squeeze %dma_start3A_247 : memref<1x128x32xf32, #tpu.memory_space<vmem>> -> memref<128x32xf32, #tpu.memory_space<vmem>>
        %dma_start3A_249 = arith.constant 0 : i32
        %dma_start3A_250 = tpu.memref_slice %arg9[%add3A_228, %dma_start3A_249] : memref<56x128xi32, #tpu.memory_space<vmem>> -> memref<1x128xi32, #tpu.memory_space<vmem>>
        %dma_start3A_251 = tpu.memref_squeeze %dma_start3A_250 : memref<1x128xi32, #tpu.memory_space<vmem>> -> memref<128xi32, #tpu.memory_space<vmem>>
        %dma_start3A_252 = arith.constant 0 : i32
        %dma_start3A_253 = arith.constant 0 : i32
        %dma_start3A_254 = tpu.memref_slice %arg11[%dma_start3A_252, %dma_start3A_253] : memref<50008x32xf32, #tpu.memory_space<vmem_shared>> -> memref<50008x32xf32, #tpu.memory_space<vmem_shared>>
        tpu.enqueue_indirect_dma source(%dma_start3A_248 : memref<128x32xf32, #tpu.memory_space<vmem>>) target(%dma_start3A_254 : memref<50008x32xf32, #tpu.memory_space<vmem_shared>>) offsets(%dma_start3A_251 : memref<128xi32, #tpu.memory_space<vmem>>) semaphore(%arg20 : memref<!tpu.dma_semaphore, #tpu.memory_space<semaphore_mem>>) {add = true}
        %dma_wait3A_255 = arith.constant 3 : i32
        %dma_wait3A_256 = arith.constant 0 : i32
        %dma_wait3A_257 = arith.constant 0 : i32
        %dma_wait3A_258 = tpu.memref_slice %arg10[%dma_wait3A_255, %dma_wait3A_256, %dma_wait3A_257] : memref<4x128x32xf32, #tpu.memory_space<vmem>> -> memref<1x128x32xf32, #tpu.memory_space<vmem>>
        %dma_wait3A_259 = tpu.memref_squeeze %dma_wait3A_258 : memref<1x128x32xf32, #tpu.memory_space<vmem>> -> memref<128x32xf32, #tpu.memory_space<vmem>>
        %dma_wait3A_260 = arith.constant 0 : i32
        %dma_wait3A_261 = arith.constant 0 : i32
        %dma_wait3A_262 = tpu.memref_slice %arg2[%dma_wait3A_260, %dma_wait3A_261] : memref<50000x32xf32, #tpu.memory_space<hbm>> -> memref<128x32xf32, #tpu.memory_space<hbm>>
        %dma_wait3A_263 = arith.constant 0 : i32
        %dma_wait3A_264 = arith.constant 0 : i32
        %dma_wait3A_265 = tpu.memref_slice %arg10[%dma_wait3A_255, %dma_wait3A_263, %dma_wait3A_264] : memref<4x128x32xf32, #tpu.memory_space<vmem>> -> memref<1x128x32xf32, #tpu.memory_space<vmem>>
        %dma_wait3A_266 = tpu.memref_squeeze %dma_wait3A_265 : memref<1x128x32xf32, #tpu.memory_space<vmem>> -> memref<128x32xf32, #tpu.memory_space<vmem>>
        %dma_wait3A_267 = arith.constant 0 : i32
        %dma_wait3A_268 = arith.constant 0 : i32
        %dma_wait3A_269 = tpu.memref_slice %arg2[%dma_wait3A_267, %dma_wait3A_268] : memref<50000x32xf32, #tpu.memory_space<hbm>> -> memref<128x32xf32, #tpu.memory_space<hbm>>
        tpu.wait_dma2 semaphore(%arg20 : memref<!tpu.dma_semaphore, #tpu.memory_space<semaphore_mem>>) src(%dma_wait3A_269 : memref<128x32xf32, #tpu.memory_space<hbm>>) dst(%dma_wait3A_266 : memref<128x32xf32, #tpu.memory_space<vmem>>)
        %add3A_270 = arith.constant 4 : i32
        %add3A_271 = arith.addi %add3A_228, %add3A_270 : i32
        %lt3A_272 = arith.constant 56 : i32
        %lt3A_273 = arith.cmpi slt, %add3A_271, %lt3A_272 : i32
        %convert_element_type3A_274 = arith.extui %lt3A_273 : i1 to i32
        %cond3A_275 = arith.constant 0 : i32
        %cond3A_276 = arith.cmpi ne, %convert_element_type3A_274, %cond3A_275 : i32
        scf.if %cond3A_276 {
          %add3A_277 = arith.constant 4 : i32
          %add3A_278 = arith.addi %add3A_228, %add3A_277 : i32
          %eq3A_279 = arith.constant 0 : i32
          %eq3A_280 = arith.cmpi eq, %arg0, %eq3A_279 : i32
          %convert_element_type3A_281 = arith.extui %eq3A_280 : i1 to i32
          %cond3A_282 = arith.constant 0 : i32
          %cond3A_283 = arith.cmpi ne, %convert_element_type3A_281, %cond3A_282 : i32
          scf.if %cond3A_283 {
            %dma_start3A_289 = arith.constant 3 : i32
            %dma_start3A_290 = arith.constant 0 : i32
            %dma_start3A_291 = arith.constant 0 : i32
            %dma_start3A_292 = tpu.memref_slice %arg10[%dma_start3A_289, %dma_start3A_290, %dma_start3A_291] : memref<4x128x32xf32, #tpu.memory_space<vmem>> -> memref<1x128x32xf32, #tpu.memory_space<vmem>>
            %dma_start3A_293 = tpu.memref_squeeze %dma_start3A_292 : memref<1x128x32xf32, #tpu.memory_space<vmem>> -> memref<128x32xf32, #tpu.memory_space<vmem>>
            %dma_start3A_294 = arith.constant 0 : i32
            %dma_start3A_295 = tpu.memref_slice %arg8[%add3A_278, %dma_start3A_294] : memref<56x128xi32, #tpu.memory_space<vmem>> -> memref<1x128xi32, #tpu.memory_space<vmem>>
            %dma_start3A_296 = tpu.memref_squeeze %dma_start3A_295 : memref<1x128xi32, #tpu.memory_space<vmem>> -> memref<128xi32, #tpu.memory_space<vmem>>
            %dma_start3A_297 = arith.constant 0 : i32
            %dma_start3A_298 = arith.constant 0 : i32
            %dma_start3A_299 = tpu.memref_slice %arg2[%dma_start3A_297, %dma_start3A_298] : memref<50000x32xf32, #tpu.memory_space<hbm>> -> memref<50000x32xf32, #tpu.memory_space<hbm>>
            tpu.enqueue_indirect_dma source(%dma_start3A_299 : memref<50000x32xf32, #tpu.memory_space<hbm>>) target(%dma_start3A_293 : memref<128x32xf32, #tpu.memory_space<vmem>>) offsets(%dma_start3A_296 : memref<128xi32, #tpu.memory_space<vmem>>) semaphore(%arg16 : memref<!tpu.dma_semaphore, #tpu.memory_space<semaphore_mem>>)
          } else {
          }
          %ne3A_284 = arith.constant 0 : i32
          %ne3A_285 = arith.cmpi ne, %arg0, %ne3A_284 : i32
          %convert_element_type3A_286 = arith.extui %ne3A_285 : i1 to i32
          %cond3A_287 = arith.constant 0 : i32
          %cond3A_288 = arith.cmpi ne, %convert_element_type3A_286, %cond3A_287 : i32
          scf.if %cond3A_288 {
            %dma_start3A_289 = arith.constant 3 : i32
            %dma_start3A_290 = arith.constant 0 : i32
            %dma_start3A_291 = arith.constant 0 : i32
            %dma_start3A_292 = tpu.memref_slice %arg10[%dma_start3A_289, %dma_start3A_290, %dma_start3A_291] : memref<4x128x32xf32, #tpu.memory_space<vmem>> -> memref<1x128x32xf32, #tpu.memory_space<vmem>>
            %dma_start3A_293 = tpu.memref_squeeze %dma_start3A_292 : memref<1x128x32xf32, #tpu.memory_space<vmem>> -> memref<128x32xf32, #tpu.memory_space<vmem>>
            %dma_start3A_294 = arith.constant 0 : i32
            %dma_start3A_295 = tpu.memref_slice %arg8[%add3A_278, %dma_start3A_294] : memref<56x128xi32, #tpu.memory_space<vmem>> -> memref<1x128xi32, #tpu.memory_space<vmem>>
            %dma_start3A_296 = tpu.memref_squeeze %dma_start3A_295 : memref<1x128xi32, #tpu.memory_space<vmem>> -> memref<128xi32, #tpu.memory_space<vmem>>
            %dma_start3A_297 = arith.constant 0 : i32
            %dma_start3A_298 = arith.constant 0 : i32
            %dma_start3A_299 = tpu.memref_slice %arg3[%dma_start3A_297, %dma_start3A_298] : memref<50000x32xf32, #tpu.memory_space<hbm>> -> memref<50000x32xf32, #tpu.memory_space<hbm>>
            tpu.enqueue_indirect_dma source(%dma_start3A_299 : memref<50000x32xf32, #tpu.memory_space<hbm>>) target(%dma_start3A_293 : memref<128x32xf32, #tpu.memory_space<vmem>>) offsets(%dma_start3A_296 : memref<128xi32, #tpu.memory_space<vmem>>) semaphore(%arg16 : memref<!tpu.dma_semaphore, #tpu.memory_space<semaphore_mem>>)
          } else {
          }
        } else {
        }
      }
      %scan3A_69 = arith.constant 14 : i32
    }
    %scan3A_12 = arith.constant 7 : i32
    %barrier3A_13 = arith.constant 0 : index
    tpu.barrier barrier_id(%barrier3A_13)
    %lt3A = arith.constant 15 : i32
    %lt3A_14 = arith.cmpi slt, %arg1, %lt3A : i32
    %convert_element_type3A_15 = arith.extui %lt3A_14 : i1 to i32
    %cond3A_16 = arith.constant 0 : i32
    %cond3A_17 = arith.cmpi ne, %convert_element_type3A_15, %cond3A_16 : i32
    scf.if %cond3A_17 {
      %mul3A_23 = arith.constant 3128 : i32
      %mul3A_24 = arith.muli %arg1, %mul3A_23 : i32
      %mul3A_25 = arith.constant 50000 : i32
      %mul3A_26 = arith.muli %arg0, %mul3A_25 : i32
      %mul3A_27 = arith.constant 3128 : i32
      %mul3A_28 = arith.muli %arg1, %mul3A_27 : i32
      %add3A = arith.addi %mul3A_26, %mul3A_28 : i32
      "tpu.region"() ({
        %run_scoped3A = tpu.sem_alloc : memref<!tpu.dma_semaphore, #tpu.memory_space<semaphore_mem>>
        %dma_start3A = arith.constant 0 : i32
        %dma_start3A_29 = tpu.memref_slice %arg7[%add3A, %dma_start3A] : memref<100000x32xf32, #tpu.memory_space<hbm>> -> memref<3128x32xf32, #tpu.memory_space<hbm>>
        %dma_start3A_30 = arith.constant 0 : i32
        %dma_start3A_31 = tpu.memref_slice %arg11[%mul3A_24, %dma_start3A_30] : memref<50008x32xf32, #tpu.memory_space<vmem_shared>> -> memref<3128x32xf32, #tpu.memory_space<vmem_shared>>
        tpu.enqueue_dma source(%dma_start3A_31 : memref<3128x32xf32, #tpu.memory_space<vmem_shared>>) target(%dma_start3A_29 : memref<3128x32xf32, #tpu.memory_space<hbm>>) target_semaphore(%run_scoped3A : memref<!tpu.dma_semaphore, #tpu.memory_space<semaphore_mem>>)
        %dma_wait3A = arith.constant 0 : i32
        %dma_wait3A_32 = tpu.memref_slice %arg7[%add3A, %dma_wait3A] : memref<100000x32xf32, #tpu.memory_space<hbm>> -> memref<3128x32xf32, #tpu.memory_space<hbm>>
        %dma_wait3A_33 = arith.constant 0 : i32
        %dma_wait3A_34 = tpu.memref_slice %arg11[%mul3A_24, %dma_wait3A_33] : memref<50008x32xf32, #tpu.memory_space<vmem_shared>> -> memref<3128x32xf32, #tpu.memory_space<vmem_shared>>
        tpu.wait_dma2 semaphore(%run_scoped3A : memref<!tpu.dma_semaphore, #tpu.memory_space<semaphore_mem>>) src(%dma_wait3A_34 : memref<3128x32xf32, #tpu.memory_space<vmem_shared>>) dst(%dma_wait3A_32 : memref<3128x32xf32, #tpu.memory_space<hbm>>)
        tpu.yield
      }) : () -> ()
    } else {
    }
    %eq3A_18 = arith.constant 15 : i32
    %eq3A_19 = arith.cmpi eq, %arg1, %eq3A_18 : i32
    %convert_element_type3A_20 = arith.extui %eq3A_19 : i1 to i32
    %cond3A_21 = arith.constant 0 : i32
    %cond3A_22 = arith.cmpi ne, %convert_element_type3A_20, %cond3A_21 : i32
    scf.if %cond3A_22 {
      %mul3A_23 = arith.constant 50000 : i32
      %mul3A_24 = arith.muli %arg0, %mul3A_23 : i32
      %add3A = arith.constant 46920 : i32
      %add3A_25 = arith.addi %mul3A_24, %add3A : i32
      "tpu.region"() ({
        %run_scoped3A = tpu.sem_alloc : memref<!tpu.dma_semaphore, #tpu.memory_space<semaphore_mem>>
        %dma_start3A = arith.constant 0 : i32
        %dma_start3A_26 = tpu.memref_slice %arg7[%add3A_25, %dma_start3A] : memref<100000x32xf32, #tpu.memory_space<hbm>> -> memref<3080x32xf32, #tpu.memory_space<hbm>>
        %dma_start3A_27 = arith.constant 46920 : i32
        %dma_start3A_28 = arith.constant 0 : i32
        %dma_start3A_29 = tpu.memref_slice %arg11[%dma_start3A_27, %dma_start3A_28] : memref<50008x32xf32, #tpu.memory_space<vmem_shared>> -> memref<3080x32xf32, #tpu.memory_space<vmem_shared>>
        tpu.enqueue_dma source(%dma_start3A_29 : memref<3080x32xf32, #tpu.memory_space<vmem_shared>>) target(%dma_start3A_26 : memref<3080x32xf32, #tpu.memory_space<hbm>>) target_semaphore(%run_scoped3A : memref<!tpu.dma_semaphore, #tpu.memory_space<semaphore_mem>>)
        %dma_wait3A = arith.constant 0 : i32
        %dma_wait3A_30 = tpu.memref_slice %arg7[%add3A_25, %dma_wait3A] : memref<100000x32xf32, #tpu.memory_space<hbm>> -> memref<3080x32xf32, #tpu.memory_space<hbm>>
        %dma_wait3A_31 = arith.constant 46920 : i32
        %dma_wait3A_32 = arith.constant 0 : i32
        %dma_wait3A_33 = tpu.memref_slice %arg11[%dma_wait3A_31, %dma_wait3A_32] : memref<50008x32xf32, #tpu.memory_space<vmem_shared>> -> memref<3080x32xf32, #tpu.memory_space<vmem_shared>>
        tpu.wait_dma2 semaphore(%run_scoped3A : memref<!tpu.dma_semaphore, #tpu.memory_space<semaphore_mem>>) src(%dma_wait3A_33 : memref<3080x32xf32, #tpu.memory_space<vmem_shared>>) dst(%dma_wait3A_30 : memref<3080x32xf32, #tpu.memory_space<hbm>>)
        tpu.yield
      }) : () -> ()
    } else {
    }
    return
  }
}

#map = affine_map<(d0, d1) -> (0, 0)>
module attributes {stable_mosaic.version = 14 : i64} {
  func.func @_sc_conv_body(%arg0: i32, %arg1: i32, %arg2: memref<50000x32xf32, #tpu.memory_space<hbm>>, %arg3: memref<50000x32xf32, #tpu.memory_space<hbm>>, %arg4: memref<6272x128xi32, #tpu.memory_space<hbm>>, %arg5: memref<6272x128xi32, #tpu.memory_space<hbm>>, %arg6: memref<50008x32xf32, #tpu.memory_space<hbm>>, %arg7: memref<100000x32xf32, #tpu.memory_space<hbm>>, %arg8: memref<56x128xi32, #tpu.memory_space<vmem>>, %arg9: memref<56x128xi32, #tpu.memory_space<vmem>>, %arg10: memref<4x128x32xf32, #tpu.memory_space<vmem>>, %arg11: memref<50008x32xf32, #tpu.memory_space<vmem_shared>>, %arg12: memref<!tpu.dma_semaphore, #tpu.memory_space<semaphore_mem>>, %arg13: memref<!tpu.dma_semaphore, #tpu.memory_space<semaphore_mem>>, %arg14: memref<!tpu.dma_semaphore, #tpu.memory_space<semaphore_mem>>, %arg15: memref<!tpu.dma_semaphore, #tpu.memory_space<semaphore_mem>>, %arg16: memref<!tpu.dma_semaphore, #tpu.memory_space<semaphore_mem>>, %arg17: memref<!tpu.dma_semaphore, #tpu.memory_space<semaphore_mem>>, %arg18: memref<!tpu.dma_semaphore, #tpu.memory_space<semaphore_mem>>, %arg19: memref<!tpu.dma_semaphore, #tpu.memory_space<semaphore_mem>>, %arg20: memref<!tpu.dma_semaphore, #tpu.memory_space<semaphore_mem>>) attributes {dimension_semantics = [#tpu.dimension_semantics<core_parallel>, #tpu.dimension_semantics<subcore_parallel>], iteration_bounds = array<i64: 2, 16>, scalar_prefetch = 0 : i64, scratch_operands = 13 : i64, tpu.core_type = #tpu.core_type<sc_vector_subcore>, window_params = [{transform_indices = #map}, {transform_indices = #map}, {transform_indices = #map}, {transform_indices = #map}, {transform_indices = #map}, {transform_indices = #map}]} {
    %eq3A = arith.constant 0 : i32
    %eq3A_0 = arith.cmpi eq, %arg1, %eq3A : i32
    %convert_element_type3A = arith.extui %eq3A_0 : i1 to i32
    %cond3A = arith.constant 0 : i32
    %cond3A_1 = arith.cmpi ne, %convert_element_type3A, %cond3A : i32
    scf.if %cond3A_1 {
      tpu.enqueue_dma source(%arg6 : memref<50008x32xf32, #tpu.memory_space<hbm>>) target(%arg11 : memref<50008x32xf32, #tpu.memory_space<vmem_shared>>) target_semaphore(%arg12 : memref<!tpu.dma_semaphore, #tpu.memory_space<semaphore_mem>>)
    } else {
    }
    %mul3A = arith.constant 392 : i32
    %mul3A_2 = arith.muli %arg1, %mul3A : i32
    %eq3A_3 = arith.constant 0 : i32
    %eq3A_4 = arith.cmpi eq, %arg1, %eq3A_3 : i32
    %convert_element_type3A_5 = arith.extui %eq3A_4 : i1 to i32
    %cond3A_6 = arith.constant 0 : i32
    %cond3A_7 = arith.cmpi ne, %convert_element_type3A_5, %cond3A_6 : i32
    scf.if %cond3A_7 {
      tpu.wait_dma2 semaphore(%arg12 : memref<!tpu.dma_semaphore, #tpu.memory_space<semaphore_mem>>) src(%arg6 : memref<50008x32xf32, #tpu.memory_space<hbm>>) dst(%arg11 : memref<50008x32xf32, #tpu.memory_space<vmem_shared>>)
    } else {
    }
    %barrier3A = arith.constant 0 : index
    tpu.barrier barrier_id(%barrier3A)
    %scan3A = arith.constant 0 : i32
    %scan3A_8 = arith.constant 0 : i32
    %scan3A_9 = arith.constant 7 : i32
    %scan3A_10 = arith.addi %scan3A_8, %scan3A_9 : i32
    %scan3A_11 = arith.constant 1 : i32
    scf.for %scan3A_23 = %scan3A_8 to %scan3A_10 step %scan3A_11  : i32 {
      %mul3A_24 = arith.constant 56 : i32
      %mul3A_25 = arith.muli %scan3A_23, %mul3A_24 : i32
      %add3A = arith.addi %mul3A_2, %mul3A_25 : i32
      "tpu.region"() ({
        %run_scoped3A = tpu.sem_alloc : memref<!tpu.dma_semaphore, #tpu.memory_space<semaphore_mem>>
        %dma_start3A = arith.constant 0 : i32
        %dma_start3A_70 = tpu.memref_slice %arg4[%add3A, %dma_start3A] : memref<6272x128xi32, #tpu.memory_space<hbm>> -> memref<56x128xi32, #tpu.memory_space<hbm>>
        %dma_start3A_71 = arith.constant 0 : i32
        %dma_start3A_72 = tpu.memref_slice %arg4[%add3A, %dma_start3A_71] : memref<6272x128xi32, #tpu.memory_space<hbm>> -> memref<56x128xi32, #tpu.memory_space<hbm>>
        tpu.enqueue_dma source(%dma_start3A_72 : memref<56x128xi32, #tpu.memory_space<hbm>>) target(%arg8 : memref<56x128xi32, #tpu.memory_space<vmem>>) target_semaphore(%run_scoped3A : memref<!tpu.dma_semaphore, #tpu.memory_space<semaphore_mem>>)
        %dma_wait3A = arith.constant 0 : i32
        %dma_wait3A_73 = tpu.memref_slice %arg4[%add3A, %dma_wait3A] : memref<6272x128xi32, #tpu.memory_space<hbm>> -> memref<56x128xi32, #tpu.memory_space<hbm>>
        %dma_wait3A_74 = arith.constant 0 : i32
        %dma_wait3A_75 = tpu.memref_slice %arg4[%add3A, %dma_wait3A_74] : memref<6272x128xi32, #tpu.memory_space<hbm>> -> memref<56x128xi32, #tpu.memory_space<hbm>>
        tpu.wait_dma2 semaphore(%run_scoped3A : memref<!tpu.dma_semaphore, #tpu.memory_space<semaphore_mem>>) src(%dma_wait3A_75 : memref<56x128xi32, #tpu.memory_space<hbm>>) dst(%arg8 : memref<56x128xi32, #tpu.memory_space<vmem>>)
        tpu.yield
      }) : () -> ()
      "tpu.region"() ({
        %run_scoped3A = tpu.sem_alloc : memref<!tpu.dma_semaphore, #tpu.memory_space<semaphore_mem>>
        %dma_start3A = arith.constant 0 : i32
        %dma_start3A_70 = tpu.memref_slice %arg5[%add3A, %dma_start3A] : memref<6272x128xi32, #tpu.memory_space<hbm>> -> memref<56x128xi32, #tpu.memory_space<hbm>>
        %dma_start3A_71 = arith.constant 0 : i32
        %dma_start3A_72 = tpu.memref_slice %arg5[%add3A, %dma_start3A_71] : memref<6272x128xi32, #tpu.memory_space<hbm>> -> memref<56x128xi32, #tpu.memory_space<hbm>>
        tpu.enqueue_dma source(%dma_start3A_72 : memref<56x128xi32, #tpu.memory_space<hbm>>) target(%arg9 : memref<56x128xi32, #tpu.memory_space<vmem>>) target_semaphore(%run_scoped3A : memref<!tpu.dma_semaphore, #tpu.memory_space<semaphore_mem>>)
        %dma_wait3A = arith.constant 0 : i32
        %dma_wait3A_73 = tpu.memref_slice %arg5[%add3A, %dma_wait3A] : memref<6272x128xi32, #tpu.memory_space<hbm>> -> memref<56x128xi32, #tpu.memory_space<hbm>>
        %dma_wait3A_74 = arith.constant 0 : i32
        %dma_wait3A_75 = tpu.memref_slice %arg5[%add3A, %dma_wait3A_74] : memref<6272x128xi32, #tpu.memory_space<hbm>> -> memref<56x128xi32, #tpu.memory_space<hbm>>
        tpu.wait_dma2 semaphore(%run_scoped3A : memref<!tpu.dma_semaphore, #tpu.memory_space<semaphore_mem>>) src(%dma_wait3A_75 : memref<56x128xi32, #tpu.memory_space<hbm>>) dst(%arg9 : memref<56x128xi32, #tpu.memory_space<vmem>>)
        tpu.yield
      }) : () -> ()
      %eq3A_26 = arith.constant 0 : i32
      %eq3A_27 = arith.cmpi eq, %arg0, %eq3A_26 : i32
      %convert_element_type3A_28 = arith.extui %eq3A_27 : i1 to i32
      %cond3A_29 = arith.constant 0 : i32
      %cond3A_30 = arith.cmpi ne, %convert_element_type3A_28, %cond3A_29 : i32
      scf.if %cond3A_30 {
        %dma_start3A = arith.constant 0 : i32
        %dma_start3A_70 = arith.constant 0 : i32
        %dma_start3A_71 = arith.constant 0 : i32
        %dma_start3A_72 = arith.constant 0 : i32
        %dma_start3A_73 = tpu.memref_slice %arg10[%dma_start3A_70, %dma_start3A_71, %dma_start3A_72] : memref<4x128x32xf32, #tpu.memory_space<vmem>> -> memref<1x128x32xf32, #tpu.memory_space<vmem>>
        %dma_start3A_74 = tpu.memref_squeeze %dma_start3A_73 : memref<1x128x32xf32, #tpu.memory_space<vmem>> -> memref<128x32xf32, #tpu.memory_space<vmem>>
        %dma_start3A_75 = arith.constant 0 : i32
        %dma_start3A_76 = tpu.memref_slice %arg8[%dma_start3A, %dma_start3A_75] : memref<56x128xi32, #tpu.memory_space<vmem>> -> memref<1x128xi32, #tpu.memory_space<vmem>>
        %dma_start3A_77 = tpu.memref_squeeze %dma_start3A_76 : memref<1x128xi32, #tpu.memory_space<vmem>> -> memref<128xi32, #tpu.memory_space<vmem>>
        %dma_start3A_78 = arith.constant 0 : i32
        %dma_start3A_79 = arith.constant 0 : i32
        %dma_start3A_80 = tpu.memref_slice %arg2[%dma_start3A_78, %dma_start3A_79] : memref<50000x32xf32, #tpu.memory_space<hbm>> -> memref<50000x32xf32, #tpu.memory_space<hbm>>
        tpu.enqueue_indirect_dma source(%dma_start3A_80 : memref<50000x32xf32, #tpu.memory_space<hbm>>) target(%dma_start3A_74 : memref<128x32xf32, #tpu.memory_space<vmem>>) offsets(%dma_start3A_77 : memref<128xi32, #tpu.memory_space<vmem>>) semaphore(%arg13 : memref<!tpu.dma_semaphore, #tpu.memory_space<semaphore_mem>>)
      } else {
      }
      %ne3A = arith.constant 0 : i32
      %ne3A_31 = arith.cmpi ne, %arg0, %ne3A : i32
      %convert_element_type3A_32 = arith.extui %ne3A_31 : i1 to i32
      %cond3A_33 = arith.constant 0 : i32
      %cond3A_34 = arith.cmpi ne, %convert_element_type3A_32, %cond3A_33 : i32
      scf.if %cond3A_34 {
        %dma_start3A = arith.constant 0 : i32
        %dma_start3A_70 = arith.constant 0 : i32
        %dma_start3A_71 = arith.constant 0 : i32
        %dma_start3A_72 = arith.constant 0 : i32
        %dma_start3A_73 = tpu.memref_slice %arg10[%dma_start3A_70, %dma_start3A_71, %dma_start3A_72] : memref<4x128x32xf32, #tpu.memory_space<vmem>> -> memref<1x128x32xf32, #tpu.memory_space<vmem>>
        %dma_start3A_74 = tpu.memref_squeeze %dma_start3A_73 : memref<1x128x32xf32, #tpu.memory_space<vmem>> -> memref<128x32xf32, #tpu.memory_space<vmem>>
        %dma_start3A_75 = arith.constant 0 : i32
        %dma_start3A_76 = tpu.memref_slice %arg8[%dma_start3A, %dma_start3A_75] : memref<56x128xi32, #tpu.memory_space<vmem>> -> memref<1x128xi32, #tpu.memory_space<vmem>>
        %dma_start3A_77 = tpu.memref_squeeze %dma_start3A_76 : memref<1x128xi32, #tpu.memory_space<vmem>> -> memref<128xi32, #tpu.memory_space<vmem>>
        %dma_start3A_78 = arith.constant 0 : i32
        %dma_start3A_79 = arith.constant 0 : i32
        %dma_start3A_80 = tpu.memref_slice %arg3[%dma_start3A_78, %dma_start3A_79] : memref<50000x32xf32, #tpu.memory_space<hbm>> -> memref<50000x32xf32, #tpu.memory_space<hbm>>
        tpu.enqueue_indirect_dma source(%dma_start3A_80 : memref<50000x32xf32, #tpu.memory_space<hbm>>) target(%dma_start3A_74 : memref<128x32xf32, #tpu.memory_space<vmem>>) offsets(%dma_start3A_77 : memref<128xi32, #tpu.memory_space<vmem>>) semaphore(%arg13 : memref<!tpu.dma_semaphore, #tpu.memory_space<semaphore_mem>>)
      } else {
      }
      %eq3A_35 = arith.constant 0 : i32
      %eq3A_36 = arith.cmpi eq, %arg0, %eq3A_35 : i32
      %convert_element_type3A_37 = arith.extui %eq3A_36 : i1 to i32
      %cond3A_38 = arith.constant 0 : i32
      %cond3A_39 = arith.cmpi ne, %convert_element_type3A_37, %cond3A_38 : i32
      scf.if %cond3A_39 {
        %dma_start3A = arith.constant 1 : i32
        %dma_start3A_70 = arith.constant 1 : i32
        %dma_start3A_71 = arith.constant 0 : i32
        %dma_start3A_72 = arith.constant 0 : i32
        %dma_start3A_73 = tpu.memref_slice %arg10[%dma_start3A_70, %dma_start3A_71, %dma_start3A_72] : memref<4x128x32xf32, #tpu.memory_space<vmem>> -> memref<1x128x32xf32, #tpu.memory_space<vmem>>
        %dma_start3A_74 = tpu.memref_squeeze %dma_start3A_73 : memref<1x128x32xf32, #tpu.memory_space<vmem>> -> memref<128x32xf32, #tpu.memory_space<vmem>>
        %dma_start3A_75 = arith.constant 0 : i32
        %dma_start3A_76 = tpu.memref_slice %arg8[%dma_start3A, %dma_start3A_75] : memref<56x128xi32, #tpu.memory_space<vmem>> -> memref<1x128xi32, #tpu.memory_space<vmem>>
        %dma_start3A_77 = tpu.memref_squeeze %dma_start3A_76 : memref<1x128xi32, #tpu.memory_space<vmem>> -> memref<128xi32, #tpu.memory_space<vmem>>
        %dma_start3A_78 = arith.constant 0 : i32
        %dma_start3A_79 = arith.constant 0 : i32
        %dma_start3A_80 = tpu.memref_slice %arg2[%dma_start3A_78, %dma_start3A_79] : memref<50000x32xf32, #tpu.memory_space<hbm>> -> memref<50000x32xf32, #tpu.memory_space<hbm>>
        tpu.enqueue_indirect_dma source(%dma_start3A_80 : memref<50000x32xf32, #tpu.memory_space<hbm>>) target(%dma_start3A_74 : memref<128x32xf32, #tpu.memory_space<vmem>>) offsets(%dma_start3A_77 : memref<128xi32, #tpu.memory_space<vmem>>) semaphore(%arg14 : memref<!tpu.dma_semaphore, #tpu.memory_space<semaphore_mem>>)
      } else {
      }
      %ne3A_40 = arith.constant 0 : i32
      %ne3A_41 = arith.cmpi ne, %arg0, %ne3A_40 : i32
      %convert_element_type3A_42 = arith.extui %ne3A_41 : i1 to i32
      %cond3A_43 = arith.constant 0 : i32
      %cond3A_44 = arith.cmpi ne, %convert_element_type3A_42, %cond3A_43 : i32
      scf.if %cond3A_44 {
        %dma_start3A = arith.constant 1 : i32
        %dma_start3A_70 = arith.constant 1 : i32
        %dma_start3A_71 = arith.constant 0 : i32
        %dma_start3A_72 = arith.constant 0 : i32
        %dma_start3A_73 = tpu.memref_slice %arg10[%dma_start3A_70, %dma_start3A_71, %dma_start3A_72] : memref<4x128x32xf32, #tpu.memory_space<vmem>> -> memref<1x128x32xf32, #tpu.memory_space<vmem>>
        %dma_start3A_74 = tpu.memref_squeeze %dma_start3A_73 : memref<1x128x32xf32, #tpu.memory_space<vmem>> -> memref<128x32xf32, #tpu.memory_space<vmem>>
        %dma_start3A_75 = arith.constant 0 : i32
        %dma_start3A_76 = tpu.memref_slice %arg8[%dma_start3A, %dma_start3A_75] : memref<56x128xi32, #tpu.memory_space<vmem>> -> memref<1x128xi32, #tpu.memory_space<vmem>>
        %dma_start3A_77 = tpu.memref_squeeze %dma_start3A_76 : memref<1x128xi32, #tpu.memory_space<vmem>> -> memref<128xi32, #tpu.memory_space<vmem>>
        %dma_start3A_78 = arith.constant 0 : i32
        %dma_start3A_79 = arith.constant 0 : i32
        %dma_start3A_80 = tpu.memref_slice %arg3[%dma_start3A_78, %dma_start3A_79] : memref<50000x32xf32, #tpu.memory_space<hbm>> -> memref<50000x32xf32, #tpu.memory_space<hbm>>
        tpu.enqueue_indirect_dma source(%dma_start3A_80 : memref<50000x32xf32, #tpu.memory_space<hbm>>) target(%dma_start3A_74 : memref<128x32xf32, #tpu.memory_space<vmem>>) offsets(%dma_start3A_77 : memref<128xi32, #tpu.memory_space<vmem>>) semaphore(%arg14 : memref<!tpu.dma_semaphore, #tpu.memory_space<semaphore_mem>>)
      } else {
      }
      %eq3A_45 = arith.constant 0 : i32
      %eq3A_46 = arith.cmpi eq, %arg0, %eq3A_45 : i32
      %convert_element_type3A_47 = arith.extui %eq3A_46 : i1 to i32
      %cond3A_48 = arith.constant 0 : i32
      %cond3A_49 = arith.cmpi ne, %convert_element_type3A_47, %cond3A_48 : i32
      scf.if %cond3A_49 {
        %dma_start3A = arith.constant 2 : i32
        %dma_start3A_70 = arith.constant 2 : i32
        %dma_start3A_71 = arith.constant 0 : i32
        %dma_start3A_72 = arith.constant 0 : i32
        %dma_start3A_73 = tpu.memref_slice %arg10[%dma_start3A_70, %dma_start3A_71, %dma_start3A_72] : memref<4x128x32xf32, #tpu.memory_space<vmem>> -> memref<1x128x32xf32, #tpu.memory_space<vmem>>
        %dma_start3A_74 = tpu.memref_squeeze %dma_start3A_73 : memref<1x128x32xf32, #tpu.memory_space<vmem>> -> memref<128x32xf32, #tpu.memory_space<vmem>>
        %dma_start3A_75 = arith.constant 0 : i32
        %dma_start3A_76 = tpu.memref_slice %arg8[%dma_start3A, %dma_start3A_75] : memref<56x128xi32, #tpu.memory_space<vmem>> -> memref<1x128xi32, #tpu.memory_space<vmem>>
        %dma_start3A_77 = tpu.memref_squeeze %dma_start3A_76 : memref<1x128xi32, #tpu.memory_space<vmem>> -> memref<128xi32, #tpu.memory_space<vmem>>
        %dma_start3A_78 = arith.constant 0 : i32
        %dma_start3A_79 = arith.constant 0 : i32
        %dma_start3A_80 = tpu.memref_slice %arg2[%dma_start3A_78, %dma_start3A_79] : memref<50000x32xf32, #tpu.memory_space<hbm>> -> memref<50000x32xf32, #tpu.memory_space<hbm>>
        tpu.enqueue_indirect_dma source(%dma_start3A_80 : memref<50000x32xf32, #tpu.memory_space<hbm>>) target(%dma_start3A_74 : memref<128x32xf32, #tpu.memory_space<vmem>>) offsets(%dma_start3A_77 : memref<128xi32, #tpu.memory_space<vmem>>) semaphore(%arg15 : memref<!tpu.dma_semaphore, #tpu.memory_space<semaphore_mem>>)
      } else {
      }
      %ne3A_50 = arith.constant 0 : i32
      %ne3A_51 = arith.cmpi ne, %arg0, %ne3A_50 : i32
      %convert_element_type3A_52 = arith.extui %ne3A_51 : i1 to i32
      %cond3A_53 = arith.constant 0 : i32
      %cond3A_54 = arith.cmpi ne, %convert_element_type3A_52, %cond3A_53 : i32
      scf.if %cond3A_54 {
        %dma_start3A = arith.constant 2 : i32
        %dma_start3A_70 = arith.constant 2 : i32
        %dma_start3A_71 = arith.constant 0 : i32
        %dma_start3A_72 = arith.constant 0 : i32
        %dma_start3A_73 = tpu.memref_slice %arg10[%dma_start3A_70, %dma_start3A_71, %dma_start3A_72] : memref<4x128x32xf32, #tpu.memory_space<vmem>> -> memref<1x128x32xf32, #tpu.memory_space<vmem>>
        %dma_start3A_74 = tpu.memref_squeeze %dma_start3A_73 : memref<1x128x32xf32, #tpu.memory_space<vmem>> -> memref<128x32xf32, #tpu.memory_space<vmem>>
        %dma_start3A_75 = arith.constant 0 : i32
        %dma_start3A_76 = tpu.memref_slice %arg8[%dma_start3A, %dma_start3A_75] : memref<56x128xi32, #tpu.memory_space<vmem>> -> memref<1x128xi32, #tpu.memory_space<vmem>>
        %dma_start3A_77 = tpu.memref_squeeze %dma_start3A_76 : memref<1x128xi32, #tpu.memory_space<vmem>> -> memref<128xi32, #tpu.memory_space<vmem>>
        %dma_start3A_78 = arith.constant 0 : i32
        %dma_start3A_79 = arith.constant 0 : i32
        %dma_start3A_80 = tpu.memref_slice %arg3[%dma_start3A_78, %dma_start3A_79] : memref<50000x32xf32, #tpu.memory_space<hbm>> -> memref<50000x32xf32, #tpu.memory_space<hbm>>
        tpu.enqueue_indirect_dma source(%dma_start3A_80 : memref<50000x32xf32, #tpu.memory_space<hbm>>) target(%dma_start3A_74 : memref<128x32xf32, #tpu.memory_space<vmem>>) offsets(%dma_start3A_77 : memref<128xi32, #tpu.memory_space<vmem>>) semaphore(%arg15 : memref<!tpu.dma_semaphore, #tpu.memory_space<semaphore_mem>>)
      } else {
      }
      %eq3A_55 = arith.constant 0 : i32
      %eq3A_56 = arith.cmpi eq, %arg0, %eq3A_55 : i32
      %convert_element_type3A_57 = arith.extui %eq3A_56 : i1 to i32
      %cond3A_58 = arith.constant 0 : i32
      %cond3A_59 = arith.cmpi ne, %convert_element_type3A_57, %cond3A_58 : i32
      scf.if %cond3A_59 {
        %dma_start3A = arith.constant 3 : i32
        %dma_start3A_70 = arith.constant 3 : i32
        %dma_start3A_71 = arith.constant 0 : i32
        %dma_start3A_72 = arith.constant 0 : i32
        %dma_start3A_73 = tpu.memref_slice %arg10[%dma_start3A_70, %dma_start3A_71, %dma_start3A_72] : memref<4x128x32xf32, #tpu.memory_space<vmem>> -> memref<1x128x32xf32, #tpu.memory_space<vmem>>
        %dma_start3A_74 = tpu.memref_squeeze %dma_start3A_73 : memref<1x128x32xf32, #tpu.memory_space<vmem>> -> memref<128x32xf32, #tpu.memory_space<vmem>>
        %dma_start3A_75 = arith.constant 0 : i32
        %dma_start3A_76 = tpu.memref_slice %arg8[%dma_start3A, %dma_start3A_75] : memref<56x128xi32, #tpu.memory_space<vmem>> -> memref<1x128xi32, #tpu.memory_space<vmem>>
        %dma_start3A_77 = tpu.memref_squeeze %dma_start3A_76 : memref<1x128xi32, #tpu.memory_space<vmem>> -> memref<128xi32, #tpu.memory_space<vmem>>
        %dma_start3A_78 = arith.constant 0 : i32
        %dma_start3A_79 = arith.constant 0 : i32
        %dma_start3A_80 = tpu.memref_slice %arg2[%dma_start3A_78, %dma_start3A_79] : memref<50000x32xf32, #tpu.memory_space<hbm>> -> memref<50000x32xf32, #tpu.memory_space<hbm>>
        tpu.enqueue_indirect_dma source(%dma_start3A_80 : memref<50000x32xf32, #tpu.memory_space<hbm>>) target(%dma_start3A_74 : memref<128x32xf32, #tpu.memory_space<vmem>>) offsets(%dma_start3A_77 : memref<128xi32, #tpu.memory_space<vmem>>) semaphore(%arg16 : memref<!tpu.dma_semaphore, #tpu.memory_space<semaphore_mem>>)
      } else {
      }
      %ne3A_60 = arith.constant 0 : i32
      %ne3A_61 = arith.cmpi ne, %arg0, %ne3A_60 : i32
      %convert_element_type3A_62 = arith.extui %ne3A_61 : i1 to i32
      %cond3A_63 = arith.constant 0 : i32
      %cond3A_64 = arith.cmpi ne, %convert_element_type3A_62, %cond3A_63 : i32
      scf.if %cond3A_64 {
        %dma_start3A = arith.constant 3 : i32
        %dma_start3A_70 = arith.constant 3 : i32
        %dma_start3A_71 = arith.constant 0 : i32
        %dma_start3A_72 = arith.constant 0 : i32
        %dma_start3A_73 = tpu.memref_slice %arg10[%dma_start3A_70, %dma_start3A_71, %dma_start3A_72] : memref<4x128x32xf32, #tpu.memory_space<vmem>> -> memref<1x128x32xf32, #tpu.memory_space<vmem>>
        %dma_start3A_74 = tpu.memref_squeeze %dma_start3A_73 : memref<1x128x32xf32, #tpu.memory_space<vmem>> -> memref<128x32xf32, #tpu.memory_space<vmem>>
        %dma_start3A_75 = arith.constant 0 : i32
        %dma_start3A_76 = tpu.memref_slice %arg8[%dma_start3A, %dma_start3A_75] : memref<56x128xi32, #tpu.memory_space<vmem>> -> memref<1x128xi32, #tpu.memory_space<vmem>>
        %dma_start3A_77 = tpu.memref_squeeze %dma_start3A_76 : memref<1x128xi32, #tpu.memory_space<vmem>> -> memref<128xi32, #tpu.memory_space<vmem>>
        %dma_start3A_78 = arith.constant 0 : i32
        %dma_start3A_79 = arith.constant 0 : i32
        %dma_start3A_80 = tpu.memref_slice %arg3[%dma_start3A_78, %dma_start3A_79] : memref<50000x32xf32, #tpu.memory_space<hbm>> -> memref<50000x32xf32, #tpu.memory_space<hbm>>
        tpu.enqueue_indirect_dma source(%dma_start3A_80 : memref<50000x32xf32, #tpu.memory_space<hbm>>) target(%dma_start3A_74 : memref<128x32xf32, #tpu.memory_space<vmem>>) offsets(%dma_start3A_77 : memref<128xi32, #tpu.memory_space<vmem>>) semaphore(%arg16 : memref<!tpu.dma_semaphore, #tpu.memory_space<semaphore_mem>>)
      } else {
      }
      %scan3A_65 = arith.constant 0 : i32
      %scan3A_66 = arith.constant 14 : i32
      %scan3A_67 = arith.addi %scan3A_65, %scan3A_66 : i32
      %scan3A_68 = arith.constant 1 : i32
      scf.for %scan3A_70 = %scan3A_65 to %scan3A_67 step %scan3A_68  : i32 {
        %mul3A_71 = arith.constant 4 : i32
        %mul3A_72 = arith.muli %scan3A_70, %mul3A_71 : i32
        %add3A_73 = arith.constant 0 : i32
        %add3A_74 = arith.addi %mul3A_72, %add3A_73 : i32
        %dma_wait3A = arith.constant 0 : i32
        %dma_wait3A_75 = arith.constant 0 : i32
        %dma_wait3A_76 = arith.constant 0 : i32
        %dma_wait3A_77 = tpu.memref_slice %arg10[%dma_wait3A, %dma_wait3A_75, %dma_wait3A_76] : memref<4x128x32xf32, #tpu.memory_space<vmem>> -> memref<1x128x32xf32, #tpu.memory_space<vmem>>
        %dma_wait3A_78 = tpu.memref_squeeze %dma_wait3A_77 : memref<1x128x32xf32, #tpu.memory_space<vmem>> -> memref<128x32xf32, #tpu.memory_space<vmem>>
        %dma_wait3A_79 = arith.constant 0 : i32
        %dma_wait3A_80 = arith.constant 0 : i32
        %dma_wait3A_81 = tpu.memref_slice %arg2[%dma_wait3A_79, %dma_wait3A_80] : memref<50000x32xf32, #tpu.memory_space<hbm>> -> memref<128x32xf32, #tpu.memory_space<hbm>>
        %dma_wait3A_82 = arith.constant 0 : i32
        %dma_wait3A_83 = arith.constant 0 : i32
        %dma_wait3A_84 = tpu.memref_slice %arg10[%dma_wait3A, %dma_wait3A_82, %dma_wait3A_83] : memref<4x128x32xf32, #tpu.memory_space<vmem>> -> memref<1x128x32xf32, #tpu.memory_space<vmem>>
        %dma_wait3A_85 = tpu.memref_squeeze %dma_wait3A_84 : memref<1x128x32xf32, #tpu.memory_space<vmem>> -> memref<128x32xf32, #tpu.memory_space<vmem>>
        %dma_wait3A_86 = arith.constant 0 : i32
        %dma_wait3A_87 = arith.constant 0 : i32
        %dma_wait3A_88 = tpu.memref_slice %arg2[%dma_wait3A_86, %dma_wait3A_87] : memref<50000x32xf32, #tpu.memory_space<hbm>> -> memref<128x32xf32, #tpu.memory_space<hbm>>
        tpu.wait_dma2 semaphore(%arg13 : memref<!tpu.dma_semaphore, #tpu.memory_space<semaphore_mem>>) src(%dma_wait3A_88 : memref<128x32xf32, #tpu.memory_space<hbm>>) dst(%dma_wait3A_85 : memref<128x32xf32, #tpu.memory_space<vmem>>)
        %dma_start3A = arith.constant 0 : i32
        %dma_start3A_89 = arith.constant 0 : i32
        %dma_start3A_90 = arith.constant 0 : i32
        %dma_start3A_91 = tpu.memref_slice %arg10[%dma_start3A, %dma_start3A_89, %dma_start3A_90] : memref<4x128x32xf32, #tpu.memory_space<vmem>> -> memref<1x128x32xf32, #tpu.memory_space<vmem>>
        %dma_start3A_92 = tpu.memref_squeeze %dma_start3A_91 : memref<1x128x32xf32, #tpu.memory_space<vmem>> -> memref<128x32xf32, #tpu.memory_space<vmem>>
        %dma_start3A_93 = arith.constant 0 : i32
        %dma_start3A_94 = tpu.memref_slice %arg9[%add3A_74, %dma_start3A_93] : memref<56x128xi32, #tpu.memory_space<vmem>> -> memref<1x128xi32, #tpu.memory_space<vmem>>
        %dma_start3A_95 = tpu.memref_squeeze %dma_start3A_94 : memref<1x128xi32, #tpu.memory_space<vmem>> -> memref<128xi32, #tpu.memory_space<vmem>>
        %dma_start3A_96 = arith.constant 0 : i32
        %dma_start3A_97 = arith.constant 0 : i32
        %dma_start3A_98 = tpu.memref_slice %arg11[%dma_start3A_96, %dma_start3A_97] : memref<50008x32xf32, #tpu.memory_space<vmem_shared>> -> memref<50008x32xf32, #tpu.memory_space<vmem_shared>>
        tpu.enqueue_indirect_dma source(%dma_start3A_92 : memref<128x32xf32, #tpu.memory_space<vmem>>) target(%dma_start3A_98 : memref<50008x32xf32, #tpu.memory_space<vmem_shared>>) offsets(%dma_start3A_95 : memref<128xi32, #tpu.memory_space<vmem>>) semaphore(%arg17 : memref<!tpu.dma_semaphore, #tpu.memory_space<semaphore_mem>>) {add = true}
        %dma_wait3A_99 = arith.constant 0 : i32
        %dma_wait3A_100 = arith.constant 0 : i32
        %dma_wait3A_101 = arith.constant 0 : i32
        %dma_wait3A_102 = tpu.memref_slice %arg10[%dma_wait3A_99, %dma_wait3A_100, %dma_wait3A_101] : memref<4x128x32xf32, #tpu.memory_space<vmem>> -> memref<1x128x32xf32, #tpu.memory_space<vmem>>
        %dma_wait3A_103 = tpu.memref_squeeze %dma_wait3A_102 : memref<1x128x32xf32, #tpu.memory_space<vmem>> -> memref<128x32xf32, #tpu.memory_space<vmem>>
        %dma_wait3A_104 = arith.constant 0 : i32
        %dma_wait3A_105 = arith.constant 0 : i32
        %dma_wait3A_106 = tpu.memref_slice %arg2[%dma_wait3A_104, %dma_wait3A_105] : memref<50000x32xf32, #tpu.memory_space<hbm>> -> memref<128x32xf32, #tpu.memory_space<hbm>>
        %dma_wait3A_107 = arith.constant 0 : i32
        %dma_wait3A_108 = arith.constant 0 : i32
        %dma_wait3A_109 = tpu.memref_slice %arg10[%dma_wait3A_99, %dma_wait3A_107, %dma_wait3A_108] : memref<4x128x32xf32, #tpu.memory_space<vmem>> -> memref<1x128x32xf32, #tpu.memory_space<vmem>>
        %dma_wait3A_110 = tpu.memref_squeeze %dma_wait3A_109 : memref<1x128x32xf32, #tpu.memory_space<vmem>> -> memref<128x32xf32, #tpu.memory_space<vmem>>
        %dma_wait3A_111 = arith.constant 0 : i32
        %dma_wait3A_112 = arith.constant 0 : i32
        %dma_wait3A_113 = tpu.memref_slice %arg2[%dma_wait3A_111, %dma_wait3A_112] : memref<50000x32xf32, #tpu.memory_space<hbm>> -> memref<128x32xf32, #tpu.memory_space<hbm>>
        tpu.wait_dma2 semaphore(%arg17 : memref<!tpu.dma_semaphore, #tpu.memory_space<semaphore_mem>>) src(%dma_wait3A_113 : memref<128x32xf32, #tpu.memory_space<hbm>>) dst(%dma_wait3A_110 : memref<128x32xf32, #tpu.memory_space<vmem>>)
        %add3A_114 = arith.constant 4 : i32
        %add3A_115 = arith.addi %add3A_74, %add3A_114 : i32
        %lt3A_116 = arith.constant 56 : i32
        %lt3A_117 = arith.cmpi slt, %add3A_115, %lt3A_116 : i32
        %convert_element_type3A_118 = arith.extui %lt3A_117 : i1 to i32
        %cond3A_119 = arith.constant 0 : i32
        %cond3A_120 = arith.cmpi ne, %convert_element_type3A_118, %cond3A_119 : i32
        scf.if %cond3A_120 {
          %add3A_277 = arith.constant 4 : i32
          %add3A_278 = arith.addi %add3A_74, %add3A_277 : i32
          %eq3A_279 = arith.constant 0 : i32
          %eq3A_280 = arith.cmpi eq, %arg0, %eq3A_279 : i32
          %convert_element_type3A_281 = arith.extui %eq3A_280 : i1 to i32
          %cond3A_282 = arith.constant 0 : i32
          %cond3A_283 = arith.cmpi ne, %convert_element_type3A_281, %cond3A_282 : i32
          scf.if %cond3A_283 {
            %dma_start3A_289 = arith.constant 0 : i32
            %dma_start3A_290 = arith.constant 0 : i32
            %dma_start3A_291 = arith.constant 0 : i32
            %dma_start3A_292 = tpu.memref_slice %arg10[%dma_start3A_289, %dma_start3A_290, %dma_start3A_291] : memref<4x128x32xf32, #tpu.memory_space<vmem>> -> memref<1x128x32xf32, #tpu.memory_space<vmem>>
            %dma_start3A_293 = tpu.memref_squeeze %dma_start3A_292 : memref<1x128x32xf32, #tpu.memory_space<vmem>> -> memref<128x32xf32, #tpu.memory_space<vmem>>
            %dma_start3A_294 = arith.constant 0 : i32
            %dma_start3A_295 = tpu.memref_slice %arg8[%add3A_278, %dma_start3A_294] : memref<56x128xi32, #tpu.memory_space<vmem>> -> memref<1x128xi32, #tpu.memory_space<vmem>>
            %dma_start3A_296 = tpu.memref_squeeze %dma_start3A_295 : memref<1x128xi32, #tpu.memory_space<vmem>> -> memref<128xi32, #tpu.memory_space<vmem>>
            %dma_start3A_297 = arith.constant 0 : i32
            %dma_start3A_298 = arith.constant 0 : i32
            %dma_start3A_299 = tpu.memref_slice %arg2[%dma_start3A_297, %dma_start3A_298] : memref<50000x32xf32, #tpu.memory_space<hbm>> -> memref<50000x32xf32, #tpu.memory_space<hbm>>
            tpu.enqueue_indirect_dma source(%dma_start3A_299 : memref<50000x32xf32, #tpu.memory_space<hbm>>) target(%dma_start3A_293 : memref<128x32xf32, #tpu.memory_space<vmem>>) offsets(%dma_start3A_296 : memref<128xi32, #tpu.memory_space<vmem>>) semaphore(%arg13 : memref<!tpu.dma_semaphore, #tpu.memory_space<semaphore_mem>>)
          } else {
          }
          %ne3A_284 = arith.constant 0 : i32
          %ne3A_285 = arith.cmpi ne, %arg0, %ne3A_284 : i32
          %convert_element_type3A_286 = arith.extui %ne3A_285 : i1 to i32
          %cond3A_287 = arith.constant 0 : i32
          %cond3A_288 = arith.cmpi ne, %convert_element_type3A_286, %cond3A_287 : i32
          scf.if %cond3A_288 {
            %dma_start3A_289 = arith.constant 0 : i32
            %dma_start3A_290 = arith.constant 0 : i32
            %dma_start3A_291 = arith.constant 0 : i32
            %dma_start3A_292 = tpu.memref_slice %arg10[%dma_start3A_289, %dma_start3A_290, %dma_start3A_291] : memref<4x128x32xf32, #tpu.memory_space<vmem>> -> memref<1x128x32xf32, #tpu.memory_space<vmem>>
            %dma_start3A_293 = tpu.memref_squeeze %dma_start3A_292 : memref<1x128x32xf32, #tpu.memory_space<vmem>> -> memref<128x32xf32, #tpu.memory_space<vmem>>
            %dma_start3A_294 = arith.constant 0 : i32
            %dma_start3A_295 = tpu.memref_slice %arg8[%add3A_278, %dma_start3A_294] : memref<56x128xi32, #tpu.memory_space<vmem>> -> memref<1x128xi32, #tpu.memory_space<vmem>>
            %dma_start3A_296 = tpu.memref_squeeze %dma_start3A_295 : memref<1x128xi32, #tpu.memory_space<vmem>> -> memref<128xi32, #tpu.memory_space<vmem>>
            %dma_start3A_297 = arith.constant 0 : i32
            %dma_start3A_298 = arith.constant 0 : i32
            %dma_start3A_299 = tpu.memref_slice %arg3[%dma_start3A_297, %dma_start3A_298] : memref<50000x32xf32, #tpu.memory_space<hbm>> -> memref<50000x32xf32, #tpu.memory_space<hbm>>
            tpu.enqueue_indirect_dma source(%dma_start3A_299 : memref<50000x32xf32, #tpu.memory_space<hbm>>) target(%dma_start3A_293 : memref<128x32xf32, #tpu.memory_space<vmem>>) offsets(%dma_start3A_296 : memref<128xi32, #tpu.memory_space<vmem>>) semaphore(%arg13 : memref<!tpu.dma_semaphore, #tpu.memory_space<semaphore_mem>>)
          } else {
          }
        } else {
        }
        %mul3A_121 = arith.constant 4 : i32
        %mul3A_122 = arith.muli %scan3A_70, %mul3A_121 : i32
        %add3A_123 = arith.constant 1 : i32
        %add3A_124 = arith.addi %mul3A_122, %add3A_123 : i32
        %dma_wait3A_125 = arith.constant 1 : i32
        %dma_wait3A_126 = arith.constant 0 : i32
        %dma_wait3A_127 = arith.constant 0 : i32
        %dma_wait3A_128 = tpu.memref_slice %arg10[%dma_wait3A_125, %dma_wait3A_126, %dma_wait3A_127] : memref<4x128x32xf32, #tpu.memory_space<vmem>> -> memref<1x128x32xf32, #tpu.memory_space<vmem>>
        %dma_wait3A_129 = tpu.memref_squeeze %dma_wait3A_128 : memref<1x128x32xf32, #tpu.memory_space<vmem>> -> memref<128x32xf32, #tpu.memory_space<vmem>>
        %dma_wait3A_130 = arith.constant 0 : i32
        %dma_wait3A_131 = arith.constant 0 : i32
        %dma_wait3A_132 = tpu.memref_slice %arg2[%dma_wait3A_130, %dma_wait3A_131] : memref<50000x32xf32, #tpu.memory_space<hbm>> -> memref<128x32xf32, #tpu.memory_space<hbm>>
        %dma_wait3A_133 = arith.constant 0 : i32
        %dma_wait3A_134 = arith.constant 0 : i32
        %dma_wait3A_135 = tpu.memref_slice %arg10[%dma_wait3A_125, %dma_wait3A_133, %dma_wait3A_134] : memref<4x128x32xf32, #tpu.memory_space<vmem>> -> memref<1x128x32xf32, #tpu.memory_space<vmem>>
        %dma_wait3A_136 = tpu.memref_squeeze %dma_wait3A_135 : memref<1x128x32xf32, #tpu.memory_space<vmem>> -> memref<128x32xf32, #tpu.memory_space<vmem>>
        %dma_wait3A_137 = arith.constant 0 : i32
        %dma_wait3A_138 = arith.constant 0 : i32
        %dma_wait3A_139 = tpu.memref_slice %arg2[%dma_wait3A_137, %dma_wait3A_138] : memref<50000x32xf32, #tpu.memory_space<hbm>> -> memref<128x32xf32, #tpu.memory_space<hbm>>
        tpu.wait_dma2 semaphore(%arg14 : memref<!tpu.dma_semaphore, #tpu.memory_space<semaphore_mem>>) src(%dma_wait3A_139 : memref<128x32xf32, #tpu.memory_space<hbm>>) dst(%dma_wait3A_136 : memref<128x32xf32, #tpu.memory_space<vmem>>)
        %dma_start3A_140 = arith.constant 1 : i32
        %dma_start3A_141 = arith.constant 0 : i32
        %dma_start3A_142 = arith.constant 0 : i32
        %dma_start3A_143 = tpu.memref_slice %arg10[%dma_start3A_140, %dma_start3A_141, %dma_start3A_142] : memref<4x128x32xf32, #tpu.memory_space<vmem>> -> memref<1x128x32xf32, #tpu.memory_space<vmem>>
        %dma_start3A_144 = tpu.memref_squeeze %dma_start3A_143 : memref<1x128x32xf32, #tpu.memory_space<vmem>> -> memref<128x32xf32, #tpu.memory_space<vmem>>
        %dma_start3A_145 = arith.constant 0 : i32
        %dma_start3A_146 = tpu.memref_slice %arg9[%add3A_124, %dma_start3A_145] : memref<56x128xi32, #tpu.memory_space<vmem>> -> memref<1x128xi32, #tpu.memory_space<vmem>>
        %dma_start3A_147 = tpu.memref_squeeze %dma_start3A_146 : memref<1x128xi32, #tpu.memory_space<vmem>> -> memref<128xi32, #tpu.memory_space<vmem>>
        %dma_start3A_148 = arith.constant 0 : i32
        %dma_start3A_149 = arith.constant 0 : i32
        %dma_start3A_150 = tpu.memref_slice %arg11[%dma_start3A_148, %dma_start3A_149] : memref<50008x32xf32, #tpu.memory_space<vmem_shared>> -> memref<50008x32xf32, #tpu.memory_space<vmem_shared>>
        tpu.enqueue_indirect_dma source(%dma_start3A_144 : memref<128x32xf32, #tpu.memory_space<vmem>>) target(%dma_start3A_150 : memref<50008x32xf32, #tpu.memory_space<vmem_shared>>) offsets(%dma_start3A_147 : memref<128xi32, #tpu.memory_space<vmem>>) semaphore(%arg18 : memref<!tpu.dma_semaphore, #tpu.memory_space<semaphore_mem>>) {add = true}
        %dma_wait3A_151 = arith.constant 1 : i32
        %dma_wait3A_152 = arith.constant 0 : i32
        %dma_wait3A_153 = arith.constant 0 : i32
        %dma_wait3A_154 = tpu.memref_slice %arg10[%dma_wait3A_151, %dma_wait3A_152, %dma_wait3A_153] : memref<4x128x32xf32, #tpu.memory_space<vmem>> -> memref<1x128x32xf32, #tpu.memory_space<vmem>>
        %dma_wait3A_155 = tpu.memref_squeeze %dma_wait3A_154 : memref<1x128x32xf32, #tpu.memory_space<vmem>> -> memref<128x32xf32, #tpu.memory_space<vmem>>
        %dma_wait3A_156 = arith.constant 0 : i32
        %dma_wait3A_157 = arith.constant 0 : i32
        %dma_wait3A_158 = tpu.memref_slice %arg2[%dma_wait3A_156, %dma_wait3A_157] : memref<50000x32xf32, #tpu.memory_space<hbm>> -> memref<128x32xf32, #tpu.memory_space<hbm>>
        %dma_wait3A_159 = arith.constant 0 : i32
        %dma_wait3A_160 = arith.constant 0 : i32
        %dma_wait3A_161 = tpu.memref_slice %arg10[%dma_wait3A_151, %dma_wait3A_159, %dma_wait3A_160] : memref<4x128x32xf32, #tpu.memory_space<vmem>> -> memref<1x128x32xf32, #tpu.memory_space<vmem>>
        %dma_wait3A_162 = tpu.memref_squeeze %dma_wait3A_161 : memref<1x128x32xf32, #tpu.memory_space<vmem>> -> memref<128x32xf32, #tpu.memory_space<vmem>>
        %dma_wait3A_163 = arith.constant 0 : i32
        %dma_wait3A_164 = arith.constant 0 : i32
        %dma_wait3A_165 = tpu.memref_slice %arg2[%dma_wait3A_163, %dma_wait3A_164] : memref<50000x32xf32, #tpu.memory_space<hbm>> -> memref<128x32xf32, #tpu.memory_space<hbm>>
        tpu.wait_dma2 semaphore(%arg18 : memref<!tpu.dma_semaphore, #tpu.memory_space<semaphore_mem>>) src(%dma_wait3A_165 : memref<128x32xf32, #tpu.memory_space<hbm>>) dst(%dma_wait3A_162 : memref<128x32xf32, #tpu.memory_space<vmem>>)
        %add3A_166 = arith.constant 4 : i32
        %add3A_167 = arith.addi %add3A_124, %add3A_166 : i32
        %lt3A_168 = arith.constant 56 : i32
        %lt3A_169 = arith.cmpi slt, %add3A_167, %lt3A_168 : i32
        %convert_element_type3A_170 = arith.extui %lt3A_169 : i1 to i32
        %cond3A_171 = arith.constant 0 : i32
        %cond3A_172 = arith.cmpi ne, %convert_element_type3A_170, %cond3A_171 : i32
        scf.if %cond3A_172 {
          %add3A_277 = arith.constant 4 : i32
          %add3A_278 = arith.addi %add3A_124, %add3A_277 : i32
          %eq3A_279 = arith.constant 0 : i32
          %eq3A_280 = arith.cmpi eq, %arg0, %eq3A_279 : i32
          %convert_element_type3A_281 = arith.extui %eq3A_280 : i1 to i32
          %cond3A_282 = arith.constant 0 : i32
          %cond3A_283 = arith.cmpi ne, %convert_element_type3A_281, %cond3A_282 : i32
          scf.if %cond3A_283 {
            %dma_start3A_289 = arith.constant 1 : i32
            %dma_start3A_290 = arith.constant 0 : i32
            %dma_start3A_291 = arith.constant 0 : i32
            %dma_start3A_292 = tpu.memref_slice %arg10[%dma_start3A_289, %dma_start3A_290, %dma_start3A_291] : memref<4x128x32xf32, #tpu.memory_space<vmem>> -> memref<1x128x32xf32, #tpu.memory_space<vmem>>
            %dma_start3A_293 = tpu.memref_squeeze %dma_start3A_292 : memref<1x128x32xf32, #tpu.memory_space<vmem>> -> memref<128x32xf32, #tpu.memory_space<vmem>>
            %dma_start3A_294 = arith.constant 0 : i32
            %dma_start3A_295 = tpu.memref_slice %arg8[%add3A_278, %dma_start3A_294] : memref<56x128xi32, #tpu.memory_space<vmem>> -> memref<1x128xi32, #tpu.memory_space<vmem>>
            %dma_start3A_296 = tpu.memref_squeeze %dma_start3A_295 : memref<1x128xi32, #tpu.memory_space<vmem>> -> memref<128xi32, #tpu.memory_space<vmem>>
            %dma_start3A_297 = arith.constant 0 : i32
            %dma_start3A_298 = arith.constant 0 : i32
            %dma_start3A_299 = tpu.memref_slice %arg2[%dma_start3A_297, %dma_start3A_298] : memref<50000x32xf32, #tpu.memory_space<hbm>> -> memref<50000x32xf32, #tpu.memory_space<hbm>>
            tpu.enqueue_indirect_dma source(%dma_start3A_299 : memref<50000x32xf32, #tpu.memory_space<hbm>>) target(%dma_start3A_293 : memref<128x32xf32, #tpu.memory_space<vmem>>) offsets(%dma_start3A_296 : memref<128xi32, #tpu.memory_space<vmem>>) semaphore(%arg14 : memref<!tpu.dma_semaphore, #tpu.memory_space<semaphore_mem>>)
          } else {
          }
          %ne3A_284 = arith.constant 0 : i32
          %ne3A_285 = arith.cmpi ne, %arg0, %ne3A_284 : i32
          %convert_element_type3A_286 = arith.extui %ne3A_285 : i1 to i32
          %cond3A_287 = arith.constant 0 : i32
          %cond3A_288 = arith.cmpi ne, %convert_element_type3A_286, %cond3A_287 : i32
          scf.if %cond3A_288 {
            %dma_start3A_289 = arith.constant 1 : i32
            %dma_start3A_290 = arith.constant 0 : i32
            %dma_start3A_291 = arith.constant 0 : i32
            %dma_start3A_292 = tpu.memref_slice %arg10[%dma_start3A_289, %dma_start3A_290, %dma_start3A_291] : memref<4x128x32xf32, #tpu.memory_space<vmem>> -> memref<1x128x32xf32, #tpu.memory_space<vmem>>
            %dma_start3A_293 = tpu.memref_squeeze %dma_start3A_292 : memref<1x128x32xf32, #tpu.memory_space<vmem>> -> memref<128x32xf32, #tpu.memory_space<vmem>>
            %dma_start3A_294 = arith.constant 0 : i32
            %dma_start3A_295 = tpu.memref_slice %arg8[%add3A_278, %dma_start3A_294] : memref<56x128xi32, #tpu.memory_space<vmem>> -> memref<1x128xi32, #tpu.memory_space<vmem>>
            %dma_start3A_296 = tpu.memref_squeeze %dma_start3A_295 : memref<1x128xi32, #tpu.memory_space<vmem>> -> memref<128xi32, #tpu.memory_space<vmem>>
            %dma_start3A_297 = arith.constant 0 : i32
            %dma_start3A_298 = arith.constant 0 : i32
            %dma_start3A_299 = tpu.memref_slice %arg3[%dma_start3A_297, %dma_start3A_298] : memref<50000x32xf32, #tpu.memory_space<hbm>> -> memref<50000x32xf32, #tpu.memory_space<hbm>>
            tpu.enqueue_indirect_dma source(%dma_start3A_299 : memref<50000x32xf32, #tpu.memory_space<hbm>>) target(%dma_start3A_293 : memref<128x32xf32, #tpu.memory_space<vmem>>) offsets(%dma_start3A_296 : memref<128xi32, #tpu.memory_space<vmem>>) semaphore(%arg14 : memref<!tpu.dma_semaphore, #tpu.memory_space<semaphore_mem>>)
          } else {
          }
        } else {
        }
        %mul3A_173 = arith.constant 4 : i32
        %mul3A_174 = arith.muli %scan3A_70, %mul3A_173 : i32
        %add3A_175 = arith.constant 2 : i32
        %add3A_176 = arith.addi %mul3A_174, %add3A_175 : i32
        %dma_wait3A_177 = arith.constant 2 : i32
        %dma_wait3A_178 = arith.constant 0 : i32
        %dma_wait3A_179 = arith.constant 0 : i32
        %dma_wait3A_180 = tpu.memref_slice %arg10[%dma_wait3A_177, %dma_wait3A_178, %dma_wait3A_179] : memref<4x128x32xf32, #tpu.memory_space<vmem>> -> memref<1x128x32xf32, #tpu.memory_space<vmem>>
        %dma_wait3A_181 = tpu.memref_squeeze %dma_wait3A_180 : memref<1x128x32xf32, #tpu.memory_space<vmem>> -> memref<128x32xf32, #tpu.memory_space<vmem>>
        %dma_wait3A_182 = arith.constant 0 : i32
        %dma_wait3A_183 = arith.constant 0 : i32
        %dma_wait3A_184 = tpu.memref_slice %arg2[%dma_wait3A_182, %dma_wait3A_183] : memref<50000x32xf32, #tpu.memory_space<hbm>> -> memref<128x32xf32, #tpu.memory_space<hbm>>
        %dma_wait3A_185 = arith.constant 0 : i32
        %dma_wait3A_186 = arith.constant 0 : i32
        %dma_wait3A_187 = tpu.memref_slice %arg10[%dma_wait3A_177, %dma_wait3A_185, %dma_wait3A_186] : memref<4x128x32xf32, #tpu.memory_space<vmem>> -> memref<1x128x32xf32, #tpu.memory_space<vmem>>
        %dma_wait3A_188 = tpu.memref_squeeze %dma_wait3A_187 : memref<1x128x32xf32, #tpu.memory_space<vmem>> -> memref<128x32xf32, #tpu.memory_space<vmem>>
        %dma_wait3A_189 = arith.constant 0 : i32
        %dma_wait3A_190 = arith.constant 0 : i32
        %dma_wait3A_191 = tpu.memref_slice %arg2[%dma_wait3A_189, %dma_wait3A_190] : memref<50000x32xf32, #tpu.memory_space<hbm>> -> memref<128x32xf32, #tpu.memory_space<hbm>>
        tpu.wait_dma2 semaphore(%arg15 : memref<!tpu.dma_semaphore, #tpu.memory_space<semaphore_mem>>) src(%dma_wait3A_191 : memref<128x32xf32, #tpu.memory_space<hbm>>) dst(%dma_wait3A_188 : memref<128x32xf32, #tpu.memory_space<vmem>>)
        %dma_start3A_192 = arith.constant 2 : i32
        %dma_start3A_193 = arith.constant 0 : i32
        %dma_start3A_194 = arith.constant 0 : i32
        %dma_start3A_195 = tpu.memref_slice %arg10[%dma_start3A_192, %dma_start3A_193, %dma_start3A_194] : memref<4x128x32xf32, #tpu.memory_space<vmem>> -> memref<1x128x32xf32, #tpu.memory_space<vmem>>
        %dma_start3A_196 = tpu.memref_squeeze %dma_start3A_195 : memref<1x128x32xf32, #tpu.memory_space<vmem>> -> memref<128x32xf32, #tpu.memory_space<vmem>>
        %dma_start3A_197 = arith.constant 0 : i32
        %dma_start3A_198 = tpu.memref_slice %arg9[%add3A_176, %dma_start3A_197] : memref<56x128xi32, #tpu.memory_space<vmem>> -> memref<1x128xi32, #tpu.memory_space<vmem>>
        %dma_start3A_199 = tpu.memref_squeeze %dma_start3A_198 : memref<1x128xi32, #tpu.memory_space<vmem>> -> memref<128xi32, #tpu.memory_space<vmem>>
        %dma_start3A_200 = arith.constant 0 : i32
        %dma_start3A_201 = arith.constant 0 : i32
        %dma_start3A_202 = tpu.memref_slice %arg11[%dma_start3A_200, %dma_start3A_201] : memref<50008x32xf32, #tpu.memory_space<vmem_shared>> -> memref<50008x32xf32, #tpu.memory_space<vmem_shared>>
        tpu.enqueue_indirect_dma source(%dma_start3A_196 : memref<128x32xf32, #tpu.memory_space<vmem>>) target(%dma_start3A_202 : memref<50008x32xf32, #tpu.memory_space<vmem_shared>>) offsets(%dma_start3A_199 : memref<128xi32, #tpu.memory_space<vmem>>) semaphore(%arg19 : memref<!tpu.dma_semaphore, #tpu.memory_space<semaphore_mem>>) {add = true}
        %dma_wait3A_203 = arith.constant 2 : i32
        %dma_wait3A_204 = arith.constant 0 : i32
        %dma_wait3A_205 = arith.constant 0 : i32
        %dma_wait3A_206 = tpu.memref_slice %arg10[%dma_wait3A_203, %dma_wait3A_204, %dma_wait3A_205] : memref<4x128x32xf32, #tpu.memory_space<vmem>> -> memref<1x128x32xf32, #tpu.memory_space<vmem>>
        %dma_wait3A_207 = tpu.memref_squeeze %dma_wait3A_206 : memref<1x128x32xf32, #tpu.memory_space<vmem>> -> memref<128x32xf32, #tpu.memory_space<vmem>>
        %dma_wait3A_208 = arith.constant 0 : i32
        %dma_wait3A_209 = arith.constant 0 : i32
        %dma_wait3A_210 = tpu.memref_slice %arg2[%dma_wait3A_208, %dma_wait3A_209] : memref<50000x32xf32, #tpu.memory_space<hbm>> -> memref<128x32xf32, #tpu.memory_space<hbm>>
        %dma_wait3A_211 = arith.constant 0 : i32
        %dma_wait3A_212 = arith.constant 0 : i32
        %dma_wait3A_213 = tpu.memref_slice %arg10[%dma_wait3A_203, %dma_wait3A_211, %dma_wait3A_212] : memref<4x128x32xf32, #tpu.memory_space<vmem>> -> memref<1x128x32xf32, #tpu.memory_space<vmem>>
        %dma_wait3A_214 = tpu.memref_squeeze %dma_wait3A_213 : memref<1x128x32xf32, #tpu.memory_space<vmem>> -> memref<128x32xf32, #tpu.memory_space<vmem>>
        %dma_wait3A_215 = arith.constant 0 : i32
        %dma_wait3A_216 = arith.constant 0 : i32
        %dma_wait3A_217 = tpu.memref_slice %arg2[%dma_wait3A_215, %dma_wait3A_216] : memref<50000x32xf32, #tpu.memory_space<hbm>> -> memref<128x32xf32, #tpu.memory_space<hbm>>
        tpu.wait_dma2 semaphore(%arg19 : memref<!tpu.dma_semaphore, #tpu.memory_space<semaphore_mem>>) src(%dma_wait3A_217 : memref<128x32xf32, #tpu.memory_space<hbm>>) dst(%dma_wait3A_214 : memref<128x32xf32, #tpu.memory_space<vmem>>)
        %add3A_218 = arith.constant 4 : i32
        %add3A_219 = arith.addi %add3A_176, %add3A_218 : i32
        %lt3A_220 = arith.constant 56 : i32
        %lt3A_221 = arith.cmpi slt, %add3A_219, %lt3A_220 : i32
        %convert_element_type3A_222 = arith.extui %lt3A_221 : i1 to i32
        %cond3A_223 = arith.constant 0 : i32
        %cond3A_224 = arith.cmpi ne, %convert_element_type3A_222, %cond3A_223 : i32
        scf.if %cond3A_224 {
          %add3A_277 = arith.constant 4 : i32
          %add3A_278 = arith.addi %add3A_176, %add3A_277 : i32
          %eq3A_279 = arith.constant 0 : i32
          %eq3A_280 = arith.cmpi eq, %arg0, %eq3A_279 : i32
          %convert_element_type3A_281 = arith.extui %eq3A_280 : i1 to i32
          %cond3A_282 = arith.constant 0 : i32
          %cond3A_283 = arith.cmpi ne, %convert_element_type3A_281, %cond3A_282 : i32
          scf.if %cond3A_283 {
            %dma_start3A_289 = arith.constant 2 : i32
            %dma_start3A_290 = arith.constant 0 : i32
            %dma_start3A_291 = arith.constant 0 : i32
            %dma_start3A_292 = tpu.memref_slice %arg10[%dma_start3A_289, %dma_start3A_290, %dma_start3A_291] : memref<4x128x32xf32, #tpu.memory_space<vmem>> -> memref<1x128x32xf32, #tpu.memory_space<vmem>>
            %dma_start3A_293 = tpu.memref_squeeze %dma_start3A_292 : memref<1x128x32xf32, #tpu.memory_space<vmem>> -> memref<128x32xf32, #tpu.memory_space<vmem>>
            %dma_start3A_294 = arith.constant 0 : i32
            %dma_start3A_295 = tpu.memref_slice %arg8[%add3A_278, %dma_start3A_294] : memref<56x128xi32, #tpu.memory_space<vmem>> -> memref<1x128xi32, #tpu.memory_space<vmem>>
            %dma_start3A_296 = tpu.memref_squeeze %dma_start3A_295 : memref<1x128xi32, #tpu.memory_space<vmem>> -> memref<128xi32, #tpu.memory_space<vmem>>
            %dma_start3A_297 = arith.constant 0 : i32
            %dma_start3A_298 = arith.constant 0 : i32
            %dma_start3A_299 = tpu.memref_slice %arg2[%dma_start3A_297, %dma_start3A_298] : memref<50000x32xf32, #tpu.memory_space<hbm>> -> memref<50000x32xf32, #tpu.memory_space<hbm>>
            tpu.enqueue_indirect_dma source(%dma_start3A_299 : memref<50000x32xf32, #tpu.memory_space<hbm>>) target(%dma_start3A_293 : memref<128x32xf32, #tpu.memory_space<vmem>>) offsets(%dma_start3A_296 : memref<128xi32, #tpu.memory_space<vmem>>) semaphore(%arg15 : memref<!tpu.dma_semaphore, #tpu.memory_space<semaphore_mem>>)
          } else {
          }
          %ne3A_284 = arith.constant 0 : i32
          %ne3A_285 = arith.cmpi ne, %arg0, %ne3A_284 : i32
          %convert_element_type3A_286 = arith.extui %ne3A_285 : i1 to i32
          %cond3A_287 = arith.constant 0 : i32
          %cond3A_288 = arith.cmpi ne, %convert_element_type3A_286, %cond3A_287 : i32
          scf.if %cond3A_288 {
            %dma_start3A_289 = arith.constant 2 : i32
            %dma_start3A_290 = arith.constant 0 : i32
            %dma_start3A_291 = arith.constant 0 : i32
            %dma_start3A_292 = tpu.memref_slice %arg10[%dma_start3A_289, %dma_start3A_290, %dma_start3A_291] : memref<4x128x32xf32, #tpu.memory_space<vmem>> -> memref<1x128x32xf32, #tpu.memory_space<vmem>>
            %dma_start3A_293 = tpu.memref_squeeze %dma_start3A_292 : memref<1x128x32xf32, #tpu.memory_space<vmem>> -> memref<128x32xf32, #tpu.memory_space<vmem>>
            %dma_start3A_294 = arith.constant 0 : i32
            %dma_start3A_295 = tpu.memref_slice %arg8[%add3A_278, %dma_start3A_294] : memref<56x128xi32, #tpu.memory_space<vmem>> -> memref<1x128xi32, #tpu.memory_space<vmem>>
            %dma_start3A_296 = tpu.memref_squeeze %dma_start3A_295 : memref<1x128xi32, #tpu.memory_space<vmem>> -> memref<128xi32, #tpu.memory_space<vmem>>
            %dma_start3A_297 = arith.constant 0 : i32
            %dma_start3A_298 = arith.constant 0 : i32
            %dma_start3A_299 = tpu.memref_slice %arg3[%dma_start3A_297, %dma_start3A_298] : memref<50000x32xf32, #tpu.memory_space<hbm>> -> memref<50000x32xf32, #tpu.memory_space<hbm>>
            tpu.enqueue_indirect_dma source(%dma_start3A_299 : memref<50000x32xf32, #tpu.memory_space<hbm>>) target(%dma_start3A_293 : memref<128x32xf32, #tpu.memory_space<vmem>>) offsets(%dma_start3A_296 : memref<128xi32, #tpu.memory_space<vmem>>) semaphore(%arg15 : memref<!tpu.dma_semaphore, #tpu.memory_space<semaphore_mem>>)
          } else {
          }
        } else {
        }
        %mul3A_225 = arith.constant 4 : i32
        %mul3A_226 = arith.muli %scan3A_70, %mul3A_225 : i32
        %add3A_227 = arith.constant 3 : i32
        %add3A_228 = arith.addi %mul3A_226, %add3A_227 : i32
        %dma_wait3A_229 = arith.constant 3 : i32
        %dma_wait3A_230 = arith.constant 0 : i32
        %dma_wait3A_231 = arith.constant 0 : i32
        %dma_wait3A_232 = tpu.memref_slice %arg10[%dma_wait3A_229, %dma_wait3A_230, %dma_wait3A_231] : memref<4x128x32xf32, #tpu.memory_space<vmem>> -> memref<1x128x32xf32, #tpu.memory_space<vmem>>
        %dma_wait3A_233 = tpu.memref_squeeze %dma_wait3A_232 : memref<1x128x32xf32, #tpu.memory_space<vmem>> -> memref<128x32xf32, #tpu.memory_space<vmem>>
        %dma_wait3A_234 = arith.constant 0 : i32
        %dma_wait3A_235 = arith.constant 0 : i32
        %dma_wait3A_236 = tpu.memref_slice %arg2[%dma_wait3A_234, %dma_wait3A_235] : memref<50000x32xf32, #tpu.memory_space<hbm>> -> memref<128x32xf32, #tpu.memory_space<hbm>>
        %dma_wait3A_237 = arith.constant 0 : i32
        %dma_wait3A_238 = arith.constant 0 : i32
        %dma_wait3A_239 = tpu.memref_slice %arg10[%dma_wait3A_229, %dma_wait3A_237, %dma_wait3A_238] : memref<4x128x32xf32, #tpu.memory_space<vmem>> -> memref<1x128x32xf32, #tpu.memory_space<vmem>>
        %dma_wait3A_240 = tpu.memref_squeeze %dma_wait3A_239 : memref<1x128x32xf32, #tpu.memory_space<vmem>> -> memref<128x32xf32, #tpu.memory_space<vmem>>
        %dma_wait3A_241 = arith.constant 0 : i32
        %dma_wait3A_242 = arith.constant 0 : i32
        %dma_wait3A_243 = tpu.memref_slice %arg2[%dma_wait3A_241, %dma_wait3A_242] : memref<50000x32xf32, #tpu.memory_space<hbm>> -> memref<128x32xf32, #tpu.memory_space<hbm>>
        tpu.wait_dma2 semaphore(%arg16 : memref<!tpu.dma_semaphore, #tpu.memory_space<semaphore_mem>>) src(%dma_wait3A_243 : memref<128x32xf32, #tpu.memory_space<hbm>>) dst(%dma_wait3A_240 : memref<128x32xf32, #tpu.memory_space<vmem>>)
        %dma_start3A_244 = arith.constant 3 : i32
        %dma_start3A_245 = arith.constant 0 : i32
        %dma_start3A_246 = arith.constant 0 : i32
        %dma_start3A_247 = tpu.memref_slice %arg10[%dma_start3A_244, %dma_start3A_245, %dma_start3A_246] : memref<4x128x32xf32, #tpu.memory_space<vmem>> -> memref<1x128x32xf32, #tpu.memory_space<vmem>>
        %dma_start3A_248 = tpu.memref_squeeze %dma_start3A_247 : memref<1x128x32xf32, #tpu.memory_space<vmem>> -> memref<128x32xf32, #tpu.memory_space<vmem>>
        %dma_start3A_249 = arith.constant 0 : i32
        %dma_start3A_250 = tpu.memref_slice %arg9[%add3A_228, %dma_start3A_249] : memref<56x128xi32, #tpu.memory_space<vmem>> -> memref<1x128xi32, #tpu.memory_space<vmem>>
        %dma_start3A_251 = tpu.memref_squeeze %dma_start3A_250 : memref<1x128xi32, #tpu.memory_space<vmem>> -> memref<128xi32, #tpu.memory_space<vmem>>
        %dma_start3A_252 = arith.constant 0 : i32
        %dma_start3A_253 = arith.constant 0 : i32
        %dma_start3A_254 = tpu.memref_slice %arg11[%dma_start3A_252, %dma_start3A_253] : memref<50008x32xf32, #tpu.memory_space<vmem_shared>> -> memref<50008x32xf32, #tpu.memory_space<vmem_shared>>
        tpu.enqueue_indirect_dma source(%dma_start3A_248 : memref<128x32xf32, #tpu.memory_space<vmem>>) target(%dma_start3A_254 : memref<50008x32xf32, #tpu.memory_space<vmem_shared>>) offsets(%dma_start3A_251 : memref<128xi32, #tpu.memory_space<vmem>>) semaphore(%arg20 : memref<!tpu.dma_semaphore, #tpu.memory_space<semaphore_mem>>) {add = true}
        %dma_wait3A_255 = arith.constant 3 : i32
        %dma_wait3A_256 = arith.constant 0 : i32
        %dma_wait3A_257 = arith.constant 0 : i32
        %dma_wait3A_258 = tpu.memref_slice %arg10[%dma_wait3A_255, %dma_wait3A_256, %dma_wait3A_257] : memref<4x128x32xf32, #tpu.memory_space<vmem>> -> memref<1x128x32xf32, #tpu.memory_space<vmem>>
        %dma_wait3A_259 = tpu.memref_squeeze %dma_wait3A_258 : memref<1x128x32xf32, #tpu.memory_space<vmem>> -> memref<128x32xf32, #tpu.memory_space<vmem>>
        %dma_wait3A_260 = arith.constant 0 : i32
        %dma_wait3A_261 = arith.constant 0 : i32
        %dma_wait3A_262 = tpu.memref_slice %arg2[%dma_wait3A_260, %dma_wait3A_261] : memref<50000x32xf32, #tpu.memory_space<hbm>> -> memref<128x32xf32, #tpu.memory_space<hbm>>
        %dma_wait3A_263 = arith.constant 0 : i32
        %dma_wait3A_264 = arith.constant 0 : i32
        %dma_wait3A_265 = tpu.memref_slice %arg10[%dma_wait3A_255, %dma_wait3A_263, %dma_wait3A_264] : memref<4x128x32xf32, #tpu.memory_space<vmem>> -> memref<1x128x32xf32, #tpu.memory_space<vmem>>
        %dma_wait3A_266 = tpu.memref_squeeze %dma_wait3A_265 : memref<1x128x32xf32, #tpu.memory_space<vmem>> -> memref<128x32xf32, #tpu.memory_space<vmem>>
        %dma_wait3A_267 = arith.constant 0 : i32
        %dma_wait3A_268 = arith.constant 0 : i32
        %dma_wait3A_269 = tpu.memref_slice %arg2[%dma_wait3A_267, %dma_wait3A_268] : memref<50000x32xf32, #tpu.memory_space<hbm>> -> memref<128x32xf32, #tpu.memory_space<hbm>>
        tpu.wait_dma2 semaphore(%arg20 : memref<!tpu.dma_semaphore, #tpu.memory_space<semaphore_mem>>) src(%dma_wait3A_269 : memref<128x32xf32, #tpu.memory_space<hbm>>) dst(%dma_wait3A_266 : memref<128x32xf32, #tpu.memory_space<vmem>>)
        %add3A_270 = arith.constant 4 : i32
        %add3A_271 = arith.addi %add3A_228, %add3A_270 : i32
        %lt3A_272 = arith.constant 56 : i32
        %lt3A_273 = arith.cmpi slt, %add3A_271, %lt3A_272 : i32
        %convert_element_type3A_274 = arith.extui %lt3A_273 : i1 to i32
        %cond3A_275 = arith.constant 0 : i32
        %cond3A_276 = arith.cmpi ne, %convert_element_type3A_274, %cond3A_275 : i32
        scf.if %cond3A_276 {
          %add3A_277 = arith.constant 4 : i32
          %add3A_278 = arith.addi %add3A_228, %add3A_277 : i32
          %eq3A_279 = arith.constant 0 : i32
          %eq3A_280 = arith.cmpi eq, %arg0, %eq3A_279 : i32
          %convert_element_type3A_281 = arith.extui %eq3A_280 : i1 to i32
          %cond3A_282 = arith.constant 0 : i32
          %cond3A_283 = arith.cmpi ne, %convert_element_type3A_281, %cond3A_282 : i32
          scf.if %cond3A_283 {
            %dma_start3A_289 = arith.constant 3 : i32
            %dma_start3A_290 = arith.constant 0 : i32
            %dma_start3A_291 = arith.constant 0 : i32
            %dma_start3A_292 = tpu.memref_slice %arg10[%dma_start3A_289, %dma_start3A_290, %dma_start3A_291] : memref<4x128x32xf32, #tpu.memory_space<vmem>> -> memref<1x128x32xf32, #tpu.memory_space<vmem>>
            %dma_start3A_293 = tpu.memref_squeeze %dma_start3A_292 : memref<1x128x32xf32, #tpu.memory_space<vmem>> -> memref<128x32xf32, #tpu.memory_space<vmem>>
            %dma_start3A_294 = arith.constant 0 : i32
            %dma_start3A_295 = tpu.memref_slice %arg8[%add3A_278, %dma_start3A_294] : memref<56x128xi32, #tpu.memory_space<vmem>> -> memref<1x128xi32, #tpu.memory_space<vmem>>
            %dma_start3A_296 = tpu.memref_squeeze %dma_start3A_295 : memref<1x128xi32, #tpu.memory_space<vmem>> -> memref<128xi32, #tpu.memory_space<vmem>>
            %dma_start3A_297 = arith.constant 0 : i32
            %dma_start3A_298 = arith.constant 0 : i32
            %dma_start3A_299 = tpu.memref_slice %arg2[%dma_start3A_297, %dma_start3A_298] : memref<50000x32xf32, #tpu.memory_space<hbm>> -> memref<50000x32xf32, #tpu.memory_space<hbm>>
            tpu.enqueue_indirect_dma source(%dma_start3A_299 : memref<50000x32xf32, #tpu.memory_space<hbm>>) target(%dma_start3A_293 : memref<128x32xf32, #tpu.memory_space<vmem>>) offsets(%dma_start3A_296 : memref<128xi32, #tpu.memory_space<vmem>>) semaphore(%arg16 : memref<!tpu.dma_semaphore, #tpu.memory_space<semaphore_mem>>)
          } else {
          }
          %ne3A_284 = arith.constant 0 : i32
          %ne3A_285 = arith.cmpi ne, %arg0, %ne3A_284 : i32
          %convert_element_type3A_286 = arith.extui %ne3A_285 : i1 to i32
          %cond3A_287 = arith.constant 0 : i32
          %cond3A_288 = arith.cmpi ne, %convert_element_type3A_286, %cond3A_287 : i32
          scf.if %cond3A_288 {
            %dma_start3A_289 = arith.constant 3 : i32
            %dma_start3A_290 = arith.constant 0 : i32
            %dma_start3A_291 = arith.constant 0 : i32
            %dma_start3A_292 = tpu.memref_slice %arg10[%dma_start3A_289, %dma_start3A_290, %dma_start3A_291] : memref<4x128x32xf32, #tpu.memory_space<vmem>> -> memref<1x128x32xf32, #tpu.memory_space<vmem>>
            %dma_start3A_293 = tpu.memref_squeeze %dma_start3A_292 : memref<1x128x32xf32, #tpu.memory_space<vmem>> -> memref<128x32xf32, #tpu.memory_space<vmem>>
            %dma_start3A_294 = arith.constant 0 : i32
            %dma_start3A_295 = tpu.memref_slice %arg8[%add3A_278, %dma_start3A_294] : memref<56x128xi32, #tpu.memory_space<vmem>> -> memref<1x128xi32, #tpu.memory_space<vmem>>
            %dma_start3A_296 = tpu.memref_squeeze %dma_start3A_295 : memref<1x128xi32, #tpu.memory_space<vmem>> -> memref<128xi32, #tpu.memory_space<vmem>>
            %dma_start3A_297 = arith.constant 0 : i32
            %dma_start3A_298 = arith.constant 0 : i32
            %dma_start3A_299 = tpu.memref_slice %arg3[%dma_start3A_297, %dma_start3A_298] : memref<50000x32xf32, #tpu.memory_space<hbm>> -> memref<50000x32xf32, #tpu.memory_space<hbm>>
            tpu.enqueue_indirect_dma source(%dma_start3A_299 : memref<50000x32xf32, #tpu.memory_space<hbm>>) target(%dma_start3A_293 : memref<128x32xf32, #tpu.memory_space<vmem>>) offsets(%dma_start3A_296 : memref<128xi32, #tpu.memory_space<vmem>>) semaphore(%arg16 : memref<!tpu.dma_semaphore, #tpu.memory_space<semaphore_mem>>)
          } else {
          }
        } else {
        }
      }
      %scan3A_69 = arith.constant 14 : i32
    }
    %scan3A_12 = arith.constant 7 : i32
    %barrier3A_13 = arith.constant 0 : index
    tpu.barrier barrier_id(%barrier3A_13)
    %lt3A = arith.constant 15 : i32
    %lt3A_14 = arith.cmpi slt, %arg1, %lt3A : i32
    %convert_element_type3A_15 = arith.extui %lt3A_14 : i1 to i32
    %cond3A_16 = arith.constant 0 : i32
    %cond3A_17 = arith.cmpi ne, %convert_element_type3A_15, %cond3A_16 : i32
    scf.if %cond3A_17 {
      %mul3A_23 = arith.constant 3128 : i32
      %mul3A_24 = arith.muli %arg1, %mul3A_23 : i32
      %mul3A_25 = arith.constant 50000 : i32
      %mul3A_26 = arith.muli %arg0, %mul3A_25 : i32
      %mul3A_27 = arith.constant 3128 : i32
      %mul3A_28 = arith.muli %arg1, %mul3A_27 : i32
      %add3A = arith.addi %mul3A_26, %mul3A_28 : i32
      "tpu.region"() ({
        %run_scoped3A = tpu.sem_alloc : memref<!tpu.dma_semaphore, #tpu.memory_space<semaphore_mem>>
        %dma_start3A = arith.constant 0 : i32
        %dma_start3A_29 = tpu.memref_slice %arg7[%add3A, %dma_start3A] : memref<100000x32xf32, #tpu.memory_space<hbm>> -> memref<3128x32xf32, #tpu.memory_space<hbm>>
        %dma_start3A_30 = arith.constant 0 : i32
        %dma_start3A_31 = tpu.memref_slice %arg11[%mul3A_24, %dma_start3A_30] : memref<50008x32xf32, #tpu.memory_space<vmem_shared>> -> memref<3128x32xf32, #tpu.memory_space<vmem_shared>>
        tpu.enqueue_dma source(%dma_start3A_31 : memref<3128x32xf32, #tpu.memory_space<vmem_shared>>) target(%dma_start3A_29 : memref<3128x32xf32, #tpu.memory_space<hbm>>) target_semaphore(%run_scoped3A : memref<!tpu.dma_semaphore, #tpu.memory_space<semaphore_mem>>)
        %dma_wait3A = arith.constant 0 : i32
        %dma_wait3A_32 = tpu.memref_slice %arg7[%add3A, %dma_wait3A] : memref<100000x32xf32, #tpu.memory_space<hbm>> -> memref<3128x32xf32, #tpu.memory_space<hbm>>
        %dma_wait3A_33 = arith.constant 0 : i32
        %dma_wait3A_34 = tpu.memref_slice %arg11[%mul3A_24, %dma_wait3A_33] : memref<50008x32xf32, #tpu.memory_space<vmem_shared>> -> memref<3128x32xf32, #tpu.memory_space<vmem_shared>>
        tpu.wait_dma2 semaphore(%run_scoped3A : memref<!tpu.dma_semaphore, #tpu.memory_space<semaphore_mem>>) src(%dma_wait3A_34 : memref<3128x32xf32, #tpu.memory_space<vmem_shared>>) dst(%dma_wait3A_32 : memref<3128x32xf32, #tpu.memory_space<hbm>>)
        tpu.yield
      }) : () -> ()
    } else {
    }
    %eq3A_18 = arith.constant 15 : i32
    %eq3A_19 = arith.cmpi eq, %arg1, %eq3A_18 : i32
    %convert_element_type3A_20 = arith.extui %eq3A_19 : i1 to i32
    %cond3A_21 = arith.constant 0 : i32
    %cond3A_22 = arith.cmpi ne, %convert_element_type3A_20, %cond3A_21 : i32
    scf.if %cond3A_22 {
      %mul3A_23 = arith.constant 50000 : i32
      %mul3A_24 = arith.muli %arg0, %mul3A_23 : i32
      %add3A = arith.constant 46920 : i32
      %add3A_25 = arith.addi %mul3A_24, %add3A : i32
      "tpu.region"() ({
        %run_scoped3A = tpu.sem_alloc : memref<!tpu.dma_semaphore, #tpu.memory_space<semaphore_mem>>
        %dma_start3A = arith.constant 0 : i32
        %dma_start3A_26 = tpu.memref_slice %arg7[%add3A_25, %dma_start3A] : memref<100000x32xf32, #tpu.memory_space<hbm>> -> memref<3080x32xf32, #tpu.memory_space<hbm>>
        %dma_start3A_27 = arith.constant 46920 : i32
        %dma_start3A_28 = arith.constant 0 : i32
        %dma_start3A_29 = tpu.memref_slice %arg11[%dma_start3A_27, %dma_start3A_28] : memref<50008x32xf32, #tpu.memory_space<vmem_shared>> -> memref<3080x32xf32, #tpu.memory_space<vmem_shared>>
        tpu.enqueue_dma source(%dma_start3A_29 : memref<3080x32xf32, #tpu.memory_space<vmem_shared>>) target(%dma_start3A_26 : memref<3080x32xf32, #tpu.memory_space<hbm>>) target_semaphore(%run_scoped3A : memref<!tpu.dma_semaphore, #tpu.memory_space<semaphore_mem>>)
        %dma_wait3A = arith.constant 0 : i32
        %dma_wait3A_30 = tpu.memref_slice %arg7[%add3A_25, %dma_wait3A] : memref<100000x32xf32, #tpu.memory_space<hbm>> -> memref<3080x32xf32, #tpu.memory_space<hbm>>
        %dma_wait3A_31 = arith.constant 46920 : i32
        %dma_wait3A_32 = arith.constant 0 : i32
        %dma_wait3A_33 = tpu.memref_slice %arg11[%dma_wait3A_31, %dma_wait3A_32] : memref<50008x32xf32, #tpu.memory_space<vmem_shared>> -> memref<3080x32xf32, #tpu.memory_space<vmem_shared>>
        tpu.wait_dma2 semaphore(%run_scoped3A : memref<!tpu.dma_semaphore, #tpu.memory_space<semaphore_mem>>) src(%dma_wait3A_33 : memref<3080x32xf32, #tpu.memory_space<vmem_shared>>) dst(%dma_wait3A_30 : memref<3080x32xf32, #tpu.memory_space<hbm>>)
        tpu.yield
      }) : () -> ()
    } else {
    }
    return
  }
}

#map = affine_map<(d0, d1) -> (0, 0)>
module attributes {stable_mosaic.version = 14 : i64} {
  func.func @_sc_conv_body(%arg0: i32, %arg1: i32, %arg2: memref<50000x32xf32, #tpu.memory_space<hbm>>, %arg3: memref<50000x32xf32, #tpu.memory_space<hbm>>, %arg4: memref<6272x128xi32, #tpu.memory_space<hbm>>, %arg5: memref<6272x128xi32, #tpu.memory_space<hbm>>, %arg6: memref<50008x32xf32, #tpu.memory_space<hbm>>, %arg7: memref<100000x32xf32, #tpu.memory_space<hbm>>, %arg8: memref<56x128xi32, #tpu.memory_space<vmem>>, %arg9: memref<56x128xi32, #tpu.memory_space<vmem>>, %arg10: memref<4x128x32xf32, #tpu.memory_space<vmem>>, %arg11: memref<50008x32xf32, #tpu.memory_space<vmem_shared>>, %arg12: memref<!tpu.dma_semaphore, #tpu.memory_space<semaphore_mem>>, %arg13: memref<!tpu.dma_semaphore, #tpu.memory_space<semaphore_mem>>, %arg14: memref<!tpu.dma_semaphore, #tpu.memory_space<semaphore_mem>>, %arg15: memref<!tpu.dma_semaphore, #tpu.memory_space<semaphore_mem>>, %arg16: memref<!tpu.dma_semaphore, #tpu.memory_space<semaphore_mem>>, %arg17: memref<!tpu.dma_semaphore, #tpu.memory_space<semaphore_mem>>, %arg18: memref<!tpu.dma_semaphore, #tpu.memory_space<semaphore_mem>>, %arg19: memref<!tpu.dma_semaphore, #tpu.memory_space<semaphore_mem>>, %arg20: memref<!tpu.dma_semaphore, #tpu.memory_space<semaphore_mem>>) attributes {dimension_semantics = [#tpu.dimension_semantics<core_parallel>, #tpu.dimension_semantics<subcore_parallel>], iteration_bounds = array<i64: 2, 16>, scalar_prefetch = 0 : i64, scratch_operands = 13 : i64, tpu.core_type = #tpu.core_type<sc_vector_subcore>, window_params = [{transform_indices = #map}, {transform_indices = #map}, {transform_indices = #map}, {transform_indices = #map}, {transform_indices = #map}, {transform_indices = #map}]} {
    %eq3A = arith.constant 0 : i32
    %eq3A_0 = arith.cmpi eq, %arg1, %eq3A : i32
    %convert_element_type3A = arith.extui %eq3A_0 : i1 to i32
    %cond3A = arith.constant 0 : i32
    %cond3A_1 = arith.cmpi ne, %convert_element_type3A, %cond3A : i32
    scf.if %cond3A_1 {
      tpu.enqueue_dma source(%arg6 : memref<50008x32xf32, #tpu.memory_space<hbm>>) target(%arg11 : memref<50008x32xf32, #tpu.memory_space<vmem_shared>>) target_semaphore(%arg12 : memref<!tpu.dma_semaphore, #tpu.memory_space<semaphore_mem>>)
    } else {
    }
    %mul3A = arith.constant 392 : i32
    %mul3A_2 = arith.muli %arg1, %mul3A : i32
    %eq3A_3 = arith.constant 0 : i32
    %eq3A_4 = arith.cmpi eq, %arg1, %eq3A_3 : i32
    %convert_element_type3A_5 = arith.extui %eq3A_4 : i1 to i32
    %cond3A_6 = arith.constant 0 : i32
    %cond3A_7 = arith.cmpi ne, %convert_element_type3A_5, %cond3A_6 : i32
    scf.if %cond3A_7 {
      tpu.wait_dma2 semaphore(%arg12 : memref<!tpu.dma_semaphore, #tpu.memory_space<semaphore_mem>>) src(%arg6 : memref<50008x32xf32, #tpu.memory_space<hbm>>) dst(%arg11 : memref<50008x32xf32, #tpu.memory_space<vmem_shared>>)
    } else {
    }
    %barrier3A = arith.constant 0 : index
    tpu.barrier barrier_id(%barrier3A)
    %scan3A = arith.constant 0 : i32
    %scan3A_8 = arith.constant 0 : i32
    %scan3A_9 = arith.constant 7 : i32
    %scan3A_10 = arith.addi %scan3A_8, %scan3A_9 : i32
    %scan3A_11 = arith.constant 1 : i32
    scf.for %scan3A_23 = %scan3A_8 to %scan3A_10 step %scan3A_11  : i32 {
      %mul3A_24 = arith.constant 56 : i32
      %mul3A_25 = arith.muli %scan3A_23, %mul3A_24 : i32
      %add3A = arith.addi %mul3A_2, %mul3A_25 : i32
      "tpu.region"() ({
        %run_scoped3A = tpu.sem_alloc : memref<!tpu.dma_semaphore, #tpu.memory_space<semaphore_mem>>
        %dma_start3A = arith.constant 0 : i32
        %dma_start3A_70 = tpu.memref_slice %arg4[%add3A, %dma_start3A] : memref<6272x128xi32, #tpu.memory_space<hbm>> -> memref<56x128xi32, #tpu.memory_space<hbm>>
        %dma_start3A_71 = arith.constant 0 : i32
        %dma_start3A_72 = tpu.memref_slice %arg4[%add3A, %dma_start3A_71] : memref<6272x128xi32, #tpu.memory_space<hbm>> -> memref<56x128xi32, #tpu.memory_space<hbm>>
        tpu.enqueue_dma source(%dma_start3A_72 : memref<56x128xi32, #tpu.memory_space<hbm>>) target(%arg8 : memref<56x128xi32, #tpu.memory_space<vmem>>) target_semaphore(%run_scoped3A : memref<!tpu.dma_semaphore, #tpu.memory_space<semaphore_mem>>)
        %dma_wait3A = arith.constant 0 : i32
        %dma_wait3A_73 = tpu.memref_slice %arg4[%add3A, %dma_wait3A] : memref<6272x128xi32, #tpu.memory_space<hbm>> -> memref<56x128xi32, #tpu.memory_space<hbm>>
        %dma_wait3A_74 = arith.constant 0 : i32
        %dma_wait3A_75 = tpu.memref_slice %arg4[%add3A, %dma_wait3A_74] : memref<6272x128xi32, #tpu.memory_space<hbm>> -> memref<56x128xi32, #tpu.memory_space<hbm>>
        tpu.wait_dma2 semaphore(%run_scoped3A : memref<!tpu.dma_semaphore, #tpu.memory_space<semaphore_mem>>) src(%dma_wait3A_75 : memref<56x128xi32, #tpu.memory_space<hbm>>) dst(%arg8 : memref<56x128xi32, #tpu.memory_space<vmem>>)
        tpu.yield
      }) : () -> ()
      "tpu.region"() ({
        %run_scoped3A = tpu.sem_alloc : memref<!tpu.dma_semaphore, #tpu.memory_space<semaphore_mem>>
        %dma_start3A = arith.constant 0 : i32
        %dma_start3A_70 = tpu.memref_slice %arg5[%add3A, %dma_start3A] : memref<6272x128xi32, #tpu.memory_space<hbm>> -> memref<56x128xi32, #tpu.memory_space<hbm>>
        %dma_start3A_71 = arith.constant 0 : i32
        %dma_start3A_72 = tpu.memref_slice %arg5[%add3A, %dma_start3A_71] : memref<6272x128xi32, #tpu.memory_space<hbm>> -> memref<56x128xi32, #tpu.memory_space<hbm>>
        tpu.enqueue_dma source(%dma_start3A_72 : memref<56x128xi32, #tpu.memory_space<hbm>>) target(%arg9 : memref<56x128xi32, #tpu.memory_space<vmem>>) target_semaphore(%run_scoped3A : memref<!tpu.dma_semaphore, #tpu.memory_space<semaphore_mem>>)
        %dma_wait3A = arith.constant 0 : i32
        %dma_wait3A_73 = tpu.memref_slice %arg5[%add3A, %dma_wait3A] : memref<6272x128xi32, #tpu.memory_space<hbm>> -> memref<56x128xi32, #tpu.memory_space<hbm>>
        %dma_wait3A_74 = arith.constant 0 : i32
        %dma_wait3A_75 = tpu.memref_slice %arg5[%add3A, %dma_wait3A_74] : memref<6272x128xi32, #tpu.memory_space<hbm>> -> memref<56x128xi32, #tpu.memory_space<hbm>>
        tpu.wait_dma2 semaphore(%run_scoped3A : memref<!tpu.dma_semaphore, #tpu.memory_space<semaphore_mem>>) src(%dma_wait3A_75 : memref<56x128xi32, #tpu.memory_space<hbm>>) dst(%arg9 : memref<56x128xi32, #tpu.memory_space<vmem>>)
        tpu.yield
      }) : () -> ()
      %eq3A_26 = arith.constant 0 : i32
      %eq3A_27 = arith.cmpi eq, %arg0, %eq3A_26 : i32
      %convert_element_type3A_28 = arith.extui %eq3A_27 : i1 to i32
      %cond3A_29 = arith.constant 0 : i32
      %cond3A_30 = arith.cmpi ne, %convert_element_type3A_28, %cond3A_29 : i32
      scf.if %cond3A_30 {
        %dma_start3A = arith.constant 0 : i32
        %dma_start3A_70 = arith.constant 0 : i32
        %dma_start3A_71 = arith.constant 0 : i32
        %dma_start3A_72 = arith.constant 0 : i32
        %dma_start3A_73 = tpu.memref_slice %arg10[%dma_start3A_70, %dma_start3A_71, %dma_start3A_72] : memref<4x128x32xf32, #tpu.memory_space<vmem>> -> memref<1x128x32xf32, #tpu.memory_space<vmem>>
        %dma_start3A_74 = tpu.memref_squeeze %dma_start3A_73 : memref<1x128x32xf32, #tpu.memory_space<vmem>> -> memref<128x32xf32, #tpu.memory_space<vmem>>
        %dma_start3A_75 = arith.constant 0 : i32
        %dma_start3A_76 = tpu.memref_slice %arg8[%dma_start3A, %dma_start3A_75] : memref<56x128xi32, #tpu.memory_space<vmem>> -> memref<1x128xi32, #tpu.memory_space<vmem>>
        %dma_start3A_77 = tpu.memref_squeeze %dma_start3A_76 : memref<1x128xi32, #tpu.memory_space<vmem>> -> memref<128xi32, #tpu.memory_space<vmem>>
        %dma_start3A_78 = arith.constant 0 : i32
        %dma_start3A_79 = arith.constant 0 : i32
        %dma_start3A_80 = tpu.memref_slice %arg2[%dma_start3A_78, %dma_start3A_79] : memref<50000x32xf32, #tpu.memory_space<hbm>> -> memref<50000x32xf32, #tpu.memory_space<hbm>>
        tpu.enqueue_indirect_dma source(%dma_start3A_80 : memref<50000x32xf32, #tpu.memory_space<hbm>>) target(%dma_start3A_74 : memref<128x32xf32, #tpu.memory_space<vmem>>) offsets(%dma_start3A_77 : memref<128xi32, #tpu.memory_space<vmem>>) semaphore(%arg13 : memref<!tpu.dma_semaphore, #tpu.memory_space<semaphore_mem>>)
      } else {
      }
      %ne3A = arith.constant 0 : i32
      %ne3A_31 = arith.cmpi ne, %arg0, %ne3A : i32
      %convert_element_type3A_32 = arith.extui %ne3A_31 : i1 to i32
      %cond3A_33 = arith.constant 0 : i32
      %cond3A_34 = arith.cmpi ne, %convert_element_type3A_32, %cond3A_33 : i32
      scf.if %cond3A_34 {
        %dma_start3A = arith.constant 0 : i32
        %dma_start3A_70 = arith.constant 0 : i32
        %dma_start3A_71 = arith.constant 0 : i32
        %dma_start3A_72 = arith.constant 0 : i32
        %dma_start3A_73 = tpu.memref_slice %arg10[%dma_start3A_70, %dma_start3A_71, %dma_start3A_72] : memref<4x128x32xf32, #tpu.memory_space<vmem>> -> memref<1x128x32xf32, #tpu.memory_space<vmem>>
        %dma_start3A_74 = tpu.memref_squeeze %dma_start3A_73 : memref<1x128x32xf32, #tpu.memory_space<vmem>> -> memref<128x32xf32, #tpu.memory_space<vmem>>
        %dma_start3A_75 = arith.constant 0 : i32
        %dma_start3A_76 = tpu.memref_slice %arg8[%dma_start3A, %dma_start3A_75] : memref<56x128xi32, #tpu.memory_space<vmem>> -> memref<1x128xi32, #tpu.memory_space<vmem>>
        %dma_start3A_77 = tpu.memref_squeeze %dma_start3A_76 : memref<1x128xi32, #tpu.memory_space<vmem>> -> memref<128xi32, #tpu.memory_space<vmem>>
        %dma_start3A_78 = arith.constant 0 : i32
        %dma_start3A_79 = arith.constant 0 : i32
        %dma_start3A_80 = tpu.memref_slice %arg3[%dma_start3A_78, %dma_start3A_79] : memref<50000x32xf32, #tpu.memory_space<hbm>> -> memref<50000x32xf32, #tpu.memory_space<hbm>>
        tpu.enqueue_indirect_dma source(%dma_start3A_80 : memref<50000x32xf32, #tpu.memory_space<hbm>>) target(%dma_start3A_74 : memref<128x32xf32, #tpu.memory_space<vmem>>) offsets(%dma_start3A_77 : memref<128xi32, #tpu.memory_space<vmem>>) semaphore(%arg13 : memref<!tpu.dma_semaphore, #tpu.memory_space<semaphore_mem>>)
      } else {
      }
      %eq3A_35 = arith.constant 0 : i32
      %eq3A_36 = arith.cmpi eq, %arg0, %eq3A_35 : i32
      %convert_element_type3A_37 = arith.extui %eq3A_36 : i1 to i32
      %cond3A_38 = arith.constant 0 : i32
      %cond3A_39 = arith.cmpi ne, %convert_element_type3A_37, %cond3A_38 : i32
      scf.if %cond3A_39 {
        %dma_start3A = arith.constant 1 : i32
        %dma_start3A_70 = arith.constant 1 : i32
        %dma_start3A_71 = arith.constant 0 : i32
        %dma_start3A_72 = arith.constant 0 : i32
        %dma_start3A_73 = tpu.memref_slice %arg10[%dma_start3A_70, %dma_start3A_71, %dma_start3A_72] : memref<4x128x32xf32, #tpu.memory_space<vmem>> -> memref<1x128x32xf32, #tpu.memory_space<vmem>>
        %dma_start3A_74 = tpu.memref_squeeze %dma_start3A_73 : memref<1x128x32xf32, #tpu.memory_space<vmem>> -> memref<128x32xf32, #tpu.memory_space<vmem>>
        %dma_start3A_75 = arith.constant 0 : i32
        %dma_start3A_76 = tpu.memref_slice %arg8[%dma_start3A, %dma_start3A_75] : memref<56x128xi32, #tpu.memory_space<vmem>> -> memref<1x128xi32, #tpu.memory_space<vmem>>
        %dma_start3A_77 = tpu.memref_squeeze %dma_start3A_76 : memref<1x128xi32, #tpu.memory_space<vmem>> -> memref<128xi32, #tpu.memory_space<vmem>>
        %dma_start3A_78 = arith.constant 0 : i32
        %dma_start3A_79 = arith.constant 0 : i32
        %dma_start3A_80 = tpu.memref_slice %arg2[%dma_start3A_78, %dma_start3A_79] : memref<50000x32xf32, #tpu.memory_space<hbm>> -> memref<50000x32xf32, #tpu.memory_space<hbm>>
        tpu.enqueue_indirect_dma source(%dma_start3A_80 : memref<50000x32xf32, #tpu.memory_space<hbm>>) target(%dma_start3A_74 : memref<128x32xf32, #tpu.memory_space<vmem>>) offsets(%dma_start3A_77 : memref<128xi32, #tpu.memory_space<vmem>>) semaphore(%arg14 : memref<!tpu.dma_semaphore, #tpu.memory_space<semaphore_mem>>)
      } else {
      }
      %ne3A_40 = arith.constant 0 : i32
      %ne3A_41 = arith.cmpi ne, %arg0, %ne3A_40 : i32
      %convert_element_type3A_42 = arith.extui %ne3A_41 : i1 to i32
      %cond3A_43 = arith.constant 0 : i32
      %cond3A_44 = arith.cmpi ne, %convert_element_type3A_42, %cond3A_43 : i32
      scf.if %cond3A_44 {
        %dma_start3A = arith.constant 1 : i32
        %dma_start3A_70 = arith.constant 1 : i32
        %dma_start3A_71 = arith.constant 0 : i32
        %dma_start3A_72 = arith.constant 0 : i32
        %dma_start3A_73 = tpu.memref_slice %arg10[%dma_start3A_70, %dma_start3A_71, %dma_start3A_72] : memref<4x128x32xf32, #tpu.memory_space<vmem>> -> memref<1x128x32xf32, #tpu.memory_space<vmem>>
        %dma_start3A_74 = tpu.memref_squeeze %dma_start3A_73 : memref<1x128x32xf32, #tpu.memory_space<vmem>> -> memref<128x32xf32, #tpu.memory_space<vmem>>
        %dma_start3A_75 = arith.constant 0 : i32
        %dma_start3A_76 = tpu.memref_slice %arg8[%dma_start3A, %dma_start3A_75] : memref<56x128xi32, #tpu.memory_space<vmem>> -> memref<1x128xi32, #tpu.memory_space<vmem>>
        %dma_start3A_77 = tpu.memref_squeeze %dma_start3A_76 : memref<1x128xi32, #tpu.memory_space<vmem>> -> memref<128xi32, #tpu.memory_space<vmem>>
        %dma_start3A_78 = arith.constant 0 : i32
        %dma_start3A_79 = arith.constant 0 : i32
        %dma_start3A_80 = tpu.memref_slice %arg3[%dma_start3A_78, %dma_start3A_79] : memref<50000x32xf32, #tpu.memory_space<hbm>> -> memref<50000x32xf32, #tpu.memory_space<hbm>>
        tpu.enqueue_indirect_dma source(%dma_start3A_80 : memref<50000x32xf32, #tpu.memory_space<hbm>>) target(%dma_start3A_74 : memref<128x32xf32, #tpu.memory_space<vmem>>) offsets(%dma_start3A_77 : memref<128xi32, #tpu.memory_space<vmem>>) semaphore(%arg14 : memref<!tpu.dma_semaphore, #tpu.memory_space<semaphore_mem>>)
      } else {
      }
      %eq3A_45 = arith.constant 0 : i32
      %eq3A_46 = arith.cmpi eq, %arg0, %eq3A_45 : i32
      %convert_element_type3A_47 = arith.extui %eq3A_46 : i1 to i32
      %cond3A_48 = arith.constant 0 : i32
      %cond3A_49 = arith.cmpi ne, %convert_element_type3A_47, %cond3A_48 : i32
      scf.if %cond3A_49 {
        %dma_start3A = arith.constant 2 : i32
        %dma_start3A_70 = arith.constant 2 : i32
        %dma_start3A_71 = arith.constant 0 : i32
        %dma_start3A_72 = arith.constant 0 : i32
        %dma_start3A_73 = tpu.memref_slice %arg10[%dma_start3A_70, %dma_start3A_71, %dma_start3A_72] : memref<4x128x32xf32, #tpu.memory_space<vmem>> -> memref<1x128x32xf32, #tpu.memory_space<vmem>>
        %dma_start3A_74 = tpu.memref_squeeze %dma_start3A_73 : memref<1x128x32xf32, #tpu.memory_space<vmem>> -> memref<128x32xf32, #tpu.memory_space<vmem>>
        %dma_start3A_75 = arith.constant 0 : i32
        %dma_start3A_76 = tpu.memref_slice %arg8[%dma_start3A, %dma_start3A_75] : memref<56x128xi32, #tpu.memory_space<vmem>> -> memref<1x128xi32, #tpu.memory_space<vmem>>
        %dma_start3A_77 = tpu.memref_squeeze %dma_start3A_76 : memref<1x128xi32, #tpu.memory_space<vmem>> -> memref<128xi32, #tpu.memory_space<vmem>>
        %dma_start3A_78 = arith.constant 0 : i32
        %dma_start3A_79 = arith.constant 0 : i32
        %dma_start3A_80 = tpu.memref_slice %arg2[%dma_start3A_78, %dma_start3A_79] : memref<50000x32xf32, #tpu.memory_space<hbm>> -> memref<50000x32xf32, #tpu.memory_space<hbm>>
        tpu.enqueue_indirect_dma source(%dma_start3A_80 : memref<50000x32xf32, #tpu.memory_space<hbm>>) target(%dma_start3A_74 : memref<128x32xf32, #tpu.memory_space<vmem>>) offsets(%dma_start3A_77 : memref<128xi32, #tpu.memory_space<vmem>>) semaphore(%arg15 : memref<!tpu.dma_semaphore, #tpu.memory_space<semaphore_mem>>)
      } else {
      }
      %ne3A_50 = arith.constant 0 : i32
      %ne3A_51 = arith.cmpi ne, %arg0, %ne3A_50 : i32
      %convert_element_type3A_52 = arith.extui %ne3A_51 : i1 to i32
      %cond3A_53 = arith.constant 0 : i32
      %cond3A_54 = arith.cmpi ne, %convert_element_type3A_52, %cond3A_53 : i32
      scf.if %cond3A_54 {
        %dma_start3A = arith.constant 2 : i32
        %dma_start3A_70 = arith.constant 2 : i32
        %dma_start3A_71 = arith.constant 0 : i32
        %dma_start3A_72 = arith.constant 0 : i32
        %dma_start3A_73 = tpu.memref_slice %arg10[%dma_start3A_70, %dma_start3A_71, %dma_start3A_72] : memref<4x128x32xf32, #tpu.memory_space<vmem>> -> memref<1x128x32xf32, #tpu.memory_space<vmem>>
        %dma_start3A_74 = tpu.memref_squeeze %dma_start3A_73 : memref<1x128x32xf32, #tpu.memory_space<vmem>> -> memref<128x32xf32, #tpu.memory_space<vmem>>
        %dma_start3A_75 = arith.constant 0 : i32
        %dma_start3A_76 = tpu.memref_slice %arg8[%dma_start3A, %dma_start3A_75] : memref<56x128xi32, #tpu.memory_space<vmem>> -> memref<1x128xi32, #tpu.memory_space<vmem>>
        %dma_start3A_77 = tpu.memref_squeeze %dma_start3A_76 : memref<1x128xi32, #tpu.memory_space<vmem>> -> memref<128xi32, #tpu.memory_space<vmem>>
        %dma_start3A_78 = arith.constant 0 : i32
        %dma_start3A_79 = arith.constant 0 : i32
        %dma_start3A_80 = tpu.memref_slice %arg3[%dma_start3A_78, %dma_start3A_79] : memref<50000x32xf32, #tpu.memory_space<hbm>> -> memref<50000x32xf32, #tpu.memory_space<hbm>>
        tpu.enqueue_indirect_dma source(%dma_start3A_80 : memref<50000x32xf32, #tpu.memory_space<hbm>>) target(%dma_start3A_74 : memref<128x32xf32, #tpu.memory_space<vmem>>) offsets(%dma_start3A_77 : memref<128xi32, #tpu.memory_space<vmem>>) semaphore(%arg15 : memref<!tpu.dma_semaphore, #tpu.memory_space<semaphore_mem>>)
      } else {
      }
      %eq3A_55 = arith.constant 0 : i32
      %eq3A_56 = arith.cmpi eq, %arg0, %eq3A_55 : i32
      %convert_element_type3A_57 = arith.extui %eq3A_56 : i1 to i32
      %cond3A_58 = arith.constant 0 : i32
      %cond3A_59 = arith.cmpi ne, %convert_element_type3A_57, %cond3A_58 : i32
      scf.if %cond3A_59 {
        %dma_start3A = arith.constant 3 : i32
        %dma_start3A_70 = arith.constant 3 : i32
        %dma_start3A_71 = arith.constant 0 : i32
        %dma_start3A_72 = arith.constant 0 : i32
        %dma_start3A_73 = tpu.memref_slice %arg10[%dma_start3A_70, %dma_start3A_71, %dma_start3A_72] : memref<4x128x32xf32, #tpu.memory_space<vmem>> -> memref<1x128x32xf32, #tpu.memory_space<vmem>>
        %dma_start3A_74 = tpu.memref_squeeze %dma_start3A_73 : memref<1x128x32xf32, #tpu.memory_space<vmem>> -> memref<128x32xf32, #tpu.memory_space<vmem>>
        %dma_start3A_75 = arith.constant 0 : i32
        %dma_start3A_76 = tpu.memref_slice %arg8[%dma_start3A, %dma_start3A_75] : memref<56x128xi32, #tpu.memory_space<vmem>> -> memref<1x128xi32, #tpu.memory_space<vmem>>
        %dma_start3A_77 = tpu.memref_squeeze %dma_start3A_76 : memref<1x128xi32, #tpu.memory_space<vmem>> -> memref<128xi32, #tpu.memory_space<vmem>>
        %dma_start3A_78 = arith.constant 0 : i32
        %dma_start3A_79 = arith.constant 0 : i32
        %dma_start3A_80 = tpu.memref_slice %arg2[%dma_start3A_78, %dma_start3A_79] : memref<50000x32xf32, #tpu.memory_space<hbm>> -> memref<50000x32xf32, #tpu.memory_space<hbm>>
        tpu.enqueue_indirect_dma source(%dma_start3A_80 : memref<50000x32xf32, #tpu.memory_space<hbm>>) target(%dma_start3A_74 : memref<128x32xf32, #tpu.memory_space<vmem>>) offsets(%dma_start3A_77 : memref<128xi32, #tpu.memory_space<vmem>>) semaphore(%arg16 : memref<!tpu.dma_semaphore, #tpu.memory_space<semaphore_mem>>)
      } else {
      }
      %ne3A_60 = arith.constant 0 : i32
      %ne3A_61 = arith.cmpi ne, %arg0, %ne3A_60 : i32
      %convert_element_type3A_62 = arith.extui %ne3A_61 : i1 to i32
      %cond3A_63 = arith.constant 0 : i32
      %cond3A_64 = arith.cmpi ne, %convert_element_type3A_62, %cond3A_63 : i32
      scf.if %cond3A_64 {
        %dma_start3A = arith.constant 3 : i32
        %dma_start3A_70 = arith.constant 3 : i32
        %dma_start3A_71 = arith.constant 0 : i32
        %dma_start3A_72 = arith.constant 0 : i32
        %dma_start3A_73 = tpu.memref_slice %arg10[%dma_start3A_70, %dma_start3A_71, %dma_start3A_72] : memref<4x128x32xf32, #tpu.memory_space<vmem>> -> memref<1x128x32xf32, #tpu.memory_space<vmem>>
        %dma_start3A_74 = tpu.memref_squeeze %dma_start3A_73 : memref<1x128x32xf32, #tpu.memory_space<vmem>> -> memref<128x32xf32, #tpu.memory_space<vmem>>
        %dma_start3A_75 = arith.constant 0 : i32
        %dma_start3A_76 = tpu.memref_slice %arg8[%dma_start3A, %dma_start3A_75] : memref<56x128xi32, #tpu.memory_space<vmem>> -> memref<1x128xi32, #tpu.memory_space<vmem>>
        %dma_start3A_77 = tpu.memref_squeeze %dma_start3A_76 : memref<1x128xi32, #tpu.memory_space<vmem>> -> memref<128xi32, #tpu.memory_space<vmem>>
        %dma_start3A_78 = arith.constant 0 : i32
        %dma_start3A_79 = arith.constant 0 : i32
        %dma_start3A_80 = tpu.memref_slice %arg3[%dma_start3A_78, %dma_start3A_79] : memref<50000x32xf32, #tpu.memory_space<hbm>> -> memref<50000x32xf32, #tpu.memory_space<hbm>>
        tpu.enqueue_indirect_dma source(%dma_start3A_80 : memref<50000x32xf32, #tpu.memory_space<hbm>>) target(%dma_start3A_74 : memref<128x32xf32, #tpu.memory_space<vmem>>) offsets(%dma_start3A_77 : memref<128xi32, #tpu.memory_space<vmem>>) semaphore(%arg16 : memref<!tpu.dma_semaphore, #tpu.memory_space<semaphore_mem>>)
      } else {
      }
      %scan3A_65 = arith.constant 0 : i32
      %scan3A_66 = arith.constant 14 : i32
      %scan3A_67 = arith.addi %scan3A_65, %scan3A_66 : i32
      %scan3A_68 = arith.constant 1 : i32
      scf.for %scan3A_70 = %scan3A_65 to %scan3A_67 step %scan3A_68  : i32 {
        %mul3A_71 = arith.constant 4 : i32
        %mul3A_72 = arith.muli %scan3A_70, %mul3A_71 : i32
        %add3A_73 = arith.constant 0 : i32
        %add3A_74 = arith.addi %mul3A_72, %add3A_73 : i32
        %dma_wait3A = arith.constant 0 : i32
        %dma_wait3A_75 = arith.constant 0 : i32
        %dma_wait3A_76 = arith.constant 0 : i32
        %dma_wait3A_77 = tpu.memref_slice %arg10[%dma_wait3A, %dma_wait3A_75, %dma_wait3A_76] : memref<4x128x32xf32, #tpu.memory_space<vmem>> -> memref<1x128x32xf32, #tpu.memory_space<vmem>>
        %dma_wait3A_78 = tpu.memref_squeeze %dma_wait3A_77 : memref<1x128x32xf32, #tpu.memory_space<vmem>> -> memref<128x32xf32, #tpu.memory_space<vmem>>
        %dma_wait3A_79 = arith.constant 0 : i32
        %dma_wait3A_80 = arith.constant 0 : i32
        %dma_wait3A_81 = tpu.memref_slice %arg2[%dma_wait3A_79, %dma_wait3A_80] : memref<50000x32xf32, #tpu.memory_space<hbm>> -> memref<128x32xf32, #tpu.memory_space<hbm>>
        %dma_wait3A_82 = arith.constant 0 : i32
        %dma_wait3A_83 = arith.constant 0 : i32
        %dma_wait3A_84 = tpu.memref_slice %arg10[%dma_wait3A, %dma_wait3A_82, %dma_wait3A_83] : memref<4x128x32xf32, #tpu.memory_space<vmem>> -> memref<1x128x32xf32, #tpu.memory_space<vmem>>
        %dma_wait3A_85 = tpu.memref_squeeze %dma_wait3A_84 : memref<1x128x32xf32, #tpu.memory_space<vmem>> -> memref<128x32xf32, #tpu.memory_space<vmem>>
        %dma_wait3A_86 = arith.constant 0 : i32
        %dma_wait3A_87 = arith.constant 0 : i32
        %dma_wait3A_88 = tpu.memref_slice %arg2[%dma_wait3A_86, %dma_wait3A_87] : memref<50000x32xf32, #tpu.memory_space<hbm>> -> memref<128x32xf32, #tpu.memory_space<hbm>>
        tpu.wait_dma2 semaphore(%arg13 : memref<!tpu.dma_semaphore, #tpu.memory_space<semaphore_mem>>) src(%dma_wait3A_88 : memref<128x32xf32, #tpu.memory_space<hbm>>) dst(%dma_wait3A_85 : memref<128x32xf32, #tpu.memory_space<vmem>>)
        %dma_start3A = arith.constant 0 : i32
        %dma_start3A_89 = arith.constant 0 : i32
        %dma_start3A_90 = arith.constant 0 : i32
        %dma_start3A_91 = tpu.memref_slice %arg10[%dma_start3A, %dma_start3A_89, %dma_start3A_90] : memref<4x128x32xf32, #tpu.memory_space<vmem>> -> memref<1x128x32xf32, #tpu.memory_space<vmem>>
        %dma_start3A_92 = tpu.memref_squeeze %dma_start3A_91 : memref<1x128x32xf32, #tpu.memory_space<vmem>> -> memref<128x32xf32, #tpu.memory_space<vmem>>
        %dma_start3A_93 = arith.constant 0 : i32
        %dma_start3A_94 = tpu.memref_slice %arg9[%add3A_74, %dma_start3A_93] : memref<56x128xi32, #tpu.memory_space<vmem>> -> memref<1x128xi32, #tpu.memory_space<vmem>>
        %dma_start3A_95 = tpu.memref_squeeze %dma_start3A_94 : memref<1x128xi32, #tpu.memory_space<vmem>> -> memref<128xi32, #tpu.memory_space<vmem>>
        %dma_start3A_96 = arith.constant 0 : i32
        %dma_start3A_97 = arith.constant 0 : i32
        %dma_start3A_98 = tpu.memref_slice %arg11[%dma_start3A_96, %dma_start3A_97] : memref<50008x32xf32, #tpu.memory_space<vmem_shared>> -> memref<50008x32xf32, #tpu.memory_space<vmem_shared>>
        tpu.enqueue_indirect_dma source(%dma_start3A_92 : memref<128x32xf32, #tpu.memory_space<vmem>>) target(%dma_start3A_98 : memref<50008x32xf32, #tpu.memory_space<vmem_shared>>) offsets(%dma_start3A_95 : memref<128xi32, #tpu.memory_space<vmem>>) semaphore(%arg17 : memref<!tpu.dma_semaphore, #tpu.memory_space<semaphore_mem>>) {add = true}
        %dma_wait3A_99 = arith.constant 0 : i32
        %dma_wait3A_100 = arith.constant 0 : i32
        %dma_wait3A_101 = arith.constant 0 : i32
        %dma_wait3A_102 = tpu.memref_slice %arg10[%dma_wait3A_99, %dma_wait3A_100, %dma_wait3A_101] : memref<4x128x32xf32, #tpu.memory_space<vmem>> -> memref<1x128x32xf32, #tpu.memory_space<vmem>>
        %dma_wait3A_103 = tpu.memref_squeeze %dma_wait3A_102 : memref<1x128x32xf32, #tpu.memory_space<vmem>> -> memref<128x32xf32, #tpu.memory_space<vmem>>
        %dma_wait3A_104 = arith.constant 0 : i32
        %dma_wait3A_105 = arith.constant 0 : i32
        %dma_wait3A_106 = tpu.memref_slice %arg2[%dma_wait3A_104, %dma_wait3A_105] : memref<50000x32xf32, #tpu.memory_space<hbm>> -> memref<128x32xf32, #tpu.memory_space<hbm>>
        %dma_wait3A_107 = arith.constant 0 : i32
        %dma_wait3A_108 = arith.constant 0 : i32
        %dma_wait3A_109 = tpu.memref_slice %arg10[%dma_wait3A_99, %dma_wait3A_107, %dma_wait3A_108] : memref<4x128x32xf32, #tpu.memory_space<vmem>> -> memref<1x128x32xf32, #tpu.memory_space<vmem>>
        %dma_wait3A_110 = tpu.memref_squeeze %dma_wait3A_109 : memref<1x128x32xf32, #tpu.memory_space<vmem>> -> memref<128x32xf32, #tpu.memory_space<vmem>>
        %dma_wait3A_111 = arith.constant 0 : i32
        %dma_wait3A_112 = arith.constant 0 : i32
        %dma_wait3A_113 = tpu.memref_slice %arg2[%dma_wait3A_111, %dma_wait3A_112] : memref<50000x32xf32, #tpu.memory_space<hbm>> -> memref<128x32xf32, #tpu.memory_space<hbm>>
        tpu.wait_dma2 semaphore(%arg17 : memref<!tpu.dma_semaphore, #tpu.memory_space<semaphore_mem>>) src(%dma_wait3A_113 : memref<128x32xf32, #tpu.memory_space<hbm>>) dst(%dma_wait3A_110 : memref<128x32xf32, #tpu.memory_space<vmem>>)
        %add3A_114 = arith.constant 4 : i32
        %add3A_115 = arith.addi %add3A_74, %add3A_114 : i32
        %lt3A_116 = arith.constant 56 : i32
        %lt3A_117 = arith.cmpi slt, %add3A_115, %lt3A_116 : i32
        %convert_element_type3A_118 = arith.extui %lt3A_117 : i1 to i32
        %cond3A_119 = arith.constant 0 : i32
        %cond3A_120 = arith.cmpi ne, %convert_element_type3A_118, %cond3A_119 : i32
        scf.if %cond3A_120 {
          %add3A_277 = arith.constant 4 : i32
          %add3A_278 = arith.addi %add3A_74, %add3A_277 : i32
          %eq3A_279 = arith.constant 0 : i32
          %eq3A_280 = arith.cmpi eq, %arg0, %eq3A_279 : i32
          %convert_element_type3A_281 = arith.extui %eq3A_280 : i1 to i32
          %cond3A_282 = arith.constant 0 : i32
          %cond3A_283 = arith.cmpi ne, %convert_element_type3A_281, %cond3A_282 : i32
          scf.if %cond3A_283 {
            %dma_start3A_289 = arith.constant 0 : i32
            %dma_start3A_290 = arith.constant 0 : i32
            %dma_start3A_291 = arith.constant 0 : i32
            %dma_start3A_292 = tpu.memref_slice %arg10[%dma_start3A_289, %dma_start3A_290, %dma_start3A_291] : memref<4x128x32xf32, #tpu.memory_space<vmem>> -> memref<1x128x32xf32, #tpu.memory_space<vmem>>
            %dma_start3A_293 = tpu.memref_squeeze %dma_start3A_292 : memref<1x128x32xf32, #tpu.memory_space<vmem>> -> memref<128x32xf32, #tpu.memory_space<vmem>>
            %dma_start3A_294 = arith.constant 0 : i32
            %dma_start3A_295 = tpu.memref_slice %arg8[%add3A_278, %dma_start3A_294] : memref<56x128xi32, #tpu.memory_space<vmem>> -> memref<1x128xi32, #tpu.memory_space<vmem>>
            %dma_start3A_296 = tpu.memref_squeeze %dma_start3A_295 : memref<1x128xi32, #tpu.memory_space<vmem>> -> memref<128xi32, #tpu.memory_space<vmem>>
            %dma_start3A_297 = arith.constant 0 : i32
            %dma_start3A_298 = arith.constant 0 : i32
            %dma_start3A_299 = tpu.memref_slice %arg2[%dma_start3A_297, %dma_start3A_298] : memref<50000x32xf32, #tpu.memory_space<hbm>> -> memref<50000x32xf32, #tpu.memory_space<hbm>>
            tpu.enqueue_indirect_dma source(%dma_start3A_299 : memref<50000x32xf32, #tpu.memory_space<hbm>>) target(%dma_start3A_293 : memref<128x32xf32, #tpu.memory_space<vmem>>) offsets(%dma_start3A_296 : memref<128xi32, #tpu.memory_space<vmem>>) semaphore(%arg13 : memref<!tpu.dma_semaphore, #tpu.memory_space<semaphore_mem>>)
          } else {
          }
          %ne3A_284 = arith.constant 0 : i32
          %ne3A_285 = arith.cmpi ne, %arg0, %ne3A_284 : i32
          %convert_element_type3A_286 = arith.extui %ne3A_285 : i1 to i32
          %cond3A_287 = arith.constant 0 : i32
          %cond3A_288 = arith.cmpi ne, %convert_element_type3A_286, %cond3A_287 : i32
          scf.if %cond3A_288 {
            %dma_start3A_289 = arith.constant 0 : i32
            %dma_start3A_290 = arith.constant 0 : i32
            %dma_start3A_291 = arith.constant 0 : i32
            %dma_start3A_292 = tpu.memref_slice %arg10[%dma_start3A_289, %dma_start3A_290, %dma_start3A_291] : memref<4x128x32xf32, #tpu.memory_space<vmem>> -> memref<1x128x32xf32, #tpu.memory_space<vmem>>
            %dma_start3A_293 = tpu.memref_squeeze %dma_start3A_292 : memref<1x128x32xf32, #tpu.memory_space<vmem>> -> memref<128x32xf32, #tpu.memory_space<vmem>>
            %dma_start3A_294 = arith.constant 0 : i32
            %dma_start3A_295 = tpu.memref_slice %arg8[%add3A_278, %dma_start3A_294] : memref<56x128xi32, #tpu.memory_space<vmem>> -> memref<1x128xi32, #tpu.memory_space<vmem>>
            %dma_start3A_296 = tpu.memref_squeeze %dma_start3A_295 : memref<1x128xi32, #tpu.memory_space<vmem>> -> memref<128xi32, #tpu.memory_space<vmem>>
            %dma_start3A_297 = arith.constant 0 : i32
            %dma_start3A_298 = arith.constant 0 : i32
            %dma_start3A_299 = tpu.memref_slice %arg3[%dma_start3A_297, %dma_start3A_298] : memref<50000x32xf32, #tpu.memory_space<hbm>> -> memref<50000x32xf32, #tpu.memory_space<hbm>>
            tpu.enqueue_indirect_dma source(%dma_start3A_299 : memref<50000x32xf32, #tpu.memory_space<hbm>>) target(%dma_start3A_293 : memref<128x32xf32, #tpu.memory_space<vmem>>) offsets(%dma_start3A_296 : memref<128xi32, #tpu.memory_space<vmem>>) semaphore(%arg13 : memref<!tpu.dma_semaphore, #tpu.memory_space<semaphore_mem>>)
          } else {
          }
        } else {
        }
        %mul3A_121 = arith.constant 4 : i32
        %mul3A_122 = arith.muli %scan3A_70, %mul3A_121 : i32
        %add3A_123 = arith.constant 1 : i32
        %add3A_124 = arith.addi %mul3A_122, %add3A_123 : i32
        %dma_wait3A_125 = arith.constant 1 : i32
        %dma_wait3A_126 = arith.constant 0 : i32
        %dma_wait3A_127 = arith.constant 0 : i32
        %dma_wait3A_128 = tpu.memref_slice %arg10[%dma_wait3A_125, %dma_wait3A_126, %dma_wait3A_127] : memref<4x128x32xf32, #tpu.memory_space<vmem>> -> memref<1x128x32xf32, #tpu.memory_space<vmem>>
        %dma_wait3A_129 = tpu.memref_squeeze %dma_wait3A_128 : memref<1x128x32xf32, #tpu.memory_space<vmem>> -> memref<128x32xf32, #tpu.memory_space<vmem>>
        %dma_wait3A_130 = arith.constant 0 : i32
        %dma_wait3A_131 = arith.constant 0 : i32
        %dma_wait3A_132 = tpu.memref_slice %arg2[%dma_wait3A_130, %dma_wait3A_131] : memref<50000x32xf32, #tpu.memory_space<hbm>> -> memref<128x32xf32, #tpu.memory_space<hbm>>
        %dma_wait3A_133 = arith.constant 0 : i32
        %dma_wait3A_134 = arith.constant 0 : i32
        %dma_wait3A_135 = tpu.memref_slice %arg10[%dma_wait3A_125, %dma_wait3A_133, %dma_wait3A_134] : memref<4x128x32xf32, #tpu.memory_space<vmem>> -> memref<1x128x32xf32, #tpu.memory_space<vmem>>
        %dma_wait3A_136 = tpu.memref_squeeze %dma_wait3A_135 : memref<1x128x32xf32, #tpu.memory_space<vmem>> -> memref<128x32xf32, #tpu.memory_space<vmem>>
        %dma_wait3A_137 = arith.constant 0 : i32
        %dma_wait3A_138 = arith.constant 0 : i32
        %dma_wait3A_139 = tpu.memref_slice %arg2[%dma_wait3A_137, %dma_wait3A_138] : memref<50000x32xf32, #tpu.memory_space<hbm>> -> memref<128x32xf32, #tpu.memory_space<hbm>>
        tpu.wait_dma2 semaphore(%arg14 : memref<!tpu.dma_semaphore, #tpu.memory_space<semaphore_mem>>) src(%dma_wait3A_139 : memref<128x32xf32, #tpu.memory_space<hbm>>) dst(%dma_wait3A_136 : memref<128x32xf32, #tpu.memory_space<vmem>>)
        %dma_start3A_140 = arith.constant 1 : i32
        %dma_start3A_141 = arith.constant 0 : i32
        %dma_start3A_142 = arith.constant 0 : i32
        %dma_start3A_143 = tpu.memref_slice %arg10[%dma_start3A_140, %dma_start3A_141, %dma_start3A_142] : memref<4x128x32xf32, #tpu.memory_space<vmem>> -> memref<1x128x32xf32, #tpu.memory_space<vmem>>
        %dma_start3A_144 = tpu.memref_squeeze %dma_start3A_143 : memref<1x128x32xf32, #tpu.memory_space<vmem>> -> memref<128x32xf32, #tpu.memory_space<vmem>>
        %dma_start3A_145 = arith.constant 0 : i32
        %dma_start3A_146 = tpu.memref_slice %arg9[%add3A_124, %dma_start3A_145] : memref<56x128xi32, #tpu.memory_space<vmem>> -> memref<1x128xi32, #tpu.memory_space<vmem>>
        %dma_start3A_147 = tpu.memref_squeeze %dma_start3A_146 : memref<1x128xi32, #tpu.memory_space<vmem>> -> memref<128xi32, #tpu.memory_space<vmem>>
        %dma_start3A_148 = arith.constant 0 : i32
        %dma_start3A_149 = arith.constant 0 : i32
        %dma_start3A_150 = tpu.memref_slice %arg11[%dma_start3A_148, %dma_start3A_149] : memref<50008x32xf32, #tpu.memory_space<vmem_shared>> -> memref<50008x32xf32, #tpu.memory_space<vmem_shared>>
        tpu.enqueue_indirect_dma source(%dma_start3A_144 : memref<128x32xf32, #tpu.memory_space<vmem>>) target(%dma_start3A_150 : memref<50008x32xf32, #tpu.memory_space<vmem_shared>>) offsets(%dma_start3A_147 : memref<128xi32, #tpu.memory_space<vmem>>) semaphore(%arg18 : memref<!tpu.dma_semaphore, #tpu.memory_space<semaphore_mem>>) {add = true}
        %dma_wait3A_151 = arith.constant 1 : i32
        %dma_wait3A_152 = arith.constant 0 : i32
        %dma_wait3A_153 = arith.constant 0 : i32
        %dma_wait3A_154 = tpu.memref_slice %arg10[%dma_wait3A_151, %dma_wait3A_152, %dma_wait3A_153] : memref<4x128x32xf32, #tpu.memory_space<vmem>> -> memref<1x128x32xf32, #tpu.memory_space<vmem>>
        %dma_wait3A_155 = tpu.memref_squeeze %dma_wait3A_154 : memref<1x128x32xf32, #tpu.memory_space<vmem>> -> memref<128x32xf32, #tpu.memory_space<vmem>>
        %dma_wait3A_156 = arith.constant 0 : i32
        %dma_wait3A_157 = arith.constant 0 : i32
        %dma_wait3A_158 = tpu.memref_slice %arg2[%dma_wait3A_156, %dma_wait3A_157] : memref<50000x32xf32, #tpu.memory_space<hbm>> -> memref<128x32xf32, #tpu.memory_space<hbm>>
        %dma_wait3A_159 = arith.constant 0 : i32
        %dma_wait3A_160 = arith.constant 0 : i32
        %dma_wait3A_161 = tpu.memref_slice %arg10[%dma_wait3A_151, %dma_wait3A_159, %dma_wait3A_160] : memref<4x128x32xf32, #tpu.memory_space<vmem>> -> memref<1x128x32xf32, #tpu.memory_space<vmem>>
        %dma_wait3A_162 = tpu.memref_squeeze %dma_wait3A_161 : memref<1x128x32xf32, #tpu.memory_space<vmem>> -> memref<128x32xf32, #tpu.memory_space<vmem>>
        %dma_wait3A_163 = arith.constant 0 : i32
        %dma_wait3A_164 = arith.constant 0 : i32
        %dma_wait3A_165 = tpu.memref_slice %arg2[%dma_wait3A_163, %dma_wait3A_164] : memref<50000x32xf32, #tpu.memory_space<hbm>> -> memref<128x32xf32, #tpu.memory_space<hbm>>
        tpu.wait_dma2 semaphore(%arg18 : memref<!tpu.dma_semaphore, #tpu.memory_space<semaphore_mem>>) src(%dma_wait3A_165 : memref<128x32xf32, #tpu.memory_space<hbm>>) dst(%dma_wait3A_162 : memref<128x32xf32, #tpu.memory_space<vmem>>)
        %add3A_166 = arith.constant 4 : i32
        %add3A_167 = arith.addi %add3A_124, %add3A_166 : i32
        %lt3A_168 = arith.constant 56 : i32
        %lt3A_169 = arith.cmpi slt, %add3A_167, %lt3A_168 : i32
        %convert_element_type3A_170 = arith.extui %lt3A_169 : i1 to i32
        %cond3A_171 = arith.constant 0 : i32
        %cond3A_172 = arith.cmpi ne, %convert_element_type3A_170, %cond3A_171 : i32
        scf.if %cond3A_172 {
          %add3A_277 = arith.constant 4 : i32
          %add3A_278 = arith.addi %add3A_124, %add3A_277 : i32
          %eq3A_279 = arith.constant 0 : i32
          %eq3A_280 = arith.cmpi eq, %arg0, %eq3A_279 : i32
          %convert_element_type3A_281 = arith.extui %eq3A_280 : i1 to i32
          %cond3A_282 = arith.constant 0 : i32
          %cond3A_283 = arith.cmpi ne, %convert_element_type3A_281, %cond3A_282 : i32
          scf.if %cond3A_283 {
            %dma_start3A_289 = arith.constant 1 : i32
            %dma_start3A_290 = arith.constant 0 : i32
            %dma_start3A_291 = arith.constant 0 : i32
            %dma_start3A_292 = tpu.memref_slice %arg10[%dma_start3A_289, %dma_start3A_290, %dma_start3A_291] : memref<4x128x32xf32, #tpu.memory_space<vmem>> -> memref<1x128x32xf32, #tpu.memory_space<vmem>>
            %dma_start3A_293 = tpu.memref_squeeze %dma_start3A_292 : memref<1x128x32xf32, #tpu.memory_space<vmem>> -> memref<128x32xf32, #tpu.memory_space<vmem>>
            %dma_start3A_294 = arith.constant 0 : i32
            %dma_start3A_295 = tpu.memref_slice %arg8[%add3A_278, %dma_start3A_294] : memref<56x128xi32, #tpu.memory_space<vmem>> -> memref<1x128xi32, #tpu.memory_space<vmem>>
            %dma_start3A_296 = tpu.memref_squeeze %dma_start3A_295 : memref<1x128xi32, #tpu.memory_space<vmem>> -> memref<128xi32, #tpu.memory_space<vmem>>
            %dma_start3A_297 = arith.constant 0 : i32
            %dma_start3A_298 = arith.constant 0 : i32
            %dma_start3A_299 = tpu.memref_slice %arg2[%dma_start3A_297, %dma_start3A_298] : memref<50000x32xf32, #tpu.memory_space<hbm>> -> memref<50000x32xf32, #tpu.memory_space<hbm>>
            tpu.enqueue_indirect_dma source(%dma_start3A_299 : memref<50000x32xf32, #tpu.memory_space<hbm>>) target(%dma_start3A_293 : memref<128x32xf32, #tpu.memory_space<vmem>>) offsets(%dma_start3A_296 : memref<128xi32, #tpu.memory_space<vmem>>) semaphore(%arg14 : memref<!tpu.dma_semaphore, #tpu.memory_space<semaphore_mem>>)
          } else {
          }
          %ne3A_284 = arith.constant 0 : i32
          %ne3A_285 = arith.cmpi ne, %arg0, %ne3A_284 : i32
          %convert_element_type3A_286 = arith.extui %ne3A_285 : i1 to i32
          %cond3A_287 = arith.constant 0 : i32
          %cond3A_288 = arith.cmpi ne, %convert_element_type3A_286, %cond3A_287 : i32
          scf.if %cond3A_288 {
            %dma_start3A_289 = arith.constant 1 : i32
            %dma_start3A_290 = arith.constant 0 : i32
            %dma_start3A_291 = arith.constant 0 : i32
            %dma_start3A_292 = tpu.memref_slice %arg10[%dma_start3A_289, %dma_start3A_290, %dma_start3A_291] : memref<4x128x32xf32, #tpu.memory_space<vmem>> -> memref<1x128x32xf32, #tpu.memory_space<vmem>>
            %dma_start3A_293 = tpu.memref_squeeze %dma_start3A_292 : memref<1x128x32xf32, #tpu.memory_space<vmem>> -> memref<128x32xf32, #tpu.memory_space<vmem>>
            %dma_start3A_294 = arith.constant 0 : i32
            %dma_start3A_295 = tpu.memref_slice %arg8[%add3A_278, %dma_start3A_294] : memref<56x128xi32, #tpu.memory_space<vmem>> -> memref<1x128xi32, #tpu.memory_space<vmem>>
            %dma_start3A_296 = tpu.memref_squeeze %dma_start3A_295 : memref<1x128xi32, #tpu.memory_space<vmem>> -> memref<128xi32, #tpu.memory_space<vmem>>
            %dma_start3A_297 = arith.constant 0 : i32
            %dma_start3A_298 = arith.constant 0 : i32
            %dma_start3A_299 = tpu.memref_slice %arg3[%dma_start3A_297, %dma_start3A_298] : memref<50000x32xf32, #tpu.memory_space<hbm>> -> memref<50000x32xf32, #tpu.memory_space<hbm>>
            tpu.enqueue_indirect_dma source(%dma_start3A_299 : memref<50000x32xf32, #tpu.memory_space<hbm>>) target(%dma_start3A_293 : memref<128x32xf32, #tpu.memory_space<vmem>>) offsets(%dma_start3A_296 : memref<128xi32, #tpu.memory_space<vmem>>) semaphore(%arg14 : memref<!tpu.dma_semaphore, #tpu.memory_space<semaphore_mem>>)
          } else {
          }
        } else {
        }
        %mul3A_173 = arith.constant 4 : i32
        %mul3A_174 = arith.muli %scan3A_70, %mul3A_173 : i32
        %add3A_175 = arith.constant 2 : i32
        %add3A_176 = arith.addi %mul3A_174, %add3A_175 : i32
        %dma_wait3A_177 = arith.constant 2 : i32
        %dma_wait3A_178 = arith.constant 0 : i32
        %dma_wait3A_179 = arith.constant 0 : i32
        %dma_wait3A_180 = tpu.memref_slice %arg10[%dma_wait3A_177, %dma_wait3A_178, %dma_wait3A_179] : memref<4x128x32xf32, #tpu.memory_space<vmem>> -> memref<1x128x32xf32, #tpu.memory_space<vmem>>
        %dma_wait3A_181 = tpu.memref_squeeze %dma_wait3A_180 : memref<1x128x32xf32, #tpu.memory_space<vmem>> -> memref<128x32xf32, #tpu.memory_space<vmem>>
        %dma_wait3A_182 = arith.constant 0 : i32
        %dma_wait3A_183 = arith.constant 0 : i32
        %dma_wait3A_184 = tpu.memref_slice %arg2[%dma_wait3A_182, %dma_wait3A_183] : memref<50000x32xf32, #tpu.memory_space<hbm>> -> memref<128x32xf32, #tpu.memory_space<hbm>>
        %dma_wait3A_185 = arith.constant 0 : i32
        %dma_wait3A_186 = arith.constant 0 : i32
        %dma_wait3A_187 = tpu.memref_slice %arg10[%dma_wait3A_177, %dma_wait3A_185, %dma_wait3A_186] : memref<4x128x32xf32, #tpu.memory_space<vmem>> -> memref<1x128x32xf32, #tpu.memory_space<vmem>>
        %dma_wait3A_188 = tpu.memref_squeeze %dma_wait3A_187 : memref<1x128x32xf32, #tpu.memory_space<vmem>> -> memref<128x32xf32, #tpu.memory_space<vmem>>
        %dma_wait3A_189 = arith.constant 0 : i32
        %dma_wait3A_190 = arith.constant 0 : i32
        %dma_wait3A_191 = tpu.memref_slice %arg2[%dma_wait3A_189, %dma_wait3A_190] : memref<50000x32xf32, #tpu.memory_space<hbm>> -> memref<128x32xf32, #tpu.memory_space<hbm>>
        tpu.wait_dma2 semaphore(%arg15 : memref<!tpu.dma_semaphore, #tpu.memory_space<semaphore_mem>>) src(%dma_wait3A_191 : memref<128x32xf32, #tpu.memory_space<hbm>>) dst(%dma_wait3A_188 : memref<128x32xf32, #tpu.memory_space<vmem>>)
        %dma_start3A_192 = arith.constant 2 : i32
        %dma_start3A_193 = arith.constant 0 : i32
        %dma_start3A_194 = arith.constant 0 : i32
        %dma_start3A_195 = tpu.memref_slice %arg10[%dma_start3A_192, %dma_start3A_193, %dma_start3A_194] : memref<4x128x32xf32, #tpu.memory_space<vmem>> -> memref<1x128x32xf32, #tpu.memory_space<vmem>>
        %dma_start3A_196 = tpu.memref_squeeze %dma_start3A_195 : memref<1x128x32xf32, #tpu.memory_space<vmem>> -> memref<128x32xf32, #tpu.memory_space<vmem>>
        %dma_start3A_197 = arith.constant 0 : i32
        %dma_start3A_198 = tpu.memref_slice %arg9[%add3A_176, %dma_start3A_197] : memref<56x128xi32, #tpu.memory_space<vmem>> -> memref<1x128xi32, #tpu.memory_space<vmem>>
        %dma_start3A_199 = tpu.memref_squeeze %dma_start3A_198 : memref<1x128xi32, #tpu.memory_space<vmem>> -> memref<128xi32, #tpu.memory_space<vmem>>
        %dma_start3A_200 = arith.constant 0 : i32
        %dma_start3A_201 = arith.constant 0 : i32
        %dma_start3A_202 = tpu.memref_slice %arg11[%dma_start3A_200, %dma_start3A_201] : memref<50008x32xf32, #tpu.memory_space<vmem_shared>> -> memref<50008x32xf32, #tpu.memory_space<vmem_shared>>
        tpu.enqueue_indirect_dma source(%dma_start3A_196 : memref<128x32xf32, #tpu.memory_space<vmem>>) target(%dma_start3A_202 : memref<50008x32xf32, #tpu.memory_space<vmem_shared>>) offsets(%dma_start3A_199 : memref<128xi32, #tpu.memory_space<vmem>>) semaphore(%arg19 : memref<!tpu.dma_semaphore, #tpu.memory_space<semaphore_mem>>) {add = true}
        %dma_wait3A_203 = arith.constant 2 : i32
        %dma_wait3A_204 = arith.constant 0 : i32
        %dma_wait3A_205 = arith.constant 0 : i32
        %dma_wait3A_206 = tpu.memref_slice %arg10[%dma_wait3A_203, %dma_wait3A_204, %dma_wait3A_205] : memref<4x128x32xf32, #tpu.memory_space<vmem>> -> memref<1x128x32xf32, #tpu.memory_space<vmem>>
        %dma_wait3A_207 = tpu.memref_squeeze %dma_wait3A_206 : memref<1x128x32xf32, #tpu.memory_space<vmem>> -> memref<128x32xf32, #tpu.memory_space<vmem>>
        %dma_wait3A_208 = arith.constant 0 : i32
        %dma_wait3A_209 = arith.constant 0 : i32
        %dma_wait3A_210 = tpu.memref_slice %arg2[%dma_wait3A_208, %dma_wait3A_209] : memref<50000x32xf32, #tpu.memory_space<hbm>> -> memref<128x32xf32, #tpu.memory_space<hbm>>
        %dma_wait3A_211 = arith.constant 0 : i32
        %dma_wait3A_212 = arith.constant 0 : i32
        %dma_wait3A_213 = tpu.memref_slice %arg10[%dma_wait3A_203, %dma_wait3A_211, %dma_wait3A_212] : memref<4x128x32xf32, #tpu.memory_space<vmem>> -> memref<1x128x32xf32, #tpu.memory_space<vmem>>
        %dma_wait3A_214 = tpu.memref_squeeze %dma_wait3A_213 : memref<1x128x32xf32, #tpu.memory_space<vmem>> -> memref<128x32xf32, #tpu.memory_space<vmem>>
        %dma_wait3A_215 = arith.constant 0 : i32
        %dma_wait3A_216 = arith.constant 0 : i32
        %dma_wait3A_217 = tpu.memref_slice %arg2[%dma_wait3A_215, %dma_wait3A_216] : memref<50000x32xf32, #tpu.memory_space<hbm>> -> memref<128x32xf32, #tpu.memory_space<hbm>>
        tpu.wait_dma2 semaphore(%arg19 : memref<!tpu.dma_semaphore, #tpu.memory_space<semaphore_mem>>) src(%dma_wait3A_217 : memref<128x32xf32, #tpu.memory_space<hbm>>) dst(%dma_wait3A_214 : memref<128x32xf32, #tpu.memory_space<vmem>>)
        %add3A_218 = arith.constant 4 : i32
        %add3A_219 = arith.addi %add3A_176, %add3A_218 : i32
        %lt3A_220 = arith.constant 56 : i32
        %lt3A_221 = arith.cmpi slt, %add3A_219, %lt3A_220 : i32
        %convert_element_type3A_222 = arith.extui %lt3A_221 : i1 to i32
        %cond3A_223 = arith.constant 0 : i32
        %cond3A_224 = arith.cmpi ne, %convert_element_type3A_222, %cond3A_223 : i32
        scf.if %cond3A_224 {
          %add3A_277 = arith.constant 4 : i32
          %add3A_278 = arith.addi %add3A_176, %add3A_277 : i32
          %eq3A_279 = arith.constant 0 : i32
          %eq3A_280 = arith.cmpi eq, %arg0, %eq3A_279 : i32
          %convert_element_type3A_281 = arith.extui %eq3A_280 : i1 to i32
          %cond3A_282 = arith.constant 0 : i32
          %cond3A_283 = arith.cmpi ne, %convert_element_type3A_281, %cond3A_282 : i32
          scf.if %cond3A_283 {
            %dma_start3A_289 = arith.constant 2 : i32
            %dma_start3A_290 = arith.constant 0 : i32
            %dma_start3A_291 = arith.constant 0 : i32
            %dma_start3A_292 = tpu.memref_slice %arg10[%dma_start3A_289, %dma_start3A_290, %dma_start3A_291] : memref<4x128x32xf32, #tpu.memory_space<vmem>> -> memref<1x128x32xf32, #tpu.memory_space<vmem>>
            %dma_start3A_293 = tpu.memref_squeeze %dma_start3A_292 : memref<1x128x32xf32, #tpu.memory_space<vmem>> -> memref<128x32xf32, #tpu.memory_space<vmem>>
            %dma_start3A_294 = arith.constant 0 : i32
            %dma_start3A_295 = tpu.memref_slice %arg8[%add3A_278, %dma_start3A_294] : memref<56x128xi32, #tpu.memory_space<vmem>> -> memref<1x128xi32, #tpu.memory_space<vmem>>
            %dma_start3A_296 = tpu.memref_squeeze %dma_start3A_295 : memref<1x128xi32, #tpu.memory_space<vmem>> -> memref<128xi32, #tpu.memory_space<vmem>>
            %dma_start3A_297 = arith.constant 0 : i32
            %dma_start3A_298 = arith.constant 0 : i32
            %dma_start3A_299 = tpu.memref_slice %arg2[%dma_start3A_297, %dma_start3A_298] : memref<50000x32xf32, #tpu.memory_space<hbm>> -> memref<50000x32xf32, #tpu.memory_space<hbm>>
            tpu.enqueue_indirect_dma source(%dma_start3A_299 : memref<50000x32xf32, #tpu.memory_space<hbm>>) target(%dma_start3A_293 : memref<128x32xf32, #tpu.memory_space<vmem>>) offsets(%dma_start3A_296 : memref<128xi32, #tpu.memory_space<vmem>>) semaphore(%arg15 : memref<!tpu.dma_semaphore, #tpu.memory_space<semaphore_mem>>)
          } else {
          }
          %ne3A_284 = arith.constant 0 : i32
          %ne3A_285 = arith.cmpi ne, %arg0, %ne3A_284 : i32
          %convert_element_type3A_286 = arith.extui %ne3A_285 : i1 to i32
          %cond3A_287 = arith.constant 0 : i32
          %cond3A_288 = arith.cmpi ne, %convert_element_type3A_286, %cond3A_287 : i32
          scf.if %cond3A_288 {
            %dma_start3A_289 = arith.constant 2 : i32
            %dma_start3A_290 = arith.constant 0 : i32
            %dma_start3A_291 = arith.constant 0 : i32
            %dma_start3A_292 = tpu.memref_slice %arg10[%dma_start3A_289, %dma_start3A_290, %dma_start3A_291] : memref<4x128x32xf32, #tpu.memory_space<vmem>> -> memref<1x128x32xf32, #tpu.memory_space<vmem>>
            %dma_start3A_293 = tpu.memref_squeeze %dma_start3A_292 : memref<1x128x32xf32, #tpu.memory_space<vmem>> -> memref<128x32xf32, #tpu.memory_space<vmem>>
            %dma_start3A_294 = arith.constant 0 : i32
            %dma_start3A_295 = tpu.memref_slice %arg8[%add3A_278, %dma_start3A_294] : memref<56x128xi32, #tpu.memory_space<vmem>> -> memref<1x128xi32, #tpu.memory_space<vmem>>
            %dma_start3A_296 = tpu.memref_squeeze %dma_start3A_295 : memref<1x128xi32, #tpu.memory_space<vmem>> -> memref<128xi32, #tpu.memory_space<vmem>>
            %dma_start3A_297 = arith.constant 0 : i32
            %dma_start3A_298 = arith.constant 0 : i32
            %dma_start3A_299 = tpu.memref_slice %arg3[%dma_start3A_297, %dma_start3A_298] : memref<50000x32xf32, #tpu.memory_space<hbm>> -> memref<50000x32xf32, #tpu.memory_space<hbm>>
            tpu.enqueue_indirect_dma source(%dma_start3A_299 : memref<50000x32xf32, #tpu.memory_space<hbm>>) target(%dma_start3A_293 : memref<128x32xf32, #tpu.memory_space<vmem>>) offsets(%dma_start3A_296 : memref<128xi32, #tpu.memory_space<vmem>>) semaphore(%arg15 : memref<!tpu.dma_semaphore, #tpu.memory_space<semaphore_mem>>)
          } else {
          }
        } else {
        }
        %mul3A_225 = arith.constant 4 : i32
        %mul3A_226 = arith.muli %scan3A_70, %mul3A_225 : i32
        %add3A_227 = arith.constant 3 : i32
        %add3A_228 = arith.addi %mul3A_226, %add3A_227 : i32
        %dma_wait3A_229 = arith.constant 3 : i32
        %dma_wait3A_230 = arith.constant 0 : i32
        %dma_wait3A_231 = arith.constant 0 : i32
        %dma_wait3A_232 = tpu.memref_slice %arg10[%dma_wait3A_229, %dma_wait3A_230, %dma_wait3A_231] : memref<4x128x32xf32, #tpu.memory_space<vmem>> -> memref<1x128x32xf32, #tpu.memory_space<vmem>>
        %dma_wait3A_233 = tpu.memref_squeeze %dma_wait3A_232 : memref<1x128x32xf32, #tpu.memory_space<vmem>> -> memref<128x32xf32, #tpu.memory_space<vmem>>
        %dma_wait3A_234 = arith.constant 0 : i32
        %dma_wait3A_235 = arith.constant 0 : i32
        %dma_wait3A_236 = tpu.memref_slice %arg2[%dma_wait3A_234, %dma_wait3A_235] : memref<50000x32xf32, #tpu.memory_space<hbm>> -> memref<128x32xf32, #tpu.memory_space<hbm>>
        %dma_wait3A_237 = arith.constant 0 : i32
        %dma_wait3A_238 = arith.constant 0 : i32
        %dma_wait3A_239 = tpu.memref_slice %arg10[%dma_wait3A_229, %dma_wait3A_237, %dma_wait3A_238] : memref<4x128x32xf32, #tpu.memory_space<vmem>> -> memref<1x128x32xf32, #tpu.memory_space<vmem>>
        %dma_wait3A_240 = tpu.memref_squeeze %dma_wait3A_239 : memref<1x128x32xf32, #tpu.memory_space<vmem>> -> memref<128x32xf32, #tpu.memory_space<vmem>>
        %dma_wait3A_241 = arith.constant 0 : i32
        %dma_wait3A_242 = arith.constant 0 : i32
        %dma_wait3A_243 = tpu.memref_slice %arg2[%dma_wait3A_241, %dma_wait3A_242] : memref<50000x32xf32, #tpu.memory_space<hbm>> -> memref<128x32xf32, #tpu.memory_space<hbm>>
        tpu.wait_dma2 semaphore(%arg16 : memref<!tpu.dma_semaphore, #tpu.memory_space<semaphore_mem>>) src(%dma_wait3A_243 : memref<128x32xf32, #tpu.memory_space<hbm>>) dst(%dma_wait3A_240 : memref<128x32xf32, #tpu.memory_space<vmem>>)
        %dma_start3A_244 = arith.constant 3 : i32
        %dma_start3A_245 = arith.constant 0 : i32
        %dma_start3A_246 = arith.constant 0 : i32
        %dma_start3A_247 = tpu.memref_slice %arg10[%dma_start3A_244, %dma_start3A_245, %dma_start3A_246] : memref<4x128x32xf32, #tpu.memory_space<vmem>> -> memref<1x128x32xf32, #tpu.memory_space<vmem>>
        %dma_start3A_248 = tpu.memref_squeeze %dma_start3A_247 : memref<1x128x32xf32, #tpu.memory_space<vmem>> -> memref<128x32xf32, #tpu.memory_space<vmem>>
        %dma_start3A_249 = arith.constant 0 : i32
        %dma_start3A_250 = tpu.memref_slice %arg9[%add3A_228, %dma_start3A_249] : memref<56x128xi32, #tpu.memory_space<vmem>> -> memref<1x128xi32, #tpu.memory_space<vmem>>
        %dma_start3A_251 = tpu.memref_squeeze %dma_start3A_250 : memref<1x128xi32, #tpu.memory_space<vmem>> -> memref<128xi32, #tpu.memory_space<vmem>>
        %dma_start3A_252 = arith.constant 0 : i32
        %dma_start3A_253 = arith.constant 0 : i32
        %dma_start3A_254 = tpu.memref_slice %arg11[%dma_start3A_252, %dma_start3A_253] : memref<50008x32xf32, #tpu.memory_space<vmem_shared>> -> memref<50008x32xf32, #tpu.memory_space<vmem_shared>>
        tpu.enqueue_indirect_dma source(%dma_start3A_248 : memref<128x32xf32, #tpu.memory_space<vmem>>) target(%dma_start3A_254 : memref<50008x32xf32, #tpu.memory_space<vmem_shared>>) offsets(%dma_start3A_251 : memref<128xi32, #tpu.memory_space<vmem>>) semaphore(%arg20 : memref<!tpu.dma_semaphore, #tpu.memory_space<semaphore_mem>>) {add = true}
        %dma_wait3A_255 = arith.constant 3 : i32
        %dma_wait3A_256 = arith.constant 0 : i32
        %dma_wait3A_257 = arith.constant 0 : i32
        %dma_wait3A_258 = tpu.memref_slice %arg10[%dma_wait3A_255, %dma_wait3A_256, %dma_wait3A_257] : memref<4x128x32xf32, #tpu.memory_space<vmem>> -> memref<1x128x32xf32, #tpu.memory_space<vmem>>
        %dma_wait3A_259 = tpu.memref_squeeze %dma_wait3A_258 : memref<1x128x32xf32, #tpu.memory_space<vmem>> -> memref<128x32xf32, #tpu.memory_space<vmem>>
        %dma_wait3A_260 = arith.constant 0 : i32
        %dma_wait3A_261 = arith.constant 0 : i32
        %dma_wait3A_262 = tpu.memref_slice %arg2[%dma_wait3A_260, %dma_wait3A_261] : memref<50000x32xf32, #tpu.memory_space<hbm>> -> memref<128x32xf32, #tpu.memory_space<hbm>>
        %dma_wait3A_263 = arith.constant 0 : i32
        %dma_wait3A_264 = arith.constant 0 : i32
        %dma_wait3A_265 = tpu.memref_slice %arg10[%dma_wait3A_255, %dma_wait3A_263, %dma_wait3A_264] : memref<4x128x32xf32, #tpu.memory_space<vmem>> -> memref<1x128x32xf32, #tpu.memory_space<vmem>>
        %dma_wait3A_266 = tpu.memref_squeeze %dma_wait3A_265 : memref<1x128x32xf32, #tpu.memory_space<vmem>> -> memref<128x32xf32, #tpu.memory_space<vmem>>
        %dma_wait3A_267 = arith.constant 0 : i32
        %dma_wait3A_268 = arith.constant 0 : i32
        %dma_wait3A_269 = tpu.memref_slice %arg2[%dma_wait3A_267, %dma_wait3A_268] : memref<50000x32xf32, #tpu.memory_space<hbm>> -> memref<128x32xf32, #tpu.memory_space<hbm>>
        tpu.wait_dma2 semaphore(%arg20 : memref<!tpu.dma_semaphore, #tpu.memory_space<semaphore_mem>>) src(%dma_wait3A_269 : memref<128x32xf32, #tpu.memory_space<hbm>>) dst(%dma_wait3A_266 : memref<128x32xf32, #tpu.memory_space<vmem>>)
        %add3A_270 = arith.constant 4 : i32
        %add3A_271 = arith.addi %add3A_228, %add3A_270 : i32
        %lt3A_272 = arith.constant 56 : i32
        %lt3A_273 = arith.cmpi slt, %add3A_271, %lt3A_272 : i32
        %convert_element_type3A_274 = arith.extui %lt3A_273 : i1 to i32
        %cond3A_275 = arith.constant 0 : i32
        %cond3A_276 = arith.cmpi ne, %convert_element_type3A_274, %cond3A_275 : i32
        scf.if %cond3A_276 {
          %add3A_277 = arith.constant 4 : i32
          %add3A_278 = arith.addi %add3A_228, %add3A_277 : i32
          %eq3A_279 = arith.constant 0 : i32
          %eq3A_280 = arith.cmpi eq, %arg0, %eq3A_279 : i32
          %convert_element_type3A_281 = arith.extui %eq3A_280 : i1 to i32
          %cond3A_282 = arith.constant 0 : i32
          %cond3A_283 = arith.cmpi ne, %convert_element_type3A_281, %cond3A_282 : i32
          scf.if %cond3A_283 {
            %dma_start3A_289 = arith.constant 3 : i32
            %dma_start3A_290 = arith.constant 0 : i32
            %dma_start3A_291 = arith.constant 0 : i32
            %dma_start3A_292 = tpu.memref_slice %arg10[%dma_start3A_289, %dma_start3A_290, %dma_start3A_291] : memref<4x128x32xf32, #tpu.memory_space<vmem>> -> memref<1x128x32xf32, #tpu.memory_space<vmem>>
            %dma_start3A_293 = tpu.memref_squeeze %dma_start3A_292 : memref<1x128x32xf32, #tpu.memory_space<vmem>> -> memref<128x32xf32, #tpu.memory_space<vmem>>
            %dma_start3A_294 = arith.constant 0 : i32
            %dma_start3A_295 = tpu.memref_slice %arg8[%add3A_278, %dma_start3A_294] : memref<56x128xi32, #tpu.memory_space<vmem>> -> memref<1x128xi32, #tpu.memory_space<vmem>>
            %dma_start3A_296 = tpu.memref_squeeze %dma_start3A_295 : memref<1x128xi32, #tpu.memory_space<vmem>> -> memref<128xi32, #tpu.memory_space<vmem>>
            %dma_start3A_297 = arith.constant 0 : i32
            %dma_start3A_298 = arith.constant 0 : i32
            %dma_start3A_299 = tpu.memref_slice %arg2[%dma_start3A_297, %dma_start3A_298] : memref<50000x32xf32, #tpu.memory_space<hbm>> -> memref<50000x32xf32, #tpu.memory_space<hbm>>
            tpu.enqueue_indirect_dma source(%dma_start3A_299 : memref<50000x32xf32, #tpu.memory_space<hbm>>) target(%dma_start3A_293 : memref<128x32xf32, #tpu.memory_space<vmem>>) offsets(%dma_start3A_296 : memref<128xi32, #tpu.memory_space<vmem>>) semaphore(%arg16 : memref<!tpu.dma_semaphore, #tpu.memory_space<semaphore_mem>>)
          } else {
          }
          %ne3A_284 = arith.constant 0 : i32
          %ne3A_285 = arith.cmpi ne, %arg0, %ne3A_284 : i32
          %convert_element_type3A_286 = arith.extui %ne3A_285 : i1 to i32
          %cond3A_287 = arith.constant 0 : i32
          %cond3A_288 = arith.cmpi ne, %convert_element_type3A_286, %cond3A_287 : i32
          scf.if %cond3A_288 {
            %dma_start3A_289 = arith.constant 3 : i32
            %dma_start3A_290 = arith.constant 0 : i32
            %dma_start3A_291 = arith.constant 0 : i32
            %dma_start3A_292 = tpu.memref_slice %arg10[%dma_start3A_289, %dma_start3A_290, %dma_start3A_291] : memref<4x128x32xf32, #tpu.memory_space<vmem>> -> memref<1x128x32xf32, #tpu.memory_space<vmem>>
            %dma_start3A_293 = tpu.memref_squeeze %dma_start3A_292 : memref<1x128x32xf32, #tpu.memory_space<vmem>> -> memref<128x32xf32, #tpu.memory_space<vmem>>
            %dma_start3A_294 = arith.constant 0 : i32
            %dma_start3A_295 = tpu.memref_slice %arg8[%add3A_278, %dma_start3A_294] : memref<56x128xi32, #tpu.memory_space<vmem>> -> memref<1x128xi32, #tpu.memory_space<vmem>>
            %dma_start3A_296 = tpu.memref_squeeze %dma_start3A_295 : memref<1x128xi32, #tpu.memory_space<vmem>> -> memref<128xi32, #tpu.memory_space<vmem>>
            %dma_start3A_297 = arith.constant 0 : i32
            %dma_start3A_298 = arith.constant 0 : i32
            %dma_start3A_299 = tpu.memref_slice %arg3[%dma_start3A_297, %dma_start3A_298] : memref<50000x32xf32, #tpu.memory_space<hbm>> -> memref<50000x32xf32, #tpu.memory_space<hbm>>
            tpu.enqueue_indirect_dma source(%dma_start3A_299 : memref<50000x32xf32, #tpu.memory_space<hbm>>) target(%dma_start3A_293 : memref<128x32xf32, #tpu.memory_space<vmem>>) offsets(%dma_start3A_296 : memref<128xi32, #tpu.memory_space<vmem>>) semaphore(%arg16 : memref<!tpu.dma_semaphore, #tpu.memory_space<semaphore_mem>>)
          } else {
          }
        } else {
        }
      }
      %scan3A_69 = arith.constant 14 : i32
    }
    %scan3A_12 = arith.constant 7 : i32
    %barrier3A_13 = arith.constant 0 : index
    tpu.barrier barrier_id(%barrier3A_13)
    %lt3A = arith.constant 15 : i32
    %lt3A_14 = arith.cmpi slt, %arg1, %lt3A : i32
    %convert_element_type3A_15 = arith.extui %lt3A_14 : i1 to i32
    %cond3A_16 = arith.constant 0 : i32
    %cond3A_17 = arith.cmpi ne, %convert_element_type3A_15, %cond3A_16 : i32
    scf.if %cond3A_17 {
      %mul3A_23 = arith.constant 3128 : i32
      %mul3A_24 = arith.muli %arg1, %mul3A_23 : i32
      %mul3A_25 = arith.constant 50000 : i32
      %mul3A_26 = arith.muli %arg0, %mul3A_25 : i32
      %mul3A_27 = arith.constant 3128 : i32
      %mul3A_28 = arith.muli %arg1, %mul3A_27 : i32
      %add3A = arith.addi %mul3A_26, %mul3A_28 : i32
      "tpu.region"() ({
        %run_scoped3A = tpu.sem_alloc : memref<!tpu.dma_semaphore, #tpu.memory_space<semaphore_mem>>
        %dma_start3A = arith.constant 0 : i32
        %dma_start3A_29 = tpu.memref_slice %arg7[%add3A, %dma_start3A] : memref<100000x32xf32, #tpu.memory_space<hbm>> -> memref<3128x32xf32, #tpu.memory_space<hbm>>
        %dma_start3A_30 = arith.constant 0 : i32
        %dma_start3A_31 = tpu.memref_slice %arg11[%mul3A_24, %dma_start3A_30] : memref<50008x32xf32, #tpu.memory_space<vmem_shared>> -> memref<3128x32xf32, #tpu.memory_space<vmem_shared>>
        tpu.enqueue_dma source(%dma_start3A_31 : memref<3128x32xf32, #tpu.memory_space<vmem_shared>>) target(%dma_start3A_29 : memref<3128x32xf32, #tpu.memory_space<hbm>>) target_semaphore(%run_scoped3A : memref<!tpu.dma_semaphore, #tpu.memory_space<semaphore_mem>>)
        %dma_wait3A = arith.constant 0 : i32
        %dma_wait3A_32 = tpu.memref_slice %arg7[%add3A, %dma_wait3A] : memref<100000x32xf32, #tpu.memory_space<hbm>> -> memref<3128x32xf32, #tpu.memory_space<hbm>>
        %dma_wait3A_33 = arith.constant 0 : i32
        %dma_wait3A_34 = tpu.memref_slice %arg11[%mul3A_24, %dma_wait3A_33] : memref<50008x32xf32, #tpu.memory_space<vmem_shared>> -> memref<3128x32xf32, #tpu.memory_space<vmem_shared>>
        tpu.wait_dma2 semaphore(%run_scoped3A : memref<!tpu.dma_semaphore, #tpu.memory_space<semaphore_mem>>) src(%dma_wait3A_34 : memref<3128x32xf32, #tpu.memory_space<vmem_shared>>) dst(%dma_wait3A_32 : memref<3128x32xf32, #tpu.memory_space<hbm>>)
        tpu.yield
      }) : () -> ()
    } else {
    }
    %eq3A_18 = arith.constant 15 : i32
    %eq3A_19 = arith.cmpi eq, %arg1, %eq3A_18 : i32
    %convert_element_type3A_20 = arith.extui %eq3A_19 : i1 to i32
    %cond3A_21 = arith.constant 0 : i32
    %cond3A_22 = arith.cmpi ne, %convert_element_type3A_20, %cond3A_21 : i32
    scf.if %cond3A_22 {
      %mul3A_23 = arith.constant 50000 : i32
      %mul3A_24 = arith.muli %arg0, %mul3A_23 : i32
      %add3A = arith.constant 46920 : i32
      %add3A_25 = arith.addi %mul3A_24, %add3A : i32
      "tpu.region"() ({
        %run_scoped3A = tpu.sem_alloc : memref<!tpu.dma_semaphore, #tpu.memory_space<semaphore_mem>>
        %dma_start3A = arith.constant 0 : i32
        %dma_start3A_26 = tpu.memref_slice %arg7[%add3A_25, %dma_start3A] : memref<100000x32xf32, #tpu.memory_space<hbm>> -> memref<3080x32xf32, #tpu.memory_space<hbm>>
        %dma_start3A_27 = arith.constant 46920 : i32
        %dma_start3A_28 = arith.constant 0 : i32
        %dma_start3A_29 = tpu.memref_slice %arg11[%dma_start3A_27, %dma_start3A_28] : memref<50008x32xf32, #tpu.memory_space<vmem_shared>> -> memref<3080x32xf32, #tpu.memory_space<vmem_shared>>
        tpu.enqueue_dma source(%dma_start3A_29 : memref<3080x32xf32, #tpu.memory_space<vmem_shared>>) target(%dma_start3A_26 : memref<3080x32xf32, #tpu.memory_space<hbm>>) target_semaphore(%run_scoped3A : memref<!tpu.dma_semaphore, #tpu.memory_space<semaphore_mem>>)
        %dma_wait3A = arith.constant 0 : i32
        %dma_wait3A_30 = tpu.memref_slice %arg7[%add3A_25, %dma_wait3A] : memref<100000x32xf32, #tpu.memory_space<hbm>> -> memref<3080x32xf32, #tpu.memory_space<hbm>>
        %dma_wait3A_31 = arith.constant 46920 : i32
        %dma_wait3A_32 = arith.constant 0 : i32
        %dma_wait3A_33 = tpu.memref_slice %arg11[%dma_wait3A_31, %dma_wait3A_32] : memref<50008x32xf32, #tpu.memory_space<vmem_shared>> -> memref<3080x32xf32, #tpu.memory_space<vmem_shared>>
        tpu.wait_dma2 semaphore(%run_scoped3A : memref<!tpu.dma_semaphore, #tpu.memory_space<semaphore_mem>>) src(%dma_wait3A_33 : memref<3080x32xf32, #tpu.memory_space<vmem_shared>>) dst(%dma_wait3A_30 : memref<3080x32xf32, #tpu.memory_space<hbm>>)
        tpu.yield
      }) : () -> ()
    } else {
    }
    return
  }
}

#map = affine_map<(d0, d1) -> (0, 0)>
module attributes {stable_mosaic.version = 14 : i64} {
  func.func @_sc_conv_body(%arg0: i32, %arg1: i32, %arg2: memref<50000x32xf32, #tpu.memory_space<hbm>>, %arg3: memref<50000x32xf32, #tpu.memory_space<hbm>>, %arg4: memref<6272x128xi32, #tpu.memory_space<hbm>>, %arg5: memref<6272x128xi32, #tpu.memory_space<hbm>>, %arg6: memref<50008x32xf32, #tpu.memory_space<hbm>>, %arg7: memref<100000x32xf32, #tpu.memory_space<hbm>>, %arg8: memref<56x128xi32, #tpu.memory_space<vmem>>, %arg9: memref<56x128xi32, #tpu.memory_space<vmem>>, %arg10: memref<4x128x32xf32, #tpu.memory_space<vmem>>, %arg11: memref<50008x32xf32, #tpu.memory_space<vmem_shared>>, %arg12: memref<!tpu.dma_semaphore, #tpu.memory_space<semaphore_mem>>, %arg13: memref<!tpu.dma_semaphore, #tpu.memory_space<semaphore_mem>>, %arg14: memref<!tpu.dma_semaphore, #tpu.memory_space<semaphore_mem>>, %arg15: memref<!tpu.dma_semaphore, #tpu.memory_space<semaphore_mem>>, %arg16: memref<!tpu.dma_semaphore, #tpu.memory_space<semaphore_mem>>, %arg17: memref<!tpu.dma_semaphore, #tpu.memory_space<semaphore_mem>>, %arg18: memref<!tpu.dma_semaphore, #tpu.memory_space<semaphore_mem>>, %arg19: memref<!tpu.dma_semaphore, #tpu.memory_space<semaphore_mem>>, %arg20: memref<!tpu.dma_semaphore, #tpu.memory_space<semaphore_mem>>) attributes {dimension_semantics = [#tpu.dimension_semantics<core_parallel>, #tpu.dimension_semantics<subcore_parallel>], iteration_bounds = array<i64: 2, 16>, scalar_prefetch = 0 : i64, scratch_operands = 13 : i64, tpu.core_type = #tpu.core_type<sc_vector_subcore>, window_params = [{transform_indices = #map}, {transform_indices = #map}, {transform_indices = #map}, {transform_indices = #map}, {transform_indices = #map}, {transform_indices = #map}]} {
    %eq3A = arith.constant 0 : i32
    %eq3A_0 = arith.cmpi eq, %arg1, %eq3A : i32
    %convert_element_type3A = arith.extui %eq3A_0 : i1 to i32
    %cond3A = arith.constant 0 : i32
    %cond3A_1 = arith.cmpi ne, %convert_element_type3A, %cond3A : i32
    scf.if %cond3A_1 {
      tpu.enqueue_dma source(%arg6 : memref<50008x32xf32, #tpu.memory_space<hbm>>) target(%arg11 : memref<50008x32xf32, #tpu.memory_space<vmem_shared>>) target_semaphore(%arg12 : memref<!tpu.dma_semaphore, #tpu.memory_space<semaphore_mem>>)
    } else {
    }
    %mul3A = arith.constant 392 : i32
    %mul3A_2 = arith.muli %arg1, %mul3A : i32
    %eq3A_3 = arith.constant 0 : i32
    %eq3A_4 = arith.cmpi eq, %arg1, %eq3A_3 : i32
    %convert_element_type3A_5 = arith.extui %eq3A_4 : i1 to i32
    %cond3A_6 = arith.constant 0 : i32
    %cond3A_7 = arith.cmpi ne, %convert_element_type3A_5, %cond3A_6 : i32
    scf.if %cond3A_7 {
      tpu.wait_dma2 semaphore(%arg12 : memref<!tpu.dma_semaphore, #tpu.memory_space<semaphore_mem>>) src(%arg6 : memref<50008x32xf32, #tpu.memory_space<hbm>>) dst(%arg11 : memref<50008x32xf32, #tpu.memory_space<vmem_shared>>)
    } else {
    }
    %barrier3A = arith.constant 0 : index
    tpu.barrier barrier_id(%barrier3A)
    %scan3A = arith.constant 0 : i32
    %scan3A_8 = arith.constant 0 : i32
    %scan3A_9 = arith.constant 7 : i32
    %scan3A_10 = arith.addi %scan3A_8, %scan3A_9 : i32
    %scan3A_11 = arith.constant 1 : i32
    scf.for %scan3A_23 = %scan3A_8 to %scan3A_10 step %scan3A_11  : i32 {
      %mul3A_24 = arith.constant 56 : i32
      %mul3A_25 = arith.muli %scan3A_23, %mul3A_24 : i32
      %add3A = arith.addi %mul3A_2, %mul3A_25 : i32
      "tpu.region"() ({
        %run_scoped3A = tpu.sem_alloc : memref<!tpu.dma_semaphore, #tpu.memory_space<semaphore_mem>>
        %dma_start3A = arith.constant 0 : i32
        %dma_start3A_70 = tpu.memref_slice %arg4[%add3A, %dma_start3A] : memref<6272x128xi32, #tpu.memory_space<hbm>> -> memref<56x128xi32, #tpu.memory_space<hbm>>
        %dma_start3A_71 = arith.constant 0 : i32
        %dma_start3A_72 = tpu.memref_slice %arg4[%add3A, %dma_start3A_71] : memref<6272x128xi32, #tpu.memory_space<hbm>> -> memref<56x128xi32, #tpu.memory_space<hbm>>
        tpu.enqueue_dma source(%dma_start3A_72 : memref<56x128xi32, #tpu.memory_space<hbm>>) target(%arg8 : memref<56x128xi32, #tpu.memory_space<vmem>>) target_semaphore(%run_scoped3A : memref<!tpu.dma_semaphore, #tpu.memory_space<semaphore_mem>>)
        %dma_wait3A = arith.constant 0 : i32
        %dma_wait3A_73 = tpu.memref_slice %arg4[%add3A, %dma_wait3A] : memref<6272x128xi32, #tpu.memory_space<hbm>> -> memref<56x128xi32, #tpu.memory_space<hbm>>
        %dma_wait3A_74 = arith.constant 0 : i32
        %dma_wait3A_75 = tpu.memref_slice %arg4[%add3A, %dma_wait3A_74] : memref<6272x128xi32, #tpu.memory_space<hbm>> -> memref<56x128xi32, #tpu.memory_space<hbm>>
        tpu.wait_dma2 semaphore(%run_scoped3A : memref<!tpu.dma_semaphore, #tpu.memory_space<semaphore_mem>>) src(%dma_wait3A_75 : memref<56x128xi32, #tpu.memory_space<hbm>>) dst(%arg8 : memref<56x128xi32, #tpu.memory_space<vmem>>)
        tpu.yield
      }) : () -> ()
      "tpu.region"() ({
        %run_scoped3A = tpu.sem_alloc : memref<!tpu.dma_semaphore, #tpu.memory_space<semaphore_mem>>
        %dma_start3A = arith.constant 0 : i32
        %dma_start3A_70 = tpu.memref_slice %arg5[%add3A, %dma_start3A] : memref<6272x128xi32, #tpu.memory_space<hbm>> -> memref<56x128xi32, #tpu.memory_space<hbm>>
        %dma_start3A_71 = arith.constant 0 : i32
        %dma_start3A_72 = tpu.memref_slice %arg5[%add3A, %dma_start3A_71] : memref<6272x128xi32, #tpu.memory_space<hbm>> -> memref<56x128xi32, #tpu.memory_space<hbm>>
        tpu.enqueue_dma source(%dma_start3A_72 : memref<56x128xi32, #tpu.memory_space<hbm>>) target(%arg9 : memref<56x128xi32, #tpu.memory_space<vmem>>) target_semaphore(%run_scoped3A : memref<!tpu.dma_semaphore, #tpu.memory_space<semaphore_mem>>)
        %dma_wait3A = arith.constant 0 : i32
        %dma_wait3A_73 = tpu.memref_slice %arg5[%add3A, %dma_wait3A] : memref<6272x128xi32, #tpu.memory_space<hbm>> -> memref<56x128xi32, #tpu.memory_space<hbm>>
        %dma_wait3A_74 = arith.constant 0 : i32
        %dma_wait3A_75 = tpu.memref_slice %arg5[%add3A, %dma_wait3A_74] : memref<6272x128xi32, #tpu.memory_space<hbm>> -> memref<56x128xi32, #tpu.memory_space<hbm>>
        tpu.wait_dma2 semaphore(%run_scoped3A : memref<!tpu.dma_semaphore, #tpu.memory_space<semaphore_mem>>) src(%dma_wait3A_75 : memref<56x128xi32, #tpu.memory_space<hbm>>) dst(%arg9 : memref<56x128xi32, #tpu.memory_space<vmem>>)
        tpu.yield
      }) : () -> ()
      %eq3A_26 = arith.constant 0 : i32
      %eq3A_27 = arith.cmpi eq, %arg0, %eq3A_26 : i32
      %convert_element_type3A_28 = arith.extui %eq3A_27 : i1 to i32
      %cond3A_29 = arith.constant 0 : i32
      %cond3A_30 = arith.cmpi ne, %convert_element_type3A_28, %cond3A_29 : i32
      scf.if %cond3A_30 {
        %dma_start3A = arith.constant 0 : i32
        %dma_start3A_70 = arith.constant 0 : i32
        %dma_start3A_71 = arith.constant 0 : i32
        %dma_start3A_72 = arith.constant 0 : i32
        %dma_start3A_73 = tpu.memref_slice %arg10[%dma_start3A_70, %dma_start3A_71, %dma_start3A_72] : memref<4x128x32xf32, #tpu.memory_space<vmem>> -> memref<1x128x32xf32, #tpu.memory_space<vmem>>
        %dma_start3A_74 = tpu.memref_squeeze %dma_start3A_73 : memref<1x128x32xf32, #tpu.memory_space<vmem>> -> memref<128x32xf32, #tpu.memory_space<vmem>>
        %dma_start3A_75 = arith.constant 0 : i32
        %dma_start3A_76 = tpu.memref_slice %arg8[%dma_start3A, %dma_start3A_75] : memref<56x128xi32, #tpu.memory_space<vmem>> -> memref<1x128xi32, #tpu.memory_space<vmem>>
        %dma_start3A_77 = tpu.memref_squeeze %dma_start3A_76 : memref<1x128xi32, #tpu.memory_space<vmem>> -> memref<128xi32, #tpu.memory_space<vmem>>
        %dma_start3A_78 = arith.constant 0 : i32
        %dma_start3A_79 = arith.constant 0 : i32
        %dma_start3A_80 = tpu.memref_slice %arg2[%dma_start3A_78, %dma_start3A_79] : memref<50000x32xf32, #tpu.memory_space<hbm>> -> memref<50000x32xf32, #tpu.memory_space<hbm>>
        tpu.enqueue_indirect_dma source(%dma_start3A_80 : memref<50000x32xf32, #tpu.memory_space<hbm>>) target(%dma_start3A_74 : memref<128x32xf32, #tpu.memory_space<vmem>>) offsets(%dma_start3A_77 : memref<128xi32, #tpu.memory_space<vmem>>) semaphore(%arg13 : memref<!tpu.dma_semaphore, #tpu.memory_space<semaphore_mem>>)
      } else {
      }
      %ne3A = arith.constant 0 : i32
      %ne3A_31 = arith.cmpi ne, %arg0, %ne3A : i32
      %convert_element_type3A_32 = arith.extui %ne3A_31 : i1 to i32
      %cond3A_33 = arith.constant 0 : i32
      %cond3A_34 = arith.cmpi ne, %convert_element_type3A_32, %cond3A_33 : i32
      scf.if %cond3A_34 {
        %dma_start3A = arith.constant 0 : i32
        %dma_start3A_70 = arith.constant 0 : i32
        %dma_start3A_71 = arith.constant 0 : i32
        %dma_start3A_72 = arith.constant 0 : i32
        %dma_start3A_73 = tpu.memref_slice %arg10[%dma_start3A_70, %dma_start3A_71, %dma_start3A_72] : memref<4x128x32xf32, #tpu.memory_space<vmem>> -> memref<1x128x32xf32, #tpu.memory_space<vmem>>
        %dma_start3A_74 = tpu.memref_squeeze %dma_start3A_73 : memref<1x128x32xf32, #tpu.memory_space<vmem>> -> memref<128x32xf32, #tpu.memory_space<vmem>>
        %dma_start3A_75 = arith.constant 0 : i32
        %dma_start3A_76 = tpu.memref_slice %arg8[%dma_start3A, %dma_start3A_75] : memref<56x128xi32, #tpu.memory_space<vmem>> -> memref<1x128xi32, #tpu.memory_space<vmem>>
        %dma_start3A_77 = tpu.memref_squeeze %dma_start3A_76 : memref<1x128xi32, #tpu.memory_space<vmem>> -> memref<128xi32, #tpu.memory_space<vmem>>
        %dma_start3A_78 = arith.constant 0 : i32
        %dma_start3A_79 = arith.constant 0 : i32
        %dma_start3A_80 = tpu.memref_slice %arg3[%dma_start3A_78, %dma_start3A_79] : memref<50000x32xf32, #tpu.memory_space<hbm>> -> memref<50000x32xf32, #tpu.memory_space<hbm>>
        tpu.enqueue_indirect_dma source(%dma_start3A_80 : memref<50000x32xf32, #tpu.memory_space<hbm>>) target(%dma_start3A_74 : memref<128x32xf32, #tpu.memory_space<vmem>>) offsets(%dma_start3A_77 : memref<128xi32, #tpu.memory_space<vmem>>) semaphore(%arg13 : memref<!tpu.dma_semaphore, #tpu.memory_space<semaphore_mem>>)
      } else {
      }
      %eq3A_35 = arith.constant 0 : i32
      %eq3A_36 = arith.cmpi eq, %arg0, %eq3A_35 : i32
      %convert_element_type3A_37 = arith.extui %eq3A_36 : i1 to i32
      %cond3A_38 = arith.constant 0 : i32
      %cond3A_39 = arith.cmpi ne, %convert_element_type3A_37, %cond3A_38 : i32
      scf.if %cond3A_39 {
        %dma_start3A = arith.constant 1 : i32
        %dma_start3A_70 = arith.constant 1 : i32
        %dma_start3A_71 = arith.constant 0 : i32
        %dma_start3A_72 = arith.constant 0 : i32
        %dma_start3A_73 = tpu.memref_slice %arg10[%dma_start3A_70, %dma_start3A_71, %dma_start3A_72] : memref<4x128x32xf32, #tpu.memory_space<vmem>> -> memref<1x128x32xf32, #tpu.memory_space<vmem>>
        %dma_start3A_74 = tpu.memref_squeeze %dma_start3A_73 : memref<1x128x32xf32, #tpu.memory_space<vmem>> -> memref<128x32xf32, #tpu.memory_space<vmem>>
        %dma_start3A_75 = arith.constant 0 : i32
        %dma_start3A_76 = tpu.memref_slice %arg8[%dma_start3A, %dma_start3A_75] : memref<56x128xi32, #tpu.memory_space<vmem>> -> memref<1x128xi32, #tpu.memory_space<vmem>>
        %dma_start3A_77 = tpu.memref_squeeze %dma_start3A_76 : memref<1x128xi32, #tpu.memory_space<vmem>> -> memref<128xi32, #tpu.memory_space<vmem>>
        %dma_start3A_78 = arith.constant 0 : i32
        %dma_start3A_79 = arith.constant 0 : i32
        %dma_start3A_80 = tpu.memref_slice %arg2[%dma_start3A_78, %dma_start3A_79] : memref<50000x32xf32, #tpu.memory_space<hbm>> -> memref<50000x32xf32, #tpu.memory_space<hbm>>
        tpu.enqueue_indirect_dma source(%dma_start3A_80 : memref<50000x32xf32, #tpu.memory_space<hbm>>) target(%dma_start3A_74 : memref<128x32xf32, #tpu.memory_space<vmem>>) offsets(%dma_start3A_77 : memref<128xi32, #tpu.memory_space<vmem>>) semaphore(%arg14 : memref<!tpu.dma_semaphore, #tpu.memory_space<semaphore_mem>>)
      } else {
      }
      %ne3A_40 = arith.constant 0 : i32
      %ne3A_41 = arith.cmpi ne, %arg0, %ne3A_40 : i32
      %convert_element_type3A_42 = arith.extui %ne3A_41 : i1 to i32
      %cond3A_43 = arith.constant 0 : i32
      %cond3A_44 = arith.cmpi ne, %convert_element_type3A_42, %cond3A_43 : i32
      scf.if %cond3A_44 {
        %dma_start3A = arith.constant 1 : i32
        %dma_start3A_70 = arith.constant 1 : i32
        %dma_start3A_71 = arith.constant 0 : i32
        %dma_start3A_72 = arith.constant 0 : i32
        %dma_start3A_73 = tpu.memref_slice %arg10[%dma_start3A_70, %dma_start3A_71, %dma_start3A_72] : memref<4x128x32xf32, #tpu.memory_space<vmem>> -> memref<1x128x32xf32, #tpu.memory_space<vmem>>
        %dma_start3A_74 = tpu.memref_squeeze %dma_start3A_73 : memref<1x128x32xf32, #tpu.memory_space<vmem>> -> memref<128x32xf32, #tpu.memory_space<vmem>>
        %dma_start3A_75 = arith.constant 0 : i32
        %dma_start3A_76 = tpu.memref_slice %arg8[%dma_start3A, %dma_start3A_75] : memref<56x128xi32, #tpu.memory_space<vmem>> -> memref<1x128xi32, #tpu.memory_space<vmem>>
        %dma_start3A_77 = tpu.memref_squeeze %dma_start3A_76 : memref<1x128xi32, #tpu.memory_space<vmem>> -> memref<128xi32, #tpu.memory_space<vmem>>
        %dma_start3A_78 = arith.constant 0 : i32
        %dma_start3A_79 = arith.constant 0 : i32
        %dma_start3A_80 = tpu.memref_slice %arg3[%dma_start3A_78, %dma_start3A_79] : memref<50000x32xf32, #tpu.memory_space<hbm>> -> memref<50000x32xf32, #tpu.memory_space<hbm>>
        tpu.enqueue_indirect_dma source(%dma_start3A_80 : memref<50000x32xf32, #tpu.memory_space<hbm>>) target(%dma_start3A_74 : memref<128x32xf32, #tpu.memory_space<vmem>>) offsets(%dma_start3A_77 : memref<128xi32, #tpu.memory_space<vmem>>) semaphore(%arg14 : memref<!tpu.dma_semaphore, #tpu.memory_space<semaphore_mem>>)
      } else {
      }
      %eq3A_45 = arith.constant 0 : i32
      %eq3A_46 = arith.cmpi eq, %arg0, %eq3A_45 : i32
      %convert_element_type3A_47 = arith.extui %eq3A_46 : i1 to i32
      %cond3A_48 = arith.constant 0 : i32
      %cond3A_49 = arith.cmpi ne, %convert_element_type3A_47, %cond3A_48 : i32
      scf.if %cond3A_49 {
        %dma_start3A = arith.constant 2 : i32
        %dma_start3A_70 = arith.constant 2 : i32
        %dma_start3A_71 = arith.constant 0 : i32
        %dma_start3A_72 = arith.constant 0 : i32
        %dma_start3A_73 = tpu.memref_slice %arg10[%dma_start3A_70, %dma_start3A_71, %dma_start3A_72] : memref<4x128x32xf32, #tpu.memory_space<vmem>> -> memref<1x128x32xf32, #tpu.memory_space<vmem>>
        %dma_start3A_74 = tpu.memref_squeeze %dma_start3A_73 : memref<1x128x32xf32, #tpu.memory_space<vmem>> -> memref<128x32xf32, #tpu.memory_space<vmem>>
        %dma_start3A_75 = arith.constant 0 : i32
        %dma_start3A_76 = tpu.memref_slice %arg8[%dma_start3A, %dma_start3A_75] : memref<56x128xi32, #tpu.memory_space<vmem>> -> memref<1x128xi32, #tpu.memory_space<vmem>>
        %dma_start3A_77 = tpu.memref_squeeze %dma_start3A_76 : memref<1x128xi32, #tpu.memory_space<vmem>> -> memref<128xi32, #tpu.memory_space<vmem>>
        %dma_start3A_78 = arith.constant 0 : i32
        %dma_start3A_79 = arith.constant 0 : i32
        %dma_start3A_80 = tpu.memref_slice %arg2[%dma_start3A_78, %dma_start3A_79] : memref<50000x32xf32, #tpu.memory_space<hbm>> -> memref<50000x32xf32, #tpu.memory_space<hbm>>
        tpu.enqueue_indirect_dma source(%dma_start3A_80 : memref<50000x32xf32, #tpu.memory_space<hbm>>) target(%dma_start3A_74 : memref<128x32xf32, #tpu.memory_space<vmem>>) offsets(%dma_start3A_77 : memref<128xi32, #tpu.memory_space<vmem>>) semaphore(%arg15 : memref<!tpu.dma_semaphore, #tpu.memory_space<semaphore_mem>>)
      } else {
      }
      %ne3A_50 = arith.constant 0 : i32
      %ne3A_51 = arith.cmpi ne, %arg0, %ne3A_50 : i32
      %convert_element_type3A_52 = arith.extui %ne3A_51 : i1 to i32
      %cond3A_53 = arith.constant 0 : i32
      %cond3A_54 = arith.cmpi ne, %convert_element_type3A_52, %cond3A_53 : i32
      scf.if %cond3A_54 {
        %dma_start3A = arith.constant 2 : i32
        %dma_start3A_70 = arith.constant 2 : i32
        %dma_start3A_71 = arith.constant 0 : i32
        %dma_start3A_72 = arith.constant 0 : i32
        %dma_start3A_73 = tpu.memref_slice %arg10[%dma_start3A_70, %dma_start3A_71, %dma_start3A_72] : memref<4x128x32xf32, #tpu.memory_space<vmem>> -> memref<1x128x32xf32, #tpu.memory_space<vmem>>
        %dma_start3A_74 = tpu.memref_squeeze %dma_start3A_73 : memref<1x128x32xf32, #tpu.memory_space<vmem>> -> memref<128x32xf32, #tpu.memory_space<vmem>>
        %dma_start3A_75 = arith.constant 0 : i32
        %dma_start3A_76 = tpu.memref_slice %arg8[%dma_start3A, %dma_start3A_75] : memref<56x128xi32, #tpu.memory_space<vmem>> -> memref<1x128xi32, #tpu.memory_space<vmem>>
        %dma_start3A_77 = tpu.memref_squeeze %dma_start3A_76 : memref<1x128xi32, #tpu.memory_space<vmem>> -> memref<128xi32, #tpu.memory_space<vmem>>
        %dma_start3A_78 = arith.constant 0 : i32
        %dma_start3A_79 = arith.constant 0 : i32
        %dma_start3A_80 = tpu.memref_slice %arg3[%dma_start3A_78, %dma_start3A_79] : memref<50000x32xf32, #tpu.memory_space<hbm>> -> memref<50000x32xf32, #tpu.memory_space<hbm>>
        tpu.enqueue_indirect_dma source(%dma_start3A_80 : memref<50000x32xf32, #tpu.memory_space<hbm>>) target(%dma_start3A_74 : memref<128x32xf32, #tpu.memory_space<vmem>>) offsets(%dma_start3A_77 : memref<128xi32, #tpu.memory_space<vmem>>) semaphore(%arg15 : memref<!tpu.dma_semaphore, #tpu.memory_space<semaphore_mem>>)
      } else {
      }
      %eq3A_55 = arith.constant 0 : i32
      %eq3A_56 = arith.cmpi eq, %arg0, %eq3A_55 : i32
      %convert_element_type3A_57 = arith.extui %eq3A_56 : i1 to i32
      %cond3A_58 = arith.constant 0 : i32
      %cond3A_59 = arith.cmpi ne, %convert_element_type3A_57, %cond3A_58 : i32
      scf.if %cond3A_59 {
        %dma_start3A = arith.constant 3 : i32
        %dma_start3A_70 = arith.constant 3 : i32
        %dma_start3A_71 = arith.constant 0 : i32
        %dma_start3A_72 = arith.constant 0 : i32
        %dma_start3A_73 = tpu.memref_slice %arg10[%dma_start3A_70, %dma_start3A_71, %dma_start3A_72] : memref<4x128x32xf32, #tpu.memory_space<vmem>> -> memref<1x128x32xf32, #tpu.memory_space<vmem>>
        %dma_start3A_74 = tpu.memref_squeeze %dma_start3A_73 : memref<1x128x32xf32, #tpu.memory_space<vmem>> -> memref<128x32xf32, #tpu.memory_space<vmem>>
        %dma_start3A_75 = arith.constant 0 : i32
        %dma_start3A_76 = tpu.memref_slice %arg8[%dma_start3A, %dma_start3A_75] : memref<56x128xi32, #tpu.memory_space<vmem>> -> memref<1x128xi32, #tpu.memory_space<vmem>>
        %dma_start3A_77 = tpu.memref_squeeze %dma_start3A_76 : memref<1x128xi32, #tpu.memory_space<vmem>> -> memref<128xi32, #tpu.memory_space<vmem>>
        %dma_start3A_78 = arith.constant 0 : i32
        %dma_start3A_79 = arith.constant 0 : i32
        %dma_start3A_80 = tpu.memref_slice %arg2[%dma_start3A_78, %dma_start3A_79] : memref<50000x32xf32, #tpu.memory_space<hbm>> -> memref<50000x32xf32, #tpu.memory_space<hbm>>
        tpu.enqueue_indirect_dma source(%dma_start3A_80 : memref<50000x32xf32, #tpu.memory_space<hbm>>) target(%dma_start3A_74 : memref<128x32xf32, #tpu.memory_space<vmem>>) offsets(%dma_start3A_77 : memref<128xi32, #tpu.memory_space<vmem>>) semaphore(%arg16 : memref<!tpu.dma_semaphore, #tpu.memory_space<semaphore_mem>>)
      } else {
      }
      %ne3A_60 = arith.constant 0 : i32
      %ne3A_61 = arith.cmpi ne, %arg0, %ne3A_60 : i32
      %convert_element_type3A_62 = arith.extui %ne3A_61 : i1 to i32
      %cond3A_63 = arith.constant 0 : i32
      %cond3A_64 = arith.cmpi ne, %convert_element_type3A_62, %cond3A_63 : i32
      scf.if %cond3A_64 {
        %dma_start3A = arith.constant 3 : i32
        %dma_start3A_70 = arith.constant 3 : i32
        %dma_start3A_71 = arith.constant 0 : i32
        %dma_start3A_72 = arith.constant 0 : i32
        %dma_start3A_73 = tpu.memref_slice %arg10[%dma_start3A_70, %dma_start3A_71, %dma_start3A_72] : memref<4x128x32xf32, #tpu.memory_space<vmem>> -> memref<1x128x32xf32, #tpu.memory_space<vmem>>
        %dma_start3A_74 = tpu.memref_squeeze %dma_start3A_73 : memref<1x128x32xf32, #tpu.memory_space<vmem>> -> memref<128x32xf32, #tpu.memory_space<vmem>>
        %dma_start3A_75 = arith.constant 0 : i32
        %dma_start3A_76 = tpu.memref_slice %arg8[%dma_start3A, %dma_start3A_75] : memref<56x128xi32, #tpu.memory_space<vmem>> -> memref<1x128xi32, #tpu.memory_space<vmem>>
        %dma_start3A_77 = tpu.memref_squeeze %dma_start3A_76 : memref<1x128xi32, #tpu.memory_space<vmem>> -> memref<128xi32, #tpu.memory_space<vmem>>
        %dma_start3A_78 = arith.constant 0 : i32
        %dma_start3A_79 = arith.constant 0 : i32
        %dma_start3A_80 = tpu.memref_slice %arg3[%dma_start3A_78, %dma_start3A_79] : memref<50000x32xf32, #tpu.memory_space<hbm>> -> memref<50000x32xf32, #tpu.memory_space<hbm>>
        tpu.enqueue_indirect_dma source(%dma_start3A_80 : memref<50000x32xf32, #tpu.memory_space<hbm>>) target(%dma_start3A_74 : memref<128x32xf32, #tpu.memory_space<vmem>>) offsets(%dma_start3A_77 : memref<128xi32, #tpu.memory_space<vmem>>) semaphore(%arg16 : memref<!tpu.dma_semaphore, #tpu.memory_space<semaphore_mem>>)
      } else {
      }
      %scan3A_65 = arith.constant 0 : i32
      %scan3A_66 = arith.constant 14 : i32
      %scan3A_67 = arith.addi %scan3A_65, %scan3A_66 : i32
      %scan3A_68 = arith.constant 1 : i32
      scf.for %scan3A_70 = %scan3A_65 to %scan3A_67 step %scan3A_68  : i32 {
        %mul3A_71 = arith.constant 4 : i32
        %mul3A_72 = arith.muli %scan3A_70, %mul3A_71 : i32
        %add3A_73 = arith.constant 0 : i32
        %add3A_74 = arith.addi %mul3A_72, %add3A_73 : i32
        %dma_wait3A = arith.constant 0 : i32
        %dma_wait3A_75 = arith.constant 0 : i32
        %dma_wait3A_76 = arith.constant 0 : i32
        %dma_wait3A_77 = tpu.memref_slice %arg10[%dma_wait3A, %dma_wait3A_75, %dma_wait3A_76] : memref<4x128x32xf32, #tpu.memory_space<vmem>> -> memref<1x128x32xf32, #tpu.memory_space<vmem>>
        %dma_wait3A_78 = tpu.memref_squeeze %dma_wait3A_77 : memref<1x128x32xf32, #tpu.memory_space<vmem>> -> memref<128x32xf32, #tpu.memory_space<vmem>>
        %dma_wait3A_79 = arith.constant 0 : i32
        %dma_wait3A_80 = arith.constant 0 : i32
        %dma_wait3A_81 = tpu.memref_slice %arg2[%dma_wait3A_79, %dma_wait3A_80] : memref<50000x32xf32, #tpu.memory_space<hbm>> -> memref<128x32xf32, #tpu.memory_space<hbm>>
        %dma_wait3A_82 = arith.constant 0 : i32
        %dma_wait3A_83 = arith.constant 0 : i32
        %dma_wait3A_84 = tpu.memref_slice %arg10[%dma_wait3A, %dma_wait3A_82, %dma_wait3A_83] : memref<4x128x32xf32, #tpu.memory_space<vmem>> -> memref<1x128x32xf32, #tpu.memory_space<vmem>>
        %dma_wait3A_85 = tpu.memref_squeeze %dma_wait3A_84 : memref<1x128x32xf32, #tpu.memory_space<vmem>> -> memref<128x32xf32, #tpu.memory_space<vmem>>
        %dma_wait3A_86 = arith.constant 0 : i32
        %dma_wait3A_87 = arith.constant 0 : i32
        %dma_wait3A_88 = tpu.memref_slice %arg2[%dma_wait3A_86, %dma_wait3A_87] : memref<50000x32xf32, #tpu.memory_space<hbm>> -> memref<128x32xf32, #tpu.memory_space<hbm>>
        tpu.wait_dma2 semaphore(%arg13 : memref<!tpu.dma_semaphore, #tpu.memory_space<semaphore_mem>>) src(%dma_wait3A_88 : memref<128x32xf32, #tpu.memory_space<hbm>>) dst(%dma_wait3A_85 : memref<128x32xf32, #tpu.memory_space<vmem>>)
        %dma_start3A = arith.constant 0 : i32
        %dma_start3A_89 = arith.constant 0 : i32
        %dma_start3A_90 = arith.constant 0 : i32
        %dma_start3A_91 = tpu.memref_slice %arg10[%dma_start3A, %dma_start3A_89, %dma_start3A_90] : memref<4x128x32xf32, #tpu.memory_space<vmem>> -> memref<1x128x32xf32, #tpu.memory_space<vmem>>
        %dma_start3A_92 = tpu.memref_squeeze %dma_start3A_91 : memref<1x128x32xf32, #tpu.memory_space<vmem>> -> memref<128x32xf32, #tpu.memory_space<vmem>>
        %dma_start3A_93 = arith.constant 0 : i32
        %dma_start3A_94 = tpu.memref_slice %arg9[%add3A_74, %dma_start3A_93] : memref<56x128xi32, #tpu.memory_space<vmem>> -> memref<1x128xi32, #tpu.memory_space<vmem>>
        %dma_start3A_95 = tpu.memref_squeeze %dma_start3A_94 : memref<1x128xi32, #tpu.memory_space<vmem>> -> memref<128xi32, #tpu.memory_space<vmem>>
        %dma_start3A_96 = arith.constant 0 : i32
        %dma_start3A_97 = arith.constant 0 : i32
        %dma_start3A_98 = tpu.memref_slice %arg11[%dma_start3A_96, %dma_start3A_97] : memref<50008x32xf32, #tpu.memory_space<vmem_shared>> -> memref<50008x32xf32, #tpu.memory_space<vmem_shared>>
        tpu.enqueue_indirect_dma source(%dma_start3A_92 : memref<128x32xf32, #tpu.memory_space<vmem>>) target(%dma_start3A_98 : memref<50008x32xf32, #tpu.memory_space<vmem_shared>>) offsets(%dma_start3A_95 : memref<128xi32, #tpu.memory_space<vmem>>) semaphore(%arg17 : memref<!tpu.dma_semaphore, #tpu.memory_space<semaphore_mem>>) {add = true}
        %dma_wait3A_99 = arith.constant 0 : i32
        %dma_wait3A_100 = arith.constant 0 : i32
        %dma_wait3A_101 = arith.constant 0 : i32
        %dma_wait3A_102 = tpu.memref_slice %arg10[%dma_wait3A_99, %dma_wait3A_100, %dma_wait3A_101] : memref<4x128x32xf32, #tpu.memory_space<vmem>> -> memref<1x128x32xf32, #tpu.memory_space<vmem>>
        %dma_wait3A_103 = tpu.memref_squeeze %dma_wait3A_102 : memref<1x128x32xf32, #tpu.memory_space<vmem>> -> memref<128x32xf32, #tpu.memory_space<vmem>>
        %dma_wait3A_104 = arith.constant 0 : i32
        %dma_wait3A_105 = arith.constant 0 : i32
        %dma_wait3A_106 = tpu.memref_slice %arg2[%dma_wait3A_104, %dma_wait3A_105] : memref<50000x32xf32, #tpu.memory_space<hbm>> -> memref<128x32xf32, #tpu.memory_space<hbm>>
        %dma_wait3A_107 = arith.constant 0 : i32
        %dma_wait3A_108 = arith.constant 0 : i32
        %dma_wait3A_109 = tpu.memref_slice %arg10[%dma_wait3A_99, %dma_wait3A_107, %dma_wait3A_108] : memref<4x128x32xf32, #tpu.memory_space<vmem>> -> memref<1x128x32xf32, #tpu.memory_space<vmem>>
        %dma_wait3A_110 = tpu.memref_squeeze %dma_wait3A_109 : memref<1x128x32xf32, #tpu.memory_space<vmem>> -> memref<128x32xf32, #tpu.memory_space<vmem>>
        %dma_wait3A_111 = arith.constant 0 : i32
        %dma_wait3A_112 = arith.constant 0 : i32
        %dma_wait3A_113 = tpu.memref_slice %arg2[%dma_wait3A_111, %dma_wait3A_112] : memref<50000x32xf32, #tpu.memory_space<hbm>> -> memref<128x32xf32, #tpu.memory_space<hbm>>
        tpu.wait_dma2 semaphore(%arg17 : memref<!tpu.dma_semaphore, #tpu.memory_space<semaphore_mem>>) src(%dma_wait3A_113 : memref<128x32xf32, #tpu.memory_space<hbm>>) dst(%dma_wait3A_110 : memref<128x32xf32, #tpu.memory_space<vmem>>)
        %add3A_114 = arith.constant 4 : i32
        %add3A_115 = arith.addi %add3A_74, %add3A_114 : i32
        %lt3A_116 = arith.constant 56 : i32
        %lt3A_117 = arith.cmpi slt, %add3A_115, %lt3A_116 : i32
        %convert_element_type3A_118 = arith.extui %lt3A_117 : i1 to i32
        %cond3A_119 = arith.constant 0 : i32
        %cond3A_120 = arith.cmpi ne, %convert_element_type3A_118, %cond3A_119 : i32
        scf.if %cond3A_120 {
          %add3A_277 = arith.constant 4 : i32
          %add3A_278 = arith.addi %add3A_74, %add3A_277 : i32
          %eq3A_279 = arith.constant 0 : i32
          %eq3A_280 = arith.cmpi eq, %arg0, %eq3A_279 : i32
          %convert_element_type3A_281 = arith.extui %eq3A_280 : i1 to i32
          %cond3A_282 = arith.constant 0 : i32
          %cond3A_283 = arith.cmpi ne, %convert_element_type3A_281, %cond3A_282 : i32
          scf.if %cond3A_283 {
            %dma_start3A_289 = arith.constant 0 : i32
            %dma_start3A_290 = arith.constant 0 : i32
            %dma_start3A_291 = arith.constant 0 : i32
            %dma_start3A_292 = tpu.memref_slice %arg10[%dma_start3A_289, %dma_start3A_290, %dma_start3A_291] : memref<4x128x32xf32, #tpu.memory_space<vmem>> -> memref<1x128x32xf32, #tpu.memory_space<vmem>>
            %dma_start3A_293 = tpu.memref_squeeze %dma_start3A_292 : memref<1x128x32xf32, #tpu.memory_space<vmem>> -> memref<128x32xf32, #tpu.memory_space<vmem>>
            %dma_start3A_294 = arith.constant 0 : i32
            %dma_start3A_295 = tpu.memref_slice %arg8[%add3A_278, %dma_start3A_294] : memref<56x128xi32, #tpu.memory_space<vmem>> -> memref<1x128xi32, #tpu.memory_space<vmem>>
            %dma_start3A_296 = tpu.memref_squeeze %dma_start3A_295 : memref<1x128xi32, #tpu.memory_space<vmem>> -> memref<128xi32, #tpu.memory_space<vmem>>
            %dma_start3A_297 = arith.constant 0 : i32
            %dma_start3A_298 = arith.constant 0 : i32
            %dma_start3A_299 = tpu.memref_slice %arg2[%dma_start3A_297, %dma_start3A_298] : memref<50000x32xf32, #tpu.memory_space<hbm>> -> memref<50000x32xf32, #tpu.memory_space<hbm>>
            tpu.enqueue_indirect_dma source(%dma_start3A_299 : memref<50000x32xf32, #tpu.memory_space<hbm>>) target(%dma_start3A_293 : memref<128x32xf32, #tpu.memory_space<vmem>>) offsets(%dma_start3A_296 : memref<128xi32, #tpu.memory_space<vmem>>) semaphore(%arg13 : memref<!tpu.dma_semaphore, #tpu.memory_space<semaphore_mem>>)
          } else {
          }
          %ne3A_284 = arith.constant 0 : i32
          %ne3A_285 = arith.cmpi ne, %arg0, %ne3A_284 : i32
          %convert_element_type3A_286 = arith.extui %ne3A_285 : i1 to i32
          %cond3A_287 = arith.constant 0 : i32
          %cond3A_288 = arith.cmpi ne, %convert_element_type3A_286, %cond3A_287 : i32
          scf.if %cond3A_288 {
            %dma_start3A_289 = arith.constant 0 : i32
            %dma_start3A_290 = arith.constant 0 : i32
            %dma_start3A_291 = arith.constant 0 : i32
            %dma_start3A_292 = tpu.memref_slice %arg10[%dma_start3A_289, %dma_start3A_290, %dma_start3A_291] : memref<4x128x32xf32, #tpu.memory_space<vmem>> -> memref<1x128x32xf32, #tpu.memory_space<vmem>>
            %dma_start3A_293 = tpu.memref_squeeze %dma_start3A_292 : memref<1x128x32xf32, #tpu.memory_space<vmem>> -> memref<128x32xf32, #tpu.memory_space<vmem>>
            %dma_start3A_294 = arith.constant 0 : i32
            %dma_start3A_295 = tpu.memref_slice %arg8[%add3A_278, %dma_start3A_294] : memref<56x128xi32, #tpu.memory_space<vmem>> -> memref<1x128xi32, #tpu.memory_space<vmem>>
            %dma_start3A_296 = tpu.memref_squeeze %dma_start3A_295 : memref<1x128xi32, #tpu.memory_space<vmem>> -> memref<128xi32, #tpu.memory_space<vmem>>
            %dma_start3A_297 = arith.constant 0 : i32
            %dma_start3A_298 = arith.constant 0 : i32
            %dma_start3A_299 = tpu.memref_slice %arg3[%dma_start3A_297, %dma_start3A_298] : memref<50000x32xf32, #tpu.memory_space<hbm>> -> memref<50000x32xf32, #tpu.memory_space<hbm>>
            tpu.enqueue_indirect_dma source(%dma_start3A_299 : memref<50000x32xf32, #tpu.memory_space<hbm>>) target(%dma_start3A_293 : memref<128x32xf32, #tpu.memory_space<vmem>>) offsets(%dma_start3A_296 : memref<128xi32, #tpu.memory_space<vmem>>) semaphore(%arg13 : memref<!tpu.dma_semaphore, #tpu.memory_space<semaphore_mem>>)
          } else {
          }
        } else {
        }
        %mul3A_121 = arith.constant 4 : i32
        %mul3A_122 = arith.muli %scan3A_70, %mul3A_121 : i32
        %add3A_123 = arith.constant 1 : i32
        %add3A_124 = arith.addi %mul3A_122, %add3A_123 : i32
        %dma_wait3A_125 = arith.constant 1 : i32
        %dma_wait3A_126 = arith.constant 0 : i32
        %dma_wait3A_127 = arith.constant 0 : i32
        %dma_wait3A_128 = tpu.memref_slice %arg10[%dma_wait3A_125, %dma_wait3A_126, %dma_wait3A_127] : memref<4x128x32xf32, #tpu.memory_space<vmem>> -> memref<1x128x32xf32, #tpu.memory_space<vmem>>
        %dma_wait3A_129 = tpu.memref_squeeze %dma_wait3A_128 : memref<1x128x32xf32, #tpu.memory_space<vmem>> -> memref<128x32xf32, #tpu.memory_space<vmem>>
        %dma_wait3A_130 = arith.constant 0 : i32
        %dma_wait3A_131 = arith.constant 0 : i32
        %dma_wait3A_132 = tpu.memref_slice %arg2[%dma_wait3A_130, %dma_wait3A_131] : memref<50000x32xf32, #tpu.memory_space<hbm>> -> memref<128x32xf32, #tpu.memory_space<hbm>>
        %dma_wait3A_133 = arith.constant 0 : i32
        %dma_wait3A_134 = arith.constant 0 : i32
        %dma_wait3A_135 = tpu.memref_slice %arg10[%dma_wait3A_125, %dma_wait3A_133, %dma_wait3A_134] : memref<4x128x32xf32, #tpu.memory_space<vmem>> -> memref<1x128x32xf32, #tpu.memory_space<vmem>>
        %dma_wait3A_136 = tpu.memref_squeeze %dma_wait3A_135 : memref<1x128x32xf32, #tpu.memory_space<vmem>> -> memref<128x32xf32, #tpu.memory_space<vmem>>
        %dma_wait3A_137 = arith.constant 0 : i32
        %dma_wait3A_138 = arith.constant 0 : i32
        %dma_wait3A_139 = tpu.memref_slice %arg2[%dma_wait3A_137, %dma_wait3A_138] : memref<50000x32xf32, #tpu.memory_space<hbm>> -> memref<128x32xf32, #tpu.memory_space<hbm>>
        tpu.wait_dma2 semaphore(%arg14 : memref<!tpu.dma_semaphore, #tpu.memory_space<semaphore_mem>>) src(%dma_wait3A_139 : memref<128x32xf32, #tpu.memory_space<hbm>>) dst(%dma_wait3A_136 : memref<128x32xf32, #tpu.memory_space<vmem>>)
        %dma_start3A_140 = arith.constant 1 : i32
        %dma_start3A_141 = arith.constant 0 : i32
        %dma_start3A_142 = arith.constant 0 : i32
        %dma_start3A_143 = tpu.memref_slice %arg10[%dma_start3A_140, %dma_start3A_141, %dma_start3A_142] : memref<4x128x32xf32, #tpu.memory_space<vmem>> -> memref<1x128x32xf32, #tpu.memory_space<vmem>>
        %dma_start3A_144 = tpu.memref_squeeze %dma_start3A_143 : memref<1x128x32xf32, #tpu.memory_space<vmem>> -> memref<128x32xf32, #tpu.memory_space<vmem>>
        %dma_start3A_145 = arith.constant 0 : i32
        %dma_start3A_146 = tpu.memref_slice %arg9[%add3A_124, %dma_start3A_145] : memref<56x128xi32, #tpu.memory_space<vmem>> -> memref<1x128xi32, #tpu.memory_space<vmem>>
        %dma_start3A_147 = tpu.memref_squeeze %dma_start3A_146 : memref<1x128xi32, #tpu.memory_space<vmem>> -> memref<128xi32, #tpu.memory_space<vmem>>
        %dma_start3A_148 = arith.constant 0 : i32
        %dma_start3A_149 = arith.constant 0 : i32
        %dma_start3A_150 = tpu.memref_slice %arg11[%dma_start3A_148, %dma_start3A_149] : memref<50008x32xf32, #tpu.memory_space<vmem_shared>> -> memref<50008x32xf32, #tpu.memory_space<vmem_shared>>
        tpu.enqueue_indirect_dma source(%dma_start3A_144 : memref<128x32xf32, #tpu.memory_space<vmem>>) target(%dma_start3A_150 : memref<50008x32xf32, #tpu.memory_space<vmem_shared>>) offsets(%dma_start3A_147 : memref<128xi32, #tpu.memory_space<vmem>>) semaphore(%arg18 : memref<!tpu.dma_semaphore, #tpu.memory_space<semaphore_mem>>) {add = true}
        %dma_wait3A_151 = arith.constant 1 : i32
        %dma_wait3A_152 = arith.constant 0 : i32
        %dma_wait3A_153 = arith.constant 0 : i32
        %dma_wait3A_154 = tpu.memref_slice %arg10[%dma_wait3A_151, %dma_wait3A_152, %dma_wait3A_153] : memref<4x128x32xf32, #tpu.memory_space<vmem>> -> memref<1x128x32xf32, #tpu.memory_space<vmem>>
        %dma_wait3A_155 = tpu.memref_squeeze %dma_wait3A_154 : memref<1x128x32xf32, #tpu.memory_space<vmem>> -> memref<128x32xf32, #tpu.memory_space<vmem>>
        %dma_wait3A_156 = arith.constant 0 : i32
        %dma_wait3A_157 = arith.constant 0 : i32
        %dma_wait3A_158 = tpu.memref_slice %arg2[%dma_wait3A_156, %dma_wait3A_157] : memref<50000x32xf32, #tpu.memory_space<hbm>> -> memref<128x32xf32, #tpu.memory_space<hbm>>
        %dma_wait3A_159 = arith.constant 0 : i32
        %dma_wait3A_160 = arith.constant 0 : i32
        %dma_wait3A_161 = tpu.memref_slice %arg10[%dma_wait3A_151, %dma_wait3A_159, %dma_wait3A_160] : memref<4x128x32xf32, #tpu.memory_space<vmem>> -> memref<1x128x32xf32, #tpu.memory_space<vmem>>
        %dma_wait3A_162 = tpu.memref_squeeze %dma_wait3A_161 : memref<1x128x32xf32, #tpu.memory_space<vmem>> -> memref<128x32xf32, #tpu.memory_space<vmem>>
        %dma_wait3A_163 = arith.constant 0 : i32
        %dma_wait3A_164 = arith.constant 0 : i32
        %dma_wait3A_165 = tpu.memref_slice %arg2[%dma_wait3A_163, %dma_wait3A_164] : memref<50000x32xf32, #tpu.memory_space<hbm>> -> memref<128x32xf32, #tpu.memory_space<hbm>>
        tpu.wait_dma2 semaphore(%arg18 : memref<!tpu.dma_semaphore, #tpu.memory_space<semaphore_mem>>) src(%dma_wait3A_165 : memref<128x32xf32, #tpu.memory_space<hbm>>) dst(%dma_wait3A_162 : memref<128x32xf32, #tpu.memory_space<vmem>>)
        %add3A_166 = arith.constant 4 : i32
        %add3A_167 = arith.addi %add3A_124, %add3A_166 : i32
        %lt3A_168 = arith.constant 56 : i32
        %lt3A_169 = arith.cmpi slt, %add3A_167, %lt3A_168 : i32
        %convert_element_type3A_170 = arith.extui %lt3A_169 : i1 to i32
        %cond3A_171 = arith.constant 0 : i32
        %cond3A_172 = arith.cmpi ne, %convert_element_type3A_170, %cond3A_171 : i32
        scf.if %cond3A_172 {
          %add3A_277 = arith.constant 4 : i32
          %add3A_278 = arith.addi %add3A_124, %add3A_277 : i32
          %eq3A_279 = arith.constant 0 : i32
          %eq3A_280 = arith.cmpi eq, %arg0, %eq3A_279 : i32
          %convert_element_type3A_281 = arith.extui %eq3A_280 : i1 to i32
          %cond3A_282 = arith.constant 0 : i32
          %cond3A_283 = arith.cmpi ne, %convert_element_type3A_281, %cond3A_282 : i32
          scf.if %cond3A_283 {
            %dma_start3A_289 = arith.constant 1 : i32
            %dma_start3A_290 = arith.constant 0 : i32
            %dma_start3A_291 = arith.constant 0 : i32
            %dma_start3A_292 = tpu.memref_slice %arg10[%dma_start3A_289, %dma_start3A_290, %dma_start3A_291] : memref<4x128x32xf32, #tpu.memory_space<vmem>> -> memref<1x128x32xf32, #tpu.memory_space<vmem>>
            %dma_start3A_293 = tpu.memref_squeeze %dma_start3A_292 : memref<1x128x32xf32, #tpu.memory_space<vmem>> -> memref<128x32xf32, #tpu.memory_space<vmem>>
            %dma_start3A_294 = arith.constant 0 : i32
            %dma_start3A_295 = tpu.memref_slice %arg8[%add3A_278, %dma_start3A_294] : memref<56x128xi32, #tpu.memory_space<vmem>> -> memref<1x128xi32, #tpu.memory_space<vmem>>
            %dma_start3A_296 = tpu.memref_squeeze %dma_start3A_295 : memref<1x128xi32, #tpu.memory_space<vmem>> -> memref<128xi32, #tpu.memory_space<vmem>>
            %dma_start3A_297 = arith.constant 0 : i32
            %dma_start3A_298 = arith.constant 0 : i32
            %dma_start3A_299 = tpu.memref_slice %arg2[%dma_start3A_297, %dma_start3A_298] : memref<50000x32xf32, #tpu.memory_space<hbm>> -> memref<50000x32xf32, #tpu.memory_space<hbm>>
            tpu.enqueue_indirect_dma source(%dma_start3A_299 : memref<50000x32xf32, #tpu.memory_space<hbm>>) target(%dma_start3A_293 : memref<128x32xf32, #tpu.memory_space<vmem>>) offsets(%dma_start3A_296 : memref<128xi32, #tpu.memory_space<vmem>>) semaphore(%arg14 : memref<!tpu.dma_semaphore, #tpu.memory_space<semaphore_mem>>)
          } else {
          }
          %ne3A_284 = arith.constant 0 : i32
          %ne3A_285 = arith.cmpi ne, %arg0, %ne3A_284 : i32
          %convert_element_type3A_286 = arith.extui %ne3A_285 : i1 to i32
          %cond3A_287 = arith.constant 0 : i32
          %cond3A_288 = arith.cmpi ne, %convert_element_type3A_286, %cond3A_287 : i32
          scf.if %cond3A_288 {
            %dma_start3A_289 = arith.constant 1 : i32
            %dma_start3A_290 = arith.constant 0 : i32
            %dma_start3A_291 = arith.constant 0 : i32
            %dma_start3A_292 = tpu.memref_slice %arg10[%dma_start3A_289, %dma_start3A_290, %dma_start3A_291] : memref<4x128x32xf32, #tpu.memory_space<vmem>> -> memref<1x128x32xf32, #tpu.memory_space<vmem>>
            %dma_start3A_293 = tpu.memref_squeeze %dma_start3A_292 : memref<1x128x32xf32, #tpu.memory_space<vmem>> -> memref<128x32xf32, #tpu.memory_space<vmem>>
            %dma_start3A_294 = arith.constant 0 : i32
            %dma_start3A_295 = tpu.memref_slice %arg8[%add3A_278, %dma_start3A_294] : memref<56x128xi32, #tpu.memory_space<vmem>> -> memref<1x128xi32, #tpu.memory_space<vmem>>
            %dma_start3A_296 = tpu.memref_squeeze %dma_start3A_295 : memref<1x128xi32, #tpu.memory_space<vmem>> -> memref<128xi32, #tpu.memory_space<vmem>>
            %dma_start3A_297 = arith.constant 0 : i32
            %dma_start3A_298 = arith.constant 0 : i32
            %dma_start3A_299 = tpu.memref_slice %arg3[%dma_start3A_297, %dma_start3A_298] : memref<50000x32xf32, #tpu.memory_space<hbm>> -> memref<50000x32xf32, #tpu.memory_space<hbm>>
            tpu.enqueue_indirect_dma source(%dma_start3A_299 : memref<50000x32xf32, #tpu.memory_space<hbm>>) target(%dma_start3A_293 : memref<128x32xf32, #tpu.memory_space<vmem>>) offsets(%dma_start3A_296 : memref<128xi32, #tpu.memory_space<vmem>>) semaphore(%arg14 : memref<!tpu.dma_semaphore, #tpu.memory_space<semaphore_mem>>)
          } else {
          }
        } else {
        }
        %mul3A_173 = arith.constant 4 : i32
        %mul3A_174 = arith.muli %scan3A_70, %mul3A_173 : i32
        %add3A_175 = arith.constant 2 : i32
        %add3A_176 = arith.addi %mul3A_174, %add3A_175 : i32
        %dma_wait3A_177 = arith.constant 2 : i32
        %dma_wait3A_178 = arith.constant 0 : i32
        %dma_wait3A_179 = arith.constant 0 : i32
        %dma_wait3A_180 = tpu.memref_slice %arg10[%dma_wait3A_177, %dma_wait3A_178, %dma_wait3A_179] : memref<4x128x32xf32, #tpu.memory_space<vmem>> -> memref<1x128x32xf32, #tpu.memory_space<vmem>>
        %dma_wait3A_181 = tpu.memref_squeeze %dma_wait3A_180 : memref<1x128x32xf32, #tpu.memory_space<vmem>> -> memref<128x32xf32, #tpu.memory_space<vmem>>
        %dma_wait3A_182 = arith.constant 0 : i32
        %dma_wait3A_183 = arith.constant 0 : i32
        %dma_wait3A_184 = tpu.memref_slice %arg2[%dma_wait3A_182, %dma_wait3A_183] : memref<50000x32xf32, #tpu.memory_space<hbm>> -> memref<128x32xf32, #tpu.memory_space<hbm>>
        %dma_wait3A_185 = arith.constant 0 : i32
        %dma_wait3A_186 = arith.constant 0 : i32
        %dma_wait3A_187 = tpu.memref_slice %arg10[%dma_wait3A_177, %dma_wait3A_185, %dma_wait3A_186] : memref<4x128x32xf32, #tpu.memory_space<vmem>> -> memref<1x128x32xf32, #tpu.memory_space<vmem>>
        %dma_wait3A_188 = tpu.memref_squeeze %dma_wait3A_187 : memref<1x128x32xf32, #tpu.memory_space<vmem>> -> memref<128x32xf32, #tpu.memory_space<vmem>>
        %dma_wait3A_189 = arith.constant 0 : i32
        %dma_wait3A_190 = arith.constant 0 : i32
        %dma_wait3A_191 = tpu.memref_slice %arg2[%dma_wait3A_189, %dma_wait3A_190] : memref<50000x32xf32, #tpu.memory_space<hbm>> -> memref<128x32xf32, #tpu.memory_space<hbm>>
        tpu.wait_dma2 semaphore(%arg15 : memref<!tpu.dma_semaphore, #tpu.memory_space<semaphore_mem>>) src(%dma_wait3A_191 : memref<128x32xf32, #tpu.memory_space<hbm>>) dst(%dma_wait3A_188 : memref<128x32xf32, #tpu.memory_space<vmem>>)
        %dma_start3A_192 = arith.constant 2 : i32
        %dma_start3A_193 = arith.constant 0 : i32
        %dma_start3A_194 = arith.constant 0 : i32
        %dma_start3A_195 = tpu.memref_slice %arg10[%dma_start3A_192, %dma_start3A_193, %dma_start3A_194] : memref<4x128x32xf32, #tpu.memory_space<vmem>> -> memref<1x128x32xf32, #tpu.memory_space<vmem>>
        %dma_start3A_196 = tpu.memref_squeeze %dma_start3A_195 : memref<1x128x32xf32, #tpu.memory_space<vmem>> -> memref<128x32xf32, #tpu.memory_space<vmem>>
        %dma_start3A_197 = arith.constant 0 : i32
        %dma_start3A_198 = tpu.memref_slice %arg9[%add3A_176, %dma_start3A_197] : memref<56x128xi32, #tpu.memory_space<vmem>> -> memref<1x128xi32, #tpu.memory_space<vmem>>
        %dma_start3A_199 = tpu.memref_squeeze %dma_start3A_198 : memref<1x128xi32, #tpu.memory_space<vmem>> -> memref<128xi32, #tpu.memory_space<vmem>>
        %dma_start3A_200 = arith.constant 0 : i32
        %dma_start3A_201 = arith.constant 0 : i32
        %dma_start3A_202 = tpu.memref_slice %arg11[%dma_start3A_200, %dma_start3A_201] : memref<50008x32xf32, #tpu.memory_space<vmem_shared>> -> memref<50008x32xf32, #tpu.memory_space<vmem_shared>>
        tpu.enqueue_indirect_dma source(%dma_start3A_196 : memref<128x32xf32, #tpu.memory_space<vmem>>) target(%dma_start3A_202 : memref<50008x32xf32, #tpu.memory_space<vmem_shared>>) offsets(%dma_start3A_199 : memref<128xi32, #tpu.memory_space<vmem>>) semaphore(%arg19 : memref<!tpu.dma_semaphore, #tpu.memory_space<semaphore_mem>>) {add = true}
        %dma_wait3A_203 = arith.constant 2 : i32
        %dma_wait3A_204 = arith.constant 0 : i32
        %dma_wait3A_205 = arith.constant 0 : i32
        %dma_wait3A_206 = tpu.memref_slice %arg10[%dma_wait3A_203, %dma_wait3A_204, %dma_wait3A_205] : memref<4x128x32xf32, #tpu.memory_space<vmem>> -> memref<1x128x32xf32, #tpu.memory_space<vmem>>
        %dma_wait3A_207 = tpu.memref_squeeze %dma_wait3A_206 : memref<1x128x32xf32, #tpu.memory_space<vmem>> -> memref<128x32xf32, #tpu.memory_space<vmem>>
        %dma_wait3A_208 = arith.constant 0 : i32
        %dma_wait3A_209 = arith.constant 0 : i32
        %dma_wait3A_210 = tpu.memref_slice %arg2[%dma_wait3A_208, %dma_wait3A_209] : memref<50000x32xf32, #tpu.memory_space<hbm>> -> memref<128x32xf32, #tpu.memory_space<hbm>>
        %dma_wait3A_211 = arith.constant 0 : i32
        %dma_wait3A_212 = arith.constant 0 : i32
        %dma_wait3A_213 = tpu.memref_slice %arg10[%dma_wait3A_203, %dma_wait3A_211, %dma_wait3A_212] : memref<4x128x32xf32, #tpu.memory_space<vmem>> -> memref<1x128x32xf32, #tpu.memory_space<vmem>>
        %dma_wait3A_214 = tpu.memref_squeeze %dma_wait3A_213 : memref<1x128x32xf32, #tpu.memory_space<vmem>> -> memref<128x32xf32, #tpu.memory_space<vmem>>
        %dma_wait3A_215 = arith.constant 0 : i32
        %dma_wait3A_216 = arith.constant 0 : i32
        %dma_wait3A_217 = tpu.memref_slice %arg2[%dma_wait3A_215, %dma_wait3A_216] : memref<50000x32xf32, #tpu.memory_space<hbm>> -> memref<128x32xf32, #tpu.memory_space<hbm>>
        tpu.wait_dma2 semaphore(%arg19 : memref<!tpu.dma_semaphore, #tpu.memory_space<semaphore_mem>>) src(%dma_wait3A_217 : memref<128x32xf32, #tpu.memory_space<hbm>>) dst(%dma_wait3A_214 : memref<128x32xf32, #tpu.memory_space<vmem>>)
        %add3A_218 = arith.constant 4 : i32
        %add3A_219 = arith.addi %add3A_176, %add3A_218 : i32
        %lt3A_220 = arith.constant 56 : i32
        %lt3A_221 = arith.cmpi slt, %add3A_219, %lt3A_220 : i32
        %convert_element_type3A_222 = arith.extui %lt3A_221 : i1 to i32
        %cond3A_223 = arith.constant 0 : i32
        %cond3A_224 = arith.cmpi ne, %convert_element_type3A_222, %cond3A_223 : i32
        scf.if %cond3A_224 {
          %add3A_277 = arith.constant 4 : i32
          %add3A_278 = arith.addi %add3A_176, %add3A_277 : i32
          %eq3A_279 = arith.constant 0 : i32
          %eq3A_280 = arith.cmpi eq, %arg0, %eq3A_279 : i32
          %convert_element_type3A_281 = arith.extui %eq3A_280 : i1 to i32
          %cond3A_282 = arith.constant 0 : i32
          %cond3A_283 = arith.cmpi ne, %convert_element_type3A_281, %cond3A_282 : i32
          scf.if %cond3A_283 {
            %dma_start3A_289 = arith.constant 2 : i32
            %dma_start3A_290 = arith.constant 0 : i32
            %dma_start3A_291 = arith.constant 0 : i32
            %dma_start3A_292 = tpu.memref_slice %arg10[%dma_start3A_289, %dma_start3A_290, %dma_start3A_291] : memref<4x128x32xf32, #tpu.memory_space<vmem>> -> memref<1x128x32xf32, #tpu.memory_space<vmem>>
            %dma_start3A_293 = tpu.memref_squeeze %dma_start3A_292 : memref<1x128x32xf32, #tpu.memory_space<vmem>> -> memref<128x32xf32, #tpu.memory_space<vmem>>
            %dma_start3A_294 = arith.constant 0 : i32
            %dma_start3A_295 = tpu.memref_slice %arg8[%add3A_278, %dma_start3A_294] : memref<56x128xi32, #tpu.memory_space<vmem>> -> memref<1x128xi32, #tpu.memory_space<vmem>>
            %dma_start3A_296 = tpu.memref_squeeze %dma_start3A_295 : memref<1x128xi32, #tpu.memory_space<vmem>> -> memref<128xi32, #tpu.memory_space<vmem>>
            %dma_start3A_297 = arith.constant 0 : i32
            %dma_start3A_298 = arith.constant 0 : i32
            %dma_start3A_299 = tpu.memref_slice %arg2[%dma_start3A_297, %dma_start3A_298] : memref<50000x32xf32, #tpu.memory_space<hbm>> -> memref<50000x32xf32, #tpu.memory_space<hbm>>
            tpu.enqueue_indirect_dma source(%dma_start3A_299 : memref<50000x32xf32, #tpu.memory_space<hbm>>) target(%dma_start3A_293 : memref<128x32xf32, #tpu.memory_space<vmem>>) offsets(%dma_start3A_296 : memref<128xi32, #tpu.memory_space<vmem>>) semaphore(%arg15 : memref<!tpu.dma_semaphore, #tpu.memory_space<semaphore_mem>>)
          } else {
          }
          %ne3A_284 = arith.constant 0 : i32
          %ne3A_285 = arith.cmpi ne, %arg0, %ne3A_284 : i32
          %convert_element_type3A_286 = arith.extui %ne3A_285 : i1 to i32
          %cond3A_287 = arith.constant 0 : i32
          %cond3A_288 = arith.cmpi ne, %convert_element_type3A_286, %cond3A_287 : i32
          scf.if %cond3A_288 {
            %dma_start3A_289 = arith.constant 2 : i32
            %dma_start3A_290 = arith.constant 0 : i32
            %dma_start3A_291 = arith.constant 0 : i32
            %dma_start3A_292 = tpu.memref_slice %arg10[%dma_start3A_289, %dma_start3A_290, %dma_start3A_291] : memref<4x128x32xf32, #tpu.memory_space<vmem>> -> memref<1x128x32xf32, #tpu.memory_space<vmem>>
            %dma_start3A_293 = tpu.memref_squeeze %dma_start3A_292 : memref<1x128x32xf32, #tpu.memory_space<vmem>> -> memref<128x32xf32, #tpu.memory_space<vmem>>
            %dma_start3A_294 = arith.constant 0 : i32
            %dma_start3A_295 = tpu.memref_slice %arg8[%add3A_278, %dma_start3A_294] : memref<56x128xi32, #tpu.memory_space<vmem>> -> memref<1x128xi32, #tpu.memory_space<vmem>>
            %dma_start3A_296 = tpu.memref_squeeze %dma_start3A_295 : memref<1x128xi32, #tpu.memory_space<vmem>> -> memref<128xi32, #tpu.memory_space<vmem>>
            %dma_start3A_297 = arith.constant 0 : i32
            %dma_start3A_298 = arith.constant 0 : i32
            %dma_start3A_299 = tpu.memref_slice %arg3[%dma_start3A_297, %dma_start3A_298] : memref<50000x32xf32, #tpu.memory_space<hbm>> -> memref<50000x32xf32, #tpu.memory_space<hbm>>
            tpu.enqueue_indirect_dma source(%dma_start3A_299 : memref<50000x32xf32, #tpu.memory_space<hbm>>) target(%dma_start3A_293 : memref<128x32xf32, #tpu.memory_space<vmem>>) offsets(%dma_start3A_296 : memref<128xi32, #tpu.memory_space<vmem>>) semaphore(%arg15 : memref<!tpu.dma_semaphore, #tpu.memory_space<semaphore_mem>>)
          } else {
          }
        } else {
        }
        %mul3A_225 = arith.constant 4 : i32
        %mul3A_226 = arith.muli %scan3A_70, %mul3A_225 : i32
        %add3A_227 = arith.constant 3 : i32
        %add3A_228 = arith.addi %mul3A_226, %add3A_227 : i32
        %dma_wait3A_229 = arith.constant 3 : i32
        %dma_wait3A_230 = arith.constant 0 : i32
        %dma_wait3A_231 = arith.constant 0 : i32
        %dma_wait3A_232 = tpu.memref_slice %arg10[%dma_wait3A_229, %dma_wait3A_230, %dma_wait3A_231] : memref<4x128x32xf32, #tpu.memory_space<vmem>> -> memref<1x128x32xf32, #tpu.memory_space<vmem>>
        %dma_wait3A_233 = tpu.memref_squeeze %dma_wait3A_232 : memref<1x128x32xf32, #tpu.memory_space<vmem>> -> memref<128x32xf32, #tpu.memory_space<vmem>>
        %dma_wait3A_234 = arith.constant 0 : i32
        %dma_wait3A_235 = arith.constant 0 : i32
        %dma_wait3A_236 = tpu.memref_slice %arg2[%dma_wait3A_234, %dma_wait3A_235] : memref<50000x32xf32, #tpu.memory_space<hbm>> -> memref<128x32xf32, #tpu.memory_space<hbm>>
        %dma_wait3A_237 = arith.constant 0 : i32
        %dma_wait3A_238 = arith.constant 0 : i32
        %dma_wait3A_239 = tpu.memref_slice %arg10[%dma_wait3A_229, %dma_wait3A_237, %dma_wait3A_238] : memref<4x128x32xf32, #tpu.memory_space<vmem>> -> memref<1x128x32xf32, #tpu.memory_space<vmem>>
        %dma_wait3A_240 = tpu.memref_squeeze %dma_wait3A_239 : memref<1x128x32xf32, #tpu.memory_space<vmem>> -> memref<128x32xf32, #tpu.memory_space<vmem>>
        %dma_wait3A_241 = arith.constant 0 : i32
        %dma_wait3A_242 = arith.constant 0 : i32
        %dma_wait3A_243 = tpu.memref_slice %arg2[%dma_wait3A_241, %dma_wait3A_242] : memref<50000x32xf32, #tpu.memory_space<hbm>> -> memref<128x32xf32, #tpu.memory_space<hbm>>
        tpu.wait_dma2 semaphore(%arg16 : memref<!tpu.dma_semaphore, #tpu.memory_space<semaphore_mem>>) src(%dma_wait3A_243 : memref<128x32xf32, #tpu.memory_space<hbm>>) dst(%dma_wait3A_240 : memref<128x32xf32, #tpu.memory_space<vmem>>)
        %dma_start3A_244 = arith.constant 3 : i32
        %dma_start3A_245 = arith.constant 0 : i32
        %dma_start3A_246 = arith.constant 0 : i32
        %dma_start3A_247 = tpu.memref_slice %arg10[%dma_start3A_244, %dma_start3A_245, %dma_start3A_246] : memref<4x128x32xf32, #tpu.memory_space<vmem>> -> memref<1x128x32xf32, #tpu.memory_space<vmem>>
        %dma_start3A_248 = tpu.memref_squeeze %dma_start3A_247 : memref<1x128x32xf32, #tpu.memory_space<vmem>> -> memref<128x32xf32, #tpu.memory_space<vmem>>
        %dma_start3A_249 = arith.constant 0 : i32
        %dma_start3A_250 = tpu.memref_slice %arg9[%add3A_228, %dma_start3A_249] : memref<56x128xi32, #tpu.memory_space<vmem>> -> memref<1x128xi32, #tpu.memory_space<vmem>>
        %dma_start3A_251 = tpu.memref_squeeze %dma_start3A_250 : memref<1x128xi32, #tpu.memory_space<vmem>> -> memref<128xi32, #tpu.memory_space<vmem>>
        %dma_start3A_252 = arith.constant 0 : i32
        %dma_start3A_253 = arith.constant 0 : i32
        %dma_start3A_254 = tpu.memref_slice %arg11[%dma_start3A_252, %dma_start3A_253] : memref<50008x32xf32, #tpu.memory_space<vmem_shared>> -> memref<50008x32xf32, #tpu.memory_space<vmem_shared>>
        tpu.enqueue_indirect_dma source(%dma_start3A_248 : memref<128x32xf32, #tpu.memory_space<vmem>>) target(%dma_start3A_254 : memref<50008x32xf32, #tpu.memory_space<vmem_shared>>) offsets(%dma_start3A_251 : memref<128xi32, #tpu.memory_space<vmem>>) semaphore(%arg20 : memref<!tpu.dma_semaphore, #tpu.memory_space<semaphore_mem>>) {add = true}
        %dma_wait3A_255 = arith.constant 3 : i32
        %dma_wait3A_256 = arith.constant 0 : i32
        %dma_wait3A_257 = arith.constant 0 : i32
        %dma_wait3A_258 = tpu.memref_slice %arg10[%dma_wait3A_255, %dma_wait3A_256, %dma_wait3A_257] : memref<4x128x32xf32, #tpu.memory_space<vmem>> -> memref<1x128x32xf32, #tpu.memory_space<vmem>>
        %dma_wait3A_259 = tpu.memref_squeeze %dma_wait3A_258 : memref<1x128x32xf32, #tpu.memory_space<vmem>> -> memref<128x32xf32, #tpu.memory_space<vmem>>
        %dma_wait3A_260 = arith.constant 0 : i32
        %dma_wait3A_261 = arith.constant 0 : i32
        %dma_wait3A_262 = tpu.memref_slice %arg2[%dma_wait3A_260, %dma_wait3A_261] : memref<50000x32xf32, #tpu.memory_space<hbm>> -> memref<128x32xf32, #tpu.memory_space<hbm>>
        %dma_wait3A_263 = arith.constant 0 : i32
        %dma_wait3A_264 = arith.constant 0 : i32
        %dma_wait3A_265 = tpu.memref_slice %arg10[%dma_wait3A_255, %dma_wait3A_263, %dma_wait3A_264] : memref<4x128x32xf32, #tpu.memory_space<vmem>> -> memref<1x128x32xf32, #tpu.memory_space<vmem>>
        %dma_wait3A_266 = tpu.memref_squeeze %dma_wait3A_265 : memref<1x128x32xf32, #tpu.memory_space<vmem>> -> memref<128x32xf32, #tpu.memory_space<vmem>>
        %dma_wait3A_267 = arith.constant 0 : i32
        %dma_wait3A_268 = arith.constant 0 : i32
        %dma_wait3A_269 = tpu.memref_slice %arg2[%dma_wait3A_267, %dma_wait3A_268] : memref<50000x32xf32, #tpu.memory_space<hbm>> -> memref<128x32xf32, #tpu.memory_space<hbm>>
        tpu.wait_dma2 semaphore(%arg20 : memref<!tpu.dma_semaphore, #tpu.memory_space<semaphore_mem>>) src(%dma_wait3A_269 : memref<128x32xf32, #tpu.memory_space<hbm>>) dst(%dma_wait3A_266 : memref<128x32xf32, #tpu.memory_space<vmem>>)
        %add3A_270 = arith.constant 4 : i32
        %add3A_271 = arith.addi %add3A_228, %add3A_270 : i32
        %lt3A_272 = arith.constant 56 : i32
        %lt3A_273 = arith.cmpi slt, %add3A_271, %lt3A_272 : i32
        %convert_element_type3A_274 = arith.extui %lt3A_273 : i1 to i32
        %cond3A_275 = arith.constant 0 : i32
        %cond3A_276 = arith.cmpi ne, %convert_element_type3A_274, %cond3A_275 : i32
        scf.if %cond3A_276 {
          %add3A_277 = arith.constant 4 : i32
          %add3A_278 = arith.addi %add3A_228, %add3A_277 : i32
          %eq3A_279 = arith.constant 0 : i32
          %eq3A_280 = arith.cmpi eq, %arg0, %eq3A_279 : i32
          %convert_element_type3A_281 = arith.extui %eq3A_280 : i1 to i32
          %cond3A_282 = arith.constant 0 : i32
          %cond3A_283 = arith.cmpi ne, %convert_element_type3A_281, %cond3A_282 : i32
          scf.if %cond3A_283 {
            %dma_start3A_289 = arith.constant 3 : i32
            %dma_start3A_290 = arith.constant 0 : i32
            %dma_start3A_291 = arith.constant 0 : i32
            %dma_start3A_292 = tpu.memref_slice %arg10[%dma_start3A_289, %dma_start3A_290, %dma_start3A_291] : memref<4x128x32xf32, #tpu.memory_space<vmem>> -> memref<1x128x32xf32, #tpu.memory_space<vmem>>
            %dma_start3A_293 = tpu.memref_squeeze %dma_start3A_292 : memref<1x128x32xf32, #tpu.memory_space<vmem>> -> memref<128x32xf32, #tpu.memory_space<vmem>>
            %dma_start3A_294 = arith.constant 0 : i32
            %dma_start3A_295 = tpu.memref_slice %arg8[%add3A_278, %dma_start3A_294] : memref<56x128xi32, #tpu.memory_space<vmem>> -> memref<1x128xi32, #tpu.memory_space<vmem>>
            %dma_start3A_296 = tpu.memref_squeeze %dma_start3A_295 : memref<1x128xi32, #tpu.memory_space<vmem>> -> memref<128xi32, #tpu.memory_space<vmem>>
            %dma_start3A_297 = arith.constant 0 : i32
            %dma_start3A_298 = arith.constant 0 : i32
            %dma_start3A_299 = tpu.memref_slice %arg2[%dma_start3A_297, %dma_start3A_298] : memref<50000x32xf32, #tpu.memory_space<hbm>> -> memref<50000x32xf32, #tpu.memory_space<hbm>>
            tpu.enqueue_indirect_dma source(%dma_start3A_299 : memref<50000x32xf32, #tpu.memory_space<hbm>>) target(%dma_start3A_293 : memref<128x32xf32, #tpu.memory_space<vmem>>) offsets(%dma_start3A_296 : memref<128xi32, #tpu.memory_space<vmem>>) semaphore(%arg16 : memref<!tpu.dma_semaphore, #tpu.memory_space<semaphore_mem>>)
          } else {
          }
          %ne3A_284 = arith.constant 0 : i32
          %ne3A_285 = arith.cmpi ne, %arg0, %ne3A_284 : i32
          %convert_element_type3A_286 = arith.extui %ne3A_285 : i1 to i32
          %cond3A_287 = arith.constant 0 : i32
          %cond3A_288 = arith.cmpi ne, %convert_element_type3A_286, %cond3A_287 : i32
          scf.if %cond3A_288 {
            %dma_start3A_289 = arith.constant 3 : i32
            %dma_start3A_290 = arith.constant 0 : i32
            %dma_start3A_291 = arith.constant 0 : i32
            %dma_start3A_292 = tpu.memref_slice %arg10[%dma_start3A_289, %dma_start3A_290, %dma_start3A_291] : memref<4x128x32xf32, #tpu.memory_space<vmem>> -> memref<1x128x32xf32, #tpu.memory_space<vmem>>
            %dma_start3A_293 = tpu.memref_squeeze %dma_start3A_292 : memref<1x128x32xf32, #tpu.memory_space<vmem>> -> memref<128x32xf32, #tpu.memory_space<vmem>>
            %dma_start3A_294 = arith.constant 0 : i32
            %dma_start3A_295 = tpu.memref_slice %arg8[%add3A_278, %dma_start3A_294] : memref<56x128xi32, #tpu.memory_space<vmem>> -> memref<1x128xi32, #tpu.memory_space<vmem>>
            %dma_start3A_296 = tpu.memref_squeeze %dma_start3A_295 : memref<1x128xi32, #tpu.memory_space<vmem>> -> memref<128xi32, #tpu.memory_space<vmem>>
            %dma_start3A_297 = arith.constant 0 : i32
            %dma_start3A_298 = arith.constant 0 : i32
            %dma_start3A_299 = tpu.memref_slice %arg3[%dma_start3A_297, %dma_start3A_298] : memref<50000x32xf32, #tpu.memory_space<hbm>> -> memref<50000x32xf32, #tpu.memory_space<hbm>>
            tpu.enqueue_indirect_dma source(%dma_start3A_299 : memref<50000x32xf32, #tpu.memory_space<hbm>>) target(%dma_start3A_293 : memref<128x32xf32, #tpu.memory_space<vmem>>) offsets(%dma_start3A_296 : memref<128xi32, #tpu.memory_space<vmem>>) semaphore(%arg16 : memref<!tpu.dma_semaphore, #tpu.memory_space<semaphore_mem>>)
          } else {
          }
        } else {
        }
      }
      %scan3A_69 = arith.constant 14 : i32
    }
    %scan3A_12 = arith.constant 7 : i32
    %barrier3A_13 = arith.constant 0 : index
    tpu.barrier barrier_id(%barrier3A_13)
    %lt3A = arith.constant 15 : i32
    %lt3A_14 = arith.cmpi slt, %arg1, %lt3A : i32
    %convert_element_type3A_15 = arith.extui %lt3A_14 : i1 to i32
    %cond3A_16 = arith.constant 0 : i32
    %cond3A_17 = arith.cmpi ne, %convert_element_type3A_15, %cond3A_16 : i32
    scf.if %cond3A_17 {
      %mul3A_23 = arith.constant 3128 : i32
      %mul3A_24 = arith.muli %arg1, %mul3A_23 : i32
      %mul3A_25 = arith.constant 50000 : i32
      %mul3A_26 = arith.muli %arg0, %mul3A_25 : i32
      %mul3A_27 = arith.constant 3128 : i32
      %mul3A_28 = arith.muli %arg1, %mul3A_27 : i32
      %add3A = arith.addi %mul3A_26, %mul3A_28 : i32
      "tpu.region"() ({
        %run_scoped3A = tpu.sem_alloc : memref<!tpu.dma_semaphore, #tpu.memory_space<semaphore_mem>>
        %dma_start3A = arith.constant 0 : i32
        %dma_start3A_29 = tpu.memref_slice %arg7[%add3A, %dma_start3A] : memref<100000x32xf32, #tpu.memory_space<hbm>> -> memref<3128x32xf32, #tpu.memory_space<hbm>>
        %dma_start3A_30 = arith.constant 0 : i32
        %dma_start3A_31 = tpu.memref_slice %arg11[%mul3A_24, %dma_start3A_30] : memref<50008x32xf32, #tpu.memory_space<vmem_shared>> -> memref<3128x32xf32, #tpu.memory_space<vmem_shared>>
        tpu.enqueue_dma source(%dma_start3A_31 : memref<3128x32xf32, #tpu.memory_space<vmem_shared>>) target(%dma_start3A_29 : memref<3128x32xf32, #tpu.memory_space<hbm>>) target_semaphore(%run_scoped3A : memref<!tpu.dma_semaphore, #tpu.memory_space<semaphore_mem>>)
        %dma_wait3A = arith.constant 0 : i32
        %dma_wait3A_32 = tpu.memref_slice %arg7[%add3A, %dma_wait3A] : memref<100000x32xf32, #tpu.memory_space<hbm>> -> memref<3128x32xf32, #tpu.memory_space<hbm>>
        %dma_wait3A_33 = arith.constant 0 : i32
        %dma_wait3A_34 = tpu.memref_slice %arg11[%mul3A_24, %dma_wait3A_33] : memref<50008x32xf32, #tpu.memory_space<vmem_shared>> -> memref<3128x32xf32, #tpu.memory_space<vmem_shared>>
        tpu.wait_dma2 semaphore(%run_scoped3A : memref<!tpu.dma_semaphore, #tpu.memory_space<semaphore_mem>>) src(%dma_wait3A_34 : memref<3128x32xf32, #tpu.memory_space<vmem_shared>>) dst(%dma_wait3A_32 : memref<3128x32xf32, #tpu.memory_space<hbm>>)
        tpu.yield
      }) : () -> ()
    } else {
    }
    %eq3A_18 = arith.constant 15 : i32
    %eq3A_19 = arith.cmpi eq, %arg1, %eq3A_18 : i32
    %convert_element_type3A_20 = arith.extui %eq3A_19 : i1 to i32
    %cond3A_21 = arith.constant 0 : i32
    %cond3A_22 = arith.cmpi ne, %convert_element_type3A_20, %cond3A_21 : i32
    scf.if %cond3A_22 {
      %mul3A_23 = arith.constant 50000 : i32
      %mul3A_24 = arith.muli %arg0, %mul3A_23 : i32
      %add3A = arith.constant 46920 : i32
      %add3A_25 = arith.addi %mul3A_24, %add3A : i32
      "tpu.region"() ({
        %run_scoped3A = tpu.sem_alloc : memref<!tpu.dma_semaphore, #tpu.memory_space<semaphore_mem>>
        %dma_start3A = arith.constant 0 : i32
        %dma_start3A_26 = tpu.memref_slice %arg7[%add3A_25, %dma_start3A] : memref<100000x32xf32, #tpu.memory_space<hbm>> -> memref<3080x32xf32, #tpu.memory_space<hbm>>
        %dma_start3A_27 = arith.constant 46920 : i32
        %dma_start3A_28 = arith.constant 0 : i32
        %dma_start3A_29 = tpu.memref_slice %arg11[%dma_start3A_27, %dma_start3A_28] : memref<50008x32xf32, #tpu.memory_space<vmem_shared>> -> memref<3080x32xf32, #tpu.memory_space<vmem_shared>>
        tpu.enqueue_dma source(%dma_start3A_29 : memref<3080x32xf32, #tpu.memory_space<vmem_shared>>) target(%dma_start3A_26 : memref<3080x32xf32, #tpu.memory_space<hbm>>) target_semaphore(%run_scoped3A : memref<!tpu.dma_semaphore, #tpu.memory_space<semaphore_mem>>)
        %dma_wait3A = arith.constant 0 : i32
        %dma_wait3A_30 = tpu.memref_slice %arg7[%add3A_25, %dma_wait3A] : memref<100000x32xf32, #tpu.memory_space<hbm>> -> memref<3080x32xf32, #tpu.memory_space<hbm>>
        %dma_wait3A_31 = arith.constant 46920 : i32
        %dma_wait3A_32 = arith.constant 0 : i32
        %dma_wait3A_33 = tpu.memref_slice %arg11[%dma_wait3A_31, %dma_wait3A_32] : memref<50008x32xf32, #tpu.memory_space<vmem_shared>> -> memref<3080x32xf32, #tpu.memory_space<vmem_shared>>
        tpu.wait_dma2 semaphore(%run_scoped3A : memref<!tpu.dma_semaphore, #tpu.memory_space<semaphore_mem>>) src(%dma_wait3A_33 : memref<3080x32xf32, #tpu.memory_space<vmem_shared>>) dst(%dma_wait3A_30 : memref<3080x32xf32, #tpu.memory_space<hbm>>)
        tpu.yield
      }) : () -> ()
    } else {
    }
    return
  }
}

#map = affine_map<(d0, d1) -> (0, 0)>
module attributes {stable_mosaic.version = 14 : i64} {
  func.func @_sc_conv_body(%arg0: i32, %arg1: i32, %arg2: memref<50000x32xf32, #tpu.memory_space<hbm>>, %arg3: memref<50000x32xf32, #tpu.memory_space<hbm>>, %arg4: memref<6272x128xi32, #tpu.memory_space<hbm>>, %arg5: memref<6272x128xi32, #tpu.memory_space<hbm>>, %arg6: memref<50008x32xf32, #tpu.memory_space<hbm>>, %arg7: memref<100000x32xf32, #tpu.memory_space<hbm>>, %arg8: memref<56x128xi32, #tpu.memory_space<vmem>>, %arg9: memref<56x128xi32, #tpu.memory_space<vmem>>, %arg10: memref<4x128x32xf32, #tpu.memory_space<vmem>>, %arg11: memref<50008x32xf32, #tpu.memory_space<vmem_shared>>, %arg12: memref<!tpu.dma_semaphore, #tpu.memory_space<semaphore_mem>>, %arg13: memref<!tpu.dma_semaphore, #tpu.memory_space<semaphore_mem>>, %arg14: memref<!tpu.dma_semaphore, #tpu.memory_space<semaphore_mem>>, %arg15: memref<!tpu.dma_semaphore, #tpu.memory_space<semaphore_mem>>, %arg16: memref<!tpu.dma_semaphore, #tpu.memory_space<semaphore_mem>>, %arg17: memref<!tpu.dma_semaphore, #tpu.memory_space<semaphore_mem>>, %arg18: memref<!tpu.dma_semaphore, #tpu.memory_space<semaphore_mem>>, %arg19: memref<!tpu.dma_semaphore, #tpu.memory_space<semaphore_mem>>, %arg20: memref<!tpu.dma_semaphore, #tpu.memory_space<semaphore_mem>>) attributes {dimension_semantics = [#tpu.dimension_semantics<core_parallel>, #tpu.dimension_semantics<subcore_parallel>], iteration_bounds = array<i64: 2, 16>, scalar_prefetch = 0 : i64, scratch_operands = 13 : i64, tpu.core_type = #tpu.core_type<sc_vector_subcore>, window_params = [{transform_indices = #map}, {transform_indices = #map}, {transform_indices = #map}, {transform_indices = #map}, {transform_indices = #map}, {transform_indices = #map}]} {
    %eq3A = arith.constant 0 : i32
    %eq3A_0 = arith.cmpi eq, %arg1, %eq3A : i32
    %convert_element_type3A = arith.extui %eq3A_0 : i1 to i32
    %cond3A = arith.constant 0 : i32
    %cond3A_1 = arith.cmpi ne, %convert_element_type3A, %cond3A : i32
    scf.if %cond3A_1 {
      tpu.enqueue_dma source(%arg6 : memref<50008x32xf32, #tpu.memory_space<hbm>>) target(%arg11 : memref<50008x32xf32, #tpu.memory_space<vmem_shared>>) target_semaphore(%arg12 : memref<!tpu.dma_semaphore, #tpu.memory_space<semaphore_mem>>)
    } else {
    }
    %mul3A = arith.constant 392 : i32
    %mul3A_2 = arith.muli %arg1, %mul3A : i32
    %eq3A_3 = arith.constant 0 : i32
    %eq3A_4 = arith.cmpi eq, %arg1, %eq3A_3 : i32
    %convert_element_type3A_5 = arith.extui %eq3A_4 : i1 to i32
    %cond3A_6 = arith.constant 0 : i32
    %cond3A_7 = arith.cmpi ne, %convert_element_type3A_5, %cond3A_6 : i32
    scf.if %cond3A_7 {
      tpu.wait_dma2 semaphore(%arg12 : memref<!tpu.dma_semaphore, #tpu.memory_space<semaphore_mem>>) src(%arg6 : memref<50008x32xf32, #tpu.memory_space<hbm>>) dst(%arg11 : memref<50008x32xf32, #tpu.memory_space<vmem_shared>>)
    } else {
    }
    %barrier3A = arith.constant 0 : index
    tpu.barrier barrier_id(%barrier3A)
    %scan3A = arith.constant 0 : i32
    %scan3A_8 = arith.constant 0 : i32
    %scan3A_9 = arith.constant 7 : i32
    %scan3A_10 = arith.addi %scan3A_8, %scan3A_9 : i32
    %scan3A_11 = arith.constant 1 : i32
    scf.for %scan3A_23 = %scan3A_8 to %scan3A_10 step %scan3A_11  : i32 {
      %mul3A_24 = arith.constant 56 : i32
      %mul3A_25 = arith.muli %scan3A_23, %mul3A_24 : i32
      %add3A = arith.addi %mul3A_2, %mul3A_25 : i32
      "tpu.region"() ({
        %run_scoped3A = tpu.sem_alloc : memref<!tpu.dma_semaphore, #tpu.memory_space<semaphore_mem>>
        %dma_start3A = arith.constant 0 : i32
        %dma_start3A_70 = tpu.memref_slice %arg4[%add3A, %dma_start3A] : memref<6272x128xi32, #tpu.memory_space<hbm>> -> memref<56x128xi32, #tpu.memory_space<hbm>>
        %dma_start3A_71 = arith.constant 0 : i32
        %dma_start3A_72 = tpu.memref_slice %arg4[%add3A, %dma_start3A_71] : memref<6272x128xi32, #tpu.memory_space<hbm>> -> memref<56x128xi32, #tpu.memory_space<hbm>>
        tpu.enqueue_dma source(%dma_start3A_72 : memref<56x128xi32, #tpu.memory_space<hbm>>) target(%arg8 : memref<56x128xi32, #tpu.memory_space<vmem>>) target_semaphore(%run_scoped3A : memref<!tpu.dma_semaphore, #tpu.memory_space<semaphore_mem>>)
        %dma_wait3A = arith.constant 0 : i32
        %dma_wait3A_73 = tpu.memref_slice %arg4[%add3A, %dma_wait3A] : memref<6272x128xi32, #tpu.memory_space<hbm>> -> memref<56x128xi32, #tpu.memory_space<hbm>>
        %dma_wait3A_74 = arith.constant 0 : i32
        %dma_wait3A_75 = tpu.memref_slice %arg4[%add3A, %dma_wait3A_74] : memref<6272x128xi32, #tpu.memory_space<hbm>> -> memref<56x128xi32, #tpu.memory_space<hbm>>
        tpu.wait_dma2 semaphore(%run_scoped3A : memref<!tpu.dma_semaphore, #tpu.memory_space<semaphore_mem>>) src(%dma_wait3A_75 : memref<56x128xi32, #tpu.memory_space<hbm>>) dst(%arg8 : memref<56x128xi32, #tpu.memory_space<vmem>>)
        tpu.yield
      }) : () -> ()
      "tpu.region"() ({
        %run_scoped3A = tpu.sem_alloc : memref<!tpu.dma_semaphore, #tpu.memory_space<semaphore_mem>>
        %dma_start3A = arith.constant 0 : i32
        %dma_start3A_70 = tpu.memref_slice %arg5[%add3A, %dma_start3A] : memref<6272x128xi32, #tpu.memory_space<hbm>> -> memref<56x128xi32, #tpu.memory_space<hbm>>
        %dma_start3A_71 = arith.constant 0 : i32
        %dma_start3A_72 = tpu.memref_slice %arg5[%add3A, %dma_start3A_71] : memref<6272x128xi32, #tpu.memory_space<hbm>> -> memref<56x128xi32, #tpu.memory_space<hbm>>
        tpu.enqueue_dma source(%dma_start3A_72 : memref<56x128xi32, #tpu.memory_space<hbm>>) target(%arg9 : memref<56x128xi32, #tpu.memory_space<vmem>>) target_semaphore(%run_scoped3A : memref<!tpu.dma_semaphore, #tpu.memory_space<semaphore_mem>>)
        %dma_wait3A = arith.constant 0 : i32
        %dma_wait3A_73 = tpu.memref_slice %arg5[%add3A, %dma_wait3A] : memref<6272x128xi32, #tpu.memory_space<hbm>> -> memref<56x128xi32, #tpu.memory_space<hbm>>
        %dma_wait3A_74 = arith.constant 0 : i32
        %dma_wait3A_75 = tpu.memref_slice %arg5[%add3A, %dma_wait3A_74] : memref<6272x128xi32, #tpu.memory_space<hbm>> -> memref<56x128xi32, #tpu.memory_space<hbm>>
        tpu.wait_dma2 semaphore(%run_scoped3A : memref<!tpu.dma_semaphore, #tpu.memory_space<semaphore_mem>>) src(%dma_wait3A_75 : memref<56x128xi32, #tpu.memory_space<hbm>>) dst(%arg9 : memref<56x128xi32, #tpu.memory_space<vmem>>)
        tpu.yield
      }) : () -> ()
      %eq3A_26 = arith.constant 0 : i32
      %eq3A_27 = arith.cmpi eq, %arg0, %eq3A_26 : i32
      %convert_element_type3A_28 = arith.extui %eq3A_27 : i1 to i32
      %cond3A_29 = arith.constant 0 : i32
      %cond3A_30 = arith.cmpi ne, %convert_element_type3A_28, %cond3A_29 : i32
      scf.if %cond3A_30 {
        %dma_start3A = arith.constant 0 : i32
        %dma_start3A_70 = arith.constant 0 : i32
        %dma_start3A_71 = arith.constant 0 : i32
        %dma_start3A_72 = arith.constant 0 : i32
        %dma_start3A_73 = tpu.memref_slice %arg10[%dma_start3A_70, %dma_start3A_71, %dma_start3A_72] : memref<4x128x32xf32, #tpu.memory_space<vmem>> -> memref<1x128x32xf32, #tpu.memory_space<vmem>>
        %dma_start3A_74 = tpu.memref_squeeze %dma_start3A_73 : memref<1x128x32xf32, #tpu.memory_space<vmem>> -> memref<128x32xf32, #tpu.memory_space<vmem>>
        %dma_start3A_75 = arith.constant 0 : i32
        %dma_start3A_76 = tpu.memref_slice %arg8[%dma_start3A, %dma_start3A_75] : memref<56x128xi32, #tpu.memory_space<vmem>> -> memref<1x128xi32, #tpu.memory_space<vmem>>
        %dma_start3A_77 = tpu.memref_squeeze %dma_start3A_76 : memref<1x128xi32, #tpu.memory_space<vmem>> -> memref<128xi32, #tpu.memory_space<vmem>>
        %dma_start3A_78 = arith.constant 0 : i32
        %dma_start3A_79 = arith.constant 0 : i32
        %dma_start3A_80 = tpu.memref_slice %arg2[%dma_start3A_78, %dma_start3A_79] : memref<50000x32xf32, #tpu.memory_space<hbm>> -> memref<50000x32xf32, #tpu.memory_space<hbm>>
        tpu.enqueue_indirect_dma source(%dma_start3A_80 : memref<50000x32xf32, #tpu.memory_space<hbm>>) target(%dma_start3A_74 : memref<128x32xf32, #tpu.memory_space<vmem>>) offsets(%dma_start3A_77 : memref<128xi32, #tpu.memory_space<vmem>>) semaphore(%arg13 : memref<!tpu.dma_semaphore, #tpu.memory_space<semaphore_mem>>)
      } else {
      }
      %ne3A = arith.constant 0 : i32
      %ne3A_31 = arith.cmpi ne, %arg0, %ne3A : i32
      %convert_element_type3A_32 = arith.extui %ne3A_31 : i1 to i32
      %cond3A_33 = arith.constant 0 : i32
      %cond3A_34 = arith.cmpi ne, %convert_element_type3A_32, %cond3A_33 : i32
      scf.if %cond3A_34 {
        %dma_start3A = arith.constant 0 : i32
        %dma_start3A_70 = arith.constant 0 : i32
        %dma_start3A_71 = arith.constant 0 : i32
        %dma_start3A_72 = arith.constant 0 : i32
        %dma_start3A_73 = tpu.memref_slice %arg10[%dma_start3A_70, %dma_start3A_71, %dma_start3A_72] : memref<4x128x32xf32, #tpu.memory_space<vmem>> -> memref<1x128x32xf32, #tpu.memory_space<vmem>>
        %dma_start3A_74 = tpu.memref_squeeze %dma_start3A_73 : memref<1x128x32xf32, #tpu.memory_space<vmem>> -> memref<128x32xf32, #tpu.memory_space<vmem>>
        %dma_start3A_75 = arith.constant 0 : i32
        %dma_start3A_76 = tpu.memref_slice %arg8[%dma_start3A, %dma_start3A_75] : memref<56x128xi32, #tpu.memory_space<vmem>> -> memref<1x128xi32, #tpu.memory_space<vmem>>
        %dma_start3A_77 = tpu.memref_squeeze %dma_start3A_76 : memref<1x128xi32, #tpu.memory_space<vmem>> -> memref<128xi32, #tpu.memory_space<vmem>>
        %dma_start3A_78 = arith.constant 0 : i32
        %dma_start3A_79 = arith.constant 0 : i32
        %dma_start3A_80 = tpu.memref_slice %arg3[%dma_start3A_78, %dma_start3A_79] : memref<50000x32xf32, #tpu.memory_space<hbm>> -> memref<50000x32xf32, #tpu.memory_space<hbm>>
        tpu.enqueue_indirect_dma source(%dma_start3A_80 : memref<50000x32xf32, #tpu.memory_space<hbm>>) target(%dma_start3A_74 : memref<128x32xf32, #tpu.memory_space<vmem>>) offsets(%dma_start3A_77 : memref<128xi32, #tpu.memory_space<vmem>>) semaphore(%arg13 : memref<!tpu.dma_semaphore, #tpu.memory_space<semaphore_mem>>)
      } else {
      }
      %eq3A_35 = arith.constant 0 : i32
      %eq3A_36 = arith.cmpi eq, %arg0, %eq3A_35 : i32
      %convert_element_type3A_37 = arith.extui %eq3A_36 : i1 to i32
      %cond3A_38 = arith.constant 0 : i32
      %cond3A_39 = arith.cmpi ne, %convert_element_type3A_37, %cond3A_38 : i32
      scf.if %cond3A_39 {
        %dma_start3A = arith.constant 1 : i32
        %dma_start3A_70 = arith.constant 1 : i32
        %dma_start3A_71 = arith.constant 0 : i32
        %dma_start3A_72 = arith.constant 0 : i32
        %dma_start3A_73 = tpu.memref_slice %arg10[%dma_start3A_70, %dma_start3A_71, %dma_start3A_72] : memref<4x128x32xf32, #tpu.memory_space<vmem>> -> memref<1x128x32xf32, #tpu.memory_space<vmem>>
        %dma_start3A_74 = tpu.memref_squeeze %dma_start3A_73 : memref<1x128x32xf32, #tpu.memory_space<vmem>> -> memref<128x32xf32, #tpu.memory_space<vmem>>
        %dma_start3A_75 = arith.constant 0 : i32
        %dma_start3A_76 = tpu.memref_slice %arg8[%dma_start3A, %dma_start3A_75] : memref<56x128xi32, #tpu.memory_space<vmem>> -> memref<1x128xi32, #tpu.memory_space<vmem>>
        %dma_start3A_77 = tpu.memref_squeeze %dma_start3A_76 : memref<1x128xi32, #tpu.memory_space<vmem>> -> memref<128xi32, #tpu.memory_space<vmem>>
        %dma_start3A_78 = arith.constant 0 : i32
        %dma_start3A_79 = arith.constant 0 : i32
        %dma_start3A_80 = tpu.memref_slice %arg2[%dma_start3A_78, %dma_start3A_79] : memref<50000x32xf32, #tpu.memory_space<hbm>> -> memref<50000x32xf32, #tpu.memory_space<hbm>>
        tpu.enqueue_indirect_dma source(%dma_start3A_80 : memref<50000x32xf32, #tpu.memory_space<hbm>>) target(%dma_start3A_74 : memref<128x32xf32, #tpu.memory_space<vmem>>) offsets(%dma_start3A_77 : memref<128xi32, #tpu.memory_space<vmem>>) semaphore(%arg14 : memref<!tpu.dma_semaphore, #tpu.memory_space<semaphore_mem>>)
      } else {
      }
      %ne3A_40 = arith.constant 0 : i32
      %ne3A_41 = arith.cmpi ne, %arg0, %ne3A_40 : i32
      %convert_element_type3A_42 = arith.extui %ne3A_41 : i1 to i32
      %cond3A_43 = arith.constant 0 : i32
      %cond3A_44 = arith.cmpi ne, %convert_element_type3A_42, %cond3A_43 : i32
      scf.if %cond3A_44 {
        %dma_start3A = arith.constant 1 : i32
        %dma_start3A_70 = arith.constant 1 : i32
        %dma_start3A_71 = arith.constant 0 : i32
        %dma_start3A_72 = arith.constant 0 : i32
        %dma_start3A_73 = tpu.memref_slice %arg10[%dma_start3A_70, %dma_start3A_71, %dma_start3A_72] : memref<4x128x32xf32, #tpu.memory_space<vmem>> -> memref<1x128x32xf32, #tpu.memory_space<vmem>>
        %dma_start3A_74 = tpu.memref_squeeze %dma_start3A_73 : memref<1x128x32xf32, #tpu.memory_space<vmem>> -> memref<128x32xf32, #tpu.memory_space<vmem>>
        %dma_start3A_75 = arith.constant 0 : i32
        %dma_start3A_76 = tpu.memref_slice %arg8[%dma_start3A, %dma_start3A_75] : memref<56x128xi32, #tpu.memory_space<vmem>> -> memref<1x128xi32, #tpu.memory_space<vmem>>
        %dma_start3A_77 = tpu.memref_squeeze %dma_start3A_76 : memref<1x128xi32, #tpu.memory_space<vmem>> -> memref<128xi32, #tpu.memory_space<vmem>>
        %dma_start3A_78 = arith.constant 0 : i32
        %dma_start3A_79 = arith.constant 0 : i32
        %dma_start3A_80 = tpu.memref_slice %arg3[%dma_start3A_78, %dma_start3A_79] : memref<50000x32xf32, #tpu.memory_space<hbm>> -> memref<50000x32xf32, #tpu.memory_space<hbm>>
        tpu.enqueue_indirect_dma source(%dma_start3A_80 : memref<50000x32xf32, #tpu.memory_space<hbm>>) target(%dma_start3A_74 : memref<128x32xf32, #tpu.memory_space<vmem>>) offsets(%dma_start3A_77 : memref<128xi32, #tpu.memory_space<vmem>>) semaphore(%arg14 : memref<!tpu.dma_semaphore, #tpu.memory_space<semaphore_mem>>)
      } else {
      }
      %eq3A_45 = arith.constant 0 : i32
      %eq3A_46 = arith.cmpi eq, %arg0, %eq3A_45 : i32
      %convert_element_type3A_47 = arith.extui %eq3A_46 : i1 to i32
      %cond3A_48 = arith.constant 0 : i32
      %cond3A_49 = arith.cmpi ne, %convert_element_type3A_47, %cond3A_48 : i32
      scf.if %cond3A_49 {
        %dma_start3A = arith.constant 2 : i32
        %dma_start3A_70 = arith.constant 2 : i32
        %dma_start3A_71 = arith.constant 0 : i32
        %dma_start3A_72 = arith.constant 0 : i32
        %dma_start3A_73 = tpu.memref_slice %arg10[%dma_start3A_70, %dma_start3A_71, %dma_start3A_72] : memref<4x128x32xf32, #tpu.memory_space<vmem>> -> memref<1x128x32xf32, #tpu.memory_space<vmem>>
        %dma_start3A_74 = tpu.memref_squeeze %dma_start3A_73 : memref<1x128x32xf32, #tpu.memory_space<vmem>> -> memref<128x32xf32, #tpu.memory_space<vmem>>
        %dma_start3A_75 = arith.constant 0 : i32
        %dma_start3A_76 = tpu.memref_slice %arg8[%dma_start3A, %dma_start3A_75] : memref<56x128xi32, #tpu.memory_space<vmem>> -> memref<1x128xi32, #tpu.memory_space<vmem>>
        %dma_start3A_77 = tpu.memref_squeeze %dma_start3A_76 : memref<1x128xi32, #tpu.memory_space<vmem>> -> memref<128xi32, #tpu.memory_space<vmem>>
        %dma_start3A_78 = arith.constant 0 : i32
        %dma_start3A_79 = arith.constant 0 : i32
        %dma_start3A_80 = tpu.memref_slice %arg2[%dma_start3A_78, %dma_start3A_79] : memref<50000x32xf32, #tpu.memory_space<hbm>> -> memref<50000x32xf32, #tpu.memory_space<hbm>>
        tpu.enqueue_indirect_dma source(%dma_start3A_80 : memref<50000x32xf32, #tpu.memory_space<hbm>>) target(%dma_start3A_74 : memref<128x32xf32, #tpu.memory_space<vmem>>) offsets(%dma_start3A_77 : memref<128xi32, #tpu.memory_space<vmem>>) semaphore(%arg15 : memref<!tpu.dma_semaphore, #tpu.memory_space<semaphore_mem>>)
      } else {
      }
      %ne3A_50 = arith.constant 0 : i32
      %ne3A_51 = arith.cmpi ne, %arg0, %ne3A_50 : i32
      %convert_element_type3A_52 = arith.extui %ne3A_51 : i1 to i32
      %cond3A_53 = arith.constant 0 : i32
      %cond3A_54 = arith.cmpi ne, %convert_element_type3A_52, %cond3A_53 : i32
      scf.if %cond3A_54 {
        %dma_start3A = arith.constant 2 : i32
        %dma_start3A_70 = arith.constant 2 : i32
        %dma_start3A_71 = arith.constant 0 : i32
        %dma_start3A_72 = arith.constant 0 : i32
        %dma_start3A_73 = tpu.memref_slice %arg10[%dma_start3A_70, %dma_start3A_71, %dma_start3A_72] : memref<4x128x32xf32, #tpu.memory_space<vmem>> -> memref<1x128x32xf32, #tpu.memory_space<vmem>>
        %dma_start3A_74 = tpu.memref_squeeze %dma_start3A_73 : memref<1x128x32xf32, #tpu.memory_space<vmem>> -> memref<128x32xf32, #tpu.memory_space<vmem>>
        %dma_start3A_75 = arith.constant 0 : i32
        %dma_start3A_76 = tpu.memref_slice %arg8[%dma_start3A, %dma_start3A_75] : memref<56x128xi32, #tpu.memory_space<vmem>> -> memref<1x128xi32, #tpu.memory_space<vmem>>
        %dma_start3A_77 = tpu.memref_squeeze %dma_start3A_76 : memref<1x128xi32, #tpu.memory_space<vmem>> -> memref<128xi32, #tpu.memory_space<vmem>>
        %dma_start3A_78 = arith.constant 0 : i32
        %dma_start3A_79 = arith.constant 0 : i32
        %dma_start3A_80 = tpu.memref_slice %arg3[%dma_start3A_78, %dma_start3A_79] : memref<50000x32xf32, #tpu.memory_space<hbm>> -> memref<50000x32xf32, #tpu.memory_space<hbm>>
        tpu.enqueue_indirect_dma source(%dma_start3A_80 : memref<50000x32xf32, #tpu.memory_space<hbm>>) target(%dma_start3A_74 : memref<128x32xf32, #tpu.memory_space<vmem>>) offsets(%dma_start3A_77 : memref<128xi32, #tpu.memory_space<vmem>>) semaphore(%arg15 : memref<!tpu.dma_semaphore, #tpu.memory_space<semaphore_mem>>)
      } else {
      }
      %eq3A_55 = arith.constant 0 : i32
      %eq3A_56 = arith.cmpi eq, %arg0, %eq3A_55 : i32
      %convert_element_type3A_57 = arith.extui %eq3A_56 : i1 to i32
      %cond3A_58 = arith.constant 0 : i32
      %cond3A_59 = arith.cmpi ne, %convert_element_type3A_57, %cond3A_58 : i32
      scf.if %cond3A_59 {
        %dma_start3A = arith.constant 3 : i32
        %dma_start3A_70 = arith.constant 3 : i32
        %dma_start3A_71 = arith.constant 0 : i32
        %dma_start3A_72 = arith.constant 0 : i32
        %dma_start3A_73 = tpu.memref_slice %arg10[%dma_start3A_70, %dma_start3A_71, %dma_start3A_72] : memref<4x128x32xf32, #tpu.memory_space<vmem>> -> memref<1x128x32xf32, #tpu.memory_space<vmem>>
        %dma_start3A_74 = tpu.memref_squeeze %dma_start3A_73 : memref<1x128x32xf32, #tpu.memory_space<vmem>> -> memref<128x32xf32, #tpu.memory_space<vmem>>
        %dma_start3A_75 = arith.constant 0 : i32
        %dma_start3A_76 = tpu.memref_slice %arg8[%dma_start3A, %dma_start3A_75] : memref<56x128xi32, #tpu.memory_space<vmem>> -> memref<1x128xi32, #tpu.memory_space<vmem>>
        %dma_start3A_77 = tpu.memref_squeeze %dma_start3A_76 : memref<1x128xi32, #tpu.memory_space<vmem>> -> memref<128xi32, #tpu.memory_space<vmem>>
        %dma_start3A_78 = arith.constant 0 : i32
        %dma_start3A_79 = arith.constant 0 : i32
        %dma_start3A_80 = tpu.memref_slice %arg2[%dma_start3A_78, %dma_start3A_79] : memref<50000x32xf32, #tpu.memory_space<hbm>> -> memref<50000x32xf32, #tpu.memory_space<hbm>>
        tpu.enqueue_indirect_dma source(%dma_start3A_80 : memref<50000x32xf32, #tpu.memory_space<hbm>>) target(%dma_start3A_74 : memref<128x32xf32, #tpu.memory_space<vmem>>) offsets(%dma_start3A_77 : memref<128xi32, #tpu.memory_space<vmem>>) semaphore(%arg16 : memref<!tpu.dma_semaphore, #tpu.memory_space<semaphore_mem>>)
      } else {
      }
      %ne3A_60 = arith.constant 0 : i32
      %ne3A_61 = arith.cmpi ne, %arg0, %ne3A_60 : i32
      %convert_element_type3A_62 = arith.extui %ne3A_61 : i1 to i32
      %cond3A_63 = arith.constant 0 : i32
      %cond3A_64 = arith.cmpi ne, %convert_element_type3A_62, %cond3A_63 : i32
      scf.if %cond3A_64 {
        %dma_start3A = arith.constant 3 : i32
        %dma_start3A_70 = arith.constant 3 : i32
        %dma_start3A_71 = arith.constant 0 : i32
        %dma_start3A_72 = arith.constant 0 : i32
        %dma_start3A_73 = tpu.memref_slice %arg10[%dma_start3A_70, %dma_start3A_71, %dma_start3A_72] : memref<4x128x32xf32, #tpu.memory_space<vmem>> -> memref<1x128x32xf32, #tpu.memory_space<vmem>>
        %dma_start3A_74 = tpu.memref_squeeze %dma_start3A_73 : memref<1x128x32xf32, #tpu.memory_space<vmem>> -> memref<128x32xf32, #tpu.memory_space<vmem>>
        %dma_start3A_75 = arith.constant 0 : i32
        %dma_start3A_76 = tpu.memref_slice %arg8[%dma_start3A, %dma_start3A_75] : memref<56x128xi32, #tpu.memory_space<vmem>> -> memref<1x128xi32, #tpu.memory_space<vmem>>
        %dma_start3A_77 = tpu.memref_squeeze %dma_start3A_76 : memref<1x128xi32, #tpu.memory_space<vmem>> -> memref<128xi32, #tpu.memory_space<vmem>>
        %dma_start3A_78 = arith.constant 0 : i32
        %dma_start3A_79 = arith.constant 0 : i32
        %dma_start3A_80 = tpu.memref_slice %arg3[%dma_start3A_78, %dma_start3A_79] : memref<50000x32xf32, #tpu.memory_space<hbm>> -> memref<50000x32xf32, #tpu.memory_space<hbm>>
        tpu.enqueue_indirect_dma source(%dma_start3A_80 : memref<50000x32xf32, #tpu.memory_space<hbm>>) target(%dma_start3A_74 : memref<128x32xf32, #tpu.memory_space<vmem>>) offsets(%dma_start3A_77 : memref<128xi32, #tpu.memory_space<vmem>>) semaphore(%arg16 : memref<!tpu.dma_semaphore, #tpu.memory_space<semaphore_mem>>)
      } else {
      }
      %scan3A_65 = arith.constant 0 : i32
      %scan3A_66 = arith.constant 14 : i32
      %scan3A_67 = arith.addi %scan3A_65, %scan3A_66 : i32
      %scan3A_68 = arith.constant 1 : i32
      scf.for %scan3A_70 = %scan3A_65 to %scan3A_67 step %scan3A_68  : i32 {
        %mul3A_71 = arith.constant 4 : i32
        %mul3A_72 = arith.muli %scan3A_70, %mul3A_71 : i32
        %add3A_73 = arith.constant 0 : i32
        %add3A_74 = arith.addi %mul3A_72, %add3A_73 : i32
        %dma_wait3A = arith.constant 0 : i32
        %dma_wait3A_75 = arith.constant 0 : i32
        %dma_wait3A_76 = arith.constant 0 : i32
        %dma_wait3A_77 = tpu.memref_slice %arg10[%dma_wait3A, %dma_wait3A_75, %dma_wait3A_76] : memref<4x128x32xf32, #tpu.memory_space<vmem>> -> memref<1x128x32xf32, #tpu.memory_space<vmem>>
        %dma_wait3A_78 = tpu.memref_squeeze %dma_wait3A_77 : memref<1x128x32xf32, #tpu.memory_space<vmem>> -> memref<128x32xf32, #tpu.memory_space<vmem>>
        %dma_wait3A_79 = arith.constant 0 : i32
        %dma_wait3A_80 = arith.constant 0 : i32
        %dma_wait3A_81 = tpu.memref_slice %arg2[%dma_wait3A_79, %dma_wait3A_80] : memref<50000x32xf32, #tpu.memory_space<hbm>> -> memref<128x32xf32, #tpu.memory_space<hbm>>
        %dma_wait3A_82 = arith.constant 0 : i32
        %dma_wait3A_83 = arith.constant 0 : i32
        %dma_wait3A_84 = tpu.memref_slice %arg10[%dma_wait3A, %dma_wait3A_82, %dma_wait3A_83] : memref<4x128x32xf32, #tpu.memory_space<vmem>> -> memref<1x128x32xf32, #tpu.memory_space<vmem>>
        %dma_wait3A_85 = tpu.memref_squeeze %dma_wait3A_84 : memref<1x128x32xf32, #tpu.memory_space<vmem>> -> memref<128x32xf32, #tpu.memory_space<vmem>>
        %dma_wait3A_86 = arith.constant 0 : i32
        %dma_wait3A_87 = arith.constant 0 : i32
        %dma_wait3A_88 = tpu.memref_slice %arg2[%dma_wait3A_86, %dma_wait3A_87] : memref<50000x32xf32, #tpu.memory_space<hbm>> -> memref<128x32xf32, #tpu.memory_space<hbm>>
        tpu.wait_dma2 semaphore(%arg13 : memref<!tpu.dma_semaphore, #tpu.memory_space<semaphore_mem>>) src(%dma_wait3A_88 : memref<128x32xf32, #tpu.memory_space<hbm>>) dst(%dma_wait3A_85 : memref<128x32xf32, #tpu.memory_space<vmem>>)
        %dma_start3A = arith.constant 0 : i32
        %dma_start3A_89 = arith.constant 0 : i32
        %dma_start3A_90 = arith.constant 0 : i32
        %dma_start3A_91 = tpu.memref_slice %arg10[%dma_start3A, %dma_start3A_89, %dma_start3A_90] : memref<4x128x32xf32, #tpu.memory_space<vmem>> -> memref<1x128x32xf32, #tpu.memory_space<vmem>>
        %dma_start3A_92 = tpu.memref_squeeze %dma_start3A_91 : memref<1x128x32xf32, #tpu.memory_space<vmem>> -> memref<128x32xf32, #tpu.memory_space<vmem>>
        %dma_start3A_93 = arith.constant 0 : i32
        %dma_start3A_94 = tpu.memref_slice %arg9[%add3A_74, %dma_start3A_93] : memref<56x128xi32, #tpu.memory_space<vmem>> -> memref<1x128xi32, #tpu.memory_space<vmem>>
        %dma_start3A_95 = tpu.memref_squeeze %dma_start3A_94 : memref<1x128xi32, #tpu.memory_space<vmem>> -> memref<128xi32, #tpu.memory_space<vmem>>
        %dma_start3A_96 = arith.constant 0 : i32
        %dma_start3A_97 = arith.constant 0 : i32
        %dma_start3A_98 = tpu.memref_slice %arg11[%dma_start3A_96, %dma_start3A_97] : memref<50008x32xf32, #tpu.memory_space<vmem_shared>> -> memref<50008x32xf32, #tpu.memory_space<vmem_shared>>
        tpu.enqueue_indirect_dma source(%dma_start3A_92 : memref<128x32xf32, #tpu.memory_space<vmem>>) target(%dma_start3A_98 : memref<50008x32xf32, #tpu.memory_space<vmem_shared>>) offsets(%dma_start3A_95 : memref<128xi32, #tpu.memory_space<vmem>>) semaphore(%arg17 : memref<!tpu.dma_semaphore, #tpu.memory_space<semaphore_mem>>) {add = true}
        %dma_wait3A_99 = arith.constant 0 : i32
        %dma_wait3A_100 = arith.constant 0 : i32
        %dma_wait3A_101 = arith.constant 0 : i32
        %dma_wait3A_102 = tpu.memref_slice %arg10[%dma_wait3A_99, %dma_wait3A_100, %dma_wait3A_101] : memref<4x128x32xf32, #tpu.memory_space<vmem>> -> memref<1x128x32xf32, #tpu.memory_space<vmem>>
        %dma_wait3A_103 = tpu.memref_squeeze %dma_wait3A_102 : memref<1x128x32xf32, #tpu.memory_space<vmem>> -> memref<128x32xf32, #tpu.memory_space<vmem>>
        %dma_wait3A_104 = arith.constant 0 : i32
        %dma_wait3A_105 = arith.constant 0 : i32
        %dma_wait3A_106 = tpu.memref_slice %arg2[%dma_wait3A_104, %dma_wait3A_105] : memref<50000x32xf32, #tpu.memory_space<hbm>> -> memref<128x32xf32, #tpu.memory_space<hbm>>
        %dma_wait3A_107 = arith.constant 0 : i32
        %dma_wait3A_108 = arith.constant 0 : i32
        %dma_wait3A_109 = tpu.memref_slice %arg10[%dma_wait3A_99, %dma_wait3A_107, %dma_wait3A_108] : memref<4x128x32xf32, #tpu.memory_space<vmem>> -> memref<1x128x32xf32, #tpu.memory_space<vmem>>
        %dma_wait3A_110 = tpu.memref_squeeze %dma_wait3A_109 : memref<1x128x32xf32, #tpu.memory_space<vmem>> -> memref<128x32xf32, #tpu.memory_space<vmem>>
        %dma_wait3A_111 = arith.constant 0 : i32
        %dma_wait3A_112 = arith.constant 0 : i32
        %dma_wait3A_113 = tpu.memref_slice %arg2[%dma_wait3A_111, %dma_wait3A_112] : memref<50000x32xf32, #tpu.memory_space<hbm>> -> memref<128x32xf32, #tpu.memory_space<hbm>>
        tpu.wait_dma2 semaphore(%arg17 : memref<!tpu.dma_semaphore, #tpu.memory_space<semaphore_mem>>) src(%dma_wait3A_113 : memref<128x32xf32, #tpu.memory_space<hbm>>) dst(%dma_wait3A_110 : memref<128x32xf32, #tpu.memory_space<vmem>>)
        %add3A_114 = arith.constant 4 : i32
        %add3A_115 = arith.addi %add3A_74, %add3A_114 : i32
        %lt3A_116 = arith.constant 56 : i32
        %lt3A_117 = arith.cmpi slt, %add3A_115, %lt3A_116 : i32
        %convert_element_type3A_118 = arith.extui %lt3A_117 : i1 to i32
        %cond3A_119 = arith.constant 0 : i32
        %cond3A_120 = arith.cmpi ne, %convert_element_type3A_118, %cond3A_119 : i32
        scf.if %cond3A_120 {
          %add3A_277 = arith.constant 4 : i32
          %add3A_278 = arith.addi %add3A_74, %add3A_277 : i32
          %eq3A_279 = arith.constant 0 : i32
          %eq3A_280 = arith.cmpi eq, %arg0, %eq3A_279 : i32
          %convert_element_type3A_281 = arith.extui %eq3A_280 : i1 to i32
          %cond3A_282 = arith.constant 0 : i32
          %cond3A_283 = arith.cmpi ne, %convert_element_type3A_281, %cond3A_282 : i32
          scf.if %cond3A_283 {
            %dma_start3A_289 = arith.constant 0 : i32
            %dma_start3A_290 = arith.constant 0 : i32
            %dma_start3A_291 = arith.constant 0 : i32
            %dma_start3A_292 = tpu.memref_slice %arg10[%dma_start3A_289, %dma_start3A_290, %dma_start3A_291] : memref<4x128x32xf32, #tpu.memory_space<vmem>> -> memref<1x128x32xf32, #tpu.memory_space<vmem>>
            %dma_start3A_293 = tpu.memref_squeeze %dma_start3A_292 : memref<1x128x32xf32, #tpu.memory_space<vmem>> -> memref<128x32xf32, #tpu.memory_space<vmem>>
            %dma_start3A_294 = arith.constant 0 : i32
            %dma_start3A_295 = tpu.memref_slice %arg8[%add3A_278, %dma_start3A_294] : memref<56x128xi32, #tpu.memory_space<vmem>> -> memref<1x128xi32, #tpu.memory_space<vmem>>
            %dma_start3A_296 = tpu.memref_squeeze %dma_start3A_295 : memref<1x128xi32, #tpu.memory_space<vmem>> -> memref<128xi32, #tpu.memory_space<vmem>>
            %dma_start3A_297 = arith.constant 0 : i32
            %dma_start3A_298 = arith.constant 0 : i32
            %dma_start3A_299 = tpu.memref_slice %arg2[%dma_start3A_297, %dma_start3A_298] : memref<50000x32xf32, #tpu.memory_space<hbm>> -> memref<50000x32xf32, #tpu.memory_space<hbm>>
            tpu.enqueue_indirect_dma source(%dma_start3A_299 : memref<50000x32xf32, #tpu.memory_space<hbm>>) target(%dma_start3A_293 : memref<128x32xf32, #tpu.memory_space<vmem>>) offsets(%dma_start3A_296 : memref<128xi32, #tpu.memory_space<vmem>>) semaphore(%arg13 : memref<!tpu.dma_semaphore, #tpu.memory_space<semaphore_mem>>)
          } else {
          }
          %ne3A_284 = arith.constant 0 : i32
          %ne3A_285 = arith.cmpi ne, %arg0, %ne3A_284 : i32
          %convert_element_type3A_286 = arith.extui %ne3A_285 : i1 to i32
          %cond3A_287 = arith.constant 0 : i32
          %cond3A_288 = arith.cmpi ne, %convert_element_type3A_286, %cond3A_287 : i32
          scf.if %cond3A_288 {
            %dma_start3A_289 = arith.constant 0 : i32
            %dma_start3A_290 = arith.constant 0 : i32
            %dma_start3A_291 = arith.constant 0 : i32
            %dma_start3A_292 = tpu.memref_slice %arg10[%dma_start3A_289, %dma_start3A_290, %dma_start3A_291] : memref<4x128x32xf32, #tpu.memory_space<vmem>> -> memref<1x128x32xf32, #tpu.memory_space<vmem>>
            %dma_start3A_293 = tpu.memref_squeeze %dma_start3A_292 : memref<1x128x32xf32, #tpu.memory_space<vmem>> -> memref<128x32xf32, #tpu.memory_space<vmem>>
            %dma_start3A_294 = arith.constant 0 : i32
            %dma_start3A_295 = tpu.memref_slice %arg8[%add3A_278, %dma_start3A_294] : memref<56x128xi32, #tpu.memory_space<vmem>> -> memref<1x128xi32, #tpu.memory_space<vmem>>
            %dma_start3A_296 = tpu.memref_squeeze %dma_start3A_295 : memref<1x128xi32, #tpu.memory_space<vmem>> -> memref<128xi32, #tpu.memory_space<vmem>>
            %dma_start3A_297 = arith.constant 0 : i32
            %dma_start3A_298 = arith.constant 0 : i32
            %dma_start3A_299 = tpu.memref_slice %arg3[%dma_start3A_297, %dma_start3A_298] : memref<50000x32xf32, #tpu.memory_space<hbm>> -> memref<50000x32xf32, #tpu.memory_space<hbm>>
            tpu.enqueue_indirect_dma source(%dma_start3A_299 : memref<50000x32xf32, #tpu.memory_space<hbm>>) target(%dma_start3A_293 : memref<128x32xf32, #tpu.memory_space<vmem>>) offsets(%dma_start3A_296 : memref<128xi32, #tpu.memory_space<vmem>>) semaphore(%arg13 : memref<!tpu.dma_semaphore, #tpu.memory_space<semaphore_mem>>)
          } else {
          }
        } else {
        }
        %mul3A_121 = arith.constant 4 : i32
        %mul3A_122 = arith.muli %scan3A_70, %mul3A_121 : i32
        %add3A_123 = arith.constant 1 : i32
        %add3A_124 = arith.addi %mul3A_122, %add3A_123 : i32
        %dma_wait3A_125 = arith.constant 1 : i32
        %dma_wait3A_126 = arith.constant 0 : i32
        %dma_wait3A_127 = arith.constant 0 : i32
        %dma_wait3A_128 = tpu.memref_slice %arg10[%dma_wait3A_125, %dma_wait3A_126, %dma_wait3A_127] : memref<4x128x32xf32, #tpu.memory_space<vmem>> -> memref<1x128x32xf32, #tpu.memory_space<vmem>>
        %dma_wait3A_129 = tpu.memref_squeeze %dma_wait3A_128 : memref<1x128x32xf32, #tpu.memory_space<vmem>> -> memref<128x32xf32, #tpu.memory_space<vmem>>
        %dma_wait3A_130 = arith.constant 0 : i32
        %dma_wait3A_131 = arith.constant 0 : i32
        %dma_wait3A_132 = tpu.memref_slice %arg2[%dma_wait3A_130, %dma_wait3A_131] : memref<50000x32xf32, #tpu.memory_space<hbm>> -> memref<128x32xf32, #tpu.memory_space<hbm>>
        %dma_wait3A_133 = arith.constant 0 : i32
        %dma_wait3A_134 = arith.constant 0 : i32
        %dma_wait3A_135 = tpu.memref_slice %arg10[%dma_wait3A_125, %dma_wait3A_133, %dma_wait3A_134] : memref<4x128x32xf32, #tpu.memory_space<vmem>> -> memref<1x128x32xf32, #tpu.memory_space<vmem>>
        %dma_wait3A_136 = tpu.memref_squeeze %dma_wait3A_135 : memref<1x128x32xf32, #tpu.memory_space<vmem>> -> memref<128x32xf32, #tpu.memory_space<vmem>>
        %dma_wait3A_137 = arith.constant 0 : i32
        %dma_wait3A_138 = arith.constant 0 : i32
        %dma_wait3A_139 = tpu.memref_slice %arg2[%dma_wait3A_137, %dma_wait3A_138] : memref<50000x32xf32, #tpu.memory_space<hbm>> -> memref<128x32xf32, #tpu.memory_space<hbm>>
        tpu.wait_dma2 semaphore(%arg14 : memref<!tpu.dma_semaphore, #tpu.memory_space<semaphore_mem>>) src(%dma_wait3A_139 : memref<128x32xf32, #tpu.memory_space<hbm>>) dst(%dma_wait3A_136 : memref<128x32xf32, #tpu.memory_space<vmem>>)
        %dma_start3A_140 = arith.constant 1 : i32
        %dma_start3A_141 = arith.constant 0 : i32
        %dma_start3A_142 = arith.constant 0 : i32
        %dma_start3A_143 = tpu.memref_slice %arg10[%dma_start3A_140, %dma_start3A_141, %dma_start3A_142] : memref<4x128x32xf32, #tpu.memory_space<vmem>> -> memref<1x128x32xf32, #tpu.memory_space<vmem>>
        %dma_start3A_144 = tpu.memref_squeeze %dma_start3A_143 : memref<1x128x32xf32, #tpu.memory_space<vmem>> -> memref<128x32xf32, #tpu.memory_space<vmem>>
        %dma_start3A_145 = arith.constant 0 : i32
        %dma_start3A_146 = tpu.memref_slice %arg9[%add3A_124, %dma_start3A_145] : memref<56x128xi32, #tpu.memory_space<vmem>> -> memref<1x128xi32, #tpu.memory_space<vmem>>
        %dma_start3A_147 = tpu.memref_squeeze %dma_start3A_146 : memref<1x128xi32, #tpu.memory_space<vmem>> -> memref<128xi32, #tpu.memory_space<vmem>>
        %dma_start3A_148 = arith.constant 0 : i32
        %dma_start3A_149 = arith.constant 0 : i32
        %dma_start3A_150 = tpu.memref_slice %arg11[%dma_start3A_148, %dma_start3A_149] : memref<50008x32xf32, #tpu.memory_space<vmem_shared>> -> memref<50008x32xf32, #tpu.memory_space<vmem_shared>>
        tpu.enqueue_indirect_dma source(%dma_start3A_144 : memref<128x32xf32, #tpu.memory_space<vmem>>) target(%dma_start3A_150 : memref<50008x32xf32, #tpu.memory_space<vmem_shared>>) offsets(%dma_start3A_147 : memref<128xi32, #tpu.memory_space<vmem>>) semaphore(%arg18 : memref<!tpu.dma_semaphore, #tpu.memory_space<semaphore_mem>>) {add = true}
        %dma_wait3A_151 = arith.constant 1 : i32
        %dma_wait3A_152 = arith.constant 0 : i32
        %dma_wait3A_153 = arith.constant 0 : i32
        %dma_wait3A_154 = tpu.memref_slice %arg10[%dma_wait3A_151, %dma_wait3A_152, %dma_wait3A_153] : memref<4x128x32xf32, #tpu.memory_space<vmem>> -> memref<1x128x32xf32, #tpu.memory_space<vmem>>
        %dma_wait3A_155 = tpu.memref_squeeze %dma_wait3A_154 : memref<1x128x32xf32, #tpu.memory_space<vmem>> -> memref<128x32xf32, #tpu.memory_space<vmem>>
        %dma_wait3A_156 = arith.constant 0 : i32
        %dma_wait3A_157 = arith.constant 0 : i32
        %dma_wait3A_158 = tpu.memref_slice %arg2[%dma_wait3A_156, %dma_wait3A_157] : memref<50000x32xf32, #tpu.memory_space<hbm>> -> memref<128x32xf32, #tpu.memory_space<hbm>>
        %dma_wait3A_159 = arith.constant 0 : i32
        %dma_wait3A_160 = arith.constant 0 : i32
        %dma_wait3A_161 = tpu.memref_slice %arg10[%dma_wait3A_151, %dma_wait3A_159, %dma_wait3A_160] : memref<4x128x32xf32, #tpu.memory_space<vmem>> -> memref<1x128x32xf32, #tpu.memory_space<vmem>>
        %dma_wait3A_162 = tpu.memref_squeeze %dma_wait3A_161 : memref<1x128x32xf32, #tpu.memory_space<vmem>> -> memref<128x32xf32, #tpu.memory_space<vmem>>
        %dma_wait3A_163 = arith.constant 0 : i32
        %dma_wait3A_164 = arith.constant 0 : i32
        %dma_wait3A_165 = tpu.memref_slice %arg2[%dma_wait3A_163, %dma_wait3A_164] : memref<50000x32xf32, #tpu.memory_space<hbm>> -> memref<128x32xf32, #tpu.memory_space<hbm>>
        tpu.wait_dma2 semaphore(%arg18 : memref<!tpu.dma_semaphore, #tpu.memory_space<semaphore_mem>>) src(%dma_wait3A_165 : memref<128x32xf32, #tpu.memory_space<hbm>>) dst(%dma_wait3A_162 : memref<128x32xf32, #tpu.memory_space<vmem>>)
        %add3A_166 = arith.constant 4 : i32
        %add3A_167 = arith.addi %add3A_124, %add3A_166 : i32
        %lt3A_168 = arith.constant 56 : i32
        %lt3A_169 = arith.cmpi slt, %add3A_167, %lt3A_168 : i32
        %convert_element_type3A_170 = arith.extui %lt3A_169 : i1 to i32
        %cond3A_171 = arith.constant 0 : i32
        %cond3A_172 = arith.cmpi ne, %convert_element_type3A_170, %cond3A_171 : i32
        scf.if %cond3A_172 {
          %add3A_277 = arith.constant 4 : i32
          %add3A_278 = arith.addi %add3A_124, %add3A_277 : i32
          %eq3A_279 = arith.constant 0 : i32
          %eq3A_280 = arith.cmpi eq, %arg0, %eq3A_279 : i32
          %convert_element_type3A_281 = arith.extui %eq3A_280 : i1 to i32
          %cond3A_282 = arith.constant 0 : i32
          %cond3A_283 = arith.cmpi ne, %convert_element_type3A_281, %cond3A_282 : i32
          scf.if %cond3A_283 {
            %dma_start3A_289 = arith.constant 1 : i32
            %dma_start3A_290 = arith.constant 0 : i32
            %dma_start3A_291 = arith.constant 0 : i32
            %dma_start3A_292 = tpu.memref_slice %arg10[%dma_start3A_289, %dma_start3A_290, %dma_start3A_291] : memref<4x128x32xf32, #tpu.memory_space<vmem>> -> memref<1x128x32xf32, #tpu.memory_space<vmem>>
            %dma_start3A_293 = tpu.memref_squeeze %dma_start3A_292 : memref<1x128x32xf32, #tpu.memory_space<vmem>> -> memref<128x32xf32, #tpu.memory_space<vmem>>
            %dma_start3A_294 = arith.constant 0 : i32
            %dma_start3A_295 = tpu.memref_slice %arg8[%add3A_278, %dma_start3A_294] : memref<56x128xi32, #tpu.memory_space<vmem>> -> memref<1x128xi32, #tpu.memory_space<vmem>>
            %dma_start3A_296 = tpu.memref_squeeze %dma_start3A_295 : memref<1x128xi32, #tpu.memory_space<vmem>> -> memref<128xi32, #tpu.memory_space<vmem>>
            %dma_start3A_297 = arith.constant 0 : i32
            %dma_start3A_298 = arith.constant 0 : i32
            %dma_start3A_299 = tpu.memref_slice %arg2[%dma_start3A_297, %dma_start3A_298] : memref<50000x32xf32, #tpu.memory_space<hbm>> -> memref<50000x32xf32, #tpu.memory_space<hbm>>
            tpu.enqueue_indirect_dma source(%dma_start3A_299 : memref<50000x32xf32, #tpu.memory_space<hbm>>) target(%dma_start3A_293 : memref<128x32xf32, #tpu.memory_space<vmem>>) offsets(%dma_start3A_296 : memref<128xi32, #tpu.memory_space<vmem>>) semaphore(%arg14 : memref<!tpu.dma_semaphore, #tpu.memory_space<semaphore_mem>>)
          } else {
          }
          %ne3A_284 = arith.constant 0 : i32
          %ne3A_285 = arith.cmpi ne, %arg0, %ne3A_284 : i32
          %convert_element_type3A_286 = arith.extui %ne3A_285 : i1 to i32
          %cond3A_287 = arith.constant 0 : i32
          %cond3A_288 = arith.cmpi ne, %convert_element_type3A_286, %cond3A_287 : i32
          scf.if %cond3A_288 {
            %dma_start3A_289 = arith.constant 1 : i32
            %dma_start3A_290 = arith.constant 0 : i32
            %dma_start3A_291 = arith.constant 0 : i32
            %dma_start3A_292 = tpu.memref_slice %arg10[%dma_start3A_289, %dma_start3A_290, %dma_start3A_291] : memref<4x128x32xf32, #tpu.memory_space<vmem>> -> memref<1x128x32xf32, #tpu.memory_space<vmem>>
            %dma_start3A_293 = tpu.memref_squeeze %dma_start3A_292 : memref<1x128x32xf32, #tpu.memory_space<vmem>> -> memref<128x32xf32, #tpu.memory_space<vmem>>
            %dma_start3A_294 = arith.constant 0 : i32
            %dma_start3A_295 = tpu.memref_slice %arg8[%add3A_278, %dma_start3A_294] : memref<56x128xi32, #tpu.memory_space<vmem>> -> memref<1x128xi32, #tpu.memory_space<vmem>>
            %dma_start3A_296 = tpu.memref_squeeze %dma_start3A_295 : memref<1x128xi32, #tpu.memory_space<vmem>> -> memref<128xi32, #tpu.memory_space<vmem>>
            %dma_start3A_297 = arith.constant 0 : i32
            %dma_start3A_298 = arith.constant 0 : i32
            %dma_start3A_299 = tpu.memref_slice %arg3[%dma_start3A_297, %dma_start3A_298] : memref<50000x32xf32, #tpu.memory_space<hbm>> -> memref<50000x32xf32, #tpu.memory_space<hbm>>
            tpu.enqueue_indirect_dma source(%dma_start3A_299 : memref<50000x32xf32, #tpu.memory_space<hbm>>) target(%dma_start3A_293 : memref<128x32xf32, #tpu.memory_space<vmem>>) offsets(%dma_start3A_296 : memref<128xi32, #tpu.memory_space<vmem>>) semaphore(%arg14 : memref<!tpu.dma_semaphore, #tpu.memory_space<semaphore_mem>>)
          } else {
          }
        } else {
        }
        %mul3A_173 = arith.constant 4 : i32
        %mul3A_174 = arith.muli %scan3A_70, %mul3A_173 : i32
        %add3A_175 = arith.constant 2 : i32
        %add3A_176 = arith.addi %mul3A_174, %add3A_175 : i32
        %dma_wait3A_177 = arith.constant 2 : i32
        %dma_wait3A_178 = arith.constant 0 : i32
        %dma_wait3A_179 = arith.constant 0 : i32
        %dma_wait3A_180 = tpu.memref_slice %arg10[%dma_wait3A_177, %dma_wait3A_178, %dma_wait3A_179] : memref<4x128x32xf32, #tpu.memory_space<vmem>> -> memref<1x128x32xf32, #tpu.memory_space<vmem>>
        %dma_wait3A_181 = tpu.memref_squeeze %dma_wait3A_180 : memref<1x128x32xf32, #tpu.memory_space<vmem>> -> memref<128x32xf32, #tpu.memory_space<vmem>>
        %dma_wait3A_182 = arith.constant 0 : i32
        %dma_wait3A_183 = arith.constant 0 : i32
        %dma_wait3A_184 = tpu.memref_slice %arg2[%dma_wait3A_182, %dma_wait3A_183] : memref<50000x32xf32, #tpu.memory_space<hbm>> -> memref<128x32xf32, #tpu.memory_space<hbm>>
        %dma_wait3A_185 = arith.constant 0 : i32
        %dma_wait3A_186 = arith.constant 0 : i32
        %dma_wait3A_187 = tpu.memref_slice %arg10[%dma_wait3A_177, %dma_wait3A_185, %dma_wait3A_186] : memref<4x128x32xf32, #tpu.memory_space<vmem>> -> memref<1x128x32xf32, #tpu.memory_space<vmem>>
        %dma_wait3A_188 = tpu.memref_squeeze %dma_wait3A_187 : memref<1x128x32xf32, #tpu.memory_space<vmem>> -> memref<128x32xf32, #tpu.memory_space<vmem>>
        %dma_wait3A_189 = arith.constant 0 : i32
        %dma_wait3A_190 = arith.constant 0 : i32
        %dma_wait3A_191 = tpu.memref_slice %arg2[%dma_wait3A_189, %dma_wait3A_190] : memref<50000x32xf32, #tpu.memory_space<hbm>> -> memref<128x32xf32, #tpu.memory_space<hbm>>
        tpu.wait_dma2 semaphore(%arg15 : memref<!tpu.dma_semaphore, #tpu.memory_space<semaphore_mem>>) src(%dma_wait3A_191 : memref<128x32xf32, #tpu.memory_space<hbm>>) dst(%dma_wait3A_188 : memref<128x32xf32, #tpu.memory_space<vmem>>)
        %dma_start3A_192 = arith.constant 2 : i32
        %dma_start3A_193 = arith.constant 0 : i32
        %dma_start3A_194 = arith.constant 0 : i32
        %dma_start3A_195 = tpu.memref_slice %arg10[%dma_start3A_192, %dma_start3A_193, %dma_start3A_194] : memref<4x128x32xf32, #tpu.memory_space<vmem>> -> memref<1x128x32xf32, #tpu.memory_space<vmem>>
        %dma_start3A_196 = tpu.memref_squeeze %dma_start3A_195 : memref<1x128x32xf32, #tpu.memory_space<vmem>> -> memref<128x32xf32, #tpu.memory_space<vmem>>
        %dma_start3A_197 = arith.constant 0 : i32
        %dma_start3A_198 = tpu.memref_slice %arg9[%add3A_176, %dma_start3A_197] : memref<56x128xi32, #tpu.memory_space<vmem>> -> memref<1x128xi32, #tpu.memory_space<vmem>>
        %dma_start3A_199 = tpu.memref_squeeze %dma_start3A_198 : memref<1x128xi32, #tpu.memory_space<vmem>> -> memref<128xi32, #tpu.memory_space<vmem>>
        %dma_start3A_200 = arith.constant 0 : i32
        %dma_start3A_201 = arith.constant 0 : i32
        %dma_start3A_202 = tpu.memref_slice %arg11[%dma_start3A_200, %dma_start3A_201] : memref<50008x32xf32, #tpu.memory_space<vmem_shared>> -> memref<50008x32xf32, #tpu.memory_space<vmem_shared>>
        tpu.enqueue_indirect_dma source(%dma_start3A_196 : memref<128x32xf32, #tpu.memory_space<vmem>>) target(%dma_start3A_202 : memref<50008x32xf32, #tpu.memory_space<vmem_shared>>) offsets(%dma_start3A_199 : memref<128xi32, #tpu.memory_space<vmem>>) semaphore(%arg19 : memref<!tpu.dma_semaphore, #tpu.memory_space<semaphore_mem>>) {add = true}
        %dma_wait3A_203 = arith.constant 2 : i32
        %dma_wait3A_204 = arith.constant 0 : i32
        %dma_wait3A_205 = arith.constant 0 : i32
        %dma_wait3A_206 = tpu.memref_slice %arg10[%dma_wait3A_203, %dma_wait3A_204, %dma_wait3A_205] : memref<4x128x32xf32, #tpu.memory_space<vmem>> -> memref<1x128x32xf32, #tpu.memory_space<vmem>>
        %dma_wait3A_207 = tpu.memref_squeeze %dma_wait3A_206 : memref<1x128x32xf32, #tpu.memory_space<vmem>> -> memref<128x32xf32, #tpu.memory_space<vmem>>
        %dma_wait3A_208 = arith.constant 0 : i32
        %dma_wait3A_209 = arith.constant 0 : i32
        %dma_wait3A_210 = tpu.memref_slice %arg2[%dma_wait3A_208, %dma_wait3A_209] : memref<50000x32xf32, #tpu.memory_space<hbm>> -> memref<128x32xf32, #tpu.memory_space<hbm>>
        %dma_wait3A_211 = arith.constant 0 : i32
        %dma_wait3A_212 = arith.constant 0 : i32
        %dma_wait3A_213 = tpu.memref_slice %arg10[%dma_wait3A_203, %dma_wait3A_211, %dma_wait3A_212] : memref<4x128x32xf32, #tpu.memory_space<vmem>> -> memref<1x128x32xf32, #tpu.memory_space<vmem>>
        %dma_wait3A_214 = tpu.memref_squeeze %dma_wait3A_213 : memref<1x128x32xf32, #tpu.memory_space<vmem>> -> memref<128x32xf32, #tpu.memory_space<vmem>>
        %dma_wait3A_215 = arith.constant 0 : i32
        %dma_wait3A_216 = arith.constant 0 : i32
        %dma_wait3A_217 = tpu.memref_slice %arg2[%dma_wait3A_215, %dma_wait3A_216] : memref<50000x32xf32, #tpu.memory_space<hbm>> -> memref<128x32xf32, #tpu.memory_space<hbm>>
        tpu.wait_dma2 semaphore(%arg19 : memref<!tpu.dma_semaphore, #tpu.memory_space<semaphore_mem>>) src(%dma_wait3A_217 : memref<128x32xf32, #tpu.memory_space<hbm>>) dst(%dma_wait3A_214 : memref<128x32xf32, #tpu.memory_space<vmem>>)
        %add3A_218 = arith.constant 4 : i32
        %add3A_219 = arith.addi %add3A_176, %add3A_218 : i32
        %lt3A_220 = arith.constant 56 : i32
        %lt3A_221 = arith.cmpi slt, %add3A_219, %lt3A_220 : i32
        %convert_element_type3A_222 = arith.extui %lt3A_221 : i1 to i32
        %cond3A_223 = arith.constant 0 : i32
        %cond3A_224 = arith.cmpi ne, %convert_element_type3A_222, %cond3A_223 : i32
        scf.if %cond3A_224 {
          %add3A_277 = arith.constant 4 : i32
          %add3A_278 = arith.addi %add3A_176, %add3A_277 : i32
          %eq3A_279 = arith.constant 0 : i32
          %eq3A_280 = arith.cmpi eq, %arg0, %eq3A_279 : i32
          %convert_element_type3A_281 = arith.extui %eq3A_280 : i1 to i32
          %cond3A_282 = arith.constant 0 : i32
          %cond3A_283 = arith.cmpi ne, %convert_element_type3A_281, %cond3A_282 : i32
          scf.if %cond3A_283 {
            %dma_start3A_289 = arith.constant 2 : i32
            %dma_start3A_290 = arith.constant 0 : i32
            %dma_start3A_291 = arith.constant 0 : i32
            %dma_start3A_292 = tpu.memref_slice %arg10[%dma_start3A_289, %dma_start3A_290, %dma_start3A_291] : memref<4x128x32xf32, #tpu.memory_space<vmem>> -> memref<1x128x32xf32, #tpu.memory_space<vmem>>
            %dma_start3A_293 = tpu.memref_squeeze %dma_start3A_292 : memref<1x128x32xf32, #tpu.memory_space<vmem>> -> memref<128x32xf32, #tpu.memory_space<vmem>>
            %dma_start3A_294 = arith.constant 0 : i32
            %dma_start3A_295 = tpu.memref_slice %arg8[%add3A_278, %dma_start3A_294] : memref<56x128xi32, #tpu.memory_space<vmem>> -> memref<1x128xi32, #tpu.memory_space<vmem>>
            %dma_start3A_296 = tpu.memref_squeeze %dma_start3A_295 : memref<1x128xi32, #tpu.memory_space<vmem>> -> memref<128xi32, #tpu.memory_space<vmem>>
            %dma_start3A_297 = arith.constant 0 : i32
            %dma_start3A_298 = arith.constant 0 : i32
            %dma_start3A_299 = tpu.memref_slice %arg2[%dma_start3A_297, %dma_start3A_298] : memref<50000x32xf32, #tpu.memory_space<hbm>> -> memref<50000x32xf32, #tpu.memory_space<hbm>>
            tpu.enqueue_indirect_dma source(%dma_start3A_299 : memref<50000x32xf32, #tpu.memory_space<hbm>>) target(%dma_start3A_293 : memref<128x32xf32, #tpu.memory_space<vmem>>) offsets(%dma_start3A_296 : memref<128xi32, #tpu.memory_space<vmem>>) semaphore(%arg15 : memref<!tpu.dma_semaphore, #tpu.memory_space<semaphore_mem>>)
          } else {
          }
          %ne3A_284 = arith.constant 0 : i32
          %ne3A_285 = arith.cmpi ne, %arg0, %ne3A_284 : i32
          %convert_element_type3A_286 = arith.extui %ne3A_285 : i1 to i32
          %cond3A_287 = arith.constant 0 : i32
          %cond3A_288 = arith.cmpi ne, %convert_element_type3A_286, %cond3A_287 : i32
          scf.if %cond3A_288 {
            %dma_start3A_289 = arith.constant 2 : i32
            %dma_start3A_290 = arith.constant 0 : i32
            %dma_start3A_291 = arith.constant 0 : i32
            %dma_start3A_292 = tpu.memref_slice %arg10[%dma_start3A_289, %dma_start3A_290, %dma_start3A_291] : memref<4x128x32xf32, #tpu.memory_space<vmem>> -> memref<1x128x32xf32, #tpu.memory_space<vmem>>
            %dma_start3A_293 = tpu.memref_squeeze %dma_start3A_292 : memref<1x128x32xf32, #tpu.memory_space<vmem>> -> memref<128x32xf32, #tpu.memory_space<vmem>>
            %dma_start3A_294 = arith.constant 0 : i32
            %dma_start3A_295 = tpu.memref_slice %arg8[%add3A_278, %dma_start3A_294] : memref<56x128xi32, #tpu.memory_space<vmem>> -> memref<1x128xi32, #tpu.memory_space<vmem>>
            %dma_start3A_296 = tpu.memref_squeeze %dma_start3A_295 : memref<1x128xi32, #tpu.memory_space<vmem>> -> memref<128xi32, #tpu.memory_space<vmem>>
            %dma_start3A_297 = arith.constant 0 : i32
            %dma_start3A_298 = arith.constant 0 : i32
            %dma_start3A_299 = tpu.memref_slice %arg3[%dma_start3A_297, %dma_start3A_298] : memref<50000x32xf32, #tpu.memory_space<hbm>> -> memref<50000x32xf32, #tpu.memory_space<hbm>>
            tpu.enqueue_indirect_dma source(%dma_start3A_299 : memref<50000x32xf32, #tpu.memory_space<hbm>>) target(%dma_start3A_293 : memref<128x32xf32, #tpu.memory_space<vmem>>) offsets(%dma_start3A_296 : memref<128xi32, #tpu.memory_space<vmem>>) semaphore(%arg15 : memref<!tpu.dma_semaphore, #tpu.memory_space<semaphore_mem>>)
          } else {
          }
        } else {
        }
        %mul3A_225 = arith.constant 4 : i32
        %mul3A_226 = arith.muli %scan3A_70, %mul3A_225 : i32
        %add3A_227 = arith.constant 3 : i32
        %add3A_228 = arith.addi %mul3A_226, %add3A_227 : i32
        %dma_wait3A_229 = arith.constant 3 : i32
        %dma_wait3A_230 = arith.constant 0 : i32
        %dma_wait3A_231 = arith.constant 0 : i32
        %dma_wait3A_232 = tpu.memref_slice %arg10[%dma_wait3A_229, %dma_wait3A_230, %dma_wait3A_231] : memref<4x128x32xf32, #tpu.memory_space<vmem>> -> memref<1x128x32xf32, #tpu.memory_space<vmem>>
        %dma_wait3A_233 = tpu.memref_squeeze %dma_wait3A_232 : memref<1x128x32xf32, #tpu.memory_space<vmem>> -> memref<128x32xf32, #tpu.memory_space<vmem>>
        %dma_wait3A_234 = arith.constant 0 : i32
        %dma_wait3A_235 = arith.constant 0 : i32
        %dma_wait3A_236 = tpu.memref_slice %arg2[%dma_wait3A_234, %dma_wait3A_235] : memref<50000x32xf32, #tpu.memory_space<hbm>> -> memref<128x32xf32, #tpu.memory_space<hbm>>
        %dma_wait3A_237 = arith.constant 0 : i32
        %dma_wait3A_238 = arith.constant 0 : i32
        %dma_wait3A_239 = tpu.memref_slice %arg10[%dma_wait3A_229, %dma_wait3A_237, %dma_wait3A_238] : memref<4x128x32xf32, #tpu.memory_space<vmem>> -> memref<1x128x32xf32, #tpu.memory_space<vmem>>
        %dma_wait3A_240 = tpu.memref_squeeze %dma_wait3A_239 : memref<1x128x32xf32, #tpu.memory_space<vmem>> -> memref<128x32xf32, #tpu.memory_space<vmem>>
        %dma_wait3A_241 = arith.constant 0 : i32
        %dma_wait3A_242 = arith.constant 0 : i32
        %dma_wait3A_243 = tpu.memref_slice %arg2[%dma_wait3A_241, %dma_wait3A_242] : memref<50000x32xf32, #tpu.memory_space<hbm>> -> memref<128x32xf32, #tpu.memory_space<hbm>>
        tpu.wait_dma2 semaphore(%arg16 : memref<!tpu.dma_semaphore, #tpu.memory_space<semaphore_mem>>) src(%dma_wait3A_243 : memref<128x32xf32, #tpu.memory_space<hbm>>) dst(%dma_wait3A_240 : memref<128x32xf32, #tpu.memory_space<vmem>>)
        %dma_start3A_244 = arith.constant 3 : i32
        %dma_start3A_245 = arith.constant 0 : i32
        %dma_start3A_246 = arith.constant 0 : i32
        %dma_start3A_247 = tpu.memref_slice %arg10[%dma_start3A_244, %dma_start3A_245, %dma_start3A_246] : memref<4x128x32xf32, #tpu.memory_space<vmem>> -> memref<1x128x32xf32, #tpu.memory_space<vmem>>
        %dma_start3A_248 = tpu.memref_squeeze %dma_start3A_247 : memref<1x128x32xf32, #tpu.memory_space<vmem>> -> memref<128x32xf32, #tpu.memory_space<vmem>>
        %dma_start3A_249 = arith.constant 0 : i32
        %dma_start3A_250 = tpu.memref_slice %arg9[%add3A_228, %dma_start3A_249] : memref<56x128xi32, #tpu.memory_space<vmem>> -> memref<1x128xi32, #tpu.memory_space<vmem>>
        %dma_start3A_251 = tpu.memref_squeeze %dma_start3A_250 : memref<1x128xi32, #tpu.memory_space<vmem>> -> memref<128xi32, #tpu.memory_space<vmem>>
        %dma_start3A_252 = arith.constant 0 : i32
        %dma_start3A_253 = arith.constant 0 : i32
        %dma_start3A_254 = tpu.memref_slice %arg11[%dma_start3A_252, %dma_start3A_253] : memref<50008x32xf32, #tpu.memory_space<vmem_shared>> -> memref<50008x32xf32, #tpu.memory_space<vmem_shared>>
        tpu.enqueue_indirect_dma source(%dma_start3A_248 : memref<128x32xf32, #tpu.memory_space<vmem>>) target(%dma_start3A_254 : memref<50008x32xf32, #tpu.memory_space<vmem_shared>>) offsets(%dma_start3A_251 : memref<128xi32, #tpu.memory_space<vmem>>) semaphore(%arg20 : memref<!tpu.dma_semaphore, #tpu.memory_space<semaphore_mem>>) {add = true}
        %dma_wait3A_255 = arith.constant 3 : i32
        %dma_wait3A_256 = arith.constant 0 : i32
        %dma_wait3A_257 = arith.constant 0 : i32
        %dma_wait3A_258 = tpu.memref_slice %arg10[%dma_wait3A_255, %dma_wait3A_256, %dma_wait3A_257] : memref<4x128x32xf32, #tpu.memory_space<vmem>> -> memref<1x128x32xf32, #tpu.memory_space<vmem>>
        %dma_wait3A_259 = tpu.memref_squeeze %dma_wait3A_258 : memref<1x128x32xf32, #tpu.memory_space<vmem>> -> memref<128x32xf32, #tpu.memory_space<vmem>>
        %dma_wait3A_260 = arith.constant 0 : i32
        %dma_wait3A_261 = arith.constant 0 : i32
        %dma_wait3A_262 = tpu.memref_slice %arg2[%dma_wait3A_260, %dma_wait3A_261] : memref<50000x32xf32, #tpu.memory_space<hbm>> -> memref<128x32xf32, #tpu.memory_space<hbm>>
        %dma_wait3A_263 = arith.constant 0 : i32
        %dma_wait3A_264 = arith.constant 0 : i32
        %dma_wait3A_265 = tpu.memref_slice %arg10[%dma_wait3A_255, %dma_wait3A_263, %dma_wait3A_264] : memref<4x128x32xf32, #tpu.memory_space<vmem>> -> memref<1x128x32xf32, #tpu.memory_space<vmem>>
        %dma_wait3A_266 = tpu.memref_squeeze %dma_wait3A_265 : memref<1x128x32xf32, #tpu.memory_space<vmem>> -> memref<128x32xf32, #tpu.memory_space<vmem>>
        %dma_wait3A_267 = arith.constant 0 : i32
        %dma_wait3A_268 = arith.constant 0 : i32
        %dma_wait3A_269 = tpu.memref_slice %arg2[%dma_wait3A_267, %dma_wait3A_268] : memref<50000x32xf32, #tpu.memory_space<hbm>> -> memref<128x32xf32, #tpu.memory_space<hbm>>
        tpu.wait_dma2 semaphore(%arg20 : memref<!tpu.dma_semaphore, #tpu.memory_space<semaphore_mem>>) src(%dma_wait3A_269 : memref<128x32xf32, #tpu.memory_space<hbm>>) dst(%dma_wait3A_266 : memref<128x32xf32, #tpu.memory_space<vmem>>)
        %add3A_270 = arith.constant 4 : i32
        %add3A_271 = arith.addi %add3A_228, %add3A_270 : i32
        %lt3A_272 = arith.constant 56 : i32
        %lt3A_273 = arith.cmpi slt, %add3A_271, %lt3A_272 : i32
        %convert_element_type3A_274 = arith.extui %lt3A_273 : i1 to i32
        %cond3A_275 = arith.constant 0 : i32
        %cond3A_276 = arith.cmpi ne, %convert_element_type3A_274, %cond3A_275 : i32
        scf.if %cond3A_276 {
          %add3A_277 = arith.constant 4 : i32
          %add3A_278 = arith.addi %add3A_228, %add3A_277 : i32
          %eq3A_279 = arith.constant 0 : i32
          %eq3A_280 = arith.cmpi eq, %arg0, %eq3A_279 : i32
          %convert_element_type3A_281 = arith.extui %eq3A_280 : i1 to i32
          %cond3A_282 = arith.constant 0 : i32
          %cond3A_283 = arith.cmpi ne, %convert_element_type3A_281, %cond3A_282 : i32
          scf.if %cond3A_283 {
            %dma_start3A_289 = arith.constant 3 : i32
            %dma_start3A_290 = arith.constant 0 : i32
            %dma_start3A_291 = arith.constant 0 : i32
            %dma_start3A_292 = tpu.memref_slice %arg10[%dma_start3A_289, %dma_start3A_290, %dma_start3A_291] : memref<4x128x32xf32, #tpu.memory_space<vmem>> -> memref<1x128x32xf32, #tpu.memory_space<vmem>>
            %dma_start3A_293 = tpu.memref_squeeze %dma_start3A_292 : memref<1x128x32xf32, #tpu.memory_space<vmem>> -> memref<128x32xf32, #tpu.memory_space<vmem>>
            %dma_start3A_294 = arith.constant 0 : i32
            %dma_start3A_295 = tpu.memref_slice %arg8[%add3A_278, %dma_start3A_294] : memref<56x128xi32, #tpu.memory_space<vmem>> -> memref<1x128xi32, #tpu.memory_space<vmem>>
            %dma_start3A_296 = tpu.memref_squeeze %dma_start3A_295 : memref<1x128xi32, #tpu.memory_space<vmem>> -> memref<128xi32, #tpu.memory_space<vmem>>
            %dma_start3A_297 = arith.constant 0 : i32
            %dma_start3A_298 = arith.constant 0 : i32
            %dma_start3A_299 = tpu.memref_slice %arg2[%dma_start3A_297, %dma_start3A_298] : memref<50000x32xf32, #tpu.memory_space<hbm>> -> memref<50000x32xf32, #tpu.memory_space<hbm>>
            tpu.enqueue_indirect_dma source(%dma_start3A_299 : memref<50000x32xf32, #tpu.memory_space<hbm>>) target(%dma_start3A_293 : memref<128x32xf32, #tpu.memory_space<vmem>>) offsets(%dma_start3A_296 : memref<128xi32, #tpu.memory_space<vmem>>) semaphore(%arg16 : memref<!tpu.dma_semaphore, #tpu.memory_space<semaphore_mem>>)
          } else {
          }
          %ne3A_284 = arith.constant 0 : i32
          %ne3A_285 = arith.cmpi ne, %arg0, %ne3A_284 : i32
          %convert_element_type3A_286 = arith.extui %ne3A_285 : i1 to i32
          %cond3A_287 = arith.constant 0 : i32
          %cond3A_288 = arith.cmpi ne, %convert_element_type3A_286, %cond3A_287 : i32
          scf.if %cond3A_288 {
            %dma_start3A_289 = arith.constant 3 : i32
            %dma_start3A_290 = arith.constant 0 : i32
            %dma_start3A_291 = arith.constant 0 : i32
            %dma_start3A_292 = tpu.memref_slice %arg10[%dma_start3A_289, %dma_start3A_290, %dma_start3A_291] : memref<4x128x32xf32, #tpu.memory_space<vmem>> -> memref<1x128x32xf32, #tpu.memory_space<vmem>>
            %dma_start3A_293 = tpu.memref_squeeze %dma_start3A_292 : memref<1x128x32xf32, #tpu.memory_space<vmem>> -> memref<128x32xf32, #tpu.memory_space<vmem>>
            %dma_start3A_294 = arith.constant 0 : i32
            %dma_start3A_295 = tpu.memref_slice %arg8[%add3A_278, %dma_start3A_294] : memref<56x128xi32, #tpu.memory_space<vmem>> -> memref<1x128xi32, #tpu.memory_space<vmem>>
            %dma_start3A_296 = tpu.memref_squeeze %dma_start3A_295 : memref<1x128xi32, #tpu.memory_space<vmem>> -> memref<128xi32, #tpu.memory_space<vmem>>
            %dma_start3A_297 = arith.constant 0 : i32
            %dma_start3A_298 = arith.constant 0 : i32
            %dma_start3A_299 = tpu.memref_slice %arg3[%dma_start3A_297, %dma_start3A_298] : memref<50000x32xf32, #tpu.memory_space<hbm>> -> memref<50000x32xf32, #tpu.memory_space<hbm>>
            tpu.enqueue_indirect_dma source(%dma_start3A_299 : memref<50000x32xf32, #tpu.memory_space<hbm>>) target(%dma_start3A_293 : memref<128x32xf32, #tpu.memory_space<vmem>>) offsets(%dma_start3A_296 : memref<128xi32, #tpu.memory_space<vmem>>) semaphore(%arg16 : memref<!tpu.dma_semaphore, #tpu.memory_space<semaphore_mem>>)
          } else {
          }
        } else {
        }
      }
      %scan3A_69 = arith.constant 14 : i32
    }
    %scan3A_12 = arith.constant 7 : i32
    %barrier3A_13 = arith.constant 0 : index
    tpu.barrier barrier_id(%barrier3A_13)
    %lt3A = arith.constant 15 : i32
    %lt3A_14 = arith.cmpi slt, %arg1, %lt3A : i32
    %convert_element_type3A_15 = arith.extui %lt3A_14 : i1 to i32
    %cond3A_16 = arith.constant 0 : i32
    %cond3A_17 = arith.cmpi ne, %convert_element_type3A_15, %cond3A_16 : i32
    scf.if %cond3A_17 {
      %mul3A_23 = arith.constant 3128 : i32
      %mul3A_24 = arith.muli %arg1, %mul3A_23 : i32
      %mul3A_25 = arith.constant 50000 : i32
      %mul3A_26 = arith.muli %arg0, %mul3A_25 : i32
      %mul3A_27 = arith.constant 3128 : i32
      %mul3A_28 = arith.muli %arg1, %mul3A_27 : i32
      %add3A = arith.addi %mul3A_26, %mul3A_28 : i32
      "tpu.region"() ({
        %run_scoped3A = tpu.sem_alloc : memref<!tpu.dma_semaphore, #tpu.memory_space<semaphore_mem>>
        %dma_start3A = arith.constant 0 : i32
        %dma_start3A_29 = tpu.memref_slice %arg7[%add3A, %dma_start3A] : memref<100000x32xf32, #tpu.memory_space<hbm>> -> memref<3128x32xf32, #tpu.memory_space<hbm>>
        %dma_start3A_30 = arith.constant 0 : i32
        %dma_start3A_31 = tpu.memref_slice %arg11[%mul3A_24, %dma_start3A_30] : memref<50008x32xf32, #tpu.memory_space<vmem_shared>> -> memref<3128x32xf32, #tpu.memory_space<vmem_shared>>
        tpu.enqueue_dma source(%dma_start3A_31 : memref<3128x32xf32, #tpu.memory_space<vmem_shared>>) target(%dma_start3A_29 : memref<3128x32xf32, #tpu.memory_space<hbm>>) target_semaphore(%run_scoped3A : memref<!tpu.dma_semaphore, #tpu.memory_space<semaphore_mem>>)
        %dma_wait3A = arith.constant 0 : i32
        %dma_wait3A_32 = tpu.memref_slice %arg7[%add3A, %dma_wait3A] : memref<100000x32xf32, #tpu.memory_space<hbm>> -> memref<3128x32xf32, #tpu.memory_space<hbm>>
        %dma_wait3A_33 = arith.constant 0 : i32
        %dma_wait3A_34 = tpu.memref_slice %arg11[%mul3A_24, %dma_wait3A_33] : memref<50008x32xf32, #tpu.memory_space<vmem_shared>> -> memref<3128x32xf32, #tpu.memory_space<vmem_shared>>
        tpu.wait_dma2 semaphore(%run_scoped3A : memref<!tpu.dma_semaphore, #tpu.memory_space<semaphore_mem>>) src(%dma_wait3A_34 : memref<3128x32xf32, #tpu.memory_space<vmem_shared>>) dst(%dma_wait3A_32 : memref<3128x32xf32, #tpu.memory_space<hbm>>)
        tpu.yield
      }) : () -> ()
    } else {
    }
    %eq3A_18 = arith.constant 15 : i32
    %eq3A_19 = arith.cmpi eq, %arg1, %eq3A_18 : i32
    %convert_element_type3A_20 = arith.extui %eq3A_19 : i1 to i32
    %cond3A_21 = arith.constant 0 : i32
    %cond3A_22 = arith.cmpi ne, %convert_element_type3A_20, %cond3A_21 : i32
    scf.if %cond3A_22 {
      %mul3A_23 = arith.constant 50000 : i32
      %mul3A_24 = arith.muli %arg0, %mul3A_23 : i32
      %add3A = arith.constant 46920 : i32
      %add3A_25 = arith.addi %mul3A_24, %add3A : i32
      "tpu.region"() ({
        %run_scoped3A = tpu.sem_alloc : memref<!tpu.dma_semaphore, #tpu.memory_space<semaphore_mem>>
        %dma_start3A = arith.constant 0 : i32
        %dma_start3A_26 = tpu.memref_slice %arg7[%add3A_25, %dma_start3A] : memref<100000x32xf32, #tpu.memory_space<hbm>> -> memref<3080x32xf32, #tpu.memory_space<hbm>>
        %dma_start3A_27 = arith.constant 46920 : i32
        %dma_start3A_28 = arith.constant 0 : i32
        %dma_start3A_29 = tpu.memref_slice %arg11[%dma_start3A_27, %dma_start3A_28] : memref<50008x32xf32, #tpu.memory_space<vmem_shared>> -> memref<3080x32xf32, #tpu.memory_space<vmem_shared>>
        tpu.enqueue_dma source(%dma_start3A_29 : memref<3080x32xf32, #tpu.memory_space<vmem_shared>>) target(%dma_start3A_26 : memref<3080x32xf32, #tpu.memory_space<hbm>>) target_semaphore(%run_scoped3A : memref<!tpu.dma_semaphore, #tpu.memory_space<semaphore_mem>>)
        %dma_wait3A = arith.constant 0 : i32
        %dma_wait3A_30 = tpu.memref_slice %arg7[%add3A_25, %dma_wait3A] : memref<100000x32xf32, #tpu.memory_space<hbm>> -> memref<3080x32xf32, #tpu.memory_space<hbm>>
        %dma_wait3A_31 = arith.constant 46920 : i32
        %dma_wait3A_32 = arith.constant 0 : i32
        %dma_wait3A_33 = tpu.memref_slice %arg11[%dma_wait3A_31, %dma_wait3A_32] : memref<50008x32xf32, #tpu.memory_space<vmem_shared>> -> memref<3080x32xf32, #tpu.memory_space<vmem_shared>>
        tpu.wait_dma2 semaphore(%run_scoped3A : memref<!tpu.dma_semaphore, #tpu.memory_space<semaphore_mem>>) src(%dma_wait3A_33 : memref<3080x32xf32, #tpu.memory_space<vmem_shared>>) dst(%dma_wait3A_30 : memref<3080x32xf32, #tpu.memory_space<hbm>>)
        tpu.yield
      }) : () -> ()
    } else {
    }
    return
  }
}

module attributes {stable_mosaic.version = 14 : i64} {
  func.func @_init_feat_body(%arg0: i32, %arg1: memref<1000x128xf32, #tpu.memory_space<vmem>>, %arg2: memref<128x64xf32, #tpu.memory_space<vmem>>, %arg3: memref<1x64xf32, #tpu.memory_space<vmem>>, %arg4: memref<64x64xf32, #tpu.memory_space<vmem>>, %arg5: memref<1000x32xf32, #tpu.memory_space<vmem>>, %arg6: memref<1000x32xf32, #tpu.memory_space<vmem>>) attributes {dimension_semantics = [#tpu.dimension_semantics<arbitrary>], iteration_bounds = array<i64: 45>, scalar_prefetch = 0 : i64, scratch_operands = 0 : i64, tpu.core_type = #tpu.core_type<tc>, window_params = [{transform_indices = @transform_0, window_bounds = array<i64: 1000, 128>}, {pipeline_mode = #tpu.pipeline_mode<synchronous>, transform_indices = @transform_1, window_bounds = array<i64: 128, 64>}, {pipeline_mode = #tpu.pipeline_mode<synchronous>, transform_indices = @transform_2, window_bounds = array<i64: 1, 64>}, {pipeline_mode = #tpu.pipeline_mode<synchronous>, transform_indices = @transform_3, window_bounds = array<i64: 64, 64>}, {transform_indices = @transform_4, window_bounds = array<i64: 1000, 32>}, {transform_indices = @transform_5, window_bounds = array<i64: 1000, 32>}]} {
    %get3A = arith.constant 0 : index
    %get3A_0 = arith.constant 0 : index
    %get3A_1 = vector.load %arg1[%get3A, %get3A_0] : memref<1000x128xf32, #tpu.memory_space<vmem>>, vector<1000x128xf32>
    %get3A_2 = arith.constant 0 : index
    %get3A_3 = arith.constant 0 : index
    %get3A_4 = vector.load %arg2[%get3A_2, %get3A_3] : memref<128x64xf32, #tpu.memory_space<vmem>>, vector<128x64xf32>
    %dot_general3A = arith.constant dense<0.000000e+00> : vector<1000x64xf32>
    %dot_general3A_5 = tpu.matmul %get3A_1, %get3A_4, %dot_general3A {dimension_numbers = #tpu.dot_dimension_numbers<[1], [0], [0], [1], [0, 0, 1, 1], [], []>, transpose_lhs_hint = false} : vector<1000x128xf32>, vector<128x64xf32>, vector<1000x64xf32> -> vector<1000x64xf32>
    %get3A_6 = arith.constant 0 : index
    %get3A_7 = arith.constant 0 : index
    %get3A_8 = vector.load %arg3[%get3A_6, %get3A_7] : memref<1x64xf32, #tpu.memory_space<vmem>>, vector<1x64xf32>
    %add3A = vector.broadcast %get3A_8 : vector<1x64xf32> to vector<1000x64xf32>
    %add3A_9 = arith.addf %dot_general3A_5, %add3A : vector<1000x64xf32>
    %mul3A = arith.mulf %add3A_9, %add3A_9 : vector<1000x64xf32>
    %reduce_sum3A = arith.constant dense<0.000000e+00> : vector<1000xf32>
    %reduce_sum3A_10 = vector.multi_reduction <add>, %mul3A, %reduce_sum3A [1] : vector<1000x64xf32> to vector<1000xf32>
    %broadcast_in_dim3A = vector.shape_cast %reduce_sum3A_10 : vector<1000xf32> to vector<1000x1xf32>
    %sqrt3A = math.sqrt %broadcast_in_dim3A : vector<1000x1xf32>
    %max3A = arith.constant 9.99999996E-13 : f32
    %max3A_11 = vector.broadcast %max3A : f32 to vector<1000x1xf32>
    %max3A_12 = arith.maximumf %sqrt3A, %max3A_11 : vector<1000x1xf32>
    %div3A = vector.broadcast %max3A_12 : vector<1000x1xf32> to vector<1000x64xf32>
    %div3A_13 = arith.divf %add3A_9, %div3A : vector<1000x64xf32>
    %get3A_14 = arith.constant 0 : index
    %get3A_15 = arith.constant 0 : index
    %get3A_16 = vector.load %arg4[%get3A_14, %get3A_15] : memref<64x64xf32, #tpu.memory_space<vmem>>, vector<64x64xf32>
    %dot_general3A_17 = arith.constant dense<0.000000e+00> : vector<1000x64xf32>
    %dot_general3A_18 = tpu.matmul %div3A_13, %get3A_16, %dot_general3A_17 {dimension_numbers = #tpu.dot_dimension_numbers<[1], [0], [0], [1], [0, 0, 1, 1], [], []>, transpose_lhs_hint = false} : vector<1000x64xf32>, vector<64x64xf32>, vector<1000x64xf32> -> vector<1000x64xf32>
    %slice3A = vector.extract_strided_slice %dot_general3A_18 {offsets = [0, 0], sizes = [1000, 32], strides = [1, 1]} : vector<1000x64xf32> to vector<1000x32xf32>
    %swap3A = arith.constant 0 : index
    %swap3A_19 = arith.constant 0 : index
    %swap3A_20 = vector.load %arg5[%swap3A, %swap3A_19] : memref<1000x32xf32, #tpu.memory_space<vmem>>, vector<1000x32xf32>
    tpu.vector_store %arg5[%swap3A, %swap3A_19], %slice3A {strides = array<i32>} : memref<1000x32xf32, #tpu.memory_space<vmem>>, vector<1000x32xf32>,
    %slice3A_21 = vector.extract_strided_slice %dot_general3A_18 {offsets = [0, 32], sizes = [1000, 32], strides = [1, 1]} : vector<1000x64xf32> to vector<1000x32xf32>
    %swap3A_22 = arith.constant 0 : index
    %swap3A_23 = arith.constant 0 : index
    %swap3A_24 = vector.load %arg6[%swap3A_22, %swap3A_23] : memref<1000x32xf32, #tpu.memory_space<vmem>>, vector<1000x32xf32>
    tpu.vector_store %arg6[%swap3A_22, %swap3A_23], %slice3A_21 {strides = array<i32>} : memref<1000x32xf32, #tpu.memory_space<vmem>>, vector<1000x32xf32>,
    return
  }
  func.func @transform_0(%arg0: i32) -> (i32, i32) {
    %c0_i32 = arith.constant 0 : i32
    %c0_i32_0 = arith.constant 0 : i32
    return %arg0, %c0_i32 : i32, i32
  }
  func.func @transform_1(%arg0: i32) -> (i32, i32) {
    %c0_i32 = arith.constant 0 : i32
    %c0_i32_0 = arith.constant 0 : i32
    %c0_i32_1 = arith.constant 0 : i32
    return %c0_i32, %c0_i32_0 : i32, i32
  }
  func.func @transform_2(%arg0: i32) -> (i32, i32) {
    %c0_i32 = arith.constant 0 : i32
    %c0_i32_0 = arith.constant 0 : i32
    %c0_i32_1 = arith.constant 0 : i32
    return %c0_i32, %c0_i32_0 : i32, i32
  }
  func.func @transform_3(%arg0: i32) -> (i32, i32) {
    %c0_i32 = arith.constant 0 : i32
    %c0_i32_0 = arith.constant 0 : i32
    %c0_i32_1 = arith.constant 0 : i32
    return %c0_i32, %c0_i32_0 : i32, i32
  }
  func.func @transform_4(%arg0: i32) -> (i32, i32) {
    %c0_i32 = arith.constant 0 : i32
    %c0_i32_0 = arith.constant 0 : i32
    return %arg0, %c0_i32 : i32, i32
  }
  func.func @transform_5(%arg0: i32) -> (i32, i32) {
    %c0_i32 = arith.constant 0 : i32
    %c0_i32_0 = arith.constant 0 : i32
    return %arg0, %c0_i32 : i32, i32
  }
}

module attributes {stable_mosaic.version = 14 : i64} {
  func.func @_init_pref_body(%arg0: i32, %arg1: memref<1000x64xf32, #tpu.memory_space<vmem>>, %arg2: memref<64x64xf32, #tpu.memory_space<vmem>>, %arg3: memref<1000x32xf32, #tpu.memory_space<vmem>>, %arg4: memref<1000x32xf32, #tpu.memory_space<vmem>>) attributes {dimension_semantics = [#tpu.dimension_semantics<arbitrary>], iteration_bounds = array<i64: 5>, scalar_prefetch = 0 : i64, scratch_operands = 0 : i64, tpu.core_type = #tpu.core_type<tc>, window_params = [{transform_indices = @transform_0, window_bounds = array<i64: 1000, 64>}, {pipeline_mode = #tpu.pipeline_mode<synchronous>, transform_indices = @transform_1, window_bounds = array<i64: 64, 64>}, {transform_indices = @transform_2, window_bounds = array<i64: 1000, 32>}, {transform_indices = @transform_3, window_bounds = array<i64: 1000, 32>}]} {
    %get3A = arith.constant 0 : index
    %get3A_0 = arith.constant 0 : index
    %get3A_1 = vector.load %arg1[%get3A, %get3A_0] : memref<1000x64xf32, #tpu.memory_space<vmem>>, vector<1000x64xf32>
    %mul3A = arith.mulf %get3A_1, %get3A_1 : vector<1000x64xf32>
    %reduce_sum3A = arith.constant dense<0.000000e+00> : vector<1000xf32>
    %reduce_sum3A_2 = vector.multi_reduction <add>, %mul3A, %reduce_sum3A [1] : vector<1000x64xf32> to vector<1000xf32>
    %broadcast_in_dim3A = vector.shape_cast %reduce_sum3A_2 : vector<1000xf32> to vector<1000x1xf32>
    %sqrt3A = math.sqrt %broadcast_in_dim3A : vector<1000x1xf32>
    %max3A = arith.constant 9.99999996E-13 : f32
    %max3A_3 = vector.broadcast %max3A : f32 to vector<1000x1xf32>
    %max3A_4 = arith.maximumf %sqrt3A, %max3A_3 : vector<1000x1xf32>
    %div3A = vector.broadcast %max3A_4 : vector<1000x1xf32> to vector<1000x64xf32>
    %div3A_5 = arith.divf %get3A_1, %div3A : vector<1000x64xf32>
    %get3A_6 = arith.constant 0 : index
    %get3A_7 = arith.constant 0 : index
    %get3A_8 = vector.load %arg2[%get3A_6, %get3A_7] : memref<64x64xf32, #tpu.memory_space<vmem>>, vector<64x64xf32>
    %dot_general3A = arith.constant dense<0.000000e+00> : vector<1000x64xf32>
    %dot_general3A_9 = tpu.matmul %div3A_5, %get3A_8, %dot_general3A {dimension_numbers = #tpu.dot_dimension_numbers<[1], [0], [0], [1], [0, 0, 1, 1], [], []>, transpose_lhs_hint = false} : vector<1000x64xf32>, vector<64x64xf32>, vector<1000x64xf32> -> vector<1000x64xf32>
    %slice3A = vector.extract_strided_slice %dot_general3A_9 {offsets = [0, 0], sizes = [1000, 32], strides = [1, 1]} : vector<1000x64xf32> to vector<1000x32xf32>
    %swap3A = arith.constant 0 : index
    %swap3A_10 = arith.constant 0 : index
    %swap3A_11 = vector.load %arg3[%swap3A, %swap3A_10] : memref<1000x32xf32, #tpu.memory_space<vmem>>, vector<1000x32xf32>
    tpu.vector_store %arg3[%swap3A, %swap3A_10], %slice3A {strides = array<i32>} : memref<1000x32xf32, #tpu.memory_space<vmem>>, vector<1000x32xf32>,
    %slice3A_12 = vector.extract_strided_slice %dot_general3A_9 {offsets = [0, 32], sizes = [1000, 32], strides = [1, 1]} : vector<1000x64xf32> to vector<1000x32xf32>
    %swap3A_13 = arith.constant 0 : index
    %swap3A_14 = arith.constant 0 : index
    %swap3A_15 = vector.load %arg4[%swap3A_13, %swap3A_14] : memref<1000x32xf32, #tpu.memory_space<vmem>>, vector<1000x32xf32>
    tpu.vector_store %arg4[%swap3A_13, %swap3A_14], %slice3A_12 {strides = array<i32>} : memref<1000x32xf32, #tpu.memory_space<vmem>>, vector<1000x32xf32>,
    return
  }
  func.func @transform_0(%arg0: i32) -> (i32, i32) {
    %c0_i32 = arith.constant 0 : i32
    %c0_i32_0 = arith.constant 0 : i32
    return %arg0, %c0_i32 : i32, i32
  }
  func.func @transform_1(%arg0: i32) -> (i32, i32) {
    %c0_i32 = arith.constant 0 : i32
    %c0_i32_0 = arith.constant 0 : i32
    %c0_i32_1 = arith.constant 0 : i32
    return %c0_i32, %c0_i32_0 : i32, i32
  }
  func.func @transform_2(%arg0: i32) -> (i32, i32) {
    %c0_i32 = arith.constant 0 : i32
    %c0_i32_0 = arith.constant 0 : i32
    return %arg0, %c0_i32 : i32, i32
  }
  func.func @transform_3(%arg0: i32) -> (i32, i32) {
    %c0_i32 = arith.constant 0 : i32
    %c0_i32_0 = arith.constant 0 : i32
    return %arg0, %c0_i32 : i32, i32
  }
}

module attributes {stable_mosaic.version = 14 : i64} {
  func.func @_layer_body(%arg0: i32, %arg1: memref<1000x32xf32, #tpu.memory_space<vmem>>, %arg2: memref<1000x32xf32, #tpu.memory_space<vmem>>, %arg3: memref<64x64xf32, #tpu.memory_space<vmem>>, %arg4: memref<1x64xf32, #tpu.memory_space<vmem>>, %arg5: memref<64x64xf32, #tpu.memory_space<vmem>>, %arg6: memref<1000x32xf32, #tpu.memory_space<vmem>>, %arg7: memref<1000x32xf32, #tpu.memory_space<vmem>>) attributes {dimension_semantics = [#tpu.dimension_semantics<arbitrary>], iteration_bounds = array<i64: 50>, scalar_prefetch = 0 : i64, scratch_operands = 0 : i64, tpu.core_type = #tpu.core_type<tc>, window_params = [{transform_indices = @transform_0, window_bounds = array<i64: 1000, 32>}, {transform_indices = @transform_1, window_bounds = array<i64: 1000, 32>}, {pipeline_mode = #tpu.pipeline_mode<synchronous>, transform_indices = @transform_2, window_bounds = array<i64: 64, 64>}, {pipeline_mode = #tpu.pipeline_mode<synchronous>, transform_indices = @transform_3, window_bounds = array<i64: 1, 64>}, {pipeline_mode = #tpu.pipeline_mode<synchronous>, transform_indices = @transform_4, window_bounds = array<i64: 64, 64>}, {transform_indices = @transform_5, window_bounds = array<i64: 1000, 32>}, {transform_indices = @transform_6, window_bounds = array<i64: 1000, 32>}]} {
    %get3A = arith.constant 0 : index
    %get3A_0 = arith.constant 0 : index
    %get3A_1 = vector.load %arg1[%get3A, %get3A_0] : memref<1000x32xf32, #tpu.memory_space<vmem>>, vector<1000x32xf32>
    %get3A_2 = arith.constant 0 : index
    %get3A_3 = arith.constant 0 : index
    %get3A_4 = vector.load %arg2[%get3A_2, %get3A_3] : memref<1000x32xf32, #tpu.memory_space<vmem>>, vector<1000x32xf32>
    %concatenate3A = tpu.concatenate %get3A_1, %get3A_4 in 1 : vector<1000x32xf32>, vector<1000x32xf32> -> vector<1000x64xf32>
    %ge3A = arith.constant 0.000000e+00 : f32
    %ge3A_5 = vector.broadcast %ge3A : f32 to vector<1000x64xf32>
    %ge3A_6 = arith.cmpf oge, %concatenate3A, %ge3A_5 : vector<1000x64xf32>
    %mul3A = arith.constant 0.00999999977 : f32
    %mul3A_7 = vector.broadcast %mul3A : f32 to vector<1000x64xf32>
    %mul3A_8 = arith.mulf %mul3A_7, %concatenate3A : vector<1000x64xf32>
    %select_n3A = arith.select %ge3A_6, %concatenate3A, %mul3A_8 : vector<1000x64xi1>, vector<1000x64xf32>
    %get3A_9 = arith.constant 0 : index
    %get3A_10 = arith.constant 0 : index
    %get3A_11 = vector.load %arg3[%get3A_9, %get3A_10] : memref<64x64xf32, #tpu.memory_space<vmem>>, vector<64x64xf32>
    %dot_general3A = arith.constant dense<0.000000e+00> : vector<1000x64xf32>
    %dot_general3A_12 = tpu.matmul %select_n3A, %get3A_11, %dot_general3A {dimension_numbers = #tpu.dot_dimension_numbers<[1], [0], [0], [1], [0, 0, 1, 1], [], []>, transpose_lhs_hint = false} : vector<1000x64xf32>, vector<64x64xf32>, vector<1000x64xf32> -> vector<1000x64xf32>
    %get3A_13 = arith.constant 0 : index
    %get3A_14 = arith.constant 0 : index
    %get3A_15 = vector.load %arg4[%get3A_13, %get3A_14] : memref<1x64xf32, #tpu.memory_space<vmem>>, vector<1x64xf32>
    %add3A = vector.broadcast %get3A_15 : vector<1x64xf32> to vector<1000x64xf32>
    %add3A_16 = arith.addf %dot_general3A_12, %add3A : vector<1000x64xf32>
    %ge3A_17 = arith.constant 0.000000e+00 : f32
    %ge3A_18 = vector.broadcast %ge3A_17 : f32 to vector<1000x64xf32>
    %ge3A_19 = arith.cmpf oge, %add3A_16, %ge3A_18 : vector<1000x64xf32>
    %mul3A_20 = arith.constant 0.00999999977 : f32
    %mul3A_21 = vector.broadcast %mul3A_20 : f32 to vector<1000x64xf32>
    %mul3A_22 = arith.mulf %mul3A_21, %add3A_16 : vector<1000x64xf32>
    %select_n3A_23 = arith.select %ge3A_19, %add3A_16, %mul3A_22 : vector<1000x64xi1>, vector<1000x64xf32>
    %get3A_24 = arith.constant 0 : index
    %get3A_25 = arith.constant 0 : index
    %get3A_26 = vector.load %arg5[%get3A_24, %get3A_25] : memref<64x64xf32, #tpu.memory_space<vmem>>, vector<64x64xf32>
    %dot_general3A_27 = arith.constant dense<0.000000e+00> : vector<1000x64xf32>
    %dot_general3A_28 = tpu.matmul %select_n3A_23, %get3A_26, %dot_general3A_27 {dimension_numbers = #tpu.dot_dimension_numbers<[1], [0], [0], [1], [0, 0, 1, 1], [], []>, transpose_lhs_hint = false} : vector<1000x64xf32>, vector<64x64xf32>, vector<1000x64xf32> -> vector<1000x64xf32>
    %slice3A = vector.extract_strided_slice %dot_general3A_28 {offsets = [0, 0], sizes = [1000, 32], strides = [1, 1]} : vector<1000x64xf32> to vector<1000x32xf32>
    %swap3A = arith.constant 0 : index
    %swap3A_29 = arith.constant 0 : index
    %swap3A_30 = vector.load %arg6[%swap3A, %swap3A_29] : memref<1000x32xf32, #tpu.memory_space<vmem>>, vector<1000x32xf32>
    tpu.vector_store %arg6[%swap3A, %swap3A_29], %slice3A {strides = array<i32>} : memref<1000x32xf32, #tpu.memory_space<vmem>>, vector<1000x32xf32>,
    %slice3A_31 = vector.extract_strided_slice %dot_general3A_28 {offsets = [0, 32], sizes = [1000, 32], strides = [1, 1]} : vector<1000x64xf32> to vector<1000x32xf32>
    %swap3A_32 = arith.constant 0 : index
    %swap3A_33 = arith.constant 0 : index
    %swap3A_34 = vector.load %arg7[%swap3A_32, %swap3A_33] : memref<1000x32xf32, #tpu.memory_space<vmem>>, vector<1000x32xf32>
    tpu.vector_store %arg7[%swap3A_32, %swap3A_33], %slice3A_31 {strides = array<i32>} : memref<1000x32xf32, #tpu.memory_space<vmem>>, vector<1000x32xf32>,
    return
  }
  func.func @transform_0(%arg0: i32) -> (i32, i32) {
    %c0_i32 = arith.constant 0 : i32
    %c0_i32_0 = arith.constant 0 : i32
    return %arg0, %c0_i32 : i32, i32
  }
  func.func @transform_1(%arg0: i32) -> (i32, i32) {
    %add3A = arith.constant 50 : i32
    %add3A_0 = arith.addi %arg0, %add3A : i32
    %c0_i32 = arith.constant 0 : i32
    %c0_i32_1 = arith.constant 0 : i32
    return %add3A_0, %c0_i32 : i32, i32
  }
  func.func @transform_2(%arg0: i32) -> (i32, i32) {
    %c0_i32 = arith.constant 0 : i32
    %c0_i32_0 = arith.constant 0 : i32
    %c0_i32_1 = arith.constant 0 : i32
    return %c0_i32, %c0_i32_0 : i32, i32
  }
  func.func @transform_3(%arg0: i32) -> (i32, i32) {
    %c0_i32 = arith.constant 0 : i32
    %c0_i32_0 = arith.constant 0 : i32
    %c0_i32_1 = arith.constant 0 : i32
    return %c0_i32, %c0_i32_0 : i32, i32
  }
  func.func @transform_4(%arg0: i32) -> (i32, i32) {
    %c0_i32 = arith.constant 0 : i32
    %c0_i32_0 = arith.constant 0 : i32
    %c0_i32_1 = arith.constant 0 : i32
    return %c0_i32, %c0_i32_0 : i32, i32
  }
  func.func @transform_5(%arg0: i32) -> (i32, i32) {
    %c0_i32 = arith.constant 0 : i32
    %c0_i32_0 = arith.constant 0 : i32
    return %arg0, %c0_i32 : i32, i32
  }
  func.func @transform_6(%arg0: i32) -> (i32, i32) {
    %c0_i32 = arith.constant 0 : i32
    %c0_i32_0 = arith.constant 0 : i32
    return %arg0, %c0_i32 : i32, i32
  }
}

module attributes {stable_mosaic.version = 14 : i64} {
  func.func @_layer2_body(%arg0: i32, %arg1: memref<1000x32xf32, #tpu.memory_space<vmem>>, %arg2: memref<1000x32xf32, #tpu.memory_space<vmem>>, %arg3: memref<64x64xf32, #tpu.memory_space<vmem>>, %arg4: memref<1x64xf32, #tpu.memory_space<vmem>>, %arg5: memref<64x64xf32, #tpu.memory_space<vmem>>, %arg6: memref<64x64xf32, #tpu.memory_space<vmem>>, %arg7: memref<1000x64xf32, #tpu.memory_space<vmem>>, %arg8: memref<1000x32xf32, #tpu.memory_space<vmem>>, %arg9: memref<1000x32xf32, #tpu.memory_space<vmem>>, %arg10: memref<1000x32xf32, #tpu.memory_space<vmem>>, %arg11: memref<1000x32xf32, #tpu.memory_space<vmem>>) attributes {dimension_semantics = [#tpu.dimension_semantics<arbitrary>], iteration_bounds = array<i64: 50>, scalar_prefetch = 0 : i64, scratch_operands = 0 : i64, tpu.core_type = #tpu.core_type<tc>, window_params = [{transform_indices = @transform_0, window_bounds = array<i64: 1000, 32>}, {transform_indices = @transform_1, window_bounds = array<i64: 1000, 32>}, {pipeline_mode = #tpu.pipeline_mode<synchronous>, transform_indices = @transform_2, window_bounds = array<i64: 64, 64>}, {pipeline_mode = #tpu.pipeline_mode<synchronous>, transform_indices = @transform_3, window_bounds = array<i64: 1, 64>}, {pipeline_mode = #tpu.pipeline_mode<synchronous>, transform_indices = @transform_4, window_bounds = array<i64: 64, 64>}, {pipeline_mode = #tpu.pipeline_mode<synchronous>, transform_indices = @transform_5, window_bounds = array<i64: 64, 64>}, {transform_indices = @transform_6, window_bounds = array<i64: 1000, 64>}, {transform_indices = @transform_7, window_bounds = array<i64: 1000, 32>}, {transform_indices = @transform_8, window_bounds = array<i64: 1000, 32>}, {transform_indices = @transform_9, window_bounds = array<i64: 1000, 32>}, {transform_indices = @transform_10, window_bounds = array<i64: 1000, 32>}]} {
    %get3A = arith.constant 0 : index
    %get3A_0 = arith.constant 0 : index
    %get3A_1 = vector.load %arg1[%get3A, %get3A_0] : memref<1000x32xf32, #tpu.memory_space<vmem>>, vector<1000x32xf32>
    %get3A_2 = arith.constant 0 : index
    %get3A_3 = arith.constant 0 : index
    %get3A_4 = vector.load %arg2[%get3A_2, %get3A_3] : memref<1000x32xf32, #tpu.memory_space<vmem>>, vector<1000x32xf32>
    %concatenate3A = tpu.concatenate %get3A_1, %get3A_4 in 1 : vector<1000x32xf32>, vector<1000x32xf32> -> vector<1000x64xf32>
    %ge3A = arith.constant 0.000000e+00 : f32
    %ge3A_5 = vector.broadcast %ge3A : f32 to vector<1000x64xf32>
    %ge3A_6 = arith.cmpf oge, %concatenate3A, %ge3A_5 : vector<1000x64xf32>
    %mul3A = arith.constant 0.00999999977 : f32
    %mul3A_7 = vector.broadcast %mul3A : f32 to vector<1000x64xf32>
    %mul3A_8 = arith.mulf %mul3A_7, %concatenate3A : vector<1000x64xf32>
    %select_n3A = arith.select %ge3A_6, %concatenate3A, %mul3A_8 : vector<1000x64xi1>, vector<1000x64xf32>
    %get3A_9 = arith.constant 0 : index
    %get3A_10 = arith.constant 0 : index
    %get3A_11 = vector.load %arg3[%get3A_9, %get3A_10] : memref<64x64xf32, #tpu.memory_space<vmem>>, vector<64x64xf32>
    %dot_general3A = arith.constant dense<0.000000e+00> : vector<1000x64xf32>
    %dot_general3A_12 = tpu.matmul %select_n3A, %get3A_11, %dot_general3A {dimension_numbers = #tpu.dot_dimension_numbers<[1], [0], [0], [1], [0, 0, 1, 1], [], []>, transpose_lhs_hint = false} : vector<1000x64xf32>, vector<64x64xf32>, vector<1000x64xf32> -> vector<1000x64xf32>
    %get3A_13 = arith.constant 0 : index
    %get3A_14 = arith.constant 0 : index
    %get3A_15 = vector.load %arg4[%get3A_13, %get3A_14] : memref<1x64xf32, #tpu.memory_space<vmem>>, vector<1x64xf32>
    %add3A = vector.broadcast %get3A_15 : vector<1x64xf32> to vector<1000x64xf32>
    %add3A_16 = arith.addf %dot_general3A_12, %add3A : vector<1000x64xf32>
    %ge3A_17 = arith.constant 0.000000e+00 : f32
    %ge3A_18 = vector.broadcast %ge3A_17 : f32 to vector<1000x64xf32>
    %ge3A_19 = arith.cmpf oge, %add3A_16, %ge3A_18 : vector<1000x64xf32>
    %mul3A_20 = arith.constant 0.00999999977 : f32
    %mul3A_21 = vector.broadcast %mul3A_20 : f32 to vector<1000x64xf32>
    %mul3A_22 = arith.mulf %mul3A_21, %add3A_16 : vector<1000x64xf32>
    %select_n3A_23 = arith.select %ge3A_19, %add3A_16, %mul3A_22 : vector<1000x64xi1>, vector<1000x64xf32>
    %swap3A = arith.constant 0 : index
    %swap3A_24 = arith.constant 0 : index
    %swap3A_25 = vector.load %arg7[%swap3A, %swap3A_24] : memref<1000x64xf32, #tpu.memory_space<vmem>>, vector<1000x64xf32>
    tpu.vector_store %arg7[%swap3A, %swap3A_24], %select_n3A_23 {strides = array<i32>} : memref<1000x64xf32, #tpu.memory_space<vmem>>, vector<1000x64xf32>,
    %get3A_26 = arith.constant 0 : index
    %get3A_27 = arith.constant 0 : index
    %get3A_28 = vector.load %arg5[%get3A_26, %get3A_27] : memref<64x64xf32, #tpu.memory_space<vmem>>, vector<64x64xf32>
    %dot_general3A_29 = arith.constant dense<0.000000e+00> : vector<1000x64xf32>
    %dot_general3A_30 = tpu.matmul %select_n3A_23, %get3A_28, %dot_general3A_29 {dimension_numbers = #tpu.dot_dimension_numbers<[1], [0], [0], [1], [0, 0, 1, 1], [], []>, transpose_lhs_hint = false} : vector<1000x64xf32>, vector<64x64xf32>, vector<1000x64xf32> -> vector<1000x64xf32>
    %get3A_31 = arith.constant 0 : index
    %get3A_32 = arith.constant 0 : index
    %get3A_33 = vector.load %arg6[%get3A_31, %get3A_32] : memref<64x64xf32, #tpu.memory_space<vmem>>, vector<64x64xf32>
    %dot_general3A_34 = arith.constant dense<0.000000e+00> : vector<1000x64xf32>
    %dot_general3A_35 = tpu.matmul %select_n3A_23, %get3A_33, %dot_general3A_34 {dimension_numbers = #tpu.dot_dimension_numbers<[1], [0], [0], [1], [0, 0, 1, 1], [], []>, transpose_lhs_hint = false} : vector<1000x64xf32>, vector<64x64xf32>, vector<1000x64xf32> -> vector<1000x64xf32>
    %slice3A = vector.extract_strided_slice %dot_general3A_30 {offsets = [0, 0], sizes = [1000, 32], strides = [1, 1]} : vector<1000x64xf32> to vector<1000x32xf32>
    %swap3A_36 = arith.constant 0 : index
    %swap3A_37 = arith.constant 0 : index
    %swap3A_38 = vector.load %arg8[%swap3A_36, %swap3A_37] : memref<1000x32xf32, #tpu.memory_space<vmem>>, vector<1000x32xf32>
    tpu.vector_store %arg8[%swap3A_36, %swap3A_37], %slice3A {strides = array<i32>} : memref<1000x32xf32, #tpu.memory_space<vmem>>, vector<1000x32xf32>,
    %slice3A_39 = vector.extract_strided_slice %dot_general3A_30 {offsets = [0, 32], sizes = [1000, 32], strides = [1, 1]} : vector<1000x64xf32> to vector<1000x32xf32>
    %swap3A_40 = arith.constant 0 : index
    %swap3A_41 = arith.constant 0 : index
    %swap3A_42 = vector.load %arg9[%swap3A_40, %swap3A_41] : memref<1000x32xf32, #tpu.memory_space<vmem>>, vector<1000x32xf32>
    tpu.vector_store %arg9[%swap3A_40, %swap3A_41], %slice3A_39 {strides = array<i32>} : memref<1000x32xf32, #tpu.memory_space<vmem>>, vector<1000x32xf32>,
    %slice3A_43 = vector.extract_strided_slice %dot_general3A_35 {offsets = [0, 0], sizes = [1000, 32], strides = [1, 1]} : vector<1000x64xf32> to vector<1000x32xf32>
    %swap3A_44 = arith.constant 0 : index
    %swap3A_45 = arith.constant 0 : index
    %swap3A_46 = vector.load %arg10[%swap3A_44, %swap3A_45] : memref<1000x32xf32, #tpu.memory_space<vmem>>, vector<1000x32xf32>
    tpu.vector_store %arg10[%swap3A_44, %swap3A_45], %slice3A_43 {strides = array<i32>} : memref<1000x32xf32, #tpu.memory_space<vmem>>, vector<1000x32xf32>,
    %slice3A_47 = vector.extract_strided_slice %dot_general3A_35 {offsets = [0, 32], sizes = [1000, 32], strides = [1, 1]} : vector<1000x64xf32> to vector<1000x32xf32>
    %swap3A_48 = arith.constant 0 : index
    %swap3A_49 = arith.constant 0 : index
    %swap3A_50 = vector.load %arg11[%swap3A_48, %swap3A_49] : memref<1000x32xf32, #tpu.memory_space<vmem>>, vector<1000x32xf32>
    tpu.vector_store %arg11[%swap3A_48, %swap3A_49], %slice3A_47 {strides = array<i32>} : memref<1000x32xf32, #tpu.memory_space<vmem>>, vector<1000x32xf32>,
    return
  }
  func.func @transform_0(%arg0: i32) -> (i32, i32) {
    %c0_i32 = arith.constant 0 : i32
    %c0_i32_0 = arith.constant 0 : i32
    return %arg0, %c0_i32 : i32, i32
  }
  func.func @transform_1(%arg0: i32) -> (i32, i32) {
    %add3A = arith.constant 50 : i32
    %add3A_0 = arith.addi %arg0, %add3A : i32
    %c0_i32 = arith.constant 0 : i32
    %c0_i32_1 = arith.constant 0 : i32
    return %add3A_0, %c0_i32 : i32, i32
  }
  func.func @transform_2(%arg0: i32) -> (i32, i32) {
    %c0_i32 = arith.constant 0 : i32
    %c0_i32_0 = arith.constant 0 : i32
    %c0_i32_1 = arith.constant 0 : i32
    return %c0_i32, %c0_i32_0 : i32, i32
  }
  func.func @transform_3(%arg0: i32) -> (i32, i32) {
    %c0_i32 = arith.constant 0 : i32
    %c0_i32_0 = arith.constant 0 : i32
    %c0_i32_1 = arith.constant 0 : i32
    return %c0_i32, %c0_i32_0 : i32, i32
  }
  func.func @transform_4(%arg0: i32) -> (i32, i32) {
    %c0_i32 = arith.constant 0 : i32
    %c0_i32_0 = arith.constant 0 : i32
    %c0_i32_1 = arith.constant 0 : i32
    return %c0_i32, %c0_i32_0 : i32, i32
  }
  func.func @transform_5(%arg0: i32) -> (i32, i32) {
    %c0_i32 = arith.constant 0 : i32
    %c0_i32_0 = arith.constant 0 : i32
    %c0_i32_1 = arith.constant 0 : i32
    return %c0_i32, %c0_i32_0 : i32, i32
  }
  func.func @transform_6(%arg0: i32) -> (i32, i32) {
    %c0_i32 = arith.constant 0 : i32
    %c0_i32_0 = arith.constant 0 : i32
    return %arg0, %c0_i32 : i32, i32
  }
  func.func @transform_7(%arg0: i32) -> (i32, i32) {
    %c0_i32 = arith.constant 0 : i32
    %c0_i32_0 = arith.constant 0 : i32
    return %arg0, %c0_i32 : i32, i32
  }
  func.func @transform_8(%arg0: i32) -> (i32, i32) {
    %c0_i32 = arith.constant 0 : i32
    %c0_i32_0 = arith.constant 0 : i32
    return %arg0, %c0_i32 : i32, i32
  }
  func.func @transform_9(%arg0: i32) -> (i32, i32) {
    %c0_i32 = arith.constant 0 : i32
    %c0_i32_0 = arith.constant 0 : i32
    return %arg0, %c0_i32 : i32, i32
  }
  func.func @transform_10(%arg0: i32) -> (i32, i32) {
    %c0_i32 = arith.constant 0 : i32
    %c0_i32_0 = arith.constant 0 : i32
    return %arg0, %c0_i32 : i32, i32
  }
}

module attributes {stable_mosaic.version = 14 : i64} {
  func.func @_final_body(%arg0: i32, %arg1: memref<1000x32xf32, #tpu.memory_space<vmem>>, %arg2: memref<1000x32xf32, #tpu.memory_space<vmem>>, %arg3: memref<1000x32xf32, #tpu.memory_space<vmem>>, %arg4: memref<1000x32xf32, #tpu.memory_space<vmem>>, %arg5: memref<1000x64xf32, #tpu.memory_space<vmem>>, %arg6: memref<64x64xf32, #tpu.memory_space<vmem>>, %arg7: memref<1x64xf32, #tpu.memory_space<vmem>>, %arg8: memref<64x64xf32, #tpu.memory_space<vmem>>, %arg9: memref<1x64xf32, #tpu.memory_space<vmem>>, %arg10: memref<64x64xf32, #tpu.memory_space<vmem>>, %arg11: memref<1x64xf32, #tpu.memory_space<vmem>>, %arg12: memref<64x64xf32, #tpu.memory_space<vmem>>, %arg13: memref<1x64xf32, #tpu.memory_space<vmem>>, %arg14: memref<1000x64xf32, #tpu.memory_space<vmem>>, %arg15: memref<1000x64xf32, #tpu.memory_space<vmem>>) attributes {dimension_semantics = [#tpu.dimension_semantics<arbitrary>], iteration_bounds = array<i64: 50>, scalar_prefetch = 0 : i64, scratch_operands = 0 : i64, tpu.core_type = #tpu.core_type<tc>, window_params = [{transform_indices = @transform_0, window_bounds = array<i64: 1000, 32>}, {transform_indices = @transform_1, window_bounds = array<i64: 1000, 32>}, {transform_indices = @transform_2, window_bounds = array<i64: 1000, 32>}, {transform_indices = @transform_3, window_bounds = array<i64: 1000, 32>}, {transform_indices = @transform_4, window_bounds = array<i64: 1000, 64>}, {pipeline_mode = #tpu.pipeline_mode<synchronous>, transform_indices = @transform_5, window_bounds = array<i64: 64, 64>}, {pipeline_mode = #tpu.pipeline_mode<synchronous>, transform_indices = @transform_6, window_bounds = array<i64: 1, 64>}, {pipeline_mode = #tpu.pipeline_mode<synchronous>, transform_indices = @transform_7, window_bounds = array<i64: 64, 64>}, {pipeline_mode = #tpu.pipeline_mode<synchronous>, transform_indices = @transform_8, window_bounds = array<i64: 1, 64>}, {pipeline_mode = #tpu.pipeline_mode<synchronous>, transform_indices = @transform_9, window_bounds = array<i64: 64, 64>}, {pipeline_mode = #tpu.pipeline_mode<synchronous>, transform_indices = @transform_10, window_bounds = array<i64: 1, 64>}, {pipeline_mode = #tpu.pipeline_mode<synchronous>, transform_indices = @transform_11, window_bounds = array<i64: 64, 64>}, {pipeline_mode = #tpu.pipeline_mode<synchronous>, transform_indices = @transform_12, window_bounds = array<i64: 1, 64>}, {transform_indices = @transform_13, window_bounds = array<i64: 1000, 64>}, {transform_indices = @transform_14, window_bounds = array<i64: 1000, 64>}]} {
    %get3A = arith.constant 0 : index
    %get3A_0 = arith.constant 0 : index
    %get3A_1 = vector.load %arg5[%get3A, %get3A_0] : memref<1000x64xf32, #tpu.memory_space<vmem>>, vector<1000x64xf32>
    %get3A_2 = arith.constant 0 : index
    %get3A_3 = arith.constant 0 : index
    %get3A_4 = vector.load %arg1[%get3A_2, %get3A_3] : memref<1000x32xf32, #tpu.memory_space<vmem>>, vector<1000x32xf32>
    %get3A_5 = arith.constant 0 : index
    %get3A_6 = arith.constant 0 : index
    %get3A_7 = vector.load %arg2[%get3A_5, %get3A_6] : memref<1000x32xf32, #tpu.memory_space<vmem>>, vector<1000x32xf32>
    %concatenate3A = tpu.concatenate %get3A_4, %get3A_7 in 1 : vector<1000x32xf32>, vector<1000x32xf32> -> vector<1000x64xf32>
    %ge3A = arith.constant 0.000000e+00 : f32
    %ge3A_8 = vector.broadcast %ge3A : f32 to vector<1000x64xf32>
    %ge3A_9 = arith.cmpf oge, %concatenate3A, %ge3A_8 : vector<1000x64xf32>
    %mul3A = arith.constant 0.00999999977 : f32
    %mul3A_10 = vector.broadcast %mul3A : f32 to vector<1000x64xf32>
    %mul3A_11 = arith.mulf %mul3A_10, %concatenate3A : vector<1000x64xf32>
    %select_n3A = arith.select %ge3A_9, %concatenate3A, %mul3A_11 : vector<1000x64xi1>, vector<1000x64xf32>
    %get3A_12 = arith.constant 0 : index
    %get3A_13 = arith.constant 0 : index
    %get3A_14 = vector.load %arg8[%get3A_12, %get3A_13] : memref<64x64xf32, #tpu.memory_space<vmem>>, vector<64x64xf32>
    %dot_general3A = arith.constant dense<0.000000e+00> : vector<1000x64xf32>
    %dot_general3A_15 = tpu.matmul %get3A_1, %get3A_14, %dot_general3A {dimension_numbers = #tpu.dot_dimension_numbers<[1], [0], [0], [1], [0, 0, 1, 1], [], []>, transpose_lhs_hint = false} : vector<1000x64xf32>, vector<64x64xf32>, vector<1000x64xf32> -> vector<1000x64xf32>
    %get3A_16 = arith.constant 0 : index
    %get3A_17 = arith.constant 0 : index
    %get3A_18 = vector.load %arg9[%get3A_16, %get3A_17] : memref<1x64xf32, #tpu.memory_space<vmem>>, vector<1x64xf32>
    %add3A = vector.broadcast %get3A_18 : vector<1x64xf32> to vector<1000x64xf32>
    %add3A_19 = arith.addf %dot_general3A_15, %add3A : vector<1000x64xf32>
    %ge3A_20 = arith.constant 0.000000e+00 : f32
    %ge3A_21 = vector.broadcast %ge3A_20 : f32 to vector<1000x64xf32>
    %ge3A_22 = arith.cmpf oge, %add3A_19, %ge3A_21 : vector<1000x64xf32>
    %mul3A_23 = arith.constant 0.00999999977 : f32
    %mul3A_24 = vector.broadcast %mul3A_23 : f32 to vector<1000x64xf32>
    %mul3A_25 = arith.mulf %mul3A_24, %add3A_19 : vector<1000x64xf32>
    %select_n3A_26 = arith.select %ge3A_22, %add3A_19, %mul3A_25 : vector<1000x64xi1>, vector<1000x64xf32>
    %get3A_27 = arith.constant 0 : index
    %get3A_28 = arith.constant 0 : index
    %get3A_29 = vector.load %arg6[%get3A_27, %get3A_28] : memref<64x64xf32, #tpu.memory_space<vmem>>, vector<64x64xf32>
    %dot_general3A_30 = arith.constant dense<0.000000e+00> : vector<1000x64xf32>
    %dot_general3A_31 = tpu.matmul %select_n3A, %get3A_29, %dot_general3A_30 {dimension_numbers = #tpu.dot_dimension_numbers<[1], [0], [0], [1], [0, 0, 1, 1], [], []>, transpose_lhs_hint = false} : vector<1000x64xf32>, vector<64x64xf32>, vector<1000x64xf32> -> vector<1000x64xf32>
    %get3A_32 = arith.constant 0 : index
    %get3A_33 = arith.constant 0 : index
    %get3A_34 = vector.load %arg7[%get3A_32, %get3A_33] : memref<1x64xf32, #tpu.memory_space<vmem>>, vector<1x64xf32>
    %add3A_35 = vector.broadcast %get3A_34 : vector<1x64xf32> to vector<1000x64xf32>
    %add3A_36 = arith.addf %dot_general3A_31, %add3A_35 : vector<1000x64xf32>
    %add3A_37 = arith.addf %add3A_36, %select_n3A_26 : vector<1000x64xf32>
    %swap3A = arith.constant 0 : index
    %swap3A_38 = arith.constant 0 : index
    %swap3A_39 = vector.load %arg14[%swap3A, %swap3A_38] : memref<1000x64xf32, #tpu.memory_space<vmem>>, vector<1000x64xf32>
    tpu.vector_store %arg14[%swap3A, %swap3A_38], %add3A_37 {strides = array<i32>} : memref<1000x64xf32, #tpu.memory_space<vmem>>, vector<1000x64xf32>,
    %get3A_40 = arith.constant 0 : index
    %get3A_41 = arith.constant 0 : index
    %get3A_42 = vector.load %arg3[%get3A_40, %get3A_41] : memref<1000x32xf32, #tpu.memory_space<vmem>>, vector<1000x32xf32>
    %get3A_43 = arith.constant 0 : index
    %get3A_44 = arith.constant 0 : index
    %get3A_45 = vector.load %arg4[%get3A_43, %get3A_44] : memref<1000x32xf32, #tpu.memory_space<vmem>>, vector<1000x32xf32>
    %concatenate3A_46 = tpu.concatenate %get3A_42, %get3A_45 in 1 : vector<1000x32xf32>, vector<1000x32xf32> -> vector<1000x64xf32>
    %ge3A_47 = arith.constant 0.000000e+00 : f32
    %ge3A_48 = vector.broadcast %ge3A_47 : f32 to vector<1000x64xf32>
    %ge3A_49 = arith.cmpf oge, %concatenate3A_46, %ge3A_48 : vector<1000x64xf32>
    %mul3A_50 = arith.constant 0.00999999977 : f32
    %mul3A_51 = vector.broadcast %mul3A_50 : f32 to vector<1000x64xf32>
    %mul3A_52 = arith.mulf %mul3A_51, %concatenate3A_46 : vector<1000x64xf32>
    %select_n3A_53 = arith.select %ge3A_49, %concatenate3A_46, %mul3A_52 : vector<1000x64xi1>, vector<1000x64xf32>
    %get3A_54 = arith.constant 0 : index
    %get3A_55 = arith.constant 0 : index
    %get3A_56 = vector.load %arg12[%get3A_54, %get3A_55] : memref<64x64xf32, #tpu.memory_space<vmem>>, vector<64x64xf32>
    %dot_general3A_57 = arith.constant dense<0.000000e+00> : vector<1000x64xf32>
    %dot_general3A_58 = tpu.matmul %get3A_1, %get3A_56, %dot_general3A_57 {dimension_numbers = #tpu.dot_dimension_numbers<[1], [0], [0], [1], [0, 0, 1, 1], [], []>, transpose_lhs_hint = false} : vector<1000x64xf32>, vector<64x64xf32>, vector<1000x64xf32> -> vector<1000x64xf32>
    %get3A_59 = arith.constant 0 : index
    %get3A_60 = arith.constant 0 : index
    %get3A_61 = vector.load %arg13[%get3A_59, %get3A_60] : memref<1x64xf32, #tpu.memory_space<vmem>>, vector<1x64xf32>
    %add3A_62 = vector.broadcast %get3A_61 : vector<1x64xf32> to vector<1000x64xf32>
    %add3A_63 = arith.addf %dot_general3A_58, %add3A_62 : vector<1000x64xf32>
    %ge3A_64 = arith.constant 0.000000e+00 : f32
    %ge3A_65 = vector.broadcast %ge3A_64 : f32 to vector<1000x64xf32>
    %ge3A_66 = arith.cmpf oge, %add3A_63, %ge3A_65 : vector<1000x64xf32>
    %mul3A_67 = arith.constant 0.00999999977 : f32
    %mul3A_68 = vector.broadcast %mul3A_67 : f32 to vector<1000x64xf32>
    %mul3A_69 = arith.mulf %mul3A_68, %add3A_63 : vector<1000x64xf32>
    %select_n3A_70 = arith.select %ge3A_66, %add3A_63, %mul3A_69 : vector<1000x64xi1>, vector<1000x64xf32>
    %get3A_71 = arith.constant 0 : index
    %get3A_72 = arith.constant 0 : index
    %get3A_73 = vector.load %arg10[%get3A_71, %get3A_72] : memref<64x64xf32, #tpu.memory_space<vmem>>, vector<64x64xf32>
    %dot_general3A_74 = arith.constant dense<0.000000e+00> : vector<1000x64xf32>
    %dot_general3A_75 = tpu.matmul %select_n3A_53, %get3A_73, %dot_general3A_74 {dimension_numbers = #tpu.dot_dimension_numbers<[1], [0], [0], [1], [0, 0, 1, 1], [], []>, transpose_lhs_hint = false} : vector<1000x64xf32>, vector<64x64xf32>, vector<1000x64xf32> -> vector<1000x64xf32>
    %get3A_76 = arith.constant 0 : index
    %get3A_77 = arith.constant 0 : index
    %get3A_78 = vector.load %arg11[%get3A_76, %get3A_77] : memref<1x64xf32, #tpu.memory_space<vmem>>, vector<1x64xf32>
    %add3A_79 = vector.broadcast %get3A_78 : vector<1x64xf32> to vector<1000x64xf32>
    %add3A_80 = arith.addf %dot_general3A_75, %add3A_79 : vector<1000x64xf32>
    %add3A_81 = arith.addf %add3A_80, %select_n3A_70 : vector<1000x64xf32>
    %swap3A_82 = arith.constant 0 : index
    %swap3A_83 = arith.constant 0 : index
    %swap3A_84 = vector.load %arg15[%swap3A_82, %swap3A_83] : memref<1000x64xf32, #tpu.memory_space<vmem>>, vector<1000x64xf32>
    tpu.vector_store %arg15[%swap3A_82, %swap3A_83], %add3A_81 {strides = array<i32>} : memref<1000x64xf32, #tpu.memory_space<vmem>>, vector<1000x64xf32>,
    return
  }
  func.func @transform_0(%arg0: i32) -> (i32, i32) {
    %c0_i32 = arith.constant 0 : i32
    %c0_i32_0 = arith.constant 0 : i32
    return %arg0, %c0_i32 : i32, i32
  }
  func.func @transform_1(%arg0: i32) -> (i32, i32) {
    %add3A = arith.constant 50 : i32
    %add3A_0 = arith.addi %arg0, %add3A : i32
    %c0_i32 = arith.constant 0 : i32
    %c0_i32_1 = arith.constant 0 : i32
    return %add3A_0, %c0_i32 : i32, i32
  }
  func.func @transform_2(%arg0: i32) -> (i32, i32) {
    %c0_i32 = arith.constant 0 : i32
    %c0_i32_0 = arith.constant 0 : i32
    return %arg0, %c0_i32 : i32, i32
  }
  func.func @transform_3(%arg0: i32) -> (i32, i32) {
    %add3A = arith.constant 50 : i32
    %add3A_0 = arith.addi %arg0, %add3A : i32
    %c0_i32 = arith.constant 0 : i32
    %c0_i32_1 = arith.constant 0 : i32
    return %add3A_0, %c0_i32 : i32, i32
  }
  func.func @transform_4(%arg0: i32) -> (i32, i32) {
    %c0_i32 = arith.constant 0 : i32
    %c0_i32_0 = arith.constant 0 : i32
    return %arg0, %c0_i32 : i32, i32
  }
  func.func @transform_5(%arg0: i32) -> (i32, i32) {
    %c0_i32 = arith.constant 0 : i32
    %c0_i32_0 = arith.constant 0 : i32
    %c0_i32_1 = arith.constant 0 : i32
    return %c0_i32, %c0_i32_0 : i32, i32
  }
  func.func @transform_6(%arg0: i32) -> (i32, i32) {
    %c0_i32 = arith.constant 0 : i32
    %c0_i32_0 = arith.constant 0 : i32
    %c0_i32_1 = arith.constant 0 : i32
    return %c0_i32, %c0_i32_0 : i32, i32
  }
  func.func @transform_7(%arg0: i32) -> (i32, i32) {
    %c0_i32 = arith.constant 0 : i32
    %c0_i32_0 = arith.constant 0 : i32
    %c0_i32_1 = arith.constant 0 : i32
    return %c0_i32, %c0_i32_0 : i32, i32
  }
  func.func @transform_8(%arg0: i32) -> (i32, i32) {
    %c0_i32 = arith.constant 0 : i32
    %c0_i32_0 = arith.constant 0 : i32
    %c0_i32_1 = arith.constant 0 : i32
    return %c0_i32, %c0_i32_0 : i32, i32
  }
  func.func @transform_9(%arg0: i32) -> (i32, i32) {
    %c0_i32 = arith.constant 0 : i32
    %c0_i32_0 = arith.constant 0 : i32
    %c0_i32_1 = arith.constant 0 : i32
    return %c0_i32, %c0_i32_0 : i32, i32
  }
  func.func @transform_10(%arg0: i32) -> (i32, i32) {
    %c0_i32 = arith.constant 0 : i32
    %c0_i32_0 = arith.constant 0 : i32
    %c0_i32_1 = arith.constant 0 : i32
    return %c0_i32, %c0_i32_0 : i32, i32
  }
  func.func @transform_11(%arg0: i32) -> (i32, i32) {
    %c0_i32 = arith.constant 0 : i32
    %c0_i32_0 = arith.constant 0 : i32
    %c0_i32_1 = arith.constant 0 : i32
    return %c0_i32, %c0_i32_0 : i32, i32
  }
  func.func @transform_12(%arg0: i32) -> (i32, i32) {
    %c0_i32 = arith.constant 0 : i32
    %c0_i32_0 = arith.constant 0 : i32
    %c0_i32_1 = arith.constant 0 : i32
    return %c0_i32, %c0_i32_0 : i32, i32
  }
  func.func @transform_13(%arg0: i32) -> (i32, i32) {
    %c0_i32 = arith.constant 0 : i32
    %c0_i32_0 = arith.constant 0 : i32
    return %arg0, %c0_i32 : i32, i32
  }
  func.func @transform_14(%arg0: i32) -> (i32, i32) {
    %c0_i32 = arith.constant 0 : i32
    %c0_i32_0 = arith.constant 0 : i32
    return %arg0, %c0_i32 : i32, i32
  }
}

</mosaic_0001>

<sc_bundles>
// kernel: kernel.13.cloned.1.call-start
scs
__scs_entry_jumppad:
0x0: {  	(pc) =	sbr.rel $0x88, $3  }
0x1: {  	(tag) =	ssettag $0x0;
	lr =	simm.s32 $0x1  }
0x2: {  	[smem:$0x3F89] =	sst lr;
	_ =	strace $0xD0000000  }
0x3: {  	_ = 	snop  }
0x4: {  	_ = 	snop  }
0x5: {  	_ = 	snop  }
0x6: {  	_ = 	snop  }
0x7: {  	_ = 	snop  }
__scs_overlays_trampoline_lowered:
0x8: {  	[smem:$0x3F98] =	sst s0  }
0x9: {  	[smem:$0x3F99] =	sst s1  }
0xa: {  	[smem:$0x3F9A] =	sst s2  }
0xb: {  	[smem:$0x3F9B] =	sst s3  }
0xc: {  	[smem:$0x3F9C] =	sst s4  }
0xd: {  	[smem:$0x3F9D] =	sst s5  }
0xe: {  	[smem:$0x3F9E] =	sst s6  }
0xf: {  	[smem:$0x3F9F] =	sst s7  }
0x10: {  	[smem:$0x3FA0] =	sst s8  }
0x11: {  	[smem:$0x3FA1] =	sst s9;
	s0 =	simm.s32 @!p0 $0x0  }
0x12: {  	s1 =	sld [smem:$0x3F87];
	s0 =	simm.s32 @p0 $0x1  }
0x13: {  	[smem:$0x3FA2] =	sst s0;
	s0 =	simm.s32 @!p1 $0x0  }
0x14: {  	s2 =	sld [smem:$0x3F86];
	s0 =	simm.s32 @p1 $0x1  }
0x15: {  	[smem:$0x3FA3] =	sst s0;
	s0 =	simm.s32 @!p2 $0x0  }
0x16: {  	s3 =	sld [smem:$0x3FDB];
	s0 =	simm.s32 @p2 $0x1  }
0x17: {  	s4 =	simm.s32 $0x1BF5;
	[smem:$0x3FA5] =	sst s0  }
0x18: {  	s0 =	sld [smem:$0x3F88];
	_ =	swait.ge [sflag:s4], $0x0  }
0x19: {  	s7 =	sld [smem:$0x3F89]  }
0x1a: {  	s8 =	sadd.s32 $0xFFFFE003, lr  }
0x1b: {  	s9 =	sadd.s32 $0xFFFFFEF7, lr;
	s5 =	simm.s32 $0xFFFFFFFF;
	p2 =	slt.u32 s8, $0xFFFFF086  }
0x1c: {  	p1 =	slt.u32 s9, $0xF7A;
	s5 =	simm.s32 @!p2 $0x0  }
0x1d: {  	s5 =	simm.s32 @p1 $0x1;
	p0 =	seq.s32 s7, s2  }
0x1e: {  	s7 =	smul.u32 @!p0 $0xF7A, s2;
	p2 =	seq.s32 @!p0 s5, $0x0  }
0x1f: {  	s9 =	smul.u32 $0xF7A, s1;
	s8 =	simm.s32 @!p0 $0x1BF5;
	p2 =	por !p2, p0  }
0x20: {  	[sflag:s8] =	ssyncset.s32 @!p0 $0xFFFFF086;
	s6 =	sadd.s32 @!p0 s3, s7;
	s7 =	simm.s32 @!p0 $0x108  }
0x21: {  	s3 =	sadd.s32 s3, s9;
	s6 =	sadd.s32 @!p0 $0x88, s6;
	s7 =	simm.s32 @p2 $0x1082  }
0x22: {  	[simem:s7], [sflag:s8] =	dma.local @!p0 [hbm:s6], $0xF7A  }
0x23: {  	s9 =	sor.u32 $0xD0000000, s2;
	s6 =	simm.s32 $0x108;
	_ =	swait.ge @!p0 [sflag:s8], $0x0  }
0x24: {  	s3 =	sadd.s32 $0x88, s3;
	s6 =	simm.s32 @!p1 $0x1082;
	[sflag:s4] =	ssyncset.s32 $0xFFFFF086  }
0x25: {  	[simem:s6], [sflag:s4] =	dma.local [hbm:s3], $0xF7A  }
0x26: {  	[smem:$0x3F89] =	sst s1;
	(tag) =	ssettag s2;
	_ =	strace s9  }
0x27: {  	s1 =	sld [smem:$0x3F99]  }
0x28: {  	s2 =	sld [smem:$0x3F9A]  }
0x29: {  	s4 =	sld [smem:$0x3F9C]  }
0x2a: {  	p0 =	seq.s32 s5, $0x0;
	s5 =	sld [smem:$0x3F9D]  }
0x2b: {  	s6 =	sld [smem:$0x3F9E]  }
0x2c: {  	s7 =	sld [smem:$0x3F9F]  }
0x2d: {  	s3 =	simm.s32 $0x108;
	s8 =	sld [smem:$0x3FA0]  }
0x2e: {  	s3 =	simm.s32 @!p0 $0x1082;
	s9 =	sld [smem:$0x3FA1]  }
0x2f: {  	lr =	sadd.s32 s0, s3;
	s0 =	sld [smem:$0x3F98]  }
0x30: {  	s3 =	sld [smem:$0x3F9B]  }
0x31: {  	[smem:$0x3FA4] =	sst s10  }
0x32: {  	s10 =	sld [smem:$0x3FA2];
	_ =	sdelay $0x3  }
0x33: {  	p0 =	seq.s32 s10, $0x1;
	s10 =	sld [smem:$0x3FA4];
	_ =	sdelay $0x3  }
0x34: {  	[smem:$0x3FA4] =	sst s10  }
0x35: {  	s10 =	sld [smem:$0x3FA3];
	_ =	sdelay $0x3  }
0x36: {  	p1 =	seq.s32 s10, $0x1;
	s10 =	sld [smem:$0x3FA4];
	_ =	sdelay $0x3  }
0x37: {  	[smem:$0x3FA4] =	sst s10  }
0x38: {  	s10 =	sld [smem:$0x3FA5]  }
0x39: {  	_ = 	snop;
	(pc) =	sbr.ind lr, $3  }
0x3a: {  	_ = 	snop  }
0x3b: {  	_ = 	snop  }
0x3c: {  	p2 =	seq.s32 s10, $0x1;
	s10 =	sld [smem:$0x3FA4]  }
0x3d: {  	_ =	shalt  }
0x3e: {  	_ =	shalt  }
0x3f: {  	_ =	shalt  }
0x40: {  	_ =	shalt  }
0x41: {  	_ =	shalt  }
0x42: {  	_ =	shalt  }
0x43: {  	_ =	shalt  }
0x44: {  	_ =	shalt  }
0x45: {  	_ =	shalt  }
0x46: {  	_ =	shalt  }
0x47: {  	_ =	shalt  }
0x48: {  	_ =	shalt  }
0x49: {  	_ =	shalt  }
0x4a: {  	_ =	shalt  }
0x4b: {  	_ =	shalt  }
0x4c: {  	_ =	shalt  }
0x4d: {  	_ =	shalt  }
0x4e: {  	_ =	shalt  }
0x4f: {  	_ =	shalt  }
0x50: {  	_ =	shalt  }
0x51: {  	_ =	shalt  }
0x52: {  	_ =	shalt  }
0x53: {  	_ =	shalt  }
0x54: {  	_ =	shalt  }
0x55: {  	_ =	shalt  }
0x56: {  	_ =	shalt  }
0x57: {  	_ =	shalt  }
0x58: {  	_ =	shalt  }
0x59: {  	_ =	shalt  }
0x5a: {  	_ =	shalt  }
0x5b: {  	_ =	shalt  }
0x5c: {  	_ =	shalt  }
0x5d: {  	_ =	shalt  }
0x5e: {  	_ =	shalt  }
0x5f: {  	_ =	shalt  }
0x60: {  	_ =	shalt  }
0x61: {  	_ =	shalt  }
0x62: {  	_ =	shalt  }
0x63: {  	_ =	shalt  }
0x64: {  	_ =	shalt  }
0x65: {  	_ =	shalt  }
0x66: {  	_ =	shalt  }
0x67: {  	_ =	shalt  }
0x68: {  	_ =	shalt  }
0x69: {  	_ =	shalt  }
0x6a: {  	_ =	shalt  }
0x6b: {  	_ =	shalt  }
0x6c: {  	_ =	shalt  }
0x6d: {  	_ =	shalt  }
0x6e: {  	_ =	shalt  }
0x6f: {  	_ =	shalt  }
0x70: {  	_ =	shalt  }
0x71: {  	_ =	shalt  }
0x72: {  	_ =	shalt  }
0x73: {  	_ =	shalt  }
0x74: {  	_ =	shalt  }
0x75: {  	_ =	shalt  }
0x76: {  	_ =	shalt  }
0x77: {  	_ =	shalt  }
0x78: {  	_ =	shalt  }
0x79: {  	_ =	shalt  }
0x7a: {  	_ =	shalt  }
0x7b: {  	_ =	shalt  }
0x7c: {  	_ =	shalt  }
0x7d: {  	_ =	shalt  }
0x7e: {  	_ =	shalt  }
0x7f: {  	_ =	shalt  }
0x80: {  	_ =	shalt  }
0x81: {  	_ =	shalt  }
0x82: {  	_ =	shalt  }
0x83: {  	_ =	shalt  }
0x84: {  	_ =	shalt  }
0x85: {  	_ =	shalt  }
0x86: {  	_ =	shalt  }
0x87: {  	_ =	shalt  }
.Lfunc_end0:
.L_simem_size_0:
called_computation_lowered:
.L_overlay_start_0:
0x88: {  	s2 =	sld [smem:$0x3FD9]  }
0x89: {  	s3 =	sld [smem:$0x3FFE];
	_ =	sdelay $0x1  }
0x8a: {  	s1 =	srdreg.scid  }
0x8b: {  	s0 =	sand.u32 $0x1, s1  }
0x8c: {  	s14 =	sshll.u32 s0, $0xA;
	s2 =	sadd.s32 s3, s2  }
0x8d: {  	s2 =	sadd.s32 s2, s14  }
0x8e: {  	[smem:$0x3FB0] =	sst s2  }
0x8f: {  	_ = 	snop  }
0x90: {  	s2 =	sld [smem:$0x3FD0];
	_ =	sdelay $0x2  }
0x91: {  	s15 =	simm.s32 $0xB;
	s4 =	simm.s32 $0x10  }
0x92: {  	[smem:s4], [sflag:s15] =	dma.local [hbm:s2], $0x1  }
0x93: {  	_ =	swait.eq [sflag:s15], $0x1  }
0x94: {  	[sflag:s15] =	ssyncset.done $0x0  }
0x95: {  	s16 =	sld [smem:$0x10];
	[sflag:s15] =	ssyncadd.s32 $0xFFFFFFFF  }
0x96: {  	s17 =	sld [smem:$0x11];
	(tm) =	ssettm $0x1  }
0x97: {  	s18 =	sld [smem:$0x3FFB];
	_ =	sdelay $0x3  }
0x98: {  	_ =	strace s18  }
0x99: {  	s4 =	sld [smem:$0x3FFC];
	_ =	sdelay $0x3  }
0x9a: {  	_ =	strace s4  }
0x9b: {  	s4 =	sld [smem:$0x3FFD];
	_ =	sdelay $0x3  }
0x9c: {  	_ =	strace s4  }
0x9d: {  	_ =	strace $0x8FFFFFFF  }
0x9e: {  	s19 =	sld [smem:$0x3FDB];
	_ =	sdelay $0x1  }
0x9f: {  	s5 =	simm.s32 $_scs_section_size  }
0xa0: {  	s6 =	simm.s32 $_size__tile_overlayer_lowered;
	s7 =	simm.s32 $_tile_overlayer_lowered  }
0xa1: {  	s22 =	simm.s32 $0x1BFF;
	s21 =	sshll.u32 s7, $0x1;
	s4 =	sadd.s32 s5, s19  }
0xa2: {  	s8 =	simm.s32 $0x0;
	s20 =	sshll.u32 s6, $0x1;
	s6 =	sadd.s32 s21, s4  }
0xa3: {  	[timem:s8], [sflag:s22] =	dma.local [hbm:s6], s20  }
0xa4: {  	_ =	swait.ge [sflag:s22], s20  }
0xa5: {  	s5 =	ssub.s32 $0x0, s20;
	[sflag:s22] =	ssyncset.done $0x0  }
0xa6: {  	[sflag:s22] =	ssyncadd.s32 s5;
	_ =	sdelay $0x1  }
0xa7: {  	s23 =	simm.s32 $0x1B8B  }
0xa8: {  	_ =	swait.ge [sflag:s23], $0x1  }
0xa9: {  	[sflag:s23] =	ssyncset.done $0x0  }
0xaa: {  	s25 =	simm.s32 $0x1B8E;
	s24 =	sld [smem:$0x3FFE];
	[sflag:s23] =	ssyncadd.s32 $0xFFFFFFFF  }
0xab: {  	s26 =	simm.s32 $execute0_lowered;
	[smem:$0x3FD2] =	sst s25  }
0xac: {  	s6 =	sshll.u32 s26, $0x1;
	_ =	strace $0x80000046;
	[dreg:$0x1] =	wrdreg $0xFFFFFFFF  }
0xad: {  	s28 =	simm.s32 $_size_execute0_lowered;
	s4 =	sadd.s32 s4, s6;
	[dreg:$0x0] =	wrdreg $0x0  }
0xae: {  	s6 =	sshll.u32 s28, $0x1;
	[dreg:$0x2] =	wrdreg s4  }
0xaf: {  	[dreg:$0x3] =	wrdreg s6  }
0xb0: {  	[dreg:$0x4] =	wrdreg $0xC0  }
0xb1: {  	_ =	task [dreg:s8], $0x5FFFF  }
0xb2: {  	[dreg:$0x1] =	wrdreg $0xFFFFFFFF  }
0xb3: {  	[dreg:$0x0] =	wrdreg $0x60  }
0xb4: {  	[dreg:$0x2] =	wrdreg s16  }
0xb5: {  	[dreg:$0x3] =	wrdreg s24  }
0xb6: {  	[dreg:$0x4] =	wrdreg s17  }
0xb7: {  	[dreg:$0x5] =	wrdreg $0x78000  }
0xb8: {  	[dreg:$0x6] =	wrdreg $0x9  }
0xb9: {  	_ =	task.clear_ibuf [dreg:s8], $0x7FFFF;
	_ =	strace $0x90000046  }
0xba: {  	s29 =	simm.s32 $0x9;
	_ =	strace $0x80000048  }
0xbb: {  	_ =	swait.ge [sflag:s29], $0x1  }
0xbc: {  	[sflag:s29] =	ssyncadd.s32 $0xFFFFFFFF  }
0xbd: {  	_ =	strace $0x90000048  }
0xbe: {  	_ =	sfence  }
0xbf: {  	s30 =	sld [smem:$0x0];
	_ =	sdelay $0x2  }
0xc0: {  	s31 =	sshll.u32 s1, $0xD;
	s1 =	sshrl.u32 s1, $0x2  }
0xc1: {  	s3 =	sand.u32 $0x4000, s31;
	s1 =	sadd.s32 s1, s30  }
0xc2: {  	s0 =	sor.u32 s3, s0;
	s1 =	sshll.u32 s1, $0x11  }
0xc3: {  	s0 =	sor.u32 s1, s0  }
0xc4: {  	s0 =	sadd.s32 $0x8F2B, s0  }
0xc5: {  	[sflag:s0] =	ssyncadd.remote.s32 $0x1  }
0xc6: {  	_ =	sfence.sel $0xFFFF  }
0xc7: {  	[dreg:$0x0] =	wrdreg $0xFFFFFFFF;
	(pc) =	sbr.abs _section_cstart, $3  }
0xc8: {  	[dreg:$0x1] =	wrdreg $0xFFFFFFFF  }
0xc9: {  	_ =	task.clear_ibuf [dreg:s8], $0x2FFFF;
	_ =	strace $0x9FFFFFFF  }
0xca: {  	(tm) =	ssettm $0x7FFFFFFF  }
0xcb: {  	_ =	shalt  }
tec
execute0_lowered:
.L_overlay_start_1:
0x0: {  	(tag) =	ssettag $0x1  }
0x1: {  	s1 =	rddreg [dreg:$0x0]  }
0x2: {  	s0 =	rddreg [dreg:$0x1]  }
0x3: {  	s5 =	rddreg [dreg:$0x2]  }
0x4: {  	s2 =	rddreg [dreg:$0x3];
	s3 =	simm.s32 $0x0;
	s4 =	srdreg.scid  }
0x5: {  	s14 =	stileid.u32;
	s16 =	simm.s32 $0xA;
	s17 =	simm.s32 $0x1C00  }
0x6: {  	s18 =	simm.s32 $0x80;
	s19 =	simm.s32 $0x3800;
	s20 =	simm.s32 $0x4800  }
0x7: {  	s21 =	simm.s32 $0x100;
	s22 =	simm.s32 $0x5800;
	s28 =	simm.s32 $0x2  }
0x8: {  	s29 =	simm.s32 $0x6;
	s30 =	simm.s32 $0x4;
	s31 =	simm.s32 $0x8  }
0x9: {  	[smem:$0x7FF] =	sst s3;
	s4 =	sand.u32 $0x1, s4;
	s10 =	smul.u32 $0x30E0, s14  }
0xa: {  	s6 =	sadd.s32 $0x37C00, s0;
	s7 =	sadd.s32 $0x6C00, s0;
	s12 =	smul.u32 $0x61C00, s14  }
0xb: {  	s8 =	sadd.s32 $0x68A00, s0;
	s0 =	sadd.s32 $0x81200, s0;
	s24 =	smul.u32 $0x188, s14  }
0xc: {  	p0 =	sne.s32 s14, $0x0;
	_ =	strace $0x80000047;
	s9 =	smul.u32 $0x30D40, s4  }
0xd: {  	s11 =	ssub.s32 $0x2, s4;
	[dreg:$0x5] =	wrdreg s0;
	s13 =	smul.u32 $0x186A00, s4  }
0xe: {  	p1 =	seq.s32 s4, $0x0;
	s23 =	sshrl.u32 s11, $0x1;
	[dreg:$0x6] =	wrdreg s24  }
0xf: {  	s25 =	sshrl.u32 s12, $0x2;
	s0 =	ssub.s32 s11, s23;
	s9 =	sadd.s32 s10, s9  }
0x10: {  	s26 =	sshrl.u32 s13, $0x3;
	s13 =	smov.u32 s6;
	s23 =	simm.s32 $0x180  }
0x11: {  	s9 =	sadd.s32 s5, s9;
	s5 =	sadd.s32 s5, s26;
	s0 =	smax.u32 s0, $0x1  }
0x12: {  	s13 =	smov.u32 @p1 s1;
	p1 =	seq.s32 s14, $0xF;
	[dreg:$0x7] =	wrdreg s9  }
.Ltmp0:
0x13: {  	s5 =	sadd.s32 $0x2DD20, s5;
	[dreg:$0x9] =	wrdreg s0;
	(pc) =	sbr.rel .LBB2_1-.Ltmp0, $4  }
0x14: {  	s0 =	sshrl.u32 @!p0 s2, $0x3;
	[dreg:$0x8] =	wrdreg s5;
	s5 =	sadd.s32 $0x16E900, s2  }
0x15: {  	s9 =	sadd.s32 s25, s2;
	[dreg:$0xa] =	wrdreg s0;
	s0 =	sshrl.u32 @p1 s5, $0x3  }
0x16: {  	s26 =	simm.s32 $0x6800;
	[dreg:$0xb] =	wrdreg s0;
	s0 =	sshrl.u32 @!p1 s9, $0x3  }
0x17: {  	s5 =	simm.s32 $0x9;
	[dreg:$0xc] =	wrdreg s0;
	s0 =	simm.s32 $0x5  }
.LBB2_6:
0x18: {  	[bflag:$0x0] =	sbarrier.arrive $0xFFFF  }
0x19: {  	s10 =	rddreg [dreg:$0x8]  }
0x1a: {  	s9 =	simm.s32 @p1 $0x1FCA;
	s11 =	rddreg [dreg:$0xb]  }
0x1b: {  	[hbm:s10], [sflag:s9] =	dma.local @p1 [spmem:s11], $0x3020  }
0x1c: {  	s9 =	simm.s32 @p1 $0xA  }
0x1d: {  	s10 =	stileid.u32;
	_ =	swait.ge @p1 [sflag:s9], $0x3020  }
0x1e: {  	s10 =	sshll.u32 @!p1 s10, $0x6;
	[sflag:s9] =	ssyncset.done @p1 $0x0;
	s11 =	rddreg [dreg:$0xc]  }
0x1f: {  	[sflag:s9] =	ssyncadd.s32 @p1 $0xFFFFCFE0;
	s9 =	sor.u32 @!p1 $0x1C0A, s10;
	s10 =	rddreg [dreg:$0x7]  }
0x20: {  	[hbm:s10], [sflag:s9] =	dma.local @!p1 [spmem:s11], $0x30E0  }
0x21: {  	s9 =	simm.s32 @!p1 $0xA  }
0x22: {  	_ =	swait.ge @!p1 [sflag:s9], $0x30E0  }
0x23: {  	s3 =	sadd.s32 $0x1, s3;
	s25 =	rddreg [dreg:$0x9]  }
0x24: {  	p2 =	sne.s32 s3, s25  }
.Ltmp1:
0x25: {  	_ = 	snop;
	(pc) =	sbr.rel @!p2 .LBB2_7-.Ltmp1, $3  }
0x26: {  	_ =	sdelay $0x1  }
0x27: {  	[sflag:s9] =	ssyncset.done @!p1 $0x0  }
0x28: {  	[sflag:s9] =	ssyncadd.s32 @!p1 $0xFFFFCF20  }
.LBB2_1:
0x29: {  	s10 =	rddreg [dreg:$0x5]  }
0x2a: {  	s9 =	simm.s32 @!p0 $0x1C01;
	s11 =	rddreg [dreg:$0xa]  }
0x2b: {  	[spmem:s11], [sflag:s9] =	dma.local @!p0 [hbm:s10], $0x30D60  }
0x2c: {  	s9 =	simm.s32 @!p0 $0x1  }
.Ltmp2:
0x2d: {  	_ =	swait.ge @!p0 [sflag:s9], $0x30D60;
	(pc) =	sbr.rel .LBB2_2-.Ltmp2, $4  }
0x2e: {  	[sflag:s9] =	ssyncset.done @!p0 $0x0  }
0x2f: {  	[sflag:s9] =	ssyncadd.s32 @!p0 $0xFFFCF2A0  }
0x30: {  	s10 =	rddreg [dreg:$0x6];
	[bflag:$0x0] =	sbarrier.arrive $0xFFFF  }
0x31: {  	s10 =	simm.s32 @!p0 $0x0;
	s9 =	simm.s32 $0x0  }
.LBB2_5:
0x32: {  	_ =	swait.ge [sflag:s0], $0x1000;
	s9 =	sadd.s32 $0x1, s9  }
0x33: {  	[sflag:s0] =	ssyncset.done $0x0;
	p2 =	sne.s32 s9, $0x7  }
.Ltmp3:
0x34: {  	[sflag:s0] =	ssyncadd.s32 $0xFFFFF000;
	(pc) =	sbr.rel @!p2 .LBB2_6-.Ltmp3, $4  }
0x35: {  	[spmem:s2] =	stream.indirect.scatter.add.f32 [tilespmem:s26], [sflag:$0x9], $0x20, s14, s18, $0xb8;
	[tilespmem:$0x1FEB0] =	vst v63  }
0x36: {  	_ =	swait.ge [sflag:s5], $0x1000  }
0x37: {  	[sflag:s5] =	ssyncset.done $0x0  }
0x38: {  	[sflag:s5] =	ssyncadd.s32 $0xFFFFF000  }
.LBB2_2:
0x39: {  	s11 =	smul.u32 $0x38, s9;
	_ =	sdelay $0x1  }
0x3a: {  	s11 =	sadd.s32 s10, s11  }
0x3b: {  	s12 =	sshll.u32 s11, $0x4  }
0x3c: {  	s11 =	simm.s32 $0x0;
	s14 =	sadd.s32 s7, s12  }
0x3d: {  	[tilespmem:s11], [sflag:$0xA] =	stream.linear.gather [hbm4b:s14+s11], $0x1C00, $0x38;
	[tilespmem:$0x1FEB0] =	vst v63  }
0x3e: {  	_ =	swait.ge [sflag:s16], $0x1C00  }
0x3f: {  	[sflag:s16] =	ssyncset.done $0x0  }
0x40: {  	s12 =	sadd.s32 s8, s12;
	[sflag:s16] =	ssyncadd.s32 $0xFFFFE400  }
0x41: {  	[tilespmem:s17], [sflag:$0xA] =	stream.linear.gather [hbm4b:s12+s11], $0x1C00, $0x38;
	[tilespmem:$0x1FEB0] =	vst v63  }
0x42: {  	_ =	swait.ge [sflag:s16], $0x1C00  }
0x43: {  	[sflag:s16] =	ssyncset.done $0x0  }
0x44: {  	[sflag:s16] =	ssyncadd.s32 $0xFFFFE400  }
0x45: {  	[tilespmem:s19], [sflag:$0x2] =	stream.indirect.gather [hbm4b:s13+s18], $0x20, s11, s18, $0xb8;
	[tilespmem:$0x1FEB0] =	vst v63  }
0x46: {  	_ = 	snop  }
0x47: {  	[tilespmem:s20], [sflag:$0x3] =	stream.indirect.gather [hbm4b:s13+s18], $0x20, s18, s18, $0xb8;
	[tilespmem:$0x1FEB0] =	vst v63  }
0x48: {  	_ = 	snop  }
0x49: {  	[tilespmem:s22], [sflag:$0x4] =	stream.indirect.gather [hbm4b:s13+s18], $0x20, s21, s18, $0xb8;
	[tilespmem:$0x1FEB0] =	vst v63  }
0x4a: {  	_ = 	snop  }
0x4b: {  	[tilespmem:s26], [sflag:$0x5] =	stream.indirect.gather [hbm4b:s13+s18], $0x20, s23, s18, $0xb8;
	[tilespmem:$0x1FEB0] =	vst v63  }
.LBB2_3:
0x4c: {  	_ =	swait.ge [sflag:s28], $0x1000  }
0x4d: {  	s12 =	sshra.s32 s11, $0x2;
	[sflag:s28] =	ssyncset.done $0x0  }
0x4e: {  	s14 =	sadd.s32 $0x1C00, s12;
	[sflag:s28] =	ssyncadd.s32 $0xFFFFF000  }
0x4f: {  	[spmem:s2] =	stream.indirect.scatter.add.f32 [tilespmem:s19], [sflag:$0x6], $0x20, s14, s18, $0xb8;
	[tilespmem:$0x1FEB0] =	vst v63  }
0x50: {  	_ =	swait.ge [sflag:s29], $0x1000  }
0x51: {  	p2 =	seq.s32 s11, $0x6800;
	[sflag:s29] =	ssyncset.done $0x0  }
0x52: {  	s14 =	simm.s32 @p2 $0x3;
	[sflag:s29] =	ssyncadd.s32 $0xFFFFF000  }
0x53: {  	_ =	swait.ge @p2 [sflag:s14], $0x1000  }
0x54: {  	[sflag:s14] =	ssyncset.done @p2 $0x0  }
0x55: {  	[sflag:s14] =	ssyncadd.s32 @p2 $0xFFFFF000;
	s14 =	sshra.s32 @p2 s11, $0x2  }
0x56: {  	s15 =	simm.s32 @p2 $0x80;
	s24 =	simm.s32 @p2 $0x4800;
	s14 =	sadd.s32 @p2 $0x1C80, s14  }
0x57: {  	[spmem:s2] =	stream.indirect.scatter.add.f32 @p2 [tilespmem:s24], [sflag:$0x7], $0x20, s14, s15, $0xb8;
	[tilespmem:$0x1FEB0] =	vst v63  }
0x58: {  	s14 =	simm.s32 @p2 $0x7  }
0x59: {  	_ =	swait.ge @p2 [sflag:s14], $0x1000  }
0x5a: {  	[sflag:s14] =	ssyncset.done @p2 $0x0  }
0x5b: {  	[sflag:s14] =	ssyncadd.s32 @p2 $0xFFFFF000;
	s14 =	sshra.s32 @!p2 s11, $0x2  }
0x5c: {  	s25 =	simm.s32 @!p2 $0x3800;
	s24 =	simm.s32 @!p2 $0x80;
	s15 =	sadd.s32 @!p2 $0x200, s14  }
0x5d: {  	[tilespmem:s25], [sflag:$0x2] =	stream.indirect.gather @!p2 [hbm4b:s13+s24], $0x20, s15, s24, $0xb8;
	[tilespmem:$0x1FEB0] =	vst v63  }
0x5e: {  	s15 =	simm.s32 @!p2 $0x3  }
0x5f: {  	_ =	swait.ge @!p2 [sflag:s15], $0x1000  }
0x60: {  	[sflag:s15] =	ssyncset.done @!p2 $0x0  }
0x61: {  	s25 =	simm.s32 @!p2 $0x4800;
	[sflag:s15] =	ssyncadd.s32 @!p2 $0xFFFFF000;
	s15 =	sadd.s32 @!p2 $0x1C80, s14  }
0x62: {  	[spmem:s2] =	stream.indirect.scatter.add.f32 @!p2 [tilespmem:s25], [sflag:$0x7], $0x20, s15, s24, $0xb8;
	[tilespmem:$0x1FEB0] =	vst v63  }
0x63: {  	p3 =	sne.s32 @!p2 s4, $0x0;
	s15 =	simm.s32 @!p2 $0x7  }
0x64: {  	p4 =	por !p3, p2;
	_ =	swait.ge @!p2 [sflag:s15], $0x1000  }
0x65: {  	p3 =	por p3, p2;
	s14 =	sadd.s32 @!p2 $0x280, s14;
	[sflag:s15] =	ssyncset.done @!p2 $0x0  }
0x66: {  	s24 =	simm.s32 @!p4 $0x4800;
	[sflag:s15] =	ssyncadd.s32 @!p2 $0xFFFFF000;
	s15 =	simm.s32 @!p4 $0x80  }
0x67: {  	[tilespmem:s24], [sflag:$0x3] =	stream.indirect.gather @!p4 [hbm4b:s6+s15], $0x20, s14, s15, $0xb8;
	[tilespmem:$0x1FEB0] =	vst v63  }
0x68: {  	s15 =	simm.s32 @!p3 $0x80;
	s24 =	simm.s32 @!p3 $0x4800  }
0x69: {  	[tilespmem:s24], [sflag:$0x3] =	stream.indirect.gather @!p3 [hbm4b:s1+s15], $0x20, s14, s15, $0xb8;
	[tilespmem:$0x1FEB0] =	vst v63  }
0x6a: {  	_ =	swait.ge [sflag:s30], $0x1000  }
0x6b: {  	[sflag:s30] =	ssyncset.done $0x0  }
.Ltmp4:
0x6c: {  	s25 =	sadd.s32 $0x1D00, s12;
	[sflag:s30] =	ssyncadd.s32 $0xFFFFF000;
	(pc) =	sbr.rel @p2 .LBB2_5-.Ltmp4, $4  }
0x6d: {  	[spmem:s2] =	stream.indirect.scatter.add.f32 [tilespmem:s22], [sflag:$0x8], $0x20, s25, s18, $0xb8;
	[tilespmem:$0x1FEB0] =	vst v63  }
0x6e: {  	_ =	swait.ge [sflag:s31], $0x1000  }
0x6f: {  	[sflag:s31] =	ssyncset.done $0x0  }
0x70: {  	s14 =	sadd.s32 $0x1D80, s12;
	[sflag:s31] =	ssyncadd.s32 $0xFFFFF000  }
0x71: {  	s15 =	sadd.s32 $0x300, s12  }
0x72: {  	[tilespmem:s22], [sflag:$0x4] =	stream.indirect.gather [hbm4b:s13+s18], $0x20, s15, s18, $0xb8;
	[tilespmem:$0x1FEB0] =	vst v63  }
0x73: {  	_ =	swait.ge [sflag:s0], $0x1000  }
0x74: {  	[sflag:s0] =	ssyncset.done $0x0  }
0x75: {  	[sflag:s0] =	ssyncadd.s32 $0xFFFFF000  }
0x76: {  	[spmem:s2] =	stream.indirect.scatter.add.f32 [tilespmem:s26], [sflag:$0x9], $0x20, s14, s18, $0xb8;
	[tilespmem:$0x1FEB0] =	vst v63  }
.Ltmp5:
0x77: {  	_ = 	snop;
	(pc) =	sbr.rel .LBB2_3-.Ltmp5, $4  }
0x78: {  	_ =	swait.ge [sflag:s5], $0x1000  }
0x79: {  	[sflag:s5] =	ssyncset.done $0x0  }
0x7a: {  	s25 =	sadd.s32 $0x380, s12;
	s11 =	sadd.s32 $0x800, s11;
	[sflag:s5] =	ssyncadd.s32 $0xFFFFF000  }
0x7b: {  	[tilespmem:s26], [sflag:$0x5] =	stream.indirect.gather [hbm4b:s13+s18], $0x20, s25, s18, $0xb8;
	[tilespmem:$0x1FEB0] =	vst v63  }
.LBB2_7:
0x7c: {  	_ =	sfence.sel $0x180000  }
0x7d: {  	[bflag:$0x0] =	sbarrier.arrive $0xFFFF  }
0x7e: {  	_ =	strace $0x90000047  }
0x7f: {  	[bflag:$0x2] =	sbarrier.arrive $0xFFFF  }
0x80: {  	s0 =	rddreg [dreg:$0x4]  }
0x81: {  	s0 =	sadd.s32 @!p0 $0x100000, s0  }
0x82: {  	[sflag:s0] =	ssyncadd.tile.s32 @!p0 $0x1;
	_ =	shalt  }
.Lfunc_end2:
_tile_overlayer_lowered:
.L_overlay_start_2:
0x83: {  	(tag) =	ssettag $0x2  }
0x84: {  	s0 =	rddreg [dreg:$0x0];
	s2 =	stileid.u32  }
0x85: {  	s1 =	rddreg [dreg:$0x1];
	p0 =	sne.s32 s2, $0x0  }
0x86: {  	s3 =	rddreg [dreg:$0x2];
	[bflag:$0x3] =	sbarrier.arrive $0xFFFF;
	s2 =	simm.s32 @!p0 $0x1C0A  }
0x87: {  	[timem:s3], [sflag:s2] =	dma.local @!p0 [hbm:s0], s1  }
0x88: {  	s0 =	simm.s32 @!p0 $0xA  }
0x89: {  	_ =	swait.ge @!p0 [sflag:s0], s1  }
0x8a: {  	s1 =	ssub.s32 @!p0 $0x0, s1;
	[sflag:s0] =	ssyncset.done @!p0 $0x0  }
0x8b: {  	[sflag:s0] =	ssyncadd.s32 @!p0 s1  }
0x8c: {  	[bflag:$0x3] =	sbarrier.arrive $0xFFFF  }
0x8d: {  	_ =	shalt  }

// kernel: kernel.16.cloned.1.call-start
scs
__scs_entry_jumppad:
0x0: {  	(pc) =	sbr.rel $0x88, $3  }
0x1: {  	(tag) =	ssettag $0x0;
	lr =	simm.s32 $0x1  }
0x2: {  	[smem:$0x3F89] =	sst lr;
	_ =	strace $0xD0000000  }
0x3: {  	_ = 	snop  }
0x4: {  	_ = 	snop  }
0x5: {  	_ = 	snop  }
0x6: {  	_ = 	snop  }
0x7: {  	_ = 	snop  }
__scs_overlays_trampoline_lowered:
0x8: {  	[smem:$0x3F98] =	sst s0  }
0x9: {  	[smem:$0x3F99] =	sst s1  }
0xa: {  	[smem:$0x3F9A] =	sst s2  }
0xb: {  	[smem:$0x3F9B] =	sst s3  }
0xc: {  	[smem:$0x3F9C] =	sst s4  }
0xd: {  	[smem:$0x3F9D] =	sst s5  }
0xe: {  	[smem:$0x3F9E] =	sst s6  }
0xf: {  	[smem:$0x3F9F] =	sst s7  }
0x10: {  	[smem:$0x3FA0] =	sst s8  }
0x11: {  	[smem:$0x3FA1] =	sst s9;
	s0 =	simm.s32 @!p0 $0x0  }
0x12: {  	s1 =	sld [smem:$0x3F87];
	s0 =	simm.s32 @p0 $0x1  }
0x13: {  	[smem:$0x3FA2] =	sst s0;
	s0 =	simm.s32 @!p1 $0x0  }
0x14: {  	s2 =	sld [smem:$0x3F86];
	s0 =	simm.s32 @p1 $0x1  }
0x15: {  	[smem:$0x3FA3] =	sst s0;
	s0 =	simm.s32 @!p2 $0x0  }
0x16: {  	s3 =	sld [smem:$0x3FDB];
	s0 =	simm.s32 @p2 $0x1  }
0x17: {  	s4 =	simm.s32 $0x1BF5;
	[smem:$0x3FA5] =	sst s0  }
0x18: {  	s0 =	sld [smem:$0x3F88];
	_ =	swait.ge [sflag:s4], $0x0  }
0x19: {  	s7 =	sld [smem:$0x3F89]  }
0x1a: {  	s8 =	sadd.s32 $0xFFFFE003, lr  }
0x1b: {  	s9 =	sadd.s32 $0xFFFFFEF7, lr;
	s5 =	simm.s32 $0xFFFFFFFF;
	p2 =	slt.u32 s8, $0xFFFFF086  }
0x1c: {  	p1 =	slt.u32 s9, $0xF7A;
	s5 =	simm.s32 @!p2 $0x0  }
0x1d: {  	s5 =	simm.s32 @p1 $0x1;
	p0 =	seq.s32 s7, s2  }
0x1e: {  	s7 =	smul.u32 @!p0 $0xF7A, s2;
	p2 =	seq.s32 @!p0 s5, $0x0  }
0x1f: {  	s9 =	smul.u32 $0xF7A, s1;
	s8 =	simm.s32 @!p0 $0x1BF5;
	p2 =	por !p2, p0  }
0x20: {  	[sflag:s8] =	ssyncset.s32 @!p0 $0xFFFFF086;
	s6 =	sadd.s32 @!p0 s3, s7;
	s7 =	simm.s32 @!p0 $0x108  }
0x21: {  	s3 =	sadd.s32 s3, s9;
	s6 =	sadd.s32 @!p0 $0x88, s6;
	s7 =	simm.s32 @p2 $0x1082  }
0x22: {  	[simem:s7], [sflag:s8] =	dma.local @!p0 [hbm:s6], $0xF7A  }
0x23: {  	s9 =	sor.u32 $0xD0000000, s2;
	s6 =	simm.s32 $0x108;
	_ =	swait.ge @!p0 [sflag:s8], $0x0  }
0x24: {  	s3 =	sadd.s32 $0x88, s3;
	s6 =	simm.s32 @!p1 $0x1082;
	[sflag:s4] =	ssyncset.s32 $0xFFFFF086  }
0x25: {  	[simem:s6], [sflag:s4] =	dma.local [hbm:s3], $0xF7A  }
0x26: {  	[smem:$0x3F89] =	sst s1;
	(tag) =	ssettag s2;
	_ =	strace s9  }
0x27: {  	s1 =	sld [smem:$0x3F99]  }
0x28: {  	s2 =	sld [smem:$0x3F9A]  }
0x29: {  	s4 =	sld [smem:$0x3F9C]  }
0x2a: {  	p0 =	seq.s32 s5, $0x0;
	s5 =	sld [smem:$0x3F9D]  }
0x2b: {  	s6 =	sld [smem:$0x3F9E]  }
0x2c: {  	s7 =	sld [smem:$0x3F9F]  }
0x2d: {  	s3 =	simm.s32 $0x108;
	s8 =	sld [smem:$0x3FA0]  }
0x2e: {  	s3 =	simm.s32 @!p0 $0x1082;
	s9 =	sld [smem:$0x3FA1]  }
0x2f: {  	lr =	sadd.s32 s0, s3;
	s0 =	sld [smem:$0x3F98]  }
0x30: {  	s3 =	sld [smem:$0x3F9B]  }
0x31: {  	[smem:$0x3FA4] =	sst s10  }
0x32: {  	s10 =	sld [smem:$0x3FA2];
	_ =	sdelay $0x3  }
0x33: {  	p0 =	seq.s32 s10, $0x1;
	s10 =	sld [smem:$0x3FA4];
	_ =	sdelay $0x3  }
0x34: {  	[smem:$0x3FA4] =	sst s10  }
0x35: {  	s10 =	sld [smem:$0x3FA3];
	_ =	sdelay $0x3  }
0x36: {  	p1 =	seq.s32 s10, $0x1;
	s10 =	sld [smem:$0x3FA4];
	_ =	sdelay $0x3  }
0x37: {  	[smem:$0x3FA4] =	sst s10  }
0x38: {  	s10 =	sld [smem:$0x3FA5]  }
0x39: {  	_ = 	snop;
	(pc) =	sbr.ind lr, $3  }
0x3a: {  	_ = 	snop  }
0x3b: {  	_ = 	snop  }
0x3c: {  	p2 =	seq.s32 s10, $0x1;
	s10 =	sld [smem:$0x3FA4]  }
0x3d: {  	_ =	shalt  }
0x3e: {  	_ =	shalt  }
0x3f: {  	_ =	shalt  }
0x40: {  	_ =	shalt  }
0x41: {  	_ =	shalt  }
0x42: {  	_ =	shalt  }
0x43: {  	_ =	shalt  }
0x44: {  	_ =	shalt  }
0x45: {  	_ =	shalt  }
0x46: {  	_ =	shalt  }
0x47: {  	_ =	shalt  }
0x48: {  	_ =	shalt  }
0x49: {  	_ =	shalt  }
0x4a: {  	_ =	shalt  }
0x4b: {  	_ =	shalt  }
0x4c: {  	_ =	shalt  }
0x4d: {  	_ =	shalt  }
0x4e: {  	_ =	shalt  }
0x4f: {  	_ =	shalt  }
0x50: {  	_ =	shalt  }
0x51: {  	_ =	shalt  }
0x52: {  	_ =	shalt  }
0x53: {  	_ =	shalt  }
0x54: {  	_ =	shalt  }
0x55: {  	_ =	shalt  }
0x56: {  	_ =	shalt  }
0x57: {  	_ =	shalt  }
0x58: {  	_ =	shalt  }
0x59: {  	_ =	shalt  }
0x5a: {  	_ =	shalt  }
0x5b: {  	_ =	shalt  }
0x5c: {  	_ =	shalt  }
0x5d: {  	_ =	shalt  }
0x5e: {  	_ =	shalt  }
0x5f: {  	_ =	shalt  }
0x60: {  	_ =	shalt  }
0x61: {  	_ =	shalt  }
0x62: {  	_ =	shalt  }
0x63: {  	_ =	shalt  }
0x64: {  	_ =	shalt  }
0x65: {  	_ =	shalt  }
0x66: {  	_ =	shalt  }
0x67: {  	_ =	shalt  }
0x68: {  	_ =	shalt  }
0x69: {  	_ =	shalt  }
0x6a: {  	_ =	shalt  }
0x6b: {  	_ =	shalt  }
0x6c: {  	_ =	shalt  }
0x6d: {  	_ =	shalt  }
0x6e: {  	_ =	shalt  }
0x6f: {  	_ =	shalt  }
0x70: {  	_ =	shalt  }
0x71: {  	_ =	shalt  }
0x72: {  	_ =	shalt  }
0x73: {  	_ =	shalt  }
0x74: {  	_ =	shalt  }
0x75: {  	_ =	shalt  }
0x76: {  	_ =	shalt  }
0x77: {  	_ =	shalt  }
0x78: {  	_ =	shalt  }
0x79: {  	_ =	shalt  }
0x7a: {  	_ =	shalt  }
0x7b: {  	_ =	shalt  }
0x7c: {  	_ =	shalt  }
0x7d: {  	_ =	shalt  }
0x7e: {  	_ =	shalt  }
0x7f: {  	_ =	shalt  }
0x80: {  	_ =	shalt  }
0x81: {  	_ =	shalt  }
0x82: {  	_ =	shalt  }
0x83: {  	_ =	shalt  }
0x84: {  	_ =	shalt  }
0x85: {  	_ =	shalt  }
0x86: {  	_ =	shalt  }
0x87: {  	_ =	shalt  }
.Lfunc_end0:
.L_simem_size_0:
called_computation.1_lowered:
.L_overlay_start_0:
0x88: {  	s2 =	sld [smem:$0x3FD9]  }
0x89: {  	s3 =	sld [smem:$0x3FFE];
	_ =	sdelay $0x1  }
0x8a: {  	s1 =	srdreg.scid  }
0x8b: {  	s0 =	sand.u32 $0x1, s1  }
0x8c: {  	s14 =	sshll.u32 s0, $0xA;
	s2 =	sadd.s32 s3, s2  }
0x8d: {  	s2 =	sadd.s32 s2, s14  }
0x8e: {  	[smem:$0x3FB0] =	sst s2  }
0x8f: {  	_ = 	snop  }
0x90: {  	s2 =	sld [smem:$0x3FD0];
	_ =	sdelay $0x2  }
0x91: {  	s15 =	simm.s32 $0xB;
	s4 =	simm.s32 $0x10  }
0x92: {  	[smem:s4], [sflag:s15] =	dma.local [hbm:s2], $0x1  }
0x93: {  	_ =	swait.eq [sflag:s15], $0x1  }
0x94: {  	[sflag:s15] =	ssyncset.done $0x0  }
0x95: {  	s16 =	sld [smem:$0x10];
	[sflag:s15] =	ssyncadd.s32 $0xFFFFFFFF  }
0x96: {  	s17 =	sld [smem:$0x11];
	(tm) =	ssettm $0x1  }
0x97: {  	s18 =	sld [smem:$0x3FFB];
	_ =	sdelay $0x3  }
0x98: {  	_ =	strace s18  }
0x99: {  	s4 =	sld [smem:$0x3FFC];
	_ =	sdelay $0x3  }
0x9a: {  	_ =	strace s4  }
0x9b: {  	s4 =	sld [smem:$0x3FFD];
	_ =	sdelay $0x3  }
0x9c: {  	_ =	strace s4  }
0x9d: {  	_ =	strace $0x8FFFFFFF  }
0x9e: {  	s19 =	sld [smem:$0x3FDB];
	_ =	sdelay $0x1  }
0x9f: {  	s5 =	simm.s32 $_scs_section_size  }
0xa0: {  	s6 =	simm.s32 $_size__tile_overlayer_lowered;
	s7 =	simm.s32 $_tile_overlayer_lowered  }
0xa1: {  	s22 =	simm.s32 $0x1BFF;
	s21 =	sshll.u32 s7, $0x1;
	s4 =	sadd.s32 s5, s19  }
0xa2: {  	s8 =	simm.s32 $0x0;
	s20 =	sshll.u32 s6, $0x1;
	s6 =	sadd.s32 s21, s4  }
0xa3: {  	[timem:s8], [sflag:s22] =	dma.local [hbm:s6], s20  }
0xa4: {  	_ =	swait.ge [sflag:s22], s20  }
0xa5: {  	s5 =	ssub.s32 $0x0, s20;
	[sflag:s22] =	ssyncset.done $0x0  }
0xa6: {  	[sflag:s22] =	ssyncadd.s32 s5;
	_ =	sdelay $0x1  }
0xa7: {  	s23 =	simm.s32 $0x1B8B  }
0xa8: {  	_ =	swait.ge [sflag:s23], $0x1  }
0xa9: {  	[sflag:s23] =	ssyncset.done $0x0  }
0xaa: {  	s25 =	simm.s32 $0x1B8E;
	s24 =	sld [smem:$0x3FFE];
	[sflag:s23] =	ssyncadd.s32 $0xFFFFFFFF  }
0xab: {  	s26 =	simm.s32 $execute0_lowered;
	[smem:$0x3FD2] =	sst s25  }
0xac: {  	s6 =	sshll.u32 s26, $0x1;
	_ =	strace $0x80000049;
	[dreg:$0x1] =	wrdreg $0xFFFFFFFF  }
0xad: {  	s28 =	simm.s32 $_size_execute0_lowered;
	s4 =	sadd.s32 s4, s6;
	[dreg:$0x0] =	wrdreg $0x0  }
0xae: {  	s6 =	sshll.u32 s28, $0x1;
	[dreg:$0x2] =	wrdreg s4  }
0xaf: {  	[dreg:$0x3] =	wrdreg s6  }
0xb0: {  	[dreg:$0x4] =	wrdreg $0xC0  }
0xb1: {  	_ =	task [dreg:s8], $0x5FFFF  }
0xb2: {  	[dreg:$0x1] =	wrdreg $0xFFFFFFFF  }
0xb3: {  	[dreg:$0x0] =	wrdreg $0x60  }
0xb4: {  	[dreg:$0x2] =	wrdreg s16  }
0xb5: {  	[dreg:$0x3] =	wrdreg s24  }
0xb6: {  	[dreg:$0x4] =	wrdreg s17  }
0xb7: {  	[dreg:$0x5] =	wrdreg $0x78000  }
0xb8: {  	[dreg:$0x6] =	wrdreg $0x9  }
0xb9: {  	_ =	task.clear_ibuf [dreg:s8], $0x7FFFF;
	_ =	strace $0x90000049  }
0xba: {  	s29 =	simm.s32 $0x9;
	_ =	strace $0x8000004B  }
0xbb: {  	_ =	swait.ge [sflag:s29], $0x1  }
0xbc: {  	[sflag:s29] =	ssyncadd.s32 $0xFFFFFFFF  }
0xbd: {  	_ =	strace $0x9000004B  }
0xbe: {  	_ =	sfence  }
0xbf: {  	s30 =	sld [smem:$0x0];
	_ =	sdelay $0x2  }
0xc0: {  	s31 =	sshll.u32 s1, $0xD;
	s1 =	sshrl.u32 s1, $0x2  }
0xc1: {  	s3 =	sand.u32 $0x4000, s31;
	s1 =	sadd.s32 s1, s30  }
0xc2: {  	s0 =	sor.u32 s3, s0;
	s1 =	sshll.u32 s1, $0x11  }
0xc3: {  	s0 =	sor.u32 s1, s0  }
0xc4: {  	s0 =	sadd.s32 $0x8F2B, s0  }
0xc5: {  	[sflag:s0] =	ssyncadd.remote.s32 $0x1  }
0xc6: {  	_ =	sfence.sel $0xFFFF  }
0xc7: {  	[dreg:$0x0] =	wrdreg $0xFFFFFFFF;
	(pc) =	sbr.abs _section_cstart, $3  }
0xc8: {  	[dreg:$0x1] =	wrdreg $0xFFFFFFFF  }
0xc9: {  	_ =	task.clear_ibuf [dreg:s8], $0x2FFFF;
	_ =	strace $0x9FFFFFFF  }
0xca: {  	(tm) =	ssettm $0x7FFFFFFF  }
0xcb: {  	_ =	shalt  }
tec
execute0_lowered:
.L_overlay_start_1:
0x0: {  	(tag) =	ssettag $0x1  }
0x1: {  	s1 =	rddreg [dreg:$0x0]  }
0x2: {  	s0 =	rddreg [dreg:$0x1]  }
0x3: {  	s5 =	rddreg [dreg:$0x2]  }
0x4: {  	s2 =	rddreg [dreg:$0x3];
	s3 =	simm.s32 $0x0;
	s4 =	srdreg.scid  }
0x5: {  	s14 =	stileid.u32;
	s16 =	simm.s32 $0xA;
	s17 =	simm.s32 $0x1C00  }
0x6: {  	s18 =	simm.s32 $0x80;
	s19 =	simm.s32 $0x3800;
	s20 =	simm.s32 $0x4800  }
0x7: {  	s21 =	simm.s32 $0x100;
	s22 =	simm.s32 $0x5800;
	s28 =	simm.s32 $0x2  }
0x8: {  	s29 =	simm.s32 $0x6;
	s30 =	simm.s32 $0x4;
	s31 =	simm.s32 $0x8  }
0x9: {  	[smem:$0x7FF] =	sst s3;
	s4 =	sand.u32 $0x1, s4;
	s10 =	smul.u32 $0x30E0, s14  }
0xa: {  	s6 =	sadd.s32 $0x1F400, s0;
	s7 =	sadd.s32 $0x6C00, s0;
	s12 =	smul.u32 $0x61C00, s14  }
0xb: {  	s8 =	sadd.s32 $0x68A00, s0;
	s0 =	sadd.s32 $0x81200, s0;
	s24 =	smul.u32 $0x188, s14  }
0xc: {  	p0 =	sne.s32 s14, $0x0;
	_ =	strace $0x8000004A;
	s9 =	smul.u32 $0x30D40, s4  }
0xd: {  	s11 =	ssub.s32 $0x2, s4;
	[dreg:$0x5] =	wrdreg s0;
	s13 =	smul.u32 $0x186A00, s4  }
0xe: {  	p1 =	seq.s32 s4, $0x0;
	s23 =	sshrl.u32 s11, $0x1;
	[dreg:$0x6] =	wrdreg s24  }
0xf: {  	s25 =	sshrl.u32 s12, $0x2;
	s0 =	ssub.s32 s11, s23;
	s9 =	sadd.s32 s10, s9  }
0x10: {  	s26 =	sshrl.u32 s13, $0x3;
	s13 =	smov.u32 s6;
	s23 =	simm.s32 $0x180  }
0x11: {  	s9 =	sadd.s32 s5, s9;
	s5 =	sadd.s32 s5, s26;
	s0 =	smax.u32 s0, $0x1  }
0x12: {  	s13 =	smov.u32 @p1 s1;
	p1 =	seq.s32 s14, $0xF;
	[dreg:$0x7] =	wrdreg s9  }
.Ltmp0:
0x13: {  	s5 =	sadd.s32 $0x2DD20, s5;
	[dreg:$0x9] =	wrdreg s0;
	(pc) =	sbr.rel .LBB2_1-.Ltmp0, $4  }
0x14: {  	s0 =	sshrl.u32 @!p0 s2, $0x3;
	[dreg:$0x8] =	wrdreg s5;
	s5 =	sadd.s32 $0x16E900, s2  }
0x15: {  	s9 =	sadd.s32 s25, s2;
	[dreg:$0xa] =	wrdreg s0;
	s0 =	sshrl.u32 @p1 s5, $0x3  }
0x16: {  	s26 =	simm.s32 $0x6800;
	[dreg:$0xb] =	wrdreg s0;
	s0 =	sshrl.u32 @!p1 s9, $0x3  }
0x17: {  	s5 =	simm.s32 $0x9;
	[dreg:$0xc] =	wrdreg s0;
	s0 =	simm.s32 $0x5  }
.LBB2_6:
0x18: {  	[bflag:$0x0] =	sbarrier.arrive $0xFFFF  }
0x19: {  	s10 =	rddreg [dreg:$0x8]  }
0x1a: {  	s9 =	simm.s32 @p1 $0x1FCA;
	s11 =	rddreg [dreg:$0xb]  }
0x1b: {  	[hbm:s10], [sflag:s9] =	dma.local @p1 [spmem:s11], $0x3020  }
0x1c: {  	s9 =	simm.s32 @p1 $0xA  }
0x1d: {  	s10 =	stileid.u32;
	_ =	swait.ge @p1 [sflag:s9], $0x3020  }
0x1e: {  	s10 =	sshll.u32 @!p1 s10, $0x6;
	[sflag:s9] =	ssyncset.done @p1 $0x0;
	s11 =	rddreg [dreg:$0xc]  }
0x1f: {  	[sflag:s9] =	ssyncadd.s32 @p1 $0xFFFFCFE0;
	s9 =	sor.u32 @!p1 $0x1C0A, s10;
	s10 =	rddreg [dreg:$0x7]  }
0x20: {  	[hbm:s10], [sflag:s9] =	dma.local @!p1 [spmem:s11], $0x30E0  }
0x21: {  	s9 =	simm.s32 @!p1 $0xA  }
0x22: {  	_ =	swait.ge @!p1 [sflag:s9], $0x30E0  }
0x23: {  	s3 =	sadd.s32 $0x1, s3;
	s25 =	rddreg [dreg:$0x9]  }
0x24: {  	p2 =	sne.s32 s3, s25  }
.Ltmp1:
0x25: {  	_ = 	snop;
	(pc) =	sbr.rel @!p2 .LBB2_7-.Ltmp1, $3  }
0x26: {  	_ =	sdelay $0x1  }
0x27: {  	[sflag:s9] =	ssyncset.done @!p1 $0x0  }
0x28: {  	[sflag:s9] =	ssyncadd.s32 @!p1 $0xFFFFCF20  }
.LBB2_1:
0x29: {  	s10 =	rddreg [dreg:$0x5]  }
0x2a: {  	s9 =	simm.s32 @!p0 $0x1C01;
	s11 =	rddreg [dreg:$0xa]  }
0x2b: {  	[spmem:s11], [sflag:s9] =	dma.local @!p0 [hbm:s10], $0x30D60  }
0x2c: {  	s9 =	simm.s32 @!p0 $0x1  }
.Ltmp2:
0x2d: {  	_ =	swait.ge @!p0 [sflag:s9], $0x30D60;
	(pc) =	sbr.rel .LBB2_2-.Ltmp2, $4  }
0x2e: {  	[sflag:s9] =	ssyncset.done @!p0 $0x0  }
0x2f: {  	[sflag:s9] =	ssyncadd.s32 @!p0 $0xFFFCF2A0  }
0x30: {  	s10 =	rddreg [dreg:$0x6];
	[bflag:$0x0] =	sbarrier.arrive $0xFFFF  }
0x31: {  	s10 =	simm.s32 @!p0 $0x0;
	s9 =	simm.s32 $0x0  }
.LBB2_5:
0x32: {  	_ =	swait.ge [sflag:s0], $0x1000;
	s9 =	sadd.s32 $0x1, s9  }
0x33: {  	[sflag:s0] =	ssyncset.done $0x0;
	p2 =	sne.s32 s9, $0x7  }
.Ltmp3:
0x34: {  	[sflag:s0] =	ssyncadd.s32 $0xFFFFF000;
	(pc) =	sbr.rel @!p2 .LBB2_6-.Ltmp3, $4  }
0x35: {  	[spmem:s2] =	stream.indirect.scatter.add.f32 [tilespmem:s26], [sflag:$0x9], $0x20, s14, s18, $0xb8;
	[tilespmem:$0x1FEB0] =	vst v63  }
0x36: {  	_ =	swait.ge [sflag:s5], $0x1000  }
0x37: {  	[sflag:s5] =	ssyncset.done $0x0  }
0x38: {  	[sflag:s5] =	ssyncadd.s32 $0xFFFFF000  }
.LBB2_2:
0x39: {  	s11 =	smul.u32 $0x38, s9;
	_ =	sdelay $0x1  }
0x3a: {  	s11 =	sadd.s32 s10, s11  }
0x3b: {  	s12 =	sshll.u32 s11, $0x4  }
0x3c: {  	s11 =	simm.s32 $0x0;
	s14 =	sadd.s32 s7, s12  }
0x3d: {  	[tilespmem:s11], [sflag:$0xA] =	stream.linear.gather [hbm4b:s14+s11], $0x1C00, $0x38;
	[tilespmem:$0x1FEB0] =	vst v63  }
0x3e: {  	_ =	swait.ge [sflag:s16], $0x1C00  }
0x3f: {  	[sflag:s16] =	ssyncset.done $0x0  }
0x40: {  	s12 =	sadd.s32 s8, s12;
	[sflag:s16] =	ssyncadd.s32 $0xFFFFE400  }
0x41: {  	[tilespmem:s17], [sflag:$0xA] =	stream.linear.gather [hbm4b:s12+s11], $0x1C00, $0x38;
	[tilespmem:$0x1FEB0] =	vst v63  }
0x42: {  	_ =	swait.ge [sflag:s16], $0x1C00  }
0x43: {  	[sflag:s16] =	ssyncset.done $0x0  }
0x44: {  	[sflag:s16] =	ssyncadd.s32 $0xFFFFE400  }
0x45: {  	[tilespmem:s19], [sflag:$0x2] =	stream.indirect.gather [hbm4b:s13+s18], $0x20, s11, s18, $0xb8;
	[tilespmem:$0x1FEB0] =	vst v63  }
0x46: {  	_ = 	snop  }
0x47: {  	[tilespmem:s20], [sflag:$0x3] =	stream.indirect.gather [hbm4b:s13+s18], $0x20, s18, s18, $0xb8;
	[tilespmem:$0x1FEB0] =	vst v63  }
0x48: {  	_ = 	snop  }
0x49: {  	[tilespmem:s22], [sflag:$0x4] =	stream.indirect.gather [hbm4b:s13+s18], $0x20, s21, s18, $0xb8;
	[tilespmem:$0x1FEB0] =	vst v63  }
0x4a: {  	_ = 	snop  }
0x4b: {  	[tilespmem:s26], [sflag:$0x5] =	stream.indirect.gather [hbm4b:s13+s18], $0x20, s23, s18, $0xb8;
	[tilespmem:$0x1FEB0] =	vst v63  }
.LBB2_3:
0x4c: {  	_ =	swait.ge [sflag:s28], $0x1000  }
0x4d: {  	s12 =	sshra.s32 s11, $0x2;
	[sflag:s28] =	ssyncset.done $0x0  }
0x4e: {  	s14 =	sadd.s32 $0x1C00, s12;
	[sflag:s28] =	ssyncadd.s32 $0xFFFFF000  }
0x4f: {  	[spmem:s2] =	stream.indirect.scatter.add.f32 [tilespmem:s19], [sflag:$0x6], $0x20, s14, s18, $0xb8;
	[tilespmem:$0x1FEB0] =	vst v63  }
0x50: {  	_ =	swait.ge [sflag:s29], $0x1000  }
0x51: {  	p2 =	seq.s32 s11, $0x6800;
	[sflag:s29] =	ssyncset.done $0x0  }
0x52: {  	s14 =	simm.s32 @p2 $0x3;
	[sflag:s29] =	ssyncadd.s32 $0xFFFFF000  }
0x53: {  	_ =	swait.ge @p2 [sflag:s14], $0x1000  }
0x54: {  	[sflag:s14] =	ssyncset.done @p2 $0x0  }
0x55: {  	[sflag:s14] =	ssyncadd.s32 @p2 $0xFFFFF000;
	s14 =	sshra.s32 @p2 s11, $0x2  }
0x56: {  	s15 =	simm.s32 @p2 $0x80;
	s24 =	simm.s32 @p2 $0x4800;
	s14 =	sadd.s32 @p2 $0x1C80, s14  }
0x57: {  	[spmem:s2] =	stream.indirect.scatter.add.f32 @p2 [tilespmem:s24], [sflag:$0x7], $0x20, s14, s15, $0xb8;
	[tilespmem:$0x1FEB0] =	vst v63  }
0x58: {  	s14 =	simm.s32 @p2 $0x7  }
0x59: {  	_ =	swait.ge @p2 [sflag:s14], $0x1000  }
0x5a: {  	[sflag:s14] =	ssyncset.done @p2 $0x0  }
0x5b: {  	[sflag:s14] =	ssyncadd.s32 @p2 $0xFFFFF000;
	s14 =	sshra.s32 @!p2 s11, $0x2  }
0x5c: {  	s25 =	simm.s32 @!p2 $0x3800;
	s24 =	simm.s32 @!p2 $0x80;
	s15 =	sadd.s32 @!p2 $0x200, s14  }
0x5d: {  	[tilespmem:s25], [sflag:$0x2] =	stream.indirect.gather @!p2 [hbm4b:s13+s24], $0x20, s15, s24, $0xb8;
	[tilespmem:$0x1FEB0] =	vst v63  }
0x5e: {  	s15 =	simm.s32 @!p2 $0x3  }
0x5f: {  	_ =	swait.ge @!p2 [sflag:s15], $0x1000  }
0x60: {  	[sflag:s15] =	ssyncset.done @!p2 $0x0  }
0x61: {  	s25 =	simm.s32 @!p2 $0x4800;
	[sflag:s15] =	ssyncadd.s32 @!p2 $0xFFFFF000;
	s15 =	sadd.s32 @!p2 $0x1C80, s14  }
0x62: {  	[spmem:s2] =	stream.indirect.scatter.add.f32 @!p2 [tilespmem:s25], [sflag:$0x7], $0x20, s15, s24, $0xb8;
	[tilespmem:$0x1FEB0] =	vst v63  }
0x63: {  	p3 =	sne.s32 @!p2 s4, $0x0;
	s15 =	simm.s32 @!p2 $0x7  }
0x64: {  	p4 =	por !p3, p2;
	_ =	swait.ge @!p2 [sflag:s15], $0x1000  }
0x65: {  	p3 =	por p3, p2;
	s14 =	sadd.s32 @!p2 $0x280, s14;
	[sflag:s15] =	ssyncset.done @!p2 $0x0  }
0x66: {  	s24 =	simm.s32 @!p4 $0x4800;
	[sflag:s15] =	ssyncadd.s32 @!p2 $0xFFFFF000;
	s15 =	simm.s32 @!p4 $0x80  }
0x67: {  	[tilespmem:s24], [sflag:$0x3] =	stream.indirect.gather @!p4 [hbm4b:s6+s15], $0x20, s14, s15, $0xb8;
	[tilespmem:$0x1FEB0] =	vst v63  }
0x68: {  	s15 =	simm.s32 @!p3 $0x80;
	s24 =	simm.s32 @!p3 $0x4800  }
0x69: {  	[tilespmem:s24], [sflag:$0x3] =	stream.indirect.gather @!p3 [hbm4b:s1+s15], $0x20, s14, s15, $0xb8;
	[tilespmem:$0x1FEB0] =	vst v63  }
0x6a: {  	_ =	swait.ge [sflag:s30], $0x1000  }
0x6b: {  	[sflag:s30] =	ssyncset.done $0x0  }
.Ltmp4:
0x6c: {  	s25 =	sadd.s32 $0x1D00, s12;
	[sflag:s30] =	ssyncadd.s32 $0xFFFFF000;
	(pc) =	sbr.rel @p2 .LBB2_5-.Ltmp4, $4  }
0x6d: {  	[spmem:s2] =	stream.indirect.scatter.add.f32 [tilespmem:s22], [sflag:$0x8], $0x20, s25, s18, $0xb8;
	[tilespmem:$0x1FEB0] =	vst v63  }
0x6e: {  	_ =	swait.ge [sflag:s31], $0x1000  }
0x6f: {  	[sflag:s31] =	ssyncset.done $0x0  }
0x70: {  	s14 =	sadd.s32 $0x1D80, s12;
	[sflag:s31] =	ssyncadd.s32 $0xFFFFF000  }
0x71: {  	s15 =	sadd.s32 $0x300, s12  }
0x72: {  	[tilespmem:s22], [sflag:$0x4] =	stream.indirect.gather [hbm4b:s13+s18], $0x20, s15, s18, $0xb8;
	[tilespmem:$0x1FEB0] =	vst v63  }
0x73: {  	_ =	swait.ge [sflag:s0], $0x1000  }
0x74: {  	[sflag:s0] =	ssyncset.done $0x0  }
0x75: {  	[sflag:s0] =	ssyncadd.s32 $0xFFFFF000  }
0x76: {  	[spmem:s2] =	stream.indirect.scatter.add.f32 [tilespmem:s26], [sflag:$0x9], $0x20, s14, s18, $0xb8;
	[tilespmem:$0x1FEB0] =	vst v63  }
.Ltmp5:
0x77: {  	_ = 	snop;
	(pc) =	sbr.rel .LBB2_3-.Ltmp5, $4  }
0x78: {  	_ =	swait.ge [sflag:s5], $0x1000  }
0x79: {  	[sflag:s5] =	ssyncset.done $0x0  }
0x7a: {  	s25 =	sadd.s32 $0x380, s12;
	s11 =	sadd.s32 $0x800, s11;
	[sflag:s5] =	ssyncadd.s32 $0xFFFFF000  }
0x7b: {  	[tilespmem:s26], [sflag:$0x5] =	stream.indirect.gather [hbm4b:s13+s18], $0x20, s25, s18, $0xb8;
	[tilespmem:$0x1FEB0] =	vst v63  }
.LBB2_7:
0x7c: {  	_ =	sfence.sel $0x180000  }
0x7d: {  	[bflag:$0x0] =	sbarrier.arrive $0xFFFF  }
0x7e: {  	_ =	strace $0x9000004A  }
0x7f: {  	[bflag:$0x2] =	sbarrier.arrive $0xFFFF  }
0x80: {  	s0 =	rddreg [dreg:$0x4]  }
0x81: {  	s0 =	sadd.s32 @!p0 $0x100000, s0  }
0x82: {  	[sflag:s0] =	ssyncadd.tile.s32 @!p0 $0x1;
	_ =	shalt  }
.Lfunc_end2:
_tile_overlayer_lowered:
.L_overlay_start_2:
0x83: {  	(tag) =	ssettag $0x2  }
0x84: {  	s0 =	rddreg [dreg:$0x0];
	s2 =	stileid.u32  }
0x85: {  	s1 =	rddreg [dreg:$0x1];
	p0 =	sne.s32 s2, $0x0  }
0x86: {  	s3 =	rddreg [dreg:$0x2];
	[bflag:$0x3] =	sbarrier.arrive $0xFFFF;
	s2 =	simm.s32 @!p0 $0x1C0A  }
0x87: {  	[timem:s3], [sflag:s2] =	dma.local @!p0 [hbm:s0], s1  }
0x88: {  	s0 =	simm.s32 @!p0 $0xA  }
0x89: {  	_ =	swait.ge @!p0 [sflag:s0], s1  }
0x8a: {  	s1 =	ssub.s32 @!p0 $0x0, s1;
	[sflag:s0] =	ssyncset.done @!p0 $0x0  }
0x8b: {  	[sflag:s0] =	ssyncadd.s32 @!p0 s1  }
0x8c: {  	[bflag:$0x3] =	sbarrier.arrive $0xFFFF  }
0x8d: {  	_ =	shalt  }

// kernel: kernel.19.cloned.1.call-start
scs
__scs_entry_jumppad:
0x0: {  	(pc) =	sbr.rel $0x88, $3  }
0x1: {  	(tag) =	ssettag $0x0;
	lr =	simm.s32 $0x1  }
0x2: {  	[smem:$0x3F89] =	sst lr;
	_ =	strace $0xD0000000  }
0x3: {  	_ = 	snop  }
0x4: {  	_ = 	snop  }
0x5: {  	_ = 	snop  }
0x6: {  	_ = 	snop  }
0x7: {  	_ = 	snop  }
__scs_overlays_trampoline_lowered:
0x8: {  	[smem:$0x3F98] =	sst s0  }
0x9: {  	[smem:$0x3F99] =	sst s1  }
0xa: {  	[smem:$0x3F9A] =	sst s2  }
0xb: {  	[smem:$0x3F9B] =	sst s3  }
0xc: {  	[smem:$0x3F9C] =	sst s4  }
0xd: {  	[smem:$0x3F9D] =	sst s5  }
0xe: {  	[smem:$0x3F9E] =	sst s6  }
0xf: {  	[smem:$0x3F9F] =	sst s7  }
0x10: {  	[smem:$0x3FA0] =	sst s8  }
0x11: {  	[smem:$0x3FA1] =	sst s9;
	s0 =	simm.s32 @!p0 $0x0  }
0x12: {  	s1 =	sld [smem:$0x3F87];
	s0 =	simm.s32 @p0 $0x1  }
0x13: {  	[smem:$0x3FA2] =	sst s0;
	s0 =	simm.s32 @!p1 $0x0  }
0x14: {  	s2 =	sld [smem:$0x3F86];
	s0 =	simm.s32 @p1 $0x1  }
0x15: {  	[smem:$0x3FA3] =	sst s0;
	s0 =	simm.s32 @!p2 $0x0  }
0x16: {  	s3 =	sld [smem:$0x3FDB];
	s0 =	simm.s32 @p2 $0x1  }
0x17: {  	s4 =	simm.s32 $0x1BF5;
	[smem:$0x3FA5] =	sst s0  }
0x18: {  	s0 =	sld [smem:$0x3F88];
	_ =	swait.ge [sflag:s4], $0x0  }
0x19: {  	s7 =	sld [smem:$0x3F89]  }
0x1a: {  	s8 =	sadd.s32 $0xFFFFE003, lr  }
0x1b: {  	s9 =	sadd.s32 $0xFFFFFEF7, lr;
	s5 =	simm.s32 $0xFFFFFFFF;
	p2 =	slt.u32 s8, $0xFFFFF086  }
0x1c: {  	p1 =	slt.u32 s9, $0xF7A;
	s5 =	simm.s32 @!p2 $0x0  }
0x1d: {  	s5 =	simm.s32 @p1 $0x1;
	p0 =	seq.s32 s7, s2  }
0x1e: {  	s7 =	smul.u32 @!p0 $0xF7A, s2;
	p2 =	seq.s32 @!p0 s5, $0x0  }
0x1f: {  	s9 =	smul.u32 $0xF7A, s1;
	s8 =	simm.s32 @!p0 $0x1BF5;
	p2 =	por !p2, p0  }
0x20: {  	[sflag:s8] =	ssyncset.s32 @!p0 $0xFFFFF086;
	s6 =	sadd.s32 @!p0 s3, s7;
	s7 =	simm.s32 @!p0 $0x108  }
0x21: {  	s3 =	sadd.s32 s3, s9;
	s6 =	sadd.s32 @!p0 $0x88, s6;
	s7 =	simm.s32 @p2 $0x1082  }
0x22: {  	[simem:s7], [sflag:s8] =	dma.local @!p0 [hbm:s6], $0xF7A  }
0x23: {  	s9 =	sor.u32 $0xD0000000, s2;
	s6 =	simm.s32 $0x108;
	_ =	swait.ge @!p0 [sflag:s8], $0x0  }
0x24: {  	s3 =	sadd.s32 $0x88, s3;
	s6 =	simm.s32 @!p1 $0x1082;
	[sflag:s4] =	ssyncset.s32 $0xFFFFF086  }
0x25: {  	[simem:s6], [sflag:s4] =	dma.local [hbm:s3], $0xF7A  }
0x26: {  	[smem:$0x3F89] =	sst s1;
	(tag) =	ssettag s2;
	_ =	strace s9  }
0x27: {  	s1 =	sld [smem:$0x3F99]  }
0x28: {  	s2 =	sld [smem:$0x3F9A]  }
0x29: {  	s4 =	sld [smem:$0x3F9C]  }
0x2a: {  	p0 =	seq.s32 s5, $0x0;
	s5 =	sld [smem:$0x3F9D]  }
0x2b: {  	s6 =	sld [smem:$0x3F9E]  }
0x2c: {  	s7 =	sld [smem:$0x3F9F]  }
0x2d: {  	s3 =	simm.s32 $0x108;
	s8 =	sld [smem:$0x3FA0]  }
0x2e: {  	s3 =	simm.s32 @!p0 $0x1082;
	s9 =	sld [smem:$0x3FA1]  }
0x2f: {  	lr =	sadd.s32 s0, s3;
	s0 =	sld [smem:$0x3F98]  }
0x30: {  	s3 =	sld [smem:$0x3F9B]  }
0x31: {  	[smem:$0x3FA4] =	sst s10  }
0x32: {  	s10 =	sld [smem:$0x3FA2];
	_ =	sdelay $0x3  }
0x33: {  	p0 =	seq.s32 s10, $0x1;
	s10 =	sld [smem:$0x3FA4];
	_ =	sdelay $0x3  }
0x34: {  	[smem:$0x3FA4] =	sst s10  }
0x35: {  	s10 =	sld [smem:$0x3FA3];
	_ =	sdelay $0x3  }
0x36: {  	p1 =	seq.s32 s10, $0x1;
	s10 =	sld [smem:$0x3FA4];
	_ =	sdelay $0x3  }
0x37: {  	[smem:$0x3FA4] =	sst s10  }
0x38: {  	s10 =	sld [smem:$0x3FA5]  }
0x39: {  	_ = 	snop;
	(pc) =	sbr.ind lr, $3  }
0x3a: {  	_ = 	snop  }
0x3b: {  	_ = 	snop  }
0x3c: {  	p2 =	seq.s32 s10, $0x1;
	s10 =	sld [smem:$0x3FA4]  }
0x3d: {  	_ =	shalt  }
0x3e: {  	_ =	shalt  }
0x3f: {  	_ =	shalt  }
0x40: {  	_ =	shalt  }
0x41: {  	_ =	shalt  }
0x42: {  	_ =	shalt  }
0x43: {  	_ =	shalt  }
0x44: {  	_ =	shalt  }
0x45: {  	_ =	shalt  }
0x46: {  	_ =	shalt  }
0x47: {  	_ =	shalt  }
0x48: {  	_ =	shalt  }
0x49: {  	_ =	shalt  }
0x4a: {  	_ =	shalt  }
0x4b: {  	_ =	shalt  }
0x4c: {  	_ =	shalt  }
0x4d: {  	_ =	shalt  }
0x4e: {  	_ =	shalt  }
0x4f: {  	_ =	shalt  }
0x50: {  	_ =	shalt  }
0x51: {  	_ =	shalt  }
0x52: {  	_ =	shalt  }
0x53: {  	_ =	shalt  }
0x54: {  	_ =	shalt  }
0x55: {  	_ =	shalt  }
0x56: {  	_ =	shalt  }
0x57: {  	_ =	shalt  }
0x58: {  	_ =	shalt  }
0x59: {  	_ =	shalt  }
0x5a: {  	_ =	shalt  }
0x5b: {  	_ =	shalt  }
0x5c: {  	_ =	shalt  }
0x5d: {  	_ =	shalt  }
0x5e: {  	_ =	shalt  }
0x5f: {  	_ =	shalt  }
0x60: {  	_ =	shalt  }
0x61: {  	_ =	shalt  }
0x62: {  	_ =	shalt  }
0x63: {  	_ =	shalt  }
0x64: {  	_ =	shalt  }
0x65: {  	_ =	shalt  }
0x66: {  	_ =	shalt  }
0x67: {  	_ =	shalt  }
0x68: {  	_ =	shalt  }
0x69: {  	_ =	shalt  }
0x6a: {  	_ =	shalt  }
0x6b: {  	_ =	shalt  }
0x6c: {  	_ =	shalt  }
0x6d: {  	_ =	shalt  }
0x6e: {  	_ =	shalt  }
0x6f: {  	_ =	shalt  }
0x70: {  	_ =	shalt  }
0x71: {  	_ =	shalt  }
0x72: {  	_ =	shalt  }
0x73: {  	_ =	shalt  }
0x74: {  	_ =	shalt  }
0x75: {  	_ =	shalt  }
0x76: {  	_ =	shalt  }
0x77: {  	_ =	shalt  }
0x78: {  	_ =	shalt  }
0x79: {  	_ =	shalt  }
0x7a: {  	_ =	shalt  }
0x7b: {  	_ =	shalt  }
0x7c: {  	_ =	shalt  }
0x7d: {  	_ =	shalt  }
0x7e: {  	_ =	shalt  }
0x7f: {  	_ =	shalt  }
0x80: {  	_ =	shalt  }
0x81: {  	_ =	shalt  }
0x82: {  	_ =	shalt  }
0x83: {  	_ =	shalt  }
0x84: {  	_ =	shalt  }
0x85: {  	_ =	shalt  }
0x86: {  	_ =	shalt  }
0x87: {  	_ =	shalt  }
.Lfunc_end0:
.L_simem_size_0:
called_computation.2_lowered:
.L_overlay_start_0:
0x88: {  	s2 =	sld [smem:$0x3FD9]  }
0x89: {  	s3 =	sld [smem:$0x3FFE];
	_ =	sdelay $0x1  }
0x8a: {  	s1 =	srdreg.scid  }
0x8b: {  	s0 =	sand.u32 $0x1, s1  }
0x8c: {  	s14 =	sshll.u32 s0, $0xA;
	s2 =	sadd.s32 s3, s2  }
0x8d: {  	s2 =	sadd.s32 s2, s14  }
0x8e: {  	[smem:$0x3FB0] =	sst s2  }
0x8f: {  	_ = 	snop  }
0x90: {  	s2 =	sld [smem:$0x3FD0];
	_ =	sdelay $0x2  }
0x91: {  	s15 =	simm.s32 $0xB;
	s4 =	simm.s32 $0x10  }
0x92: {  	[smem:s4], [sflag:s15] =	dma.local [hbm:s2], $0x1  }
0x93: {  	_ =	swait.eq [sflag:s15], $0x1  }
0x94: {  	[sflag:s15] =	ssyncset.done $0x0  }
0x95: {  	s16 =	sld [smem:$0x10];
	[sflag:s15] =	ssyncadd.s32 $0xFFFFFFFF  }
0x96: {  	s17 =	sld [smem:$0x11];
	(tm) =	ssettm $0x1  }
0x97: {  	s18 =	sld [smem:$0x3FFB];
	_ =	sdelay $0x3  }
0x98: {  	_ =	strace s18  }
0x99: {  	s4 =	sld [smem:$0x3FFC];
	_ =	sdelay $0x3  }
0x9a: {  	_ =	strace s4  }
0x9b: {  	s4 =	sld [smem:$0x3FFD];
	_ =	sdelay $0x3  }
0x9c: {  	_ =	strace s4  }
0x9d: {  	_ =	strace $0x8FFFFFFF  }
0x9e: {  	s19 =	sld [smem:$0x3FDB];
	_ =	sdelay $0x1  }
0x9f: {  	s5 =	simm.s32 $_scs_section_size  }
0xa0: {  	s6 =	simm.s32 $_size__tile_overlayer_lowered;
	s7 =	simm.s32 $_tile_overlayer_lowered  }
0xa1: {  	s22 =	simm.s32 $0x1BFF;
	s21 =	sshll.u32 s7, $0x1;
	s4 =	sadd.s32 s5, s19  }
0xa2: {  	s8 =	simm.s32 $0x0;
	s20 =	sshll.u32 s6, $0x1;
	s6 =	sadd.s32 s21, s4  }
0xa3: {  	[timem:s8], [sflag:s22] =	dma.local [hbm:s6], s20  }
0xa4: {  	_ =	swait.ge [sflag:s22], s20  }
0xa5: {  	s5 =	ssub.s32 $0x0, s20;
	[sflag:s22] =	ssyncset.done $0x0  }
0xa6: {  	[sflag:s22] =	ssyncadd.s32 s5;
	_ =	sdelay $0x1  }
0xa7: {  	s23 =	simm.s32 $0x1B8B  }
0xa8: {  	_ =	swait.ge [sflag:s23], $0x1  }
0xa9: {  	[sflag:s23] =	ssyncset.done $0x0  }
0xaa: {  	s25 =	simm.s32 $0x1B8E;
	s24 =	sld [smem:$0x3FFE];
	[sflag:s23] =	ssyncadd.s32 $0xFFFFFFFF  }
0xab: {  	s26 =	simm.s32 $execute0_lowered;
	[smem:$0x3FD2] =	sst s25  }
0xac: {  	s6 =	sshll.u32 s26, $0x1;
	_ =	strace $0x8000004C;
	[dreg:$0x1] =	wrdreg $0xFFFFFFFF  }
0xad: {  	s28 =	simm.s32 $_size_execute0_lowered;
	s4 =	sadd.s32 s4, s6;
	[dreg:$0x0] =	wrdreg $0x0  }
0xae: {  	s6 =	sshll.u32 s28, $0x1;
	[dreg:$0x2] =	wrdreg s4  }
0xaf: {  	[dreg:$0x3] =	wrdreg s6  }
0xb0: {  	[dreg:$0x4] =	wrdreg $0xC0  }
0xb1: {  	_ =	task [dreg:s8], $0x5FFFF  }
0xb2: {  	[dreg:$0x1] =	wrdreg $0xFFFFFFFF  }
0xb3: {  	[dreg:$0x0] =	wrdreg $0x60  }
0xb4: {  	[dreg:$0x2] =	wrdreg s16  }
0xb5: {  	[dreg:$0x3] =	wrdreg s24  }
0xb6: {  	[dreg:$0x4] =	wrdreg s17  }
0xb7: {  	[dreg:$0x5] =	wrdreg $0x78000  }
0xb8: {  	[dreg:$0x6] =	wrdreg $0x9  }
0xb9: {  	_ =	task.clear_ibuf [dreg:s8], $0x7FFFF;
	_ =	strace $0x9000004C  }
0xba: {  	s29 =	simm.s32 $0x9;
	_ =	strace $0x8000004E  }
0xbb: {  	_ =	swait.ge [sflag:s29], $0x1  }
0xbc: {  	[sflag:s29] =	ssyncadd.s32 $0xFFFFFFFF  }
0xbd: {  	_ =	strace $0x9000004E  }
0xbe: {  	_ =	sfence  }
0xbf: {  	s30 =	sld [smem:$0x0];
	_ =	sdelay $0x2  }
0xc0: {  	s31 =	sshll.u32 s1, $0xD;
	s1 =	sshrl.u32 s1, $0x2  }
0xc1: {  	s3 =	sand.u32 $0x4000, s31;
	s1 =	sadd.s32 s1, s30  }
0xc2: {  	s0 =	sor.u32 s3, s0;
	s1 =	sshll.u32 s1, $0x11  }
0xc3: {  	s0 =	sor.u32 s1, s0  }
0xc4: {  	s0 =	sadd.s32 $0x8F2B, s0  }
0xc5: {  	[sflag:s0] =	ssyncadd.remote.s32 $0x1  }
0xc6: {  	_ =	sfence.sel $0xFFFF  }
0xc7: {  	[dreg:$0x0] =	wrdreg $0xFFFFFFFF;
	(pc) =	sbr.abs _section_cstart, $3  }
0xc8: {  	[dreg:$0x1] =	wrdreg $0xFFFFFFFF  }
0xc9: {  	_ =	task.clear_ibuf [dreg:s8], $0x2FFFF;
	_ =	strace $0x9FFFFFFF  }
0xca: {  	(tm) =	ssettm $0x7FFFFFFF  }
0xcb: {  	_ =	shalt  }
tec
execute0_lowered:
.L_overlay_start_1:
0x0: {  	(tag) =	ssettag $0x1  }
0x1: {  	s1 =	rddreg [dreg:$0x0]  }
0x2: {  	s0 =	rddreg [dreg:$0x1]  }
0x3: {  	s5 =	rddreg [dreg:$0x2]  }
0x4: {  	s2 =	rddreg [dreg:$0x3];
	s3 =	simm.s32 $0x0;
	s4 =	srdreg.scid  }
0x5: {  	s14 =	stileid.u32;
	s16 =	simm.s32 $0xA;
	s17 =	simm.s32 $0x1C00  }
0x6: {  	s18 =	simm.s32 $0x80;
	s19 =	simm.s32 $0x3800;
	s20 =	simm.s32 $0x4800  }
0x7: {  	s21 =	simm.s32 $0x100;
	s22 =	simm.s32 $0x5800;
	s28 =	simm.s32 $0x2  }
0x8: {  	s29 =	simm.s32 $0x6;
	s30 =	simm.s32 $0x4;
	s31 =	simm.s32 $0x8  }
0x9: {  	[smem:$0x7FF] =	sst s3;
	s4 =	sand.u32 $0x1, s4;
	s10 =	smul.u32 $0x30E0, s14  }
0xa: {  	s6 =	sadd.s32 $0x1F400, s0;
	s7 =	sadd.s32 $0x6C00, s0;
	s12 =	smul.u32 $0x61C00, s14  }
0xb: {  	s8 =	sadd.s32 $0x68A00, s0;
	s0 =	sadd.s32 $0x81200, s0;
	s24 =	smul.u32 $0x188, s14  }
0xc: {  	p0 =	sne.s32 s14, $0x0;
	_ =	strace $0x8000004D;
	s9 =	smul.u32 $0x30D40, s4  }
0xd: {  	s11 =	ssub.s32 $0x2, s4;
	[dreg:$0x5] =	wrdreg s0;
	s13 =	smul.u32 $0x186A00, s4  }
0xe: {  	p1 =	seq.s32 s4, $0x0;
	s23 =	sshrl.u32 s11, $0x1;
	[dreg:$0x6] =	wrdreg s24  }
0xf: {  	s25 =	sshrl.u32 s12, $0x2;
	s0 =	ssub.s32 s11, s23;
	s9 =	sadd.s32 s10, s9  }
0x10: {  	s26 =	sshrl.u32 s13, $0x3;
	s13 =	smov.u32 s6;
	s23 =	simm.s32 $0x180  }
0x11: {  	s9 =	sadd.s32 s5, s9;
	s5 =	sadd.s32 s5, s26;
	s0 =	smax.u32 s0, $0x1  }
0x12: {  	s13 =	smov.u32 @p1 s1;
	p1 =	seq.s32 s14, $0xF;
	[dreg:$0x7] =	wrdreg s9  }
.Ltmp0:
0x13: {  	s5 =	sadd.s32 $0x2DD20, s5;
	[dreg:$0x9] =	wrdreg s0;
	(pc) =	sbr.rel .LBB2_1-.Ltmp0, $4  }
0x14: {  	s0 =	sshrl.u32 @!p0 s2, $0x3;
	[dreg:$0x8] =	wrdreg s5;
	s5 =	sadd.s32 $0x16E900, s2  }
0x15: {  	s9 =	sadd.s32 s25, s2;
	[dreg:$0xa] =	wrdreg s0;
	s0 =	sshrl.u32 @p1 s5, $0x3  }
0x16: {  	s26 =	simm.s32 $0x6800;
	[dreg:$0xb] =	wrdreg s0;
	s0 =	sshrl.u32 @!p1 s9, $0x3  }
0x17: {  	s5 =	simm.s32 $0x9;
	[dreg:$0xc] =	wrdreg s0;
	s0 =	simm.s32 $0x5  }
.LBB2_6:
0x18: {  	[bflag:$0x0] =	sbarrier.arrive $0xFFFF  }
0x19: {  	s10 =	rddreg [dreg:$0x8]  }
0x1a: {  	s9 =	simm.s32 @p1 $0x1FCA;
	s11 =	rddreg [dreg:$0xb]  }
0x1b: {  	[hbm:s10], [sflag:s9] =	dma.local @p1 [spmem:s11], $0x3020  }
0x1c: {  	s9 =	simm.s32 @p1 $0xA  }
0x1d: {  	s10 =	stileid.u32;
	_ =	swait.ge @p1 [sflag:s9], $0x3020  }
0x1e: {  	s10 =	sshll.u32 @!p1 s10, $0x6;
	[sflag:s9] =	ssyncset.done @p1 $0x0;
	s11 =	rddreg [dreg:$0xc]  }
0x1f: {  	[sflag:s9] =	ssyncadd.s32 @p1 $0xFFFFCFE0;
	s9 =	sor.u32 @!p1 $0x1C0A, s10;
	s10 =	rddreg [dreg:$0x7]  }
0x20: {  	[hbm:s10], [sflag:s9] =	dma.local @!p1 [spmem:s11], $0x30E0  }
0x21: {  	s9 =	simm.s32 @!p1 $0xA  }
0x22: {  	_ =	swait.ge @!p1 [sflag:s9], $0x30E0  }
0x23: {  	s3 =	sadd.s32 $0x1, s3;
	s25 =	rddreg [dreg:$0x9]  }
0x24: {  	p2 =	sne.s32 s3, s25  }
.Ltmp1:
0x25: {  	_ = 	snop;
	(pc) =	sbr.rel @!p2 .LBB2_7-.Ltmp1, $3  }
0x26: {  	_ =	sdelay $0x1  }
0x27: {  	[sflag:s9] =	ssyncset.done @!p1 $0x0  }
0x28: {  	[sflag:s9] =	ssyncadd.s32 @!p1 $0xFFFFCF20  }
.LBB2_1:
0x29: {  	s10 =	rddreg [dreg:$0x5]  }
0x2a: {  	s9 =	simm.s32 @!p0 $0x1C01;
	s11 =	rddreg [dreg:$0xa]  }
0x2b: {  	[spmem:s11], [sflag:s9] =	dma.local @!p0 [hbm:s10], $0x30D60  }
0x2c: {  	s9 =	simm.s32 @!p0 $0x1  }
.Ltmp2:
0x2d: {  	_ =	swait.ge @!p0 [sflag:s9], $0x30D60;
	(pc) =	sbr.rel .LBB2_2-.Ltmp2, $4  }
0x2e: {  	[sflag:s9] =	ssyncset.done @!p0 $0x0  }
0x2f: {  	[sflag:s9] =	ssyncadd.s32 @!p0 $0xFFFCF2A0  }
0x30: {  	s10 =	rddreg [dreg:$0x6];
	[bflag:$0x0] =	sbarrier.arrive $0xFFFF  }
0x31: {  	s10 =	simm.s32 @!p0 $0x0;
	s9 =	simm.s32 $0x0  }
.LBB2_5:
0x32: {  	_ =	swait.ge [sflag:s0], $0x1000;
	s9 =	sadd.s32 $0x1, s9  }
0x33: {  	[sflag:s0] =	ssyncset.done $0x0;
	p2 =	sne.s32 s9, $0x7  }
.Ltmp3:
0x34: {  	[sflag:s0] =	ssyncadd.s32 $0xFFFFF000;
	(pc) =	sbr.rel @!p2 .LBB2_6-.Ltmp3, $4  }
0x35: {  	[spmem:s2] =	stream.indirect.scatter.add.f32 [tilespmem:s26], [sflag:$0x9], $0x20, s14, s18, $0xb8;
	[tilespmem:$0x1FEB0] =	vst v63  }
0x36: {  	_ =	swait.ge [sflag:s5], $0x1000  }
0x37: {  	[sflag:s5] =	ssyncset.done $0x0  }
0x38: {  	[sflag:s5] =	ssyncadd.s32 $0xFFFFF000  }
.LBB2_2:
0x39: {  	s11 =	smul.u32 $0x38, s9;
	_ =	sdelay $0x1  }
0x3a: {  	s11 =	sadd.s32 s10, s11  }
0x3b: {  	s12 =	sshll.u32 s11, $0x4  }
0x3c: {  	s11 =	simm.s32 $0x0;
	s14 =	sadd.s32 s7, s12  }
0x3d: {  	[tilespmem:s11], [sflag:$0xA] =	stream.linear.gather [hbm4b:s14+s11], $0x1C00, $0x38;
	[tilespmem:$0x1FEB0] =	vst v63  }
0x3e: {  	_ =	swait.ge [sflag:s16], $0x1C00  }
0x3f: {  	[sflag:s16] =	ssyncset.done $0x0  }
0x40: {  	s12 =	sadd.s32 s8, s12;
	[sflag:s16] =	ssyncadd.s32 $0xFFFFE400  }
0x41: {  	[tilespmem:s17], [sflag:$0xA] =	stream.linear.gather [hbm4b:s12+s11], $0x1C00, $0x38;
	[tilespmem:$0x1FEB0] =	vst v63  }
0x42: {  	_ =	swait.ge [sflag:s16], $0x1C00  }
0x43: {  	[sflag:s16] =	ssyncset.done $0x0  }
0x44: {  	[sflag:s16] =	ssyncadd.s32 $0xFFFFE400  }
0x45: {  	[tilespmem:s19], [sflag:$0x2] =	stream.indirect.gather [hbm4b:s13+s18], $0x20, s11, s18, $0xb8;
	[tilespmem:$0x1FEB0] =	vst v63  }
0x46: {  	_ = 	snop  }
0x47: {  	[tilespmem:s20], [sflag:$0x3] =	stream.indirect.gather [hbm4b:s13+s18], $0x20, s18, s18, $0xb8;
	[tilespmem:$0x1FEB0] =	vst v63  }
0x48: {  	_ = 	snop  }
0x49: {  	[tilespmem:s22], [sflag:$0x4] =	stream.indirect.gather [hbm4b:s13+s18], $0x20, s21, s18, $0xb8;
	[tilespmem:$0x1FEB0] =	vst v63  }
0x4a: {  	_ = 	snop  }
0x4b: {  	[tilespmem:s26], [sflag:$0x5] =	stream.indirect.gather [hbm4b:s13+s18], $0x20, s23, s18, $0xb8;
	[tilespmem:$0x1FEB0] =	vst v63  }
.LBB2_3:
0x4c: {  	_ =	swait.ge [sflag:s28], $0x1000  }
0x4d: {  	s12 =	sshra.s32 s11, $0x2;
	[sflag:s28] =	ssyncset.done $0x0  }
0x4e: {  	s14 =	sadd.s32 $0x1C00, s12;
	[sflag:s28] =	ssyncadd.s32 $0xFFFFF000  }
0x4f: {  	[spmem:s2] =	stream.indirect.scatter.add.f32 [tilespmem:s19], [sflag:$0x6], $0x20, s14, s18, $0xb8;
	[tilespmem:$0x1FEB0] =	vst v63  }
0x50: {  	_ =	swait.ge [sflag:s29], $0x1000  }
0x51: {  	p2 =	seq.s32 s11, $0x6800;
	[sflag:s29] =	ssyncset.done $0x0  }
0x52: {  	s14 =	simm.s32 @p2 $0x3;
	[sflag:s29] =	ssyncadd.s32 $0xFFFFF000  }
0x53: {  	_ =	swait.ge @p2 [sflag:s14], $0x1000  }
0x54: {  	[sflag:s14] =	ssyncset.done @p2 $0x0  }
0x55: {  	[sflag:s14] =	ssyncadd.s32 @p2 $0xFFFFF000;
	s14 =	sshra.s32 @p2 s11, $0x2  }
0x56: {  	s15 =	simm.s32 @p2 $0x80;
	s24 =	simm.s32 @p2 $0x4800;
	s14 =	sadd.s32 @p2 $0x1C80, s14  }
0x57: {  	[spmem:s2] =	stream.indirect.scatter.add.f32 @p2 [tilespmem:s24], [sflag:$0x7], $0x20, s14, s15, $0xb8;
	[tilespmem:$0x1FEB0] =	vst v63  }
0x58: {  	s14 =	simm.s32 @p2 $0x7  }
0x59: {  	_ =	swait.ge @p2 [sflag:s14], $0x1000  }
0x5a: {  	[sflag:s14] =	ssyncset.done @p2 $0x0  }
0x5b: {  	[sflag:s14] =	ssyncadd.s32 @p2 $0xFFFFF000;
	s14 =	sshra.s32 @!p2 s11, $0x2  }
0x5c: {  	s25 =	simm.s32 @!p2 $0x3800;
	s24 =	simm.s32 @!p2 $0x80;
	s15 =	sadd.s32 @!p2 $0x200, s14  }
0x5d: {  	[tilespmem:s25], [sflag:$0x2] =	stream.indirect.gather @!p2 [hbm4b:s13+s24], $0x20, s15, s24, $0xb8;
	[tilespmem:$0x1FEB0] =	vst v63  }
0x5e: {  	s15 =	simm.s32 @!p2 $0x3  }
0x5f: {  	_ =	swait.ge @!p2 [sflag:s15], $0x1000  }
0x60: {  	[sflag:s15] =	ssyncset.done @!p2 $0x0  }
0x61: {  	s25 =	simm.s32 @!p2 $0x4800;
	[sflag:s15] =	ssyncadd.s32 @!p2 $0xFFFFF000;
	s15 =	sadd.s32 @!p2 $0x1C80, s14  }
0x62: {  	[spmem:s2] =	stream.indirect.scatter.add.f32 @!p2 [tilespmem:s25], [sflag:$0x7], $0x20, s15, s24, $0xb8;
	[tilespmem:$0x1FEB0] =	vst v63  }
0x63: {  	p3 =	sne.s32 @!p2 s4, $0x0;
	s15 =	simm.s32 @!p2 $0x7  }
0x64: {  	p4 =	por !p3, p2;
	_ =	swait.ge @!p2 [sflag:s15], $0x1000  }
0x65: {  	p3 =	por p3, p2;
	s14 =	sadd.s32 @!p2 $0x280, s14;
	[sflag:s15] =	ssyncset.done @!p2 $0x0  }
0x66: {  	s24 =	simm.s32 @!p4 $0x4800;
	[sflag:s15] =	ssyncadd.s32 @!p2 $0xFFFFF000;
	s15 =	simm.s32 @!p4 $0x80  }
0x67: {  	[tilespmem:s24], [sflag:$0x3] =	stream.indirect.gather @!p4 [hbm4b:s6+s15], $0x20, s14, s15, $0xb8;
	[tilespmem:$0x1FEB0] =	vst v63  }
0x68: {  	s15 =	simm.s32 @!p3 $0x80;
	s24 =	simm.s32 @!p3 $0x4800  }
0x69: {  	[tilespmem:s24], [sflag:$0x3] =	stream.indirect.gather @!p3 [hbm4b:s1+s15], $0x20, s14, s15, $0xb8;
	[tilespmem:$0x1FEB0] =	vst v63  }
0x6a: {  	_ =	swait.ge [sflag:s30], $0x1000  }
0x6b: {  	[sflag:s30] =	ssyncset.done $0x0  }
.Ltmp4:
0x6c: {  	s25 =	sadd.s32 $0x1D00, s12;
	[sflag:s30] =	ssyncadd.s32 $0xFFFFF000;
	(pc) =	sbr.rel @p2 .LBB2_5-.Ltmp4, $4  }
0x6d: {  	[spmem:s2] =	stream.indirect.scatter.add.f32 [tilespmem:s22], [sflag:$0x8], $0x20, s25, s18, $0xb8;
	[tilespmem:$0x1FEB0] =	vst v63  }
0x6e: {  	_ =	swait.ge [sflag:s31], $0x1000  }
0x6f: {  	[sflag:s31] =	ssyncset.done $0x0  }
0x70: {  	s14 =	sadd.s32 $0x1D80, s12;
	[sflag:s31] =	ssyncadd.s32 $0xFFFFF000  }
0x71: {  	s15 =	sadd.s32 $0x300, s12  }
0x72: {  	[tilespmem:s22], [sflag:$0x4] =	stream.indirect.gather [hbm4b:s13+s18], $0x20, s15, s18, $0xb8;
	[tilespmem:$0x1FEB0] =	vst v63  }
0x73: {  	_ =	swait.ge [sflag:s0], $0x1000  }
0x74: {  	[sflag:s0] =	ssyncset.done $0x0  }
0x75: {  	[sflag:s0] =	ssyncadd.s32 $0xFFFFF000  }
0x76: {  	[spmem:s2] =	stream.indirect.scatter.add.f32 [tilespmem:s26], [sflag:$0x9], $0x20, s14, s18, $0xb8;
	[tilespmem:$0x1FEB0] =	vst v63  }
.Ltmp5:
0x77: {  	_ = 	snop;
	(pc) =	sbr.rel .LBB2_3-.Ltmp5, $4  }
0x78: {  	_ =	swait.ge [sflag:s5], $0x1000  }
0x79: {  	[sflag:s5] =	ssyncset.done $0x0  }
0x7a: {  	s25 =	sadd.s32 $0x380, s12;
	s11 =	sadd.s32 $0x800, s11;
	[sflag:s5] =	ssyncadd.s32 $0xFFFFF000  }
0x7b: {  	[tilespmem:s26], [sflag:$0x5] =	stream.indirect.gather [hbm4b:s13+s18], $0x20, s25, s18, $0xb8;
	[tilespmem:$0x1FEB0] =	vst v63  }
.LBB2_7:
0x7c: {  	_ =	sfence.sel $0x180000  }
0x7d: {  	[bflag:$0x0] =	sbarrier.arrive $0xFFFF  }
0x7e: {  	_ =	strace $0x9000004D  }
0x7f: {  	[bflag:$0x2] =	sbarrier.arrive $0xFFFF  }
0x80: {  	s0 =	rddreg [dreg:$0x4]  }
0x81: {  	s0 =	sadd.s32 @!p0 $0x100000, s0  }
0x82: {  	[sflag:s0] =	ssyncadd.tile.s32 @!p0 $0x1;
	_ =	shalt  }
.Lfunc_end2:
_tile_overlayer_lowered:
.L_overlay_start_2:
0x83: {  	(tag) =	ssettag $0x2  }
0x84: {  	s0 =	rddreg [dreg:$0x0];
	s2 =	stileid.u32  }
0x85: {  	s1 =	rddreg [dreg:$0x1];
	p0 =	sne.s32 s2, $0x0  }
0x86: {  	s3 =	rddreg [dreg:$0x2];
	[bflag:$0x3] =	sbarrier.arrive $0xFFFF;
	s2 =	simm.s32 @!p0 $0x1C0A  }
0x87: {  	[timem:s3], [sflag:s2] =	dma.local @!p0 [hbm:s0], s1  }
0x88: {  	s0 =	simm.s32 @!p0 $0xA  }
0x89: {  	_ =	swait.ge @!p0 [sflag:s0], s1  }
0x8a: {  	s1 =	ssub.s32 @!p0 $0x0, s1;
	[sflag:s0] =	ssyncset.done @!p0 $0x0  }
0x8b: {  	[sflag:s0] =	ssyncadd.s32 @!p0 s1  }
0x8c: {  	[bflag:$0x3] =	sbarrier.arrive $0xFFFF  }
0x8d: {  	_ =	shalt  }

// kernel: kernel.22.cloned.1.call-start
scs
__scs_entry_jumppad:
0x0: {  	(pc) =	sbr.rel $0x88, $3  }
0x1: {  	(tag) =	ssettag $0x0;
	lr =	simm.s32 $0x1  }
0x2: {  	[smem:$0x3F89] =	sst lr;
	_ =	strace $0xD0000000  }
0x3: {  	_ = 	snop  }
0x4: {  	_ = 	snop  }
0x5: {  	_ = 	snop  }
0x6: {  	_ = 	snop  }
0x7: {  	_ = 	snop  }
__scs_overlays_trampoline_lowered:
0x8: {  	[smem:$0x3F98] =	sst s0  }
0x9: {  	[smem:$0x3F99] =	sst s1  }
0xa: {  	[smem:$0x3F9A] =	sst s2  }
0xb: {  	[smem:$0x3F9B] =	sst s3  }
0xc: {  	[smem:$0x3F9C] =	sst s4  }
0xd: {  	[smem:$0x3F9D] =	sst s5  }
0xe: {  	[smem:$0x3F9E] =	sst s6  }
0xf: {  	[smem:$0x3F9F] =	sst s7  }
0x10: {  	[smem:$0x3FA0] =	sst s8  }
0x11: {  	[smem:$0x3FA1] =	sst s9;
	s0 =	simm.s32 @!p0 $0x0  }
0x12: {  	s1 =	sld [smem:$0x3F87];
	s0 =	simm.s32 @p0 $0x1  }
0x13: {  	[smem:$0x3FA2] =	sst s0;
	s0 =	simm.s32 @!p1 $0x0  }
0x14: {  	s2 =	sld [smem:$0x3F86];
	s0 =	simm.s32 @p1 $0x1  }
0x15: {  	[smem:$0x3FA3] =	sst s0;
	s0 =	simm.s32 @!p2 $0x0  }
0x16: {  	s3 =	sld [smem:$0x3FDB];
	s0 =	simm.s32 @p2 $0x1  }
0x17: {  	s4 =	simm.s32 $0x1BF5;
	[smem:$0x3FA5] =	sst s0  }
0x18: {  	s0 =	sld [smem:$0x3F88];
	_ =	swait.ge [sflag:s4], $0x0  }
0x19: {  	s7 =	sld [smem:$0x3F89]  }
0x1a: {  	s8 =	sadd.s32 $0xFFFFE003, lr  }
0x1b: {  	s9 =	sadd.s32 $0xFFFFFEF7, lr;
	s5 =	simm.s32 $0xFFFFFFFF;
	p2 =	slt.u32 s8, $0xFFFFF086  }
0x1c: {  	p1 =	slt.u32 s9, $0xF7A;
	s5 =	simm.s32 @!p2 $0x0  }
0x1d: {  	s5 =	simm.s32 @p1 $0x1;
	p0 =	seq.s32 s7, s2  }
0x1e: {  	s7 =	smul.u32 @!p0 $0xF7A, s2;
	p2 =	seq.s32 @!p0 s5, $0x0  }
0x1f: {  	s9 =	smul.u32 $0xF7A, s1;
	s8 =	simm.s32 @!p0 $0x1BF5;
	p2 =	por !p2, p0  }
0x20: {  	[sflag:s8] =	ssyncset.s32 @!p0 $0xFFFFF086;
	s6 =	sadd.s32 @!p0 s3, s7;
	s7 =	simm.s32 @!p0 $0x108  }
0x21: {  	s3 =	sadd.s32 s3, s9;
	s6 =	sadd.s32 @!p0 $0x88, s6;
	s7 =	simm.s32 @p2 $0x1082  }
0x22: {  	[simem:s7], [sflag:s8] =	dma.local @!p0 [hbm:s6], $0xF7A  }
0x23: {  	s9 =	sor.u32 $0xD0000000, s2;
	s6 =	simm.s32 $0x108;
	_ =	swait.ge @!p0 [sflag:s8], $0x0  }
0x24: {  	s3 =	sadd.s32 $0x88, s3;
	s6 =	simm.s32 @!p1 $0x1082;
	[sflag:s4] =	ssyncset.s32 $0xFFFFF086  }
0x25: {  	[simem:s6], [sflag:s4] =	dma.local [hbm:s3], $0xF7A  }
0x26: {  	[smem:$0x3F89] =	sst s1;
	(tag) =	ssettag s2;
	_ =	strace s9  }
0x27: {  	s1 =	sld [smem:$0x3F99]  }
0x28: {  	s2 =	sld [smem:$0x3F9A]  }
0x29: {  	s4 =	sld [smem:$0x3F9C]  }
0x2a: {  	p0 =	seq.s32 s5, $0x0;
	s5 =	sld [smem:$0x3F9D]  }
0x2b: {  	s6 =	sld [smem:$0x3F9E]  }
0x2c: {  	s7 =	sld [smem:$0x3F9F]  }
0x2d: {  	s3 =	simm.s32 $0x108;
	s8 =	sld [smem:$0x3FA0]  }
0x2e: {  	s3 =	simm.s32 @!p0 $0x1082;
	s9 =	sld [smem:$0x3FA1]  }
0x2f: {  	lr =	sadd.s32 s0, s3;
	s0 =	sld [smem:$0x3F98]  }
0x30: {  	s3 =	sld [smem:$0x3F9B]  }
0x31: {  	[smem:$0x3FA4] =	sst s10  }
0x32: {  	s10 =	sld [smem:$0x3FA2];
	_ =	sdelay $0x3  }
0x33: {  	p0 =	seq.s32 s10, $0x1;
	s10 =	sld [smem:$0x3FA4];
	_ =	sdelay $0x3  }
0x34: {  	[smem:$0x3FA4] =	sst s10  }
0x35: {  	s10 =	sld [smem:$0x3FA3];
	_ =	sdelay $0x3  }
0x36: {  	p1 =	seq.s32 s10, $0x1;
	s10 =	sld [smem:$0x3FA4];
	_ =	sdelay $0x3  }
0x37: {  	[smem:$0x3FA4] =	sst s10  }
0x38: {  	s10 =	sld [smem:$0x3FA5]  }
0x39: {  	_ = 	snop;
	(pc) =	sbr.ind lr, $3  }
0x3a: {  	_ = 	snop  }
0x3b: {  	_ = 	snop  }
0x3c: {  	p2 =	seq.s32 s10, $0x1;
	s10 =	sld [smem:$0x3FA4]  }
0x3d: {  	_ =	shalt  }
0x3e: {  	_ =	shalt  }
0x3f: {  	_ =	shalt  }
0x40: {  	_ =	shalt  }
0x41: {  	_ =	shalt  }
0x42: {  	_ =	shalt  }
0x43: {  	_ =	shalt  }
0x44: {  	_ =	shalt  }
0x45: {  	_ =	shalt  }
0x46: {  	_ =	shalt  }
0x47: {  	_ =	shalt  }
0x48: {  	_ =	shalt  }
0x49: {  	_ =	shalt  }
0x4a: {  	_ =	shalt  }
0x4b: {  	_ =	shalt  }
0x4c: {  	_ =	shalt  }
0x4d: {  	_ =	shalt  }
0x4e: {  	_ =	shalt  }
0x4f: {  	_ =	shalt  }
0x50: {  	_ =	shalt  }
0x51: {  	_ =	shalt  }
0x52: {  	_ =	shalt  }
0x53: {  	_ =	shalt  }
0x54: {  	_ =	shalt  }
0x55: {  	_ =	shalt  }
0x56: {  	_ =	shalt  }
0x57: {  	_ =	shalt  }
0x58: {  	_ =	shalt  }
0x59: {  	_ =	shalt  }
0x5a: {  	_ =	shalt  }
0x5b: {  	_ =	shalt  }
0x5c: {  	_ =	shalt  }
0x5d: {  	_ =	shalt  }
0x5e: {  	_ =	shalt  }
0x5f: {  	_ =	shalt  }
0x60: {  	_ =	shalt  }
0x61: {  	_ =	shalt  }
0x62: {  	_ =	shalt  }
0x63: {  	_ =	shalt  }
0x64: {  	_ =	shalt  }
0x65: {  	_ =	shalt  }
0x66: {  	_ =	shalt  }
0x67: {  	_ =	shalt  }
0x68: {  	_ =	shalt  }
0x69: {  	_ =	shalt  }
0x6a: {  	_ =	shalt  }
0x6b: {  	_ =	shalt  }
0x6c: {  	_ =	shalt  }
0x6d: {  	_ =	shalt  }
0x6e: {  	_ =	shalt  }
0x6f: {  	_ =	shalt  }
0x70: {  	_ =	shalt  }
0x71: {  	_ =	shalt  }
0x72: {  	_ =	shalt  }
0x73: {  	_ =	shalt  }
0x74: {  	_ =	shalt  }
0x75: {  	_ =	shalt  }
0x76: {  	_ =	shalt  }
0x77: {  	_ =	shalt  }
0x78: {  	_ =	shalt  }
0x79: {  	_ =	shalt  }
0x7a: {  	_ =	shalt  }
0x7b: {  	_ =	shalt  }
0x7c: {  	_ =	shalt  }
0x7d: {  	_ =	shalt  }
0x7e: {  	_ =	shalt  }
0x7f: {  	_ =	shalt  }
0x80: {  	_ =	shalt  }
0x81: {  	_ =	shalt  }
0x82: {  	_ =	shalt  }
0x83: {  	_ =	shalt  }
0x84: {  	_ =	shalt  }
0x85: {  	_ =	shalt  }
0x86: {  	_ =	shalt  }
0x87: {  	_ =	shalt  }
.Lfunc_end0:
.L_simem_size_0:
called_computation.3_lowered:
.L_overlay_start_0:
0x88: {  	s2 =	sld [smem:$0x3FD9]  }
0x89: {  	s3 =	sld [smem:$0x3FFE];
	_ =	sdelay $0x1  }
0x8a: {  	s1 =	srdreg.scid  }
0x8b: {  	s0 =	sand.u32 $0x1, s1  }
0x8c: {  	s15 =	sshll.u32 s0, $0xA;
	s2 =	sadd.s32 s3, s2  }
0x8d: {  	s2 =	sadd.s32 s2, s15  }
0x8e: {  	[smem:$0x3FB0] =	sst s2  }
0x8f: {  	_ = 	snop  }
0x90: {  	s2 =	sld [smem:$0x3FD0];
	_ =	sdelay $0x2  }
0x91: {  	s16 =	simm.s32 $0xB;
	s4 =	simm.s32 $0x10  }
0x92: {  	[smem:s4], [sflag:s16] =	dma.local [hbm:s2], $0x1  }
0x93: {  	_ =	swait.eq [sflag:s16], $0x1  }
0x94: {  	[sflag:s16] =	ssyncset.done $0x0  }
0x95: {  	[sflag:s16] =	ssyncadd.s32 $0xFFFFFFFF  }
0x96: {  	s17 =	sld [smem:$0x11];
	(tm) =	ssettm $0x1  }
0x97: {  	s18 =	sld [smem:$0x3FFB];
	_ =	sdelay $0x3  }
0x98: {  	_ =	strace s18  }
0x99: {  	s2 =	sld [smem:$0x3FFC];
	_ =	sdelay $0x3  }
0x9a: {  	_ =	strace s2  }
0x9b: {  	s2 =	sld [smem:$0x3FFD];
	_ =	sdelay $0x3  }
0x9c: {  	_ =	strace s2  }
0x9d: {  	_ =	strace $0x8FFFFFFF  }
0x9e: {  	s19 =	sld [smem:$0x3FDB];
	_ =	sdelay $0x1  }
0x9f: {  	s20 =	simm.s32 $_scs_section_size  }
0xa0: {  	s5 =	simm.s32 $_size__tile_overlayer_lowered;
	s6 =	simm.s32 $_tile_overlayer_lowered  }
0xa1: {  	s7 =	simm.s32 $0x1BFF;
	s21 =	sshll.u32 s6, $0x1;
	s4 =	sadd.s32 s20, s19  }
0xa2: {  	s22 =	simm.s32 $0x0;
	s5 =	sshll.u32 s5, $0x1;
	s6 =	sadd.s32 s21, s4  }
0xa3: {  	[timem:s22], [sflag:s7] =	dma.local [hbm:s6], s5  }
0xa4: {  	_ =	swait.ge [sflag:s7], s5  }
0xa5: {  	s5 =	ssub.s32 $0x0, s5;
	[sflag:s7] =	ssyncset.done $0x0  }
0xa6: {  	[sflag:s7] =	ssyncadd.s32 s5;
	_ =	sdelay $0x1  }
0xa7: {  	s23 =	simm.s32 $0x1B8B  }
0xa8: {  	_ =	swait.ge [sflag:s23], $0x1  }
0xa9: {  	[sflag:s23] =	ssyncset.done $0x0  }
0xaa: {  	[sflag:s23] =	ssyncadd.s32 $0xFFFFFFFF  }
0xab: {  	s5 =	sld [smem:$0x0]  }
0xac: {  	s6 =	sand.u32 $0xFFFFFFFE, s1  }
0xad: {  	p0 =	sne.s32 s1, s6  }
0xae: {  	s6 =	sshll.u32 @p0 s6, $0xE  }
0xaf: {  	s6 =	sadd.s32 @p0 $0x11B8D, s6;
	s7 =	sshll.u32 @p0 s5, $0x11  }
0xb0: {  	s6 =	sor.u32 @p0 s7, s6  }
0xb1: {  	[sflag:s6] =	ssyncadd.remote.s32 @p0 $0x1;
	_ =	sdelay $0x1  }
0xb2: {  	s6 =	simm.s32 @p0 $0x1B8D  }
0xb3: {  	_ =	swait.eq @p0 [sflag:s6], $0x1  }
0xb4: {  	[sflag:s6] =	ssyncadd.s32 @p0 $0xFFFFFFFF  }
0xb5: {  	s7 =	sshll.u32 @!p0 s1, $0xE  }
0xb6: {  	s7 =	sor.u32 @!p0 $0x4000, s7;
	s6 =	simm.s32 @!p0 $0x1B8D  }
0xb7: {  	s5 =	sshll.u32 @!p0 s5, $0x11;
	s7 =	sadd.s32 @!p0 $0x11B8D, s7;
	_ =	swait.eq @!p0 [sflag:s6], $0x1  }
0xb8: {  	s5 =	sor.u32 @!p0 s5, s7;
	[sflag:s6] =	ssyncadd.s32 @!p0 $0xFFFFFFFF  }
0xb9: {  	s25 =	simm.s32 $0x1B8E;
	s24 =	sld [smem:$0x3FFE];
	[sflag:s5] =	ssyncadd.remote.s32 @!p0 $0x1  }
0xba: {  	s26 =	simm.s32 $execute0_lowered;
	[smem:$0x3FD2] =	sst s25  }
0xbb: {  	s6 =	sshll.u32 s26, $0x1;
	_ =	strace $0x80000052;
	[dreg:$0x1] =	wrdreg $0xFFFFFFFF  }
0xbc: {  	s28 =	simm.s32 $_size_execute0_lowered;
	s4 =	sadd.s32 s4, s6;
	[dreg:$0x0] =	wrdreg $0x0  }
0xbd: {  	s6 =	sshll.u32 s28, $0x1;
	[dreg:$0x2] =	wrdreg s4  }
0xbe: {  	[dreg:$0x3] =	wrdreg s6  }
0xbf: {  	[dreg:$0x4] =	wrdreg $0xC0  }
0xc0: {  	_ =	task [dreg:s22], $0x5FFFF  }
0xc1: {  	[dreg:$0x1] =	wrdreg $0xFFFFFFFF  }
0xc2: {  	[dreg:$0x0] =	wrdreg $0x60  }
0xc3: {  	[dreg:$0x2] =	wrdreg s24  }
0xc4: {  	[dreg:$0x3] =	wrdreg s17  }
0xc5: {  	[dreg:$0x4] =	wrdreg $0x78000  }
0xc6: {  	[dreg:$0x5] =	wrdreg $0x9  }
0xc7: {  	_ =	task.clear_ibuf [dreg:s22], $0x6FFFF;
	_ =	strace $0x90000052  }
0xc8: {  	s29 =	simm.s32 $0x9;
	_ =	strace $0x80000054  }
0xc9: {  	_ =	swait.ge [sflag:s29], $0x1  }
0xca: {  	[sflag:s29] =	ssyncadd.s32 $0xFFFFFFFF  }
0xcb: {  	_ =	strace $0x90000054  }
0xcc: {  	_ =	sfence  }
0xcd: {  	s30 =	sld [smem:$0x0];
	_ =	sdelay $0x2  }
0xce: {  	s31 =	sshll.u32 s1, $0xD;
	s1 =	sshrl.u32 s1, $0x2  }
0xcf: {  	s4 =	sand.u32 $0x4000, s31;
	s1 =	sadd.s32 s1, s30  }
0xd0: {  	s0 =	sor.u32 s4, s0;
	s1 =	sshll.u32 s1, $0x11  }
0xd1: {  	s0 =	sor.u32 s1, s0  }
0xd2: {  	s0 =	sadd.s32 $0x8F2B, s0  }
0xd3: {  	[sflag:s0] =	ssyncadd.remote.s32 $0x1  }
0xd4: {  	_ =	sfence.sel $0xFFFF  }
0xd5: {  	[dreg:$0x0] =	wrdreg $0xFFFFFFFF;
	(pc) =	sbr.abs _section_cstart, $3  }
0xd6: {  	[dreg:$0x1] =	wrdreg $0xFFFFFFFF  }
0xd7: {  	_ =	task.clear_ibuf [dreg:s22], $0x2FFFF;
	_ =	strace $0x9FFFFFFF  }
0xd8: {  	(tm) =	ssettm $0x7FFFFFFF  }
0xd9: {  	_ =	shalt  }
tec
execute0_lowered:
.L_overlay_start_1:
0x0: {  	(tag) =	ssettag $0x1  }
0x1: {  	s0 =	rddreg [dreg:$0x0]  }
0x2: {  	s5 =	rddreg [dreg:$0x1]  }
0x3: {  	s1 =	rddreg [dreg:$0x2]  }
0x4: {  	s2 =	simm.s32 $0x0;
	s3 =	srdreg.scid;
	s14 =	stileid.u32  }
0x5: {  	s16 =	simm.s32 $0xA;
	s17 =	simm.s32 $0x1C00;
	s18 =	simm.s32 $0x80  }
0x6: {  	s19 =	simm.s32 $0x3800;
	s20 =	simm.s32 $0x4800;
	s21 =	simm.s32 $0x100  }
0x7: {  	s22 =	simm.s32 $0x5800;
	s28 =	simm.s32 $0x2;
	s29 =	simm.s32 $0x6  }
0x8: {  	s30 =	simm.s32 $0x4;
	s31 =	simm.s32 $0x8;
	[smem:$0x7FF] =	sst s2  }
0x9: {  	s3 =	sand.u32 $0x1, s3;
	s4 =	sadd.s32 $0x113C00, s0;
	s10 =	smul.u32 $0x30E0, s14  }
0xa: {  	s6 =	sadd.s32 $0xE2E00, s0;
	s7 =	sadd.s32 $0x6C00, s0;
	s12 =	smul.u32 $0x61C00, s14  }
0xb: {  	s8 =	sadd.s32 $0x68A00, s0;
	s0 =	sadd.s32 $0x81200, s0;
	s24 =	smul.u32 $0x188, s14  }
0xc: {  	p0 =	sne.s32 s14, $0x0;
	_ =	strace $0x80000053;
	s9 =	smul.u32 $0x30D40, s3  }
0xd: {  	s11 =	ssub.s32 $0x2, s3;
	[dreg:$0x4] =	wrdreg s0;
	s13 =	smul.u32 $0x186A00, s3  }
0xe: {  	p1 =	seq.s32 s3, $0x0;
	s23 =	sshrl.u32 s11, $0x1;
	[dreg:$0x5] =	wrdreg s24  }
0xf: {  	s25 =	sshrl.u32 s12, $0x2;
	s0 =	ssub.s32 s11, s23;
	s9 =	sadd.s32 s10, s9  }
0x10: {  	s26 =	sshrl.u32 s13, $0x3;
	s13 =	smov.u32 s6;
	s23 =	simm.s32 $0x180  }
0x11: {  	s9 =	sadd.s32 s5, s9;
	s5 =	sadd.s32 s5, s26;
	s0 =	smax.u32 s0, $0x1  }
0x12: {  	s13 =	smov.u32 @p1 s4;
	p1 =	seq.s32 s14, $0xF;
	[dreg:$0x6] =	wrdreg s9  }
.Ltmp0:
0x13: {  	s5 =	sadd.s32 $0x2DD20, s5;
	[dreg:$0x8] =	wrdreg s0;
	(pc) =	sbr.rel .LBB2_1-.Ltmp0, $4  }
0x14: {  	s0 =	sshrl.u32 @!p0 s1, $0x3;
	[dreg:$0x7] =	wrdreg s5;
	s5 =	sadd.s32 $0x16E900, s1  }
0x15: {  	s9 =	sadd.s32 s25, s1;
	[dreg:$0x9] =	wrdreg s0;
	s0 =	sshrl.u32 @p1 s5, $0x3  }
0x16: {  	s26 =	simm.s32 $0x6800;
	[dreg:$0xa] =	wrdreg s0;
	s0 =	sshrl.u32 @!p1 s9, $0x3  }
0x17: {  	s5 =	simm.s32 $0x9;
	[dreg:$0xb] =	wrdreg s0;
	s0 =	simm.s32 $0x5  }
.LBB2_6:
0x18: {  	[bflag:$0x0] =	sbarrier.arrive $0xFFFF  }
0x19: {  	s10 =	rddreg [dreg:$0x7]  }
0x1a: {  	s9 =	simm.s32 @p1 $0x1FCA;
	s11 =	rddreg [dreg:$0xa]  }
0x1b: {  	[hbm:s10], [sflag:s9] =	dma.local @p1 [spmem:s11], $0x3020  }
0x1c: {  	s9 =	simm.s32 @p1 $0xA  }
0x1d: {  	s10 =	stileid.u32;
	_ =	swait.ge @p1 [sflag:s9], $0x3020  }
0x1e: {  	s10 =	sshll.u32 @!p1 s10, $0x6;
	[sflag:s9] =	ssyncset.done @p1 $0x0;
	s11 =	rddreg [dreg:$0xb]  }
0x1f: {  	[sflag:s9] =	ssyncadd.s32 @p1 $0xFFFFCFE0;
	s9 =	sor.u32 @!p1 $0x1C0A, s10;
	s10 =	rddreg [dreg:$0x6]  }
0x20: {  	[hbm:s10], [sflag:s9] =	dma.local @!p1 [spmem:s11], $0x30E0  }
0x21: {  	s9 =	simm.s32 @!p1 $0xA  }
0x22: {  	_ =	swait.ge @!p1 [sflag:s9], $0x30E0  }
0x23: {  	s2 =	sadd.s32 $0x1, s2;
	s25 =	rddreg [dreg:$0x8]  }
0x24: {  	p2 =	sne.s32 s2, s25  }
.Ltmp1:
0x25: {  	_ = 	snop;
	(pc) =	sbr.rel @!p2 .LBB2_7-.Ltmp1, $3  }
0x26: {  	_ =	sdelay $0x1  }
0x27: {  	[sflag:s9] =	ssyncset.done @!p1 $0x0  }
0x28: {  	[sflag:s9] =	ssyncadd.s32 @!p1 $0xFFFFCF20  }
.LBB2_1:
0x29: {  	s10 =	rddreg [dreg:$0x4]  }
0x2a: {  	s9 =	simm.s32 @!p0 $0x1C01;
	s11 =	rddreg [dreg:$0x9]  }
0x2b: {  	[spmem:s11], [sflag:s9] =	dma.local @!p0 [hbm:s10], $0x30D60  }
0x2c: {  	s9 =	simm.s32 @!p0 $0x1  }
.Ltmp2:
0x2d: {  	_ =	swait.ge @!p0 [sflag:s9], $0x30D60;
	(pc) =	sbr.rel .LBB2_2-.Ltmp2, $4  }
0x2e: {  	[sflag:s9] =	ssyncset.done @!p0 $0x0  }
0x2f: {  	[sflag:s9] =	ssyncadd.s32 @!p0 $0xFFFCF2A0  }
0x30: {  	s10 =	rddreg [dreg:$0x5];
	[bflag:$0x0] =	sbarrier.arrive $0xFFFF  }
0x31: {  	s10 =	simm.s32 @!p0 $0x0;
	s9 =	simm.s32 $0x0  }
.LBB2_5:
0x32: {  	_ =	swait.ge [sflag:s0], $0x1000;
	s9 =	sadd.s32 $0x1, s9  }
0x33: {  	[sflag:s0] =	ssyncset.done $0x0;
	p2 =	sne.s32 s9, $0x7  }
.Ltmp3:
0x34: {  	[sflag:s0] =	ssyncadd.s32 $0xFFFFF000;
	(pc) =	sbr.rel @!p2 .LBB2_6-.Ltmp3, $4  }
0x35: {  	[spmem:s1] =	stream.indirect.scatter.add.f32 [tilespmem:s26], [sflag:$0x9], $0x20, s14, s18, $0xb8;
	[tilespmem:$0x1FEB0] =	vst v63  }
0x36: {  	_ =	swait.ge [sflag:s5], $0x1000  }
0x37: {  	[sflag:s5] =	ssyncset.done $0x0  }
0x38: {  	[sflag:s5] =	ssyncadd.s32 $0xFFFFF000  }
.LBB2_2:
0x39: {  	s11 =	smul.u32 $0x38, s9;
	_ =	sdelay $0x1  }
0x3a: {  	s11 =	sadd.s32 s10, s11  }
0x3b: {  	s12 =	sshll.u32 s11, $0x4  }
0x3c: {  	s11 =	simm.s32 $0x0;
	s14 =	sadd.s32 s7, s12  }
0x3d: {  	[tilespmem:s11], [sflag:$0xA] =	stream.linear.gather [hbm4b:s14+s11], $0x1C00, $0x38;
	[tilespmem:$0x1FEB0] =	vst v63  }
0x3e: {  	_ =	swait.ge [sflag:s16], $0x1C00  }
0x3f: {  	[sflag:s16] =	ssyncset.done $0x0  }
0x40: {  	s12 =	sadd.s32 s8, s12;
	[sflag:s16] =	ssyncadd.s32 $0xFFFFE400  }
0x41: {  	[tilespmem:s17], [sflag:$0xA] =	stream.linear.gather [hbm4b:s12+s11], $0x1C00, $0x38;
	[tilespmem:$0x1FEB0] =	vst v63  }
0x42: {  	_ =	swait.ge [sflag:s16], $0x1C00  }
0x43: {  	[sflag:s16] =	ssyncset.done $0x0  }
0x44: {  	[sflag:s16] =	ssyncadd.s32 $0xFFFFE400  }
0x45: {  	[tilespmem:s19], [sflag:$0x2] =	stream.indirect.gather [hbm4b:s13+s18], $0x20, s11, s18, $0xb8;
	[tilespmem:$0x1FEB0] =	vst v63  }
0x46: {  	_ = 	snop  }
0x47: {  	[tilespmem:s20], [sflag:$0x3] =	stream.indirect.gather [hbm4b:s13+s18], $0x20, s18, s18, $0xb8;
	[tilespmem:$0x1FEB0] =	vst v63  }
0x48: {  	_ = 	snop  }
0x49: {  	[tilespmem:s22], [sflag:$0x4] =	stream.indirect.gather [hbm4b:s13+s18], $0x20, s21, s18, $0xb8;
	[tilespmem:$0x1FEB0] =	vst v63  }
0x4a: {  	_ = 	snop  }
0x4b: {  	[tilespmem:s26], [sflag:$0x5] =	stream.indirect.gather [hbm4b:s13+s18], $0x20, s23, s18, $0xb8;
	[tilespmem:$0x1FEB0] =	vst v63  }
.LBB2_3:
0x4c: {  	_ =	swait.ge [sflag:s28], $0x1000  }
0x4d: {  	s12 =	sshra.s32 s11, $0x2;
	[sflag:s28] =	ssyncset.done $0x0  }
0x4e: {  	s14 =	sadd.s32 $0x1C00, s12;
	[sflag:s28] =	ssyncadd.s32 $0xFFFFF000  }
0x4f: {  	[spmem:s1] =	stream.indirect.scatter.add.f32 [tilespmem:s19], [sflag:$0x6], $0x20, s14, s18, $0xb8;
	[tilespmem:$0x1FEB0] =	vst v63  }
0x50: {  	_ =	swait.ge [sflag:s29], $0x1000  }
0x51: {  	p2 =	seq.s32 s11, $0x6800;
	[sflag:s29] =	ssyncset.done $0x0  }
0x52: {  	s14 =	simm.s32 @p2 $0x3;
	[sflag:s29] =	ssyncadd.s32 $0xFFFFF000  }
0x53: {  	_ =	swait.ge @p2 [sflag:s14], $0x1000  }
0x54: {  	[sflag:s14] =	ssyncset.done @p2 $0x0  }
0x55: {  	[sflag:s14] =	ssyncadd.s32 @p2 $0xFFFFF000;
	s14 =	sshra.s32 @p2 s11, $0x2  }
0x56: {  	s15 =	simm.s32 @p2 $0x80;
	s24 =	simm.s32 @p2 $0x4800;
	s14 =	sadd.s32 @p2 $0x1C80, s14  }
0x57: {  	[spmem:s1] =	stream.indirect.scatter.add.f32 @p2 [tilespmem:s24], [sflag:$0x7], $0x20, s14, s15, $0xb8;
	[tilespmem:$0x1FEB0] =	vst v63  }
0x58: {  	s14 =	simm.s32 @p2 $0x7  }
0x59: {  	_ =	swait.ge @p2 [sflag:s14], $0x1000  }
0x5a: {  	[sflag:s14] =	ssyncset.done @p2 $0x0  }
0x5b: {  	[sflag:s14] =	ssyncadd.s32 @p2 $0xFFFFF000;
	s14 =	sshra.s32 @!p2 s11, $0x2  }
0x5c: {  	s25 =	simm.s32 @!p2 $0x3800;
	s24 =	simm.s32 @!p2 $0x80;
	s15 =	sadd.s32 @!p2 $0x200, s14  }
0x5d: {  	[tilespmem:s25], [sflag:$0x2] =	stream.indirect.gather @!p2 [hbm4b:s13+s24], $0x20, s15, s24, $0xb8;
	[tilespmem:$0x1FEB0] =	vst v63  }
0x5e: {  	s15 =	simm.s32 @!p2 $0x3  }
0x5f: {  	_ =	swait.ge @!p2 [sflag:s15], $0x1000  }
0x60: {  	[sflag:s15] =	ssyncset.done @!p2 $0x0  }
0x61: {  	s25 =	simm.s32 @!p2 $0x4800;
	[sflag:s15] =	ssyncadd.s32 @!p2 $0xFFFFF000;
	s15 =	sadd.s32 @!p2 $0x1C80, s14  }
0x62: {  	[spmem:s1] =	stream.indirect.scatter.add.f32 @!p2 [tilespmem:s25], [sflag:$0x7], $0x20, s15, s24, $0xb8;
	[tilespmem:$0x1FEB0] =	vst v63  }
0x63: {  	p3 =	sne.s32 @!p2 s3, $0x0;
	s15 =	simm.s32 @!p2 $0x7  }
0x64: {  	p4 =	por !p3, p2;
	_ =	swait.ge @!p2 [sflag:s15], $0x1000  }
0x65: {  	p3 =	por p3, p2;
	s14 =	sadd.s32 @!p2 $0x280, s14;
	[sflag:s15] =	ssyncset.done @!p2 $0x0  }
0x66: {  	s24 =	simm.s32 @!p4 $0x4800;
	[sflag:s15] =	ssyncadd.s32 @!p2 $0xFFFFF000;
	s15 =	simm.s32 @!p4 $0x80  }
0x67: {  	[tilespmem:s24], [sflag:$0x3] =	stream.indirect.gather @!p4 [hbm4b:s6+s15], $0x20, s14, s15, $0xb8;
	[tilespmem:$0x1FEB0] =	vst v63  }
0x68: {  	s15 =	simm.s32 @!p3 $0x80;
	s24 =	simm.s32 @!p3 $0x4800  }
0x69: {  	[tilespmem:s24], [sflag:$0x3] =	stream.indirect.gather @!p3 [hbm4b:s4+s15], $0x20, s14, s15, $0xb8;
	[tilespmem:$0x1FEB0] =	vst v63  }
0x6a: {  	_ =	swait.ge [sflag:s30], $0x1000  }
0x6b: {  	[sflag:s30] =	ssyncset.done $0x0  }
.Ltmp4:
0x6c: {  	s25 =	sadd.s32 $0x1D00, s12;
	[sflag:s30] =	ssyncadd.s32 $0xFFFFF000;
	(pc) =	sbr.rel @p2 .LBB2_5-.Ltmp4, $4  }
0x6d: {  	[spmem:s1] =	stream.indirect.scatter.add.f32 [tilespmem:s22], [sflag:$0x8], $0x20, s25, s18, $0xb8;
	[tilespmem:$0x1FEB0] =	vst v63  }
0x6e: {  	_ =	swait.ge [sflag:s31], $0x1000  }
0x6f: {  	[sflag:s31] =	ssyncset.done $0x0  }
0x70: {  	s14 =	sadd.s32 $0x1D80, s12;
	[sflag:s31] =	ssyncadd.s32 $0xFFFFF000  }
0x71: {  	s15 =	sadd.s32 $0x300, s12  }
0x72: {  	[tilespmem:s22], [sflag:$0x4] =	stream.indirect.gather [hbm4b:s13+s18], $0x20, s15, s18, $0xb8;
	[tilespmem:$0x1FEB0] =	vst v63  }
0x73: {  	_ =	swait.ge [sflag:s0], $0x1000  }
0x74: {  	[sflag:s0] =	ssyncset.done $0x0  }
0x75: {  	[sflag:s0] =	ssyncadd.s32 $0xFFFFF000  }
0x76: {  	[spmem:s1] =	stream.indirect.scatter.add.f32 [tilespmem:s26], [sflag:$0x9], $0x20, s14, s18, $0xb8;
	[tilespmem:$0x1FEB0] =	vst v63  }
.Ltmp5:
0x77: {  	_ = 	snop;
	(pc) =	sbr.rel .LBB2_3-.Ltmp5, $4  }
0x78: {  	_ =	swait.ge [sflag:s5], $0x1000  }
0x79: {  	[sflag:s5] =	ssyncset.done $0x0  }
0x7a: {  	s25 =	sadd.s32 $0x380, s12;
	s11 =	sadd.s32 $0x800, s11;
	[sflag:s5] =	ssyncadd.s32 $0xFFFFF000  }
0x7b: {  	[tilespmem:s26], [sflag:$0x5] =	stream.indirect.gather [hbm4b:s13+s18], $0x20, s25, s18, $0xb8;
	[tilespmem:$0x1FEB0] =	vst v63  }
.LBB2_7:
0x7c: {  	_ =	sfence.sel $0x180000  }
0x7d: {  	[bflag:$0x0] =	sbarrier.arrive $0xFFFF  }
0x7e: {  	_ =	strace $0x90000053  }
0x7f: {  	[bflag:$0x2] =	sbarrier.arrive $0xFFFF  }
0x80: {  	s0 =	rddreg [dreg:$0x3]  }
0x81: {  	s0 =	sadd.s32 @!p0 $0x100000, s0  }
0x82: {  	[sflag:s0] =	ssyncadd.tile.s32 @!p0 $0x1;
	_ =	shalt  }
.Lfunc_end2:
_tile_overlayer_lowered:
.L_overlay_start_2:
0x83: {  	(tag) =	ssettag $0x2  }
0x84: {  	s0 =	rddreg [dreg:$0x0];
	s2 =	stileid.u32  }
0x85: {  	s1 =	rddreg [dreg:$0x1];
	p0 =	sne.s32 s2, $0x0  }
0x86: {  	s3 =	rddreg [dreg:$0x2];
	[bflag:$0x3] =	sbarrier.arrive $0xFFFF;
	s2 =	simm.s32 @!p0 $0x1C0A  }
0x87: {  	[timem:s3], [sflag:s2] =	dma.local @!p0 [hbm:s0], s1  }
0x88: {  	s0 =	simm.s32 @!p0 $0xA  }
0x89: {  	_ =	swait.ge @!p0 [sflag:s0], s1  }
0x8a: {  	s1 =	ssub.s32 @!p0 $0x0, s1;
	[sflag:s0] =	ssyncset.done @!p0 $0x0  }
0x8b: {  	[sflag:s0] =	ssyncadd.s32 @!p0 s1  }
0x8c: {  	[bflag:$0x3] =	sbarrier.arrive $0xFFFF  }
0x8d: {  	_ =	shalt  }

// kernel: kernel.25.cloned.1.call-start
scs
__scs_entry_jumppad:
0x0: {  	(pc) =	sbr.rel $0x88, $3  }
0x1: {  	(tag) =	ssettag $0x0;
	lr =	simm.s32 $0x1  }
0x2: {  	[smem:$0x3F89] =	sst lr;
	_ =	strace $0xD0000000  }
0x3: {  	_ = 	snop  }
0x4: {  	_ = 	snop  }
0x5: {  	_ = 	snop  }
0x6: {  	_ = 	snop  }
0x7: {  	_ = 	snop  }
__scs_overlays_trampoline_lowered:
0x8: {  	[smem:$0x3F98] =	sst s0  }
0x9: {  	[smem:$0x3F99] =	sst s1  }
0xa: {  	[smem:$0x3F9A] =	sst s2  }
0xb: {  	[smem:$0x3F9B] =	sst s3  }
0xc: {  	[smem:$0x3F9C] =	sst s4  }
0xd: {  	[smem:$0x3F9D] =	sst s5  }
0xe: {  	[smem:$0x3F9E] =	sst s6  }
0xf: {  	[smem:$0x3F9F] =	sst s7  }
0x10: {  	[smem:$0x3FA0] =	sst s8  }
0x11: {  	[smem:$0x3FA1] =	sst s9;
	s0 =	simm.s32 @!p0 $0x0  }
0x12: {  	s1 =	sld [smem:$0x3F87];
	s0 =	simm.s32 @p0 $0x1  }
0x13: {  	[smem:$0x3FA2] =	sst s0;
	s0 =	simm.s32 @!p1 $0x0  }
0x14: {  	s2 =	sld [smem:$0x3F86];
	s0 =	simm.s32 @p1 $0x1  }
0x15: {  	[smem:$0x3FA3] =	sst s0;
	s0 =	simm.s32 @!p2 $0x0  }
0x16: {  	s3 =	sld [smem:$0x3FDB];
	s0 =	simm.s32 @p2 $0x1  }
0x17: {  	s4 =	simm.s32 $0x1BF5;
	[smem:$0x3FA5] =	sst s0  }
0x18: {  	s0 =	sld [smem:$0x3F88];
	_ =	swait.ge [sflag:s4], $0x0  }
0x19: {  	s7 =	sld [smem:$0x3F89]  }
0x1a: {  	s8 =	sadd.s32 $0xFFFFE003, lr  }
0x1b: {  	s9 =	sadd.s32 $0xFFFFFEF7, lr;
	s5 =	simm.s32 $0xFFFFFFFF;
	p2 =	slt.u32 s8, $0xFFFFF086  }
0x1c: {  	p1 =	slt.u32 s9, $0xF7A;
	s5 =	simm.s32 @!p2 $0x0  }
0x1d: {  	s5 =	simm.s32 @p1 $0x1;
	p0 =	seq.s32 s7, s2  }
0x1e: {  	s7 =	smul.u32 @!p0 $0xF7A, s2;
	p2 =	seq.s32 @!p0 s5, $0x0  }
0x1f: {  	s9 =	smul.u32 $0xF7A, s1;
	s8 =	simm.s32 @!p0 $0x1BF5;
	p2 =	por !p2, p0  }
0x20: {  	[sflag:s8] =	ssyncset.s32 @!p0 $0xFFFFF086;
	s6 =	sadd.s32 @!p0 s3, s7;
	s7 =	simm.s32 @!p0 $0x108  }
0x21: {  	s3 =	sadd.s32 s3, s9;
	s6 =	sadd.s32 @!p0 $0x88, s6;
	s7 =	simm.s32 @p2 $0x1082  }
0x22: {  	[simem:s7], [sflag:s8] =	dma.local @!p0 [hbm:s6], $0xF7A  }
0x23: {  	s9 =	sor.u32 $0xD0000000, s2;
	s6 =	simm.s32 $0x108;
	_ =	swait.ge @!p0 [sflag:s8], $0x0  }
0x24: {  	s3 =	sadd.s32 $0x88, s3;
	s6 =	simm.s32 @!p1 $0x1082;
	[sflag:s4] =	ssyncset.s32 $0xFFFFF086  }
0x25: {  	[simem:s6], [sflag:s4] =	dma.local [hbm:s3], $0xF7A  }
0x26: {  	[smem:$0x3F89] =	sst s1;
	(tag) =	ssettag s2;
	_ =	strace s9  }
0x27: {  	s1 =	sld [smem:$0x3F99]  }
0x28: {  	s2 =	sld [smem:$0x3F9A]  }
0x29: {  	s4 =	sld [smem:$0x3F9C]  }
0x2a: {  	p0 =	seq.s32 s5, $0x0;
	s5 =	sld [smem:$0x3F9D]  }
0x2b: {  	s6 =	sld [smem:$0x3F9E]  }
0x2c: {  	s7 =	sld [smem:$0x3F9F]  }
0x2d: {  	s3 =	simm.s32 $0x108;
	s8 =	sld [smem:$0x3FA0]  }
0x2e: {  	s3 =	simm.s32 @!p0 $0x1082;
	s9 =	sld [smem:$0x3FA1]  }
0x2f: {  	lr =	sadd.s32 s0, s3;
	s0 =	sld [smem:$0x3F98]  }
0x30: {  	s3 =	sld [smem:$0x3F9B]  }
0x31: {  	[smem:$0x3FA4] =	sst s10  }
0x32: {  	s10 =	sld [smem:$0x3FA2];
	_ =	sdelay $0x3  }
0x33: {  	p0 =	seq.s32 s10, $0x1;
	s10 =	sld [smem:$0x3FA4];
	_ =	sdelay $0x3  }
0x34: {  	[smem:$0x3FA4] =	sst s10  }
0x35: {  	s10 =	sld [smem:$0x3FA3];
	_ =	sdelay $0x3  }
0x36: {  	p1 =	seq.s32 s10, $0x1;
	s10 =	sld [smem:$0x3FA4];
	_ =	sdelay $0x3  }
0x37: {  	[smem:$0x3FA4] =	sst s10  }
0x38: {  	s10 =	sld [smem:$0x3FA5]  }
0x39: {  	_ = 	snop;
	(pc) =	sbr.ind lr, $3  }
0x3a: {  	_ = 	snop  }
0x3b: {  	_ = 	snop  }
0x3c: {  	p2 =	seq.s32 s10, $0x1;
	s10 =	sld [smem:$0x3FA4]  }
0x3d: {  	_ =	shalt  }
0x3e: {  	_ =	shalt  }
0x3f: {  	_ =	shalt  }
0x40: {  	_ =	shalt  }
0x41: {  	_ =	shalt  }
0x42: {  	_ =	shalt  }
0x43: {  	_ =	shalt  }
0x44: {  	_ =	shalt  }
0x45: {  	_ =	shalt  }
0x46: {  	_ =	shalt  }
0x47: {  	_ =	shalt  }
0x48: {  	_ =	shalt  }
0x49: {  	_ =	shalt  }
0x4a: {  	_ =	shalt  }
0x4b: {  	_ =	shalt  }
0x4c: {  	_ =	shalt  }
0x4d: {  	_ =	shalt  }
0x4e: {  	_ =	shalt  }
0x4f: {  	_ =	shalt  }
0x50: {  	_ =	shalt  }
0x51: {  	_ =	shalt  }
0x52: {  	_ =	shalt  }
0x53: {  	_ =	shalt  }
0x54: {  	_ =	shalt  }
0x55: {  	_ =	shalt  }
0x56: {  	_ =	shalt  }
0x57: {  	_ =	shalt  }
0x58: {  	_ =	shalt  }
0x59: {  	_ =	shalt  }
0x5a: {  	_ =	shalt  }
0x5b: {  	_ =	shalt  }
0x5c: {  	_ =	shalt  }
0x5d: {  	_ =	shalt  }
0x5e: {  	_ =	shalt  }
0x5f: {  	_ =	shalt  }
0x60: {  	_ =	shalt  }
0x61: {  	_ =	shalt  }
0x62: {  	_ =	shalt  }
0x63: {  	_ =	shalt  }
0x64: {  	_ =	shalt  }
0x65: {  	_ =	shalt  }
0x66: {  	_ =	shalt  }
0x67: {  	_ =	shalt  }
0x68: {  	_ =	shalt  }
0x69: {  	_ =	shalt  }
0x6a: {  	_ =	shalt  }
0x6b: {  	_ =	shalt  }
0x6c: {  	_ =	shalt  }
0x6d: {  	_ =	shalt  }
0x6e: {  	_ =	shalt  }
0x6f: {  	_ =	shalt  }
0x70: {  	_ =	shalt  }
0x71: {  	_ =	shalt  }
0x72: {  	_ =	shalt  }
0x73: {  	_ =	shalt  }
0x74: {  	_ =	shalt  }
0x75: {  	_ =	shalt  }
0x76: {  	_ =	shalt  }
0x77: {  	_ =	shalt  }
0x78: {  	_ =	shalt  }
0x79: {  	_ =	shalt  }
0x7a: {  	_ =	shalt  }
0x7b: {  	_ =	shalt  }
0x7c: {  	_ =	shalt  }
0x7d: {  	_ =	shalt  }
0x7e: {  	_ =	shalt  }
0x7f: {  	_ =	shalt  }
0x80: {  	_ =	shalt  }
0x81: {  	_ =	shalt  }
0x82: {  	_ =	shalt  }
0x83: {  	_ =	shalt  }
0x84: {  	_ =	shalt  }
0x85: {  	_ =	shalt  }
0x86: {  	_ =	shalt  }
0x87: {  	_ =	shalt  }
.Lfunc_end0:
.L_simem_size_0:
called_computation.4_lowered:
.L_overlay_start_0:
0x88: {  	s2 =	sld [smem:$0x3FD9]  }
0x89: {  	s3 =	sld [smem:$0x3FFE];
	_ =	sdelay $0x1  }
0x8a: {  	s1 =	srdreg.scid  }
0x8b: {  	s0 =	sand.u32 $0x1, s1  }
0x8c: {  	s14 =	sshll.u32 s0, $0xA;
	s2 =	sadd.s32 s3, s2  }
0x8d: {  	s2 =	sadd.s32 s2, s14  }
0x8e: {  	[smem:$0x3FB0] =	sst s2  }
0x8f: {  	_ = 	snop  }
0x90: {  	s2 =	sld [smem:$0x3FD0];
	_ =	sdelay $0x2  }
0x91: {  	s15 =	simm.s32 $0xB;
	s4 =	simm.s32 $0x10  }
0x92: {  	[smem:s4], [sflag:s15] =	dma.local [hbm:s2], $0x1  }
0x93: {  	_ =	swait.eq [sflag:s15], $0x1  }
0x94: {  	[sflag:s15] =	ssyncset.done $0x0  }
0x95: {  	[sflag:s15] =	ssyncadd.s32 $0xFFFFFFFF  }
0x96: {  	s16 =	sld [smem:$0x10];
	(tm) =	ssettm $0x1  }
0x97: {  	s17 =	sld [smem:$0x3FFB];
	_ =	sdelay $0x3  }
0x98: {  	_ =	strace s17  }
0x99: {  	s3 =	sld [smem:$0x3FFC];
	_ =	sdelay $0x3  }
0x9a: {  	_ =	strace s3  }
0x9b: {  	s3 =	sld [smem:$0x3FFD];
	_ =	sdelay $0x3  }
0x9c: {  	_ =	strace s3  }
0x9d: {  	_ =	strace $0x8FFFFFFF  }
0x9e: {  	s18 =	sld [smem:$0x3FDB];
	_ =	sdelay $0x1  }
0x9f: {  	s19 =	simm.s32 $_scs_section_size  }
0xa0: {  	s5 =	simm.s32 $_size__tile_overlayer_lowered;
	s6 =	simm.s32 $_tile_overlayer_lowered  }
0xa1: {  	s22 =	simm.s32 $0x1BFF;
	s21 =	sshll.u32 s6, $0x1;
	s3 =	sadd.s32 s19, s18  }
0xa2: {  	s7 =	simm.s32 $0x0;
	s20 =	sshll.u32 s5, $0x1;
	s5 =	sadd.s32 s21, s3  }
0xa3: {  	[timem:s7], [sflag:s22] =	dma.local [hbm:s5], s20  }
0xa4: {  	_ =	swait.ge [sflag:s22], s20  }
0xa5: {  	s4 =	ssub.s32 $0x0, s20;
	[sflag:s22] =	ssyncset.done $0x0  }
0xa6: {  	[sflag:s22] =	ssyncadd.s32 s4;
	_ =	sdelay $0x1  }
0xa7: {  	s23 =	simm.s32 $0x1B8B  }
0xa8: {  	_ =	swait.ge [sflag:s23], $0x1  }
0xa9: {  	[sflag:s23] =	ssyncset.done $0x0  }
0xaa: {  	s25 =	simm.s32 $0x1B8E;
	s24 =	sld [smem:$0x3FFE];
	[sflag:s23] =	ssyncadd.s32 $0xFFFFFFFF  }
0xab: {  	s26 =	simm.s32 $execute0_lowered;
	[smem:$0x3FD2] =	sst s25  }
0xac: {  	s5 =	sshll.u32 s26, $0x1;
	_ =	strace $0x8000004F;
	[dreg:$0x1] =	wrdreg $0xFFFFFFFF  }
0xad: {  	s28 =	simm.s32 $_size_execute0_lowered;
	s3 =	sadd.s32 s3, s5;
	[dreg:$0x0] =	wrdreg $0x0  }
0xae: {  	s5 =	sshll.u32 s28, $0x1;
	[dreg:$0x2] =	wrdreg s3  }
0xaf: {  	[dreg:$0x3] =	wrdreg s5  }
0xb0: {  	[dreg:$0x4] =	wrdreg $0xC0  }
0xb1: {  	_ =	task [dreg:s7], $0x5FFFF  }
0xb2: {  	[dreg:$0x1] =	wrdreg $0xFFFFFFFF  }
0xb3: {  	[dreg:$0x0] =	wrdreg $0x60  }
0xb4: {  	[dreg:$0x2] =	wrdreg s24  }
0xb5: {  	[dreg:$0x3] =	wrdreg s16  }
0xb6: {  	[dreg:$0x4] =	wrdreg $0x78000  }
0xb7: {  	[dreg:$0x5] =	wrdreg $0xA  }
0xb8: {  	_ =	task.clear_ibuf [dreg:s7], $0x6FFFF;
	_ =	strace $0x9000004F  }
0xb9: {  	s29 =	simm.s32 $0xA;
	_ =	strace $0x80000051  }
0xba: {  	_ =	swait.ge [sflag:s29], $0x1  }
0xbb: {  	[sflag:s29] =	ssyncadd.s32 $0xFFFFFFFF  }
0xbc: {  	_ =	strace $0x90000051  }
0xbd: {  	_ =	sfence  }
0xbe: {  	s30 =	sld [smem:$0x0];
	_ =	sdelay $0x2  }
0xbf: {  	s31 =	sshll.u32 s1, $0xD;
	s1 =	sshrl.u32 s1, $0x2  }
0xc0: {  	s3 =	sand.u32 $0x4000, s31;
	s1 =	sadd.s32 s1, s30  }
0xc1: {  	s0 =	sor.u32 s3, s0;
	s1 =	sshll.u32 s1, $0x11  }
0xc2: {  	s0 =	sor.u32 s1, s0  }
0xc3: {  	s0 =	sadd.s32 $0x8F2B, s0  }
0xc4: {  	[sflag:s0] =	ssyncadd.remote.s32 $0x1  }
0xc5: {  	_ =	sfence.sel $0xFFFF  }
0xc6: {  	[dreg:$0x0] =	wrdreg $0xFFFFFFFF;
	(pc) =	sbr.abs _section_cstart, $3  }
0xc7: {  	[dreg:$0x1] =	wrdreg $0xFFFFFFFF  }
0xc8: {  	_ =	task.clear_ibuf [dreg:s7], $0x2FFFF;
	_ =	strace $0x9FFFFFFF  }
0xc9: {  	(tm) =	ssettm $0x7FFFFFFF  }
tec
execute0_lowered:
.L_overlay_start_1:
0x0: {  	(tag) =	ssettag $0x1  }
0x1: {  	s0 =	rddreg [dreg:$0x0]  }
0x2: {  	s5 =	rddreg [dreg:$0x1]  }
0x3: {  	s1 =	rddreg [dreg:$0x2]  }
0x4: {  	s2 =	simm.s32 $0x0;
	s3 =	srdreg.scid;
	s14 =	stileid.u32  }
0x5: {  	s16 =	simm.s32 $0xA;
	s17 =	simm.s32 $0x1C00;
	s18 =	simm.s32 $0x80  }
0x6: {  	s19 =	simm.s32 $0x3800;
	s20 =	simm.s32 $0x4800;
	s21 =	simm.s32 $0x100  }
0x7: {  	s22 =	simm.s32 $0x5800;
	s28 =	simm.s32 $0x2;
	s29 =	simm.s32 $0x6  }
0x8: {  	s30 =	simm.s32 $0x4;
	s31 =	simm.s32 $0x8;
	[smem:$0x7FF] =	sst s2  }
0x9: {  	s3 =	sand.u32 $0x1, s3;
	s4 =	sadd.s32 $0xB2000, s0;
	s10 =	smul.u32 $0x30E0, s14  }
0xa: {  	s6 =	sadd.s32 $0x1F400, s0;
	s7 =	sadd.s32 $0x6C00, s0;
	s12 =	smul.u32 $0x61C00, s14  }
0xb: {  	s8 =	sadd.s32 $0x68A00, s0;
	s0 =	sadd.s32 $0x81200, s0;
	s24 =	smul.u32 $0x188, s14  }
0xc: {  	p0 =	sne.s32 s14, $0x0;
	_ =	strace $0x80000050;
	s9 =	smul.u32 $0x30D40, s3  }
0xd: {  	s11 =	ssub.s32 $0x2, s3;
	[dreg:$0x4] =	wrdreg s0;
	s13 =	smul.u32 $0x186A00, s3  }
0xe: {  	p1 =	seq.s32 s3, $0x0;
	s23 =	sshrl.u32 s11, $0x1;
	[dreg:$0x5] =	wrdreg s24  }
0xf: {  	s25 =	sshrl.u32 s12, $0x2;
	s0 =	ssub.s32 s11, s23;
	s9 =	sadd.s32 s10, s9  }
0x10: {  	s26 =	sshrl.u32 s13, $0x3;
	s13 =	smov.u32 s6;
	s23 =	simm.s32 $0x180  }
0x11: {  	s9 =	sadd.s32 s5, s9;
	s5 =	sadd.s32 s5, s26;
	s0 =	smax.u32 s0, $0x1  }
0x12: {  	s13 =	smov.u32 @p1 s4;
	p1 =	seq.s32 s14, $0xF;
	[dreg:$0x6] =	wrdreg s9  }
.Ltmp0:
0x13: {  	s5 =	sadd.s32 $0x2DD20, s5;
	[dreg:$0x8] =	wrdreg s0;
	(pc) =	sbr.rel .LBB2_1-.Ltmp0, $4  }
0x14: {  	s0 =	sshrl.u32 @!p0 s1, $0x3;
	[dreg:$0x7] =	wrdreg s5;
	s5 =	sadd.s32 $0x16E900, s1  }
0x15: {  	s9 =	sadd.s32 s25, s1;
	[dreg:$0x9] =	wrdreg s0;
	s0 =	sshrl.u32 @p1 s5, $0x3  }
0x16: {  	s26 =	simm.s32 $0x6800;
	[dreg:$0xa] =	wrdreg s0;
	s0 =	sshrl.u32 @!p1 s9, $0x3  }
0x17: {  	s5 =	simm.s32 $0x9;
	[dreg:$0xb] =	wrdreg s0;
	s0 =	simm.s32 $0x5  }
.LBB2_6:
0x18: {  	[bflag:$0x0] =	sbarrier.arrive $0xFFFF  }
0x19: {  	s10 =	rddreg [dreg:$0x7]  }
0x1a: {  	s9 =	simm.s32 @p1 $0x1FCA;
	s11 =	rddreg [dreg:$0xa]  }
0x1b: {  	[hbm:s10], [sflag:s9] =	dma.local @p1 [spmem:s11], $0x3020  }
0x1c: {  	s9 =	simm.s32 @p1 $0xA  }
0x1d: {  	s10 =	stileid.u32;
	_ =	swait.ge @p1 [sflag:s9], $0x3020  }
0x1e: {  	s10 =	sshll.u32 @!p1 s10, $0x6;
	[sflag:s9] =	ssyncset.done @p1 $0x0;
	s11 =	rddreg [dreg:$0xb]  }
0x1f: {  	[sflag:s9] =	ssyncadd.s32 @p1 $0xFFFFCFE0;
	s9 =	sor.u32 @!p1 $0x1C0A, s10;
	s10 =	rddreg [dreg:$0x6]  }
0x20: {  	[hbm:s10], [sflag:s9] =	dma.local @!p1 [spmem:s11], $0x30E0  }
0x21: {  	s9 =	simm.s32 @!p1 $0xA  }
0x22: {  	_ =	swait.ge @!p1 [sflag:s9], $0x30E0  }
0x23: {  	s2 =	sadd.s32 $0x1, s2;
	s25 =	rddreg [dreg:$0x8]  }
0x24: {  	p2 =	sne.s32 s2, s25  }
.Ltmp1:
0x25: {  	_ = 	snop;
	(pc) =	sbr.rel @!p2 .LBB2_7-.Ltmp1, $3  }
0x26: {  	_ =	sdelay $0x1  }
0x27: {  	[sflag:s9] =	ssyncset.done @!p1 $0x0  }
0x28: {  	[sflag:s9] =	ssyncadd.s32 @!p1 $0xFFFFCF20  }
.LBB2_1:
0x29: {  	s10 =	rddreg [dreg:$0x4]  }
0x2a: {  	s9 =	simm.s32 @!p0 $0x1C01;
	s11 =	rddreg [dreg:$0x9]  }
0x2b: {  	[spmem:s11], [sflag:s9] =	dma.local @!p0 [hbm:s10], $0x30D60  }
0x2c: {  	s9 =	simm.s32 @!p0 $0x1  }
.Ltmp2:
0x2d: {  	_ =	swait.ge @!p0 [sflag:s9], $0x30D60;
	(pc) =	sbr.rel .LBB2_2-.Ltmp2, $4  }
0x2e: {  	[sflag:s9] =	ssyncset.done @!p0 $0x0  }
0x2f: {  	[sflag:s9] =	ssyncadd.s32 @!p0 $0xFFFCF2A0  }
0x30: {  	s10 =	rddreg [dreg:$0x5];
	[bflag:$0x0] =	sbarrier.arrive $0xFFFF  }
0x31: {  	s10 =	simm.s32 @!p0 $0x0;
	s9 =	simm.s32 $0x0  }
.LBB2_5:
0x32: {  	_ =	swait.ge [sflag:s0], $0x1000;
	s9 =	sadd.s32 $0x1, s9  }
0x33: {  	[sflag:s0] =	ssyncset.done $0x0;
	p2 =	sne.s32 s9, $0x7  }
.Ltmp3:
0x34: {  	[sflag:s0] =	ssyncadd.s32 $0xFFFFF000;
	(pc) =	sbr.rel @!p2 .LBB2_6-.Ltmp3, $4  }
0x35: {  	[spmem:s1] =	stream.indirect.scatter.add.f32 [tilespmem:s26], [sflag:$0x9], $0x20, s14, s18, $0xb8;
	[tilespmem:$0x1FEB0] =	vst v63  }
0x36: {  	_ =	swait.ge [sflag:s5], $0x1000  }
0x37: {  	[sflag:s5] =	ssyncset.done $0x0  }
0x38: {  	[sflag:s5] =	ssyncadd.s32 $0xFFFFF000  }
.LBB2_2:
0x39: {  	s11 =	smul.u32 $0x38, s9;
	_ =	sdelay $0x1  }
0x3a: {  	s11 =	sadd.s32 s10, s11  }
0x3b: {  	s12 =	sshll.u32 s11, $0x4  }
0x3c: {  	s11 =	simm.s32 $0x0;
	s14 =	sadd.s32 s7, s12  }
0x3d: {  	[tilespmem:s11], [sflag:$0xA] =	stream.linear.gather [hbm4b:s14+s11], $0x1C00, $0x38;
	[tilespmem:$0x1FEB0] =	vst v63  }
0x3e: {  	_ =	swait.ge [sflag:s16], $0x1C00  }
0x3f: {  	[sflag:s16] =	ssyncset.done $0x0  }
0x40: {  	s12 =	sadd.s32 s8, s12;
	[sflag:s16] =	ssyncadd.s32 $0xFFFFE400  }
0x41: {  	[tilespmem:s17], [sflag:$0xA] =	stream.linear.gather [hbm4b:s12+s11], $0x1C00, $0x38;
	[tilespmem:$0x1FEB0] =	vst v63  }
0x42: {  	_ =	swait.ge [sflag:s16], $0x1C00  }
0x43: {  	[sflag:s16] =	ssyncset.done $0x0  }
0x44: {  	[sflag:s16] =	ssyncadd.s32 $0xFFFFE400  }
0x45: {  	[tilespmem:s19], [sflag:$0x2] =	stream.indirect.gather [hbm4b:s13+s18], $0x20, s11, s18, $0xb8;
	[tilespmem:$0x1FEB0] =	vst v63  }
0x46: {  	_ = 	snop  }
0x47: {  	[tilespmem:s20], [sflag:$0x3] =	stream.indirect.gather [hbm4b:s13+s18], $0x20, s18, s18, $0xb8;
	[tilespmem:$0x1FEB0] =	vst v63  }
0x48: {  	_ = 	snop  }
0x49: {  	[tilespmem:s22], [sflag:$0x4] =	stream.indirect.gather [hbm4b:s13+s18], $0x20, s21, s18, $0xb8;
	[tilespmem:$0x1FEB0] =	vst v63  }
0x4a: {  	_ = 	snop  }
0x4b: {  	[tilespmem:s26], [sflag:$0x5] =	stream.indirect.gather [hbm4b:s13+s18], $0x20, s23, s18, $0xb8;
	[tilespmem:$0x1FEB0] =	vst v63  }
.LBB2_3:
0x4c: {  	_ =	swait.ge [sflag:s28], $0x1000  }
0x4d: {  	s12 =	sshra.s32 s11, $0x2;
	[sflag:s28] =	ssyncset.done $0x0  }
0x4e: {  	s14 =	sadd.s32 $0x1C00, s12;
	[sflag:s28] =	ssyncadd.s32 $0xFFFFF000  }
0x4f: {  	[spmem:s1] =	stream.indirect.scatter.add.f32 [tilespmem:s19], [sflag:$0x6], $0x20, s14, s18, $0xb8;
	[tilespmem:$0x1FEB0] =	vst v63  }
0x50: {  	_ =	swait.ge [sflag:s29], $0x1000  }
0x51: {  	p2 =	seq.s32 s11, $0x6800;
	[sflag:s29] =	ssyncset.done $0x0  }
0x52: {  	s14 =	simm.s32 @p2 $0x3;
	[sflag:s29] =	ssyncadd.s32 $0xFFFFF000  }
0x53: {  	_ =	swait.ge @p2 [sflag:s14], $0x1000  }
0x54: {  	[sflag:s14] =	ssyncset.done @p2 $0x0  }
0x55: {  	[sflag:s14] =	ssyncadd.s32 @p2 $0xFFFFF000;
	s14 =	sshra.s32 @p2 s11, $0x2  }
0x56: {  	s15 =	simm.s32 @p2 $0x80;
	s24 =	simm.s32 @p2 $0x4800;
	s14 =	sadd.s32 @p2 $0x1C80, s14  }
0x57: {  	[spmem:s1] =	stream.indirect.scatter.add.f32 @p2 [tilespmem:s24], [sflag:$0x7], $0x20, s14, s15, $0xb8;
	[tilespmem:$0x1FEB0] =	vst v63  }
0x58: {  	s14 =	simm.s32 @p2 $0x7  }
0x59: {  	_ =	swait.ge @p2 [sflag:s14], $0x1000  }
0x5a: {  	[sflag:s14] =	ssyncset.done @p2 $0x0  }
0x5b: {  	[sflag:s14] =	ssyncadd.s32 @p2 $0xFFFFF000;
	s14 =	sshra.s32 @!p2 s11, $0x2  }
0x5c: {  	s25 =	simm.s32 @!p2 $0x3800;
	s24 =	simm.s32 @!p2 $0x80;
	s15 =	sadd.s32 @!p2 $0x200, s14  }
0x5d: {  	[tilespmem:s25], [sflag:$0x2] =	stream.indirect.gather @!p2 [hbm4b:s13+s24], $0x20, s15, s24, $0xb8;
	[tilespmem:$0x1FEB0] =	vst v63  }
0x5e: {  	s15 =	simm.s32 @!p2 $0x3  }
0x5f: {  	_ =	swait.ge @!p2 [sflag:s15], $0x1000  }
0x60: {  	[sflag:s15] =	ssyncset.done @!p2 $0x0  }
0x61: {  	s25 =	simm.s32 @!p2 $0x4800;
	[sflag:s15] =	ssyncadd.s32 @!p2 $0xFFFFF000;
	s15 =	sadd.s32 @!p2 $0x1C80, s14  }
0x62: {  	[spmem:s1] =	stream.indirect.scatter.add.f32 @!p2 [tilespmem:s25], [sflag:$0x7], $0x20, s15, s24, $0xb8;
	[tilespmem:$0x1FEB0] =	vst v63  }
0x63: {  	p3 =	sne.s32 @!p2 s3, $0x0;
	s15 =	simm.s32 @!p2 $0x7  }
0x64: {  	p4 =	por !p3, p2;
	_ =	swait.ge @!p2 [sflag:s15], $0x1000  }
0x65: {  	p3 =	por p3, p2;
	s14 =	sadd.s32 @!p2 $0x280, s14;
	[sflag:s15] =	ssyncset.done @!p2 $0x0  }
0x66: {  	s24 =	simm.s32 @!p4 $0x4800;
	[sflag:s15] =	ssyncadd.s32 @!p2 $0xFFFFF000;
	s15 =	simm.s32 @!p4 $0x80  }
0x67: {  	[tilespmem:s24], [sflag:$0x3] =	stream.indirect.gather @!p4 [hbm4b:s6+s15], $0x20, s14, s15, $0xb8;
	[tilespmem:$0x1FEB0] =	vst v63  }
0x68: {  	s15 =	simm.s32 @!p3 $0x80;
	s24 =	simm.s32 @!p3 $0x4800  }
0x69: {  	[tilespmem:s24], [sflag:$0x3] =	stream.indirect.gather @!p3 [hbm4b:s4+s15], $0x20, s14, s15, $0xb8;
	[tilespmem:$0x1FEB0] =	vst v63  }
0x6a: {  	_ =	swait.ge [sflag:s30], $0x1000  }
0x6b: {  	[sflag:s30] =	ssyncset.done $0x0  }
.Ltmp4:
0x6c: {  	s25 =	sadd.s32 $0x1D00, s12;
	[sflag:s30] =	ssyncadd.s32 $0xFFFFF000;
	(pc) =	sbr.rel @p2 .LBB2_5-.Ltmp4, $4  }
0x6d: {  	[spmem:s1] =	stream.indirect.scatter.add.f32 [tilespmem:s22], [sflag:$0x8], $0x20, s25, s18, $0xb8;
	[tilespmem:$0x1FEB0] =	vst v63  }
0x6e: {  	_ =	swait.ge [sflag:s31], $0x1000  }
0x6f: {  	[sflag:s31] =	ssyncset.done $0x0  }
0x70: {  	s14 =	sadd.s32 $0x1D80, s12;
	[sflag:s31] =	ssyncadd.s32 $0xFFFFF000  }
0x71: {  	s15 =	sadd.s32 $0x300, s12  }
0x72: {  	[tilespmem:s22], [sflag:$0x4] =	stream.indirect.gather [hbm4b:s13+s18], $0x20, s15, s18, $0xb8;
	[tilespmem:$0x1FEB0] =	vst v63  }
0x73: {  	_ =	swait.ge [sflag:s0], $0x1000  }
0x74: {  	[sflag:s0] =	ssyncset.done $0x0  }
0x75: {  	[sflag:s0] =	ssyncadd.s32 $0xFFFFF000  }
0x76: {  	[spmem:s1] =	stream.indirect.scatter.add.f32 [tilespmem:s26], [sflag:$0x9], $0x20, s14, s18, $0xb8;
	[tilespmem:$0x1FEB0] =	vst v63  }
.Ltmp5:
0x77: {  	_ = 	snop;
	(pc) =	sbr.rel .LBB2_3-.Ltmp5, $4  }
0x78: {  	_ =	swait.ge [sflag:s5], $0x1000  }
0x79: {  	[sflag:s5] =	ssyncset.done $0x0  }
0x7a: {  	s25 =	sadd.s32 $0x380, s12;
	s11 =	sadd.s32 $0x800, s11;
	[sflag:s5] =	ssyncadd.s32 $0xFFFFF000  }
0x7b: {  	[tilespmem:s26], [sflag:$0x5] =	stream.indirect.gather [hbm4b:s13+s18], $0x20, s25, s18, $0xb8;
	[tilespmem:$0x1FEB0] =	vst v63  }
.LBB2_7:
0x7c: {  	_ =	sfence.sel $0x180000  }
0x7d: {  	[bflag:$0x0] =	sbarrier.arrive $0xFFFF  }
0x7e: {  	_ =	strace $0x90000050  }
0x7f: {  	[bflag:$0x2] =	sbarrier.arrive $0xFFFF  }
0x80: {  	s0 =	rddreg [dreg:$0x3]  }
0x81: {  	s0 =	sadd.s32 @!p0 $0x100000, s0  }
0x82: {  	[sflag:s0] =	ssyncadd.tile.s32 @!p0 $0x1;
	_ =	shalt  }
.Lfunc_end2:
_tile_overlayer_lowered:
.L_overlay_start_2:
0x83: {  	(tag) =	ssettag $0x2  }
0x84: {  	s0 =	rddreg [dreg:$0x0];
	s2 =	stileid.u32  }
0x85: {  	s1 =	rddreg [dreg:$0x1];
	p0 =	sne.s32 s2, $0x0  }
0x86: {  	s3 =	rddreg [dreg:$0x2];
	[bflag:$0x3] =	sbarrier.arrive $0xFFFF;
	s2 =	simm.s32 @!p0 $0x1C0A  }
0x87: {  	[timem:s3], [sflag:s2] =	dma.local @!p0 [hbm:s0], s1  }
0x88: {  	s0 =	simm.s32 @!p0 $0xA  }
0x89: {  	_ =	swait.ge @!p0 [sflag:s0], s1  }
0x8a: {  	s1 =	ssub.s32 @!p0 $0x0, s1;
	[sflag:s0] =	ssyncset.done @!p0 $0x0  }
0x8b: {  	[sflag:s0] =	ssyncadd.s32 @!p0 s1  }
0x8c: {  	[bflag:$0x3] =	sbarrier.arrive $0xFFFF  }
0x8d: {  	_ =	shalt  }

</sc_bundles>
